<compile_context>
chip_gen: v7x
topology: tpu7x:2x2x1
jax: 0.10.2.dev20260603
libtpu: 0.0.44.dev20260713+nightly
codegen_flags: <defaults>
</compile_context>

<pallas_src>
import functools

import jax
import jax.numpy as jnp
from jax import lax
from jax.experimental import pallas as pl
from jax.experimental.pallas import tpu as pltpu
from jax.experimental.pallas import tpu_sc as plsc

_NC, _NS = 2, 16
_NW = _NC * _NS

_ROWS, _D = 32768, 2048
_ROWS_PER_W = _ROWS // _NW
_CHUNK = 16
_NCHUNKS = _ROWS_PER_W // _CHUNK


def _sc_copy(x_hbm, out_hbm, buf_a, buf_b, sem):
    wid = lax.axis_index("s") * _NC + lax.axis_index("c")
    base = wid * _ROWS_PER_W

    def read(j, b):
        return pltpu.async_copy(x_hbm.at[pl.ds(base + j * _CHUNK, _CHUNK)], b, sem)

    handle = read(0, buf_a)
    for j in range(_NCHUNKS):
        cur, nxt = (buf_a, buf_b) if j % 2 == 0 else (buf_b, buf_a)
        handle.wait()
        if j + 1 < _NCHUNKS:
            handle = read(j + 1, nxt)
        pltpu.sync_copy(cur, out_hbm.at[pl.ds(base + j * _CHUNK, _CHUNK)])


def kernel(hidden_state):
    B, S, D = hidden_state.shape
    x = hidden_state.reshape(B * S, D)
    mesh = plsc.VectorSubcoreMesh(core_axis_name="c", subcore_axis_name="s")
    k = functools.partial(
        pl.kernel,
        mesh=mesh,
        out_type=jax.ShapeDtypeStruct((B * S, D), hidden_state.dtype),
        scratch_types=[
            pltpu.VMEM((_CHUNK, D), hidden_state.dtype),
            pltpu.VMEM((_CHUNK, D), hidden_state.dtype),
            pltpu.SemaphoreType.DMA,
        ],
    )(_sc_copy)
    out = k(x)
    return out.reshape(B, S, D)

# --- scband reference (transcript-rebuilt; emitter-appended) ---
"""Pipeline reference for scband-multi-token-concept-layer-68083821576472 (READ-ONLY COPY).

The authoritative reference and input builder live on the scoring server;
editing this copy changes nothing except your own understanding.
"""

import jax, jax.numpy as jnp
import numpy as np

B, S, D = 4, 8192, 2048

def setup_inputs(seed: int = 0) -> dict:
    key = jax.random.key(seed)
    hidden_state = jax.random.normal(key, (B, S, D), dtype=jnp.float32)
    return {"hidden_state": hidden_state}

def reference(hidden_state):
    # MultiTokenConceptLayer.forward with layer = nn.Identity() and
    # concept_signal omitted (None): layer_out = self.layer(hidden_state);
    # since concept_signal is None (and self.values is None before
    # initialize_values is called), forward returns layer_out unchanged.
    layer_out = hidden_state  # Identity layer
    return layer_out

if __name__ == "__main__":
    import jax
    _d = setup_inputs()
    print(jax.jit(kernel)(*tuple(_d.values())))

</pallas_src>

<mosaic_0001>
#map = affine_map<(d0, d1) -> (0, 0)>
module attributes {stable_mosaic.version = 14 : i64} {
  func.func @_sc_copy(%arg0: i32, %arg1: i32, %arg2: memref<32768x2048xf32, #tpu.memory_space<hbm>>, %arg3: memref<32768x2048xf32, #tpu.memory_space<hbm>>, %arg4: memref<16x2048xf32, #tpu.memory_space<vmem>>, %arg5: memref<16x2048xf32, #tpu.memory_space<vmem>>, %arg6: memref<!tpu.dma_semaphore, #tpu.memory_space<semaphore_mem>>) attributes {dimension_semantics = [#tpu.dimension_semantics<core_parallel>, #tpu.dimension_semantics<subcore_parallel>], iteration_bounds = array<i64: 2, 16>, scalar_prefetch = 0 : i64, scratch_operands = 3 : i64, tpu.core_type = #tpu.core_type<sc_vector_subcore>, window_params = [{transform_indices = #map}, {transform_indices = #map}]} {
    %mul3A = arith.constant 2 : i32
    %mul3A_0 = arith.muli %arg1, %mul3A : i32
    %add3A = arith.addi %mul3A_0, %arg0 : i32
    %mul3A_1 = arith.constant 1024 : i32
    %mul3A_2 = arith.muli %add3A, %mul3A_1 : i32
    %add3A_3 = arith.constant 0 : i32
    %add3A_4 = arith.addi %mul3A_2, %add3A_3 : i32
    %dma_start3A = arith.constant 0 : i32
    %dma_start3A_5 = tpu.memref_slice %arg2[%add3A_4, %dma_start3A] : memref<32768x2048xf32, #tpu.memory_space<hbm>> -> memref<16x2048xf32, #tpu.memory_space<hbm>>
    %dma_start3A_6 = arith.constant 0 : i32
    %dma_start3A_7 = tpu.memref_slice %arg2[%add3A_4, %dma_start3A_6] : memref<32768x2048xf32, #tpu.memory_space<hbm>> -> memref<16x2048xf32, #tpu.memory_space<hbm>>
    tpu.enqueue_dma source(%dma_start3A_7 : memref<16x2048xf32, #tpu.memory_space<hbm>>) target(%arg4 : memref<16x2048xf32, #tpu.memory_space<vmem>>) target_semaphore(%arg6 : memref<!tpu.dma_semaphore, #tpu.memory_space<semaphore_mem>>)
    %dma_wait3A = arith.constant 0 : i32
    %dma_wait3A_8 = tpu.memref_slice %arg2[%add3A_4, %dma_wait3A] : memref<32768x2048xf32, #tpu.memory_space<hbm>> -> memref<16x2048xf32, #tpu.memory_space<hbm>>
    %dma_wait3A_9 = arith.constant 0 : i32
    %dma_wait3A_10 = tpu.memref_slice %arg2[%add3A_4, %dma_wait3A_9] : memref<32768x2048xf32, #tpu.memory_space<hbm>> -> memref<16x2048xf32, #tpu.memory_space<hbm>>
    tpu.wait_dma2 semaphore(%arg6 : memref<!tpu.dma_semaphore, #tpu.memory_space<semaphore_mem>>) src(%dma_wait3A_10 : memref<16x2048xf32, #tpu.memory_space<hbm>>) dst(%arg4 : memref<16x2048xf32, #tpu.memory_space<vmem>>)
    %add3A_11 = arith.constant 16 : i32
    %add3A_12 = arith.addi %mul3A_2, %add3A_11 : i32
    %dma_start3A_13 = arith.constant 0 : i32
    %dma_start3A_14 = tpu.memref_slice %arg2[%add3A_12, %dma_start3A_13] : memref<32768x2048xf32, #tpu.memory_space<hbm>> -> memref<16x2048xf32, #tpu.memory_space<hbm>>
    %dma_start3A_15 = arith.constant 0 : i32
    %dma_start3A_16 = tpu.memref_slice %arg2[%add3A_12, %dma_start3A_15] : memref<32768x2048xf32, #tpu.memory_space<hbm>> -> memref<16x2048xf32, #tpu.memory_space<hbm>>
    tpu.enqueue_dma source(%dma_start3A_16 : memref<16x2048xf32, #tpu.memory_space<hbm>>) target(%arg5 : memref<16x2048xf32, #tpu.memory_space<vmem>>) target_semaphore(%arg6 : memref<!tpu.dma_semaphore, #tpu.memory_space<semaphore_mem>>)
    %add3A_17 = arith.constant 0 : i32
    %add3A_18 = arith.addi %mul3A_2, %add3A_17 : i32
    "tpu.region"() ({
      %run_scoped3A = tpu.sem_alloc : memref<!tpu.dma_semaphore, #tpu.memory_space<semaphore_mem>>
      %dma_start3A_769 = arith.constant 0 : i32
      %dma_start3A_770 = tpu.memref_slice %arg3[%add3A_18, %dma_start3A_769] : memref<32768x2048xf32, #tpu.memory_space<hbm>> -> memref<16x2048xf32, #tpu.memory_space<hbm>>
      %dma_start3A_771 = arith.constant 0 : i32
      %dma_start3A_772 = tpu.memref_slice %arg3[%add3A_18, %dma_start3A_771] : memref<32768x2048xf32, #tpu.memory_space<hbm>> -> memref<16x2048xf32, #tpu.memory_space<hbm>>
      tpu.enqueue_dma source(%arg4 : memref<16x2048xf32, #tpu.memory_space<vmem>>) target(%dma_start3A_772 : memref<16x2048xf32, #tpu.memory_space<hbm>>) target_semaphore(%run_scoped3A : memref<!tpu.dma_semaphore, #tpu.memory_space<semaphore_mem>>)
      %dma_wait3A_773 = arith.constant 0 : i32
      %dma_wait3A_774 = tpu.memref_slice %arg3[%add3A_18, %dma_wait3A_773] : memref<32768x2048xf32, #tpu.memory_space<hbm>> -> memref<16x2048xf32, #tpu.memory_space<hbm>>
      %dma_wait3A_775 = arith.constant 0 : i32
      %dma_wait3A_776 = tpu.memref_slice %arg3[%add3A_18, %dma_wait3A_775] : memref<32768x2048xf32, #tpu.memory_space<hbm>> -> memref<16x2048xf32, #tpu.memory_space<hbm>>
      tpu.wait_dma2 semaphore(%run_scoped3A : memref<!tpu.dma_semaphore, #tpu.memory_space<semaphore_mem>>) src(%arg4 : memref<16x2048xf32, #tpu.memory_space<vmem>>) dst(%dma_wait3A_776 : memref<16x2048xf32, #tpu.memory_space<hbm>>)
      tpu.yield
    }) : () -> ()
    %dma_wait3A_19 = arith.constant 0 : i32
    %dma_wait3A_20 = tpu.memref_slice %arg2[%add3A_12, %dma_wait3A_19] : memref<32768x2048xf32, #tpu.memory_space<hbm>> -> memref<16x2048xf32, #tpu.memory_space<hbm>>
    %dma_wait3A_21 = arith.constant 0 : i32
    %dma_wait3A_22 = tpu.memref_slice %arg2[%add3A_12, %dma_wait3A_21] : memref<32768x2048xf32, #tpu.memory_space<hbm>> -> memref<16x2048xf32, #tpu.memory_space<hbm>>
    tpu.wait_dma2 semaphore(%arg6 : memref<!tpu.dma_semaphore, #tpu.memory_space<semaphore_mem>>) src(%dma_wait3A_22 : memref<16x2048xf32, #tpu.memory_space<hbm>>) dst(%arg5 : memref<16x2048xf32, #tpu.memory_space<vmem>>)
    %add3A_23 = arith.constant 32 : i32
    %add3A_24 = arith.addi %mul3A_2, %add3A_23 : i32
    %dma_start3A_25 = arith.constant 0 : i32
    %dma_start3A_26 = tpu.memref_slice %arg2[%add3A_24, %dma_start3A_25] : memref<32768x2048xf32, #tpu.memory_space<hbm>> -> memref<16x2048xf32, #tpu.memory_space<hbm>>
    %dma_start3A_27 = arith.constant 0 : i32
    %dma_start3A_28 = tpu.memref_slice %arg2[%add3A_24, %dma_start3A_27] : memref<32768x2048xf32, #tpu.memory_space<hbm>> -> memref<16x2048xf32, #tpu.memory_space<hbm>>
    tpu.enqueue_dma source(%dma_start3A_28 : memref<16x2048xf32, #tpu.memory_space<hbm>>) target(%arg4 : memref<16x2048xf32, #tpu.memory_space<vmem>>) target_semaphore(%arg6 : memref<!tpu.dma_semaphore, #tpu.memory_space<semaphore_mem>>)
    %add3A_29 = arith.constant 16 : i32
    %add3A_30 = arith.addi %mul3A_2, %add3A_29 : i32
    "tpu.region"() ({
      %run_scoped3A = tpu.sem_alloc : memref<!tpu.dma_semaphore, #tpu.memory_space<semaphore_mem>>
      %dma_start3A_769 = arith.constant 0 : i32
      %dma_start3A_770 = tpu.memref_slice %arg3[%add3A_30, %dma_start3A_769] : memref<32768x2048xf32, #tpu.memory_space<hbm>> -> memref<16x2048xf32, #tpu.memory_space<hbm>>
      %dma_start3A_771 = arith.constant 0 : i32
      %dma_start3A_772 = tpu.memref_slice %arg3[%add3A_30, %dma_start3A_771] : memref<32768x2048xf32, #tpu.memory_space<hbm>> -> memref<16x2048xf32, #tpu.memory_space<hbm>>
      tpu.enqueue_dma source(%arg5 : memref<16x2048xf32, #tpu.memory_space<vmem>>) target(%dma_start3A_772 : memref<16x2048xf32, #tpu.memory_space<hbm>>) target_semaphore(%run_scoped3A : memref<!tpu.dma_semaphore, #tpu.memory_space<semaphore_mem>>)
      %dma_wait3A_773 = arith.constant 0 : i32
      %dma_wait3A_774 = tpu.memref_slice %arg3[%add3A_30, %dma_wait3A_773] : memref<32768x2048xf32, #tpu.memory_space<hbm>> -> memref<16x2048xf32, #tpu.memory_space<hbm>>
      %dma_wait3A_775 = arith.constant 0 : i32
      %dma_wait3A_776 = tpu.memref_slice %arg3[%add3A_30, %dma_wait3A_775] : memref<32768x2048xf32, #tpu.memory_space<hbm>> -> memref<16x2048xf32, #tpu.memory_space<hbm>>
      tpu.wait_dma2 semaphore(%run_scoped3A : memref<!tpu.dma_semaphore, #tpu.memory_space<semaphore_mem>>) src(%arg5 : memref<16x2048xf32, #tpu.memory_space<vmem>>) dst(%dma_wait3A_776 : memref<16x2048xf32, #tpu.memory_space<hbm>>)
      tpu.yield
    }) : () -> ()
    %dma_wait3A_31 = arith.constant 0 : i32
    %dma_wait3A_32 = tpu.memref_slice %arg2[%add3A_24, %dma_wait3A_31] : memref<32768x2048xf32, #tpu.memory_space<hbm>> -> memref<16x2048xf32, #tpu.memory_space<hbm>>
    %dma_wait3A_33 = arith.constant 0 : i32
    %dma_wait3A_34 = tpu.memref_slice %arg2[%add3A_24, %dma_wait3A_33] : memref<32768x2048xf32, #tpu.memory_space<hbm>> -> memref<16x2048xf32, #tpu.memory_space<hbm>>
    tpu.wait_dma2 semaphore(%arg6 : memref<!tpu.dma_semaphore, #tpu.memory_space<semaphore_mem>>) src(%dma_wait3A_34 : memref<16x2048xf32, #tpu.memory_space<hbm>>) dst(%arg4 : memref<16x2048xf32, #tpu.memory_space<vmem>>)
    %add3A_35 = arith.constant 48 : i32
    %add3A_36 = arith.addi %mul3A_2, %add3A_35 : i32
    %dma_start3A_37 = arith.constant 0 : i32
    %dma_start3A_38 = tpu.memref_slice %arg2[%add3A_36, %dma_start3A_37] : memref<32768x2048xf32, #tpu.memory_space<hbm>> -> memref<16x2048xf32, #tpu.memory_space<hbm>>
    %dma_start3A_39 = arith.constant 0 : i32
    %dma_start3A_40 = tpu.memref_slice %arg2[%add3A_36, %dma_start3A_39] : memref<32768x2048xf32, #tpu.memory_space<hbm>> -> memref<16x2048xf32, #tpu.memory_space<hbm>>
    tpu.enqueue_dma source(%dma_start3A_40 : memref<16x2048xf32, #tpu.memory_space<hbm>>) target(%arg5 : memref<16x2048xf32, #tpu.memory_space<vmem>>) target_semaphore(%arg6 : memref<!tpu.dma_semaphore, #tpu.memory_space<semaphore_mem>>)
    %add3A_41 = arith.constant 32 : i32
    %add3A_42 = arith.addi %mul3A_2, %add3A_41 : i32
    "tpu.region"() ({
      %run_scoped3A = tpu.sem_alloc : memref<!tpu.dma_semaphore, #tpu.memory_space<semaphore_mem>>
      %dma_start3A_769 = arith.constant 0 : i32
      %dma_start3A_770 = tpu.memref_slice %arg3[%add3A_42, %dma_start3A_769] : memref<32768x2048xf32, #tpu.memory_space<hbm>> -> memref<16x2048xf32, #tpu.memory_space<hbm>>
      %dma_start3A_771 = arith.constant 0 : i32
      %dma_start3A_772 = tpu.memref_slice %arg3[%add3A_42, %dma_start3A_771] : memref<32768x2048xf32, #tpu.memory_space<hbm>> -> memref<16x2048xf32, #tpu.memory_space<hbm>>
      tpu.enqueue_dma source(%arg4 : memref<16x2048xf32, #tpu.memory_space<vmem>>) target(%dma_start3A_772 : memref<16x2048xf32, #tpu.memory_space<hbm>>) target_semaphore(%run_scoped3A : memref<!tpu.dma_semaphore, #tpu.memory_space<semaphore_mem>>)
      %dma_wait3A_773 = arith.constant 0 : i32
      %dma_wait3A_774 = tpu.memref_slice %arg3[%add3A_42, %dma_wait3A_773] : memref<32768x2048xf32, #tpu.memory_space<hbm>> -> memref<16x2048xf32, #tpu.memory_space<hbm>>
      %dma_wait3A_775 = arith.constant 0 : i32
      %dma_wait3A_776 = tpu.memref_slice %arg3[%add3A_42, %dma_wait3A_775] : memref<32768x2048xf32, #tpu.memory_space<hbm>> -> memref<16x2048xf32, #tpu.memory_space<hbm>>
      tpu.wait_dma2 semaphore(%run_scoped3A : memref<!tpu.dma_semaphore, #tpu.memory_space<semaphore_mem>>) src(%arg4 : memref<16x2048xf32, #tpu.memory_space<vmem>>) dst(%dma_wait3A_776 : memref<16x2048xf32, #tpu.memory_space<hbm>>)
      tpu.yield
    }) : () -> ()
    %dma_wait3A_43 = arith.constant 0 : i32
    %dma_wait3A_44 = tpu.memref_slice %arg2[%add3A_36, %dma_wait3A_43] : memref<32768x2048xf32, #tpu.memory_space<hbm>> -> memref<16x2048xf32, #tpu.memory_space<hbm>>
    %dma_wait3A_45 = arith.constant 0 : i32
    %dma_wait3A_46 = tpu.memref_slice %arg2[%add3A_36, %dma_wait3A_45] : memref<32768x2048xf32, #tpu.memory_space<hbm>> -> memref<16x2048xf32, #tpu.memory_space<hbm>>
    tpu.wait_dma2 semaphore(%arg6 : memref<!tpu.dma_semaphore, #tpu.memory_space<semaphore_mem>>) src(%dma_wait3A_46 : memref<16x2048xf32, #tpu.memory_space<hbm>>) dst(%arg5 : memref<16x2048xf32, #tpu.memory_space<vmem>>)
    %add3A_47 = arith.constant 64 : i32
    %add3A_48 = arith.addi %mul3A_2, %add3A_47 : i32
    %dma_start3A_49 = arith.constant 0 : i32
    %dma_start3A_50 = tpu.memref_slice %arg2[%add3A_48, %dma_start3A_49] : memref<32768x2048xf32, #tpu.memory_space<hbm>> -> memref<16x2048xf32, #tpu.memory_space<hbm>>
    %dma_start3A_51 = arith.constant 0 : i32
    %dma_start3A_52 = tpu.memref_slice %arg2[%add3A_48, %dma_start3A_51] : memref<32768x2048xf32, #tpu.memory_space<hbm>> -> memref<16x2048xf32, #tpu.memory_space<hbm>>
    tpu.enqueue_dma source(%dma_start3A_52 : memref<16x2048xf32, #tpu.memory_space<hbm>>) target(%arg4 : memref<16x2048xf32, #tpu.memory_space<vmem>>) target_semaphore(%arg6 : memref<!tpu.dma_semaphore, #tpu.memory_space<semaphore_mem>>)
    %add3A_53 = arith.constant 48 : i32
    %add3A_54 = arith.addi %mul3A_2, %add3A_53 : i32
    "tpu.region"() ({
      %run_scoped3A = tpu.sem_alloc : memref<!tpu.dma_semaphore, #tpu.memory_space<semaphore_mem>>
      %dma_start3A_769 = arith.constant 0 : i32
      %dma_start3A_770 = tpu.memref_slice %arg3[%add3A_54, %dma_start3A_769] : memref<32768x2048xf32, #tpu.memory_space<hbm>> -> memref<16x2048xf32, #tpu.memory_space<hbm>>
      %dma_start3A_771 = arith.constant 0 : i32
      %dma_start3A_772 = tpu.memref_slice %arg3[%add3A_54, %dma_start3A_771] : memref<32768x2048xf32, #tpu.memory_space<hbm>> -> memref<16x2048xf32, #tpu.memory_space<hbm>>
      tpu.enqueue_dma source(%arg5 : memref<16x2048xf32, #tpu.memory_space<vmem>>) target(%dma_start3A_772 : memref<16x2048xf32, #tpu.memory_space<hbm>>) target_semaphore(%run_scoped3A : memref<!tpu.dma_semaphore, #tpu.memory_space<semaphore_mem>>)
      %dma_wait3A_773 = arith.constant 0 : i32
      %dma_wait3A_774 = tpu.memref_slice %arg3[%add3A_54, %dma_wait3A_773] : memref<32768x2048xf32, #tpu.memory_space<hbm>> -> memref<16x2048xf32, #tpu.memory_space<hbm>>
      %dma_wait3A_775 = arith.constant 0 : i32
      %dma_wait3A_776 = tpu.memref_slice %arg3[%add3A_54, %dma_wait3A_775] : memref<32768x2048xf32, #tpu.memory_space<hbm>> -> memref<16x2048xf32, #tpu.memory_space<hbm>>
      tpu.wait_dma2 semaphore(%run_scoped3A : memref<!tpu.dma_semaphore, #tpu.memory_space<semaphore_mem>>) src(%arg5 : memref<16x2048xf32, #tpu.memory_space<vmem>>) dst(%dma_wait3A_776 : memref<16x2048xf32, #tpu.memory_space<hbm>>)
      tpu.yield
    }) : () -> ()
    %dma_wait3A_55 = arith.constant 0 : i32
    %dma_wait3A_56 = tpu.memref_slice %arg2[%add3A_48, %dma_wait3A_55] : memref<32768x2048xf32, #tpu.memory_space<hbm>> -> memref<16x2048xf32, #tpu.memory_space<hbm>>
    %dma_wait3A_57 = arith.constant 0 : i32
    %dma_wait3A_58 = tpu.memref_slice %arg2[%add3A_48, %dma_wait3A_57] : memref<32768x2048xf32, #tpu.memory_space<hbm>> -> memref<16x2048xf32, #tpu.memory_space<hbm>>
    tpu.wait_dma2 semaphore(%arg6 : memref<!tpu.dma_semaphore, #tpu.memory_space<semaphore_mem>>) src(%dma_wait3A_58 : memref<16x2048xf32, #tpu.memory_space<hbm>>) dst(%arg4 : memref<16x2048xf32, #tpu.memory_space<vmem>>)
    %add3A_59 = arith.constant 80 : i32
    %add3A_60 = arith.addi %mul3A_2, %add3A_59 : i32
    %dma_start3A_61 = arith.constant 0 : i32
    %dma_start3A_62 = tpu.memref_slice %arg2[%add3A_60, %dma_start3A_61] : memref<32768x2048xf32, #tpu.memory_space<hbm>> -> memref<16x2048xf32, #tpu.memory_space<hbm>>
    %dma_start3A_63 = arith.constant 0 : i32
    %dma_start3A_64 = tpu.memref_slice %arg2[%add3A_60, %dma_start3A_63] : memref<32768x2048xf32, #tpu.memory_space<hbm>> -> memref<16x2048xf32, #tpu.memory_space<hbm>>
    tpu.enqueue_dma source(%dma_start3A_64 : memref<16x2048xf32, #tpu.memory_space<hbm>>) target(%arg5 : memref<16x2048xf32, #tpu.memory_space<vmem>>) target_semaphore(%arg6 : memref<!tpu.dma_semaphore, #tpu.memory_space<semaphore_mem>>)
    %add3A_65 = arith.constant 64 : i32
    %add3A_66 = arith.addi %mul3A_2, %add3A_65 : i32
    "tpu.region"() ({
      %run_scoped3A = tpu.sem_alloc : memref<!tpu.dma_semaphore, #tpu.memory_space<semaphore_mem>>
      %dma_start3A_769 = arith.constant 0 : i32
      %dma_start3A_770 = tpu.memref_slice %arg3[%add3A_66, %dma_start3A_769] : memref<32768x2048xf32, #tpu.memory_space<hbm>> -> memref<16x2048xf32, #tpu.memory_space<hbm>>
      %dma_start3A_771 = arith.constant 0 : i32
      %dma_start3A_772 = tpu.memref_slice %arg3[%add3A_66, %dma_start3A_771] : memref<32768x2048xf32, #tpu.memory_space<hbm>> -> memref<16x2048xf32, #tpu.memory_space<hbm>>
      tpu.enqueue_dma source(%arg4 : memref<16x2048xf32, #tpu.memory_space<vmem>>) target(%dma_start3A_772 : memref<16x2048xf32, #tpu.memory_space<hbm>>) target_semaphore(%run_scoped3A : memref<!tpu.dma_semaphore, #tpu.memory_space<semaphore_mem>>)
      %dma_wait3A_773 = arith.constant 0 : i32
      %dma_wait3A_774 = tpu.memref_slice %arg3[%add3A_66, %dma_wait3A_773] : memref<32768x2048xf32, #tpu.memory_space<hbm>> -> memref<16x2048xf32, #tpu.memory_space<hbm>>
      %dma_wait3A_775 = arith.constant 0 : i32
      %dma_wait3A_776 = tpu.memref_slice %arg3[%add3A_66, %dma_wait3A_775] : memref<32768x2048xf32, #tpu.memory_space<hbm>> -> memref<16x2048xf32, #tpu.memory_space<hbm>>
      tpu.wait_dma2 semaphore(%run_scoped3A : memref<!tpu.dma_semaphore, #tpu.memory_space<semaphore_mem>>) src(%arg4 : memref<16x2048xf32, #tpu.memory_space<vmem>>) dst(%dma_wait3A_776 : memref<16x2048xf32, #tpu.memory_space<hbm>>)
      tpu.yield
    }) : () -> ()
    %dma_wait3A_67 = arith.constant 0 : i32
    %dma_wait3A_68 = tpu.memref_slice %arg2[%add3A_60, %dma_wait3A_67] : memref<32768x2048xf32, #tpu.memory_space<hbm>> -> memref<16x2048xf32, #tpu.memory_space<hbm>>
    %dma_wait3A_69 = arith.constant 0 : i32
    %dma_wait3A_70 = tpu.memref_slice %arg2[%add3A_60, %dma_wait3A_69] : memref<32768x2048xf32, #tpu.memory_space<hbm>> -> memref<16x2048xf32, #tpu.memory_space<hbm>>
    tpu.wait_dma2 semaphore(%arg6 : memref<!tpu.dma_semaphore, #tpu.memory_space<semaphore_mem>>) src(%dma_wait3A_70 : memref<16x2048xf32, #tpu.memory_space<hbm>>) dst(%arg5 : memref<16x2048xf32, #tpu.memory_space<vmem>>)
    %add3A_71 = arith.constant 96 : i32
    %add3A_72 = arith.addi %mul3A_2, %add3A_71 : i32
    %dma_start3A_73 = arith.constant 0 : i32
    %dma_start3A_74 = tpu.memref_slice %arg2[%add3A_72, %dma_start3A_73] : memref<32768x2048xf32, #tpu.memory_space<hbm>> -> memref<16x2048xf32, #tpu.memory_space<hbm>>
    %dma_start3A_75 = arith.constant 0 : i32
    %dma_start3A_76 = tpu.memref_slice %arg2[%add3A_72, %dma_start3A_75] : memref<32768x2048xf32, #tpu.memory_space<hbm>> -> memref<16x2048xf32, #tpu.memory_space<hbm>>
    tpu.enqueue_dma source(%dma_start3A_76 : memref<16x2048xf32, #tpu.memory_space<hbm>>) target(%arg4 : memref<16x2048xf32, #tpu.memory_space<vmem>>) target_semaphore(%arg6 : memref<!tpu.dma_semaphore, #tpu.memory_space<semaphore_mem>>)
    %add3A_77 = arith.constant 80 : i32
    %add3A_78 = arith.addi %mul3A_2, %add3A_77 : i32
    "tpu.region"() ({
      %run_scoped3A = tpu.sem_alloc : memref<!tpu.dma_semaphore, #tpu.memory_space<semaphore_mem>>
      %dma_start3A_769 = arith.constant 0 : i32
      %dma_start3A_770 = tpu.memref_slice %arg3[%add3A_78, %dma_start3A_769] : memref<32768x2048xf32, #tpu.memory_space<hbm>> -> memref<16x2048xf32, #tpu.memory_space<hbm>>
      %dma_start3A_771 = arith.constant 0 : i32
      %dma_start3A_772 = tpu.memref_slice %arg3[%add3A_78, %dma_start3A_771] : memref<32768x2048xf32, #tpu.memory_space<hbm>> -> memref<16x2048xf32, #tpu.memory_space<hbm>>
      tpu.enqueue_dma source(%arg5 : memref<16x2048xf32, #tpu.memory_space<vmem>>) target(%dma_start3A_772 : memref<16x2048xf32, #tpu.memory_space<hbm>>) target_semaphore(%run_scoped3A : memref<!tpu.dma_semaphore, #tpu.memory_space<semaphore_mem>>)
      %dma_wait3A_773 = arith.constant 0 : i32
      %dma_wait3A_774 = tpu.memref_slice %arg3[%add3A_78, %dma_wait3A_773] : memref<32768x2048xf32, #tpu.memory_space<hbm>> -> memref<16x2048xf32, #tpu.memory_space<hbm>>
      %dma_wait3A_775 = arith.constant 0 : i32
      %dma_wait3A_776 = tpu.memref_slice %arg3[%add3A_78, %dma_wait3A_775] : memref<32768x2048xf32, #tpu.memory_space<hbm>> -> memref<16x2048xf32, #tpu.memory_space<hbm>>
      tpu.wait_dma2 semaphore(%run_scoped3A : memref<!tpu.dma_semaphore, #tpu.memory_space<semaphore_mem>>) src(%arg5 : memref<16x2048xf32, #tpu.memory_space<vmem>>) dst(%dma_wait3A_776 : memref<16x2048xf32, #tpu.memory_space<hbm>>)
      tpu.yield
    }) : () -> ()
    %dma_wait3A_79 = arith.constant 0 : i32
    %dma_wait3A_80 = tpu.memref_slice %arg2[%add3A_72, %dma_wait3A_79] : memref<32768x2048xf32, #tpu.memory_space<hbm>> -> memref<16x2048xf32, #tpu.memory_space<hbm>>
    %dma_wait3A_81 = arith.constant 0 : i32
    %dma_wait3A_82 = tpu.memref_slice %arg2[%add3A_72, %dma_wait3A_81] : memref<32768x2048xf32, #tpu.memory_space<hbm>> -> memref<16x2048xf32, #tpu.memory_space<hbm>>
    tpu.wait_dma2 semaphore(%arg6 : memref<!tpu.dma_semaphore, #tpu.memory_space<semaphore_mem>>) src(%dma_wait3A_82 : memref<16x2048xf32, #tpu.memory_space<hbm>>) dst(%arg4 : memref<16x2048xf32, #tpu.memory_space<vmem>>)
    %add3A_83 = arith.constant 112 : i32
    %add3A_84 = arith.addi %mul3A_2, %add3A_83 : i32
    %dma_start3A_85 = arith.constant 0 : i32
    %dma_start3A_86 = tpu.memref_slice %arg2[%add3A_84, %dma_start3A_85] : memref<32768x2048xf32, #tpu.memory_space<hbm>> -> memref<16x2048xf32, #tpu.memory_space<hbm>>
    %dma_start3A_87 = arith.constant 0 : i32
    %dma_start3A_88 = tpu.memref_slice %arg2[%add3A_84, %dma_start3A_87] : memref<32768x2048xf32, #tpu.memory_space<hbm>> -> memref<16x2048xf32, #tpu.memory_space<hbm>>
    tpu.enqueue_dma source(%dma_start3A_88 : memref<16x2048xf32, #tpu.memory_space<hbm>>) target(%arg5 : memref<16x2048xf32, #tpu.memory_space<vmem>>) target_semaphore(%arg6 : memref<!tpu.dma_semaphore, #tpu.memory_space<semaphore_mem>>)
    %add3A_89 = arith.constant 96 : i32
    %add3A_90 = arith.addi %mul3A_2, %add3A_89 : i32
    "tpu.region"() ({
      %run_scoped3A = tpu.sem_alloc : memref<!tpu.dma_semaphore, #tpu.memory_space<semaphore_mem>>
      %dma_start3A_769 = arith.constant 0 : i32
      %dma_start3A_770 = tpu.memref_slice %arg3[%add3A_90, %dma_start3A_769] : memref<32768x2048xf32, #tpu.memory_space<hbm>> -> memref<16x2048xf32, #tpu.memory_space<hbm>>
      %dma_start3A_771 = arith.constant 0 : i32
      %dma_start3A_772 = tpu.memref_slice %arg3[%add3A_90, %dma_start3A_771] : memref<32768x2048xf32, #tpu.memory_space<hbm>> -> memref<16x2048xf32, #tpu.memory_space<hbm>>
      tpu.enqueue_dma source(%arg4 : memref<16x2048xf32, #tpu.memory_space<vmem>>) target(%dma_start3A_772 : memref<16x2048xf32, #tpu.memory_space<hbm>>) target_semaphore(%run_scoped3A : memref<!tpu.dma_semaphore, #tpu.memory_space<semaphore_mem>>)
      %dma_wait3A_773 = arith.constant 0 : i32
      %dma_wait3A_774 = tpu.memref_slice %arg3[%add3A_90, %dma_wait3A_773] : memref<32768x2048xf32, #tpu.memory_space<hbm>> -> memref<16x2048xf32, #tpu.memory_space<hbm>>
      %dma_wait3A_775 = arith.constant 0 : i32
      %dma_wait3A_776 = tpu.memref_slice %arg3[%add3A_90, %dma_wait3A_775] : memref<32768x2048xf32, #tpu.memory_space<hbm>> -> memref<16x2048xf32, #tpu.memory_space<hbm>>
      tpu.wait_dma2 semaphore(%run_scoped3A : memref<!tpu.dma_semaphore, #tpu.memory_space<semaphore_mem>>) src(%arg4 : memref<16x2048xf32, #tpu.memory_space<vmem>>) dst(%dma_wait3A_776 : memref<16x2048xf32, #tpu.memory_space<hbm>>)
      tpu.yield
    }) : () -> ()
    %dma_wait3A_91 = arith.constant 0 : i32
    %dma_wait3A_92 = tpu.memref_slice %arg2[%add3A_84, %dma_wait3A_91] : memref<32768x2048xf32, #tpu.memory_space<hbm>> -> memref<16x2048xf32, #tpu.memory_space<hbm>>
    %dma_wait3A_93 = arith.constant 0 : i32
    %dma_wait3A_94 = tpu.memref_slice %arg2[%add3A_84, %dma_wait3A_93] : memref<32768x2048xf32, #tpu.memory_space<hbm>> -> memref<16x2048xf32, #tpu.memory_space<hbm>>
    tpu.wait_dma2 semaphore(%arg6 : memref<!tpu.dma_semaphore, #tpu.memory_space<semaphore_mem>>) src(%dma_wait3A_94 : memref<16x2048xf32, #tpu.memory_space<hbm>>) dst(%arg5 : memref<16x2048xf32, #tpu.memory_space<vmem>>)
    %add3A_95 = arith.constant 128 : i32
    %add3A_96 = arith.addi %mul3A_2, %add3A_95 : i32
    %dma_start3A_97 = arith.constant 0 : i32
    %dma_start3A_98 = tpu.memref_slice %arg2[%add3A_96, %dma_start3A_97] : memref<32768x2048xf32, #tpu.memory_space<hbm>> -> memref<16x2048xf32, #tpu.memory_space<hbm>>
    %dma_start3A_99 = arith.constant 0 : i32
    %dma_start3A_100 = tpu.memref_slice %arg2[%add3A_96, %dma_start3A_99] : memref<32768x2048xf32, #tpu.memory_space<hbm>> -> memref<16x2048xf32, #tpu.memory_space<hbm>>
    tpu.enqueue_dma source(%dma_start3A_100 : memref<16x2048xf32, #tpu.memory_space<hbm>>) target(%arg4 : memref<16x2048xf32, #tpu.memory_space<vmem>>) target_semaphore(%arg6 : memref<!tpu.dma_semaphore, #tpu.memory_space<semaphore_mem>>)
    %add3A_101 = arith.constant 112 : i32
    %add3A_102 = arith.addi %mul3A_2, %add3A_101 : i32
    "tpu.region"() ({
      %run_scoped3A = tpu.sem_alloc : memref<!tpu.dma_semaphore, #tpu.memory_space<semaphore_mem>>
      %dma_start3A_769 = arith.constant 0 : i32
      %dma_start3A_770 = tpu.memref_slice %arg3[%add3A_102, %dma_start3A_769] : memref<32768x2048xf32, #tpu.memory_space<hbm>> -> memref<16x2048xf32, #tpu.memory_space<hbm>>
      %dma_start3A_771 = arith.constant 0 : i32
      %dma_start3A_772 = tpu.memref_slice %arg3[%add3A_102, %dma_start3A_771] : memref<32768x2048xf32, #tpu.memory_space<hbm>> -> memref<16x2048xf32, #tpu.memory_space<hbm>>
      tpu.enqueue_dma source(%arg5 : memref<16x2048xf32, #tpu.memory_space<vmem>>) target(%dma_start3A_772 : memref<16x2048xf32, #tpu.memory_space<hbm>>) target_semaphore(%run_scoped3A : memref<!tpu.dma_semaphore, #tpu.memory_space<semaphore_mem>>)
      %dma_wait3A_773 = arith.constant 0 : i32
      %dma_wait3A_774 = tpu.memref_slice %arg3[%add3A_102, %dma_wait3A_773] : memref<32768x2048xf32, #tpu.memory_space<hbm>> -> memref<16x2048xf32, #tpu.memory_space<hbm>>
      %dma_wait3A_775 = arith.constant 0 : i32
      %dma_wait3A_776 = tpu.memref_slice %arg3[%add3A_102, %dma_wait3A_775] : memref<32768x2048xf32, #tpu.memory_space<hbm>> -> memref<16x2048xf32, #tpu.memory_space<hbm>>
      tpu.wait_dma2 semaphore(%run_scoped3A : memref<!tpu.dma_semaphore, #tpu.memory_space<semaphore_mem>>) src(%arg5 : memref<16x2048xf32, #tpu.memory_space<vmem>>) dst(%dma_wait3A_776 : memref<16x2048xf32, #tpu.memory_space<hbm>>)
      tpu.yield
    }) : () -> ()
    %dma_wait3A_103 = arith.constant 0 : i32
    %dma_wait3A_104 = tpu.memref_slice %arg2[%add3A_96, %dma_wait3A_103] : memref<32768x2048xf32, #tpu.memory_space<hbm>> -> memref<16x2048xf32, #tpu.memory_space<hbm>>
    %dma_wait3A_105 = arith.constant 0 : i32
    %dma_wait3A_106 = tpu.memref_slice %arg2[%add3A_96, %dma_wait3A_105] : memref<32768x2048xf32, #tpu.memory_space<hbm>> -> memref<16x2048xf32, #tpu.memory_space<hbm>>
    tpu.wait_dma2 semaphore(%arg6 : memref<!tpu.dma_semaphore, #tpu.memory_space<semaphore_mem>>) src(%dma_wait3A_106 : memref<16x2048xf32, #tpu.memory_space<hbm>>) dst(%arg4 : memref<16x2048xf32, #tpu.memory_space<vmem>>)
    %add3A_107 = arith.constant 144 : i32
    %add3A_108 = arith.addi %mul3A_2, %add3A_107 : i32
    %dma_start3A_109 = arith.constant 0 : i32
    %dma_start3A_110 = tpu.memref_slice %arg2[%add3A_108, %dma_start3A_109] : memref<32768x2048xf32, #tpu.memory_space<hbm>> -> memref<16x2048xf32, #tpu.memory_space<hbm>>
    %dma_start3A_111 = arith.constant 0 : i32
    %dma_start3A_112 = tpu.memref_slice %arg2[%add3A_108, %dma_start3A_111] : memref<32768x2048xf32, #tpu.memory_space<hbm>> -> memref<16x2048xf32, #tpu.memory_space<hbm>>
    tpu.enqueue_dma source(%dma_start3A_112 : memref<16x2048xf32, #tpu.memory_space<hbm>>) target(%arg5 : memref<16x2048xf32, #tpu.memory_space<vmem>>) target_semaphore(%arg6 : memref<!tpu.dma_semaphore, #tpu.memory_space<semaphore_mem>>)
    %add3A_113 = arith.constant 128 : i32
    %add3A_114 = arith.addi %mul3A_2, %add3A_113 : i32
    "tpu.region"() ({
      %run_scoped3A = tpu.sem_alloc : memref<!tpu.dma_semaphore, #tpu.memory_space<semaphore_mem>>
      %dma_start3A_769 = arith.constant 0 : i32
      %dma_start3A_770 = tpu.memref_slice %arg3[%add3A_114, %dma_start3A_769] : memref<32768x2048xf32, #tpu.memory_space<hbm>> -> memref<16x2048xf32, #tpu.memory_space<hbm>>
      %dma_start3A_771 = arith.constant 0 : i32
      %dma_start3A_772 = tpu.memref_slice %arg3[%add3A_114, %dma_start3A_771] : memref<32768x2048xf32, #tpu.memory_space<hbm>> -> memref<16x2048xf32, #tpu.memory_space<hbm>>
      tpu.enqueue_dma source(%arg4 : memref<16x2048xf32, #tpu.memory_space<vmem>>) target(%dma_start3A_772 : memref<16x2048xf32, #tpu.memory_space<hbm>>) target_semaphore(%run_scoped3A : memref<!tpu.dma_semaphore, #tpu.memory_space<semaphore_mem>>)
      %dma_wait3A_773 = arith.constant 0 : i32
      %dma_wait3A_774 = tpu.memref_slice %arg3[%add3A_114, %dma_wait3A_773] : memref<32768x2048xf32, #tpu.memory_space<hbm>> -> memref<16x2048xf32, #tpu.memory_space<hbm>>
      %dma_wait3A_775 = arith.constant 0 : i32
      %dma_wait3A_776 = tpu.memref_slice %arg3[%add3A_114, %dma_wait3A_775] : memref<32768x2048xf32, #tpu.memory_space<hbm>> -> memref<16x2048xf32, #tpu.memory_space<hbm>>
      tpu.wait_dma2 semaphore(%run_scoped3A : memref<!tpu.dma_semaphore, #tpu.memory_space<semaphore_mem>>) src(%arg4 : memref<16x2048xf32, #tpu.memory_space<vmem>>) dst(%dma_wait3A_776 : memref<16x2048xf32, #tpu.memory_space<hbm>>)
      tpu.yield
    }) : () -> ()
    %dma_wait3A_115 = arith.constant 0 : i32
    %dma_wait3A_116 = tpu.memref_slice %arg2[%add3A_108, %dma_wait3A_115] : memref<32768x2048xf32, #tpu.memory_space<hbm>> -> memref<16x2048xf32, #tpu.memory_space<hbm>>
    %dma_wait3A_117 = arith.constant 0 : i32
    %dma_wait3A_118 = tpu.memref_slice %arg2[%add3A_108, %dma_wait3A_117] : memref<32768x2048xf32, #tpu.memory_space<hbm>> -> memref<16x2048xf32, #tpu.memory_space<hbm>>
    tpu.wait_dma2 semaphore(%arg6 : memref<!tpu.dma_semaphore, #tpu.memory_space<semaphore_mem>>) src(%dma_wait3A_118 : memref<16x2048xf32, #tpu.memory_space<hbm>>) dst(%arg5 : memref<16x2048xf32, #tpu.memory_space<vmem>>)
    %add3A_119 = arith.constant 160 : i32
    %add3A_120 = arith.addi %mul3A_2, %add3A_119 : i32
    %dma_start3A_121 = arith.constant 0 : i32
    %dma_start3A_122 = tpu.memref_slice %arg2[%add3A_120, %dma_start3A_121] : memref<32768x2048xf32, #tpu.memory_space<hbm>> -> memref<16x2048xf32, #tpu.memory_space<hbm>>
    %dma_start3A_123 = arith.constant 0 : i32
    %dma_start3A_124 = tpu.memref_slice %arg2[%add3A_120, %dma_start3A_123] : memref<32768x2048xf32, #tpu.memory_space<hbm>> -> memref<16x2048xf32, #tpu.memory_space<hbm>>
    tpu.enqueue_dma source(%dma_start3A_124 : memref<16x2048xf32, #tpu.memory_space<hbm>>) target(%arg4 : memref<16x2048xf32, #tpu.memory_space<vmem>>) target_semaphore(%arg6 : memref<!tpu.dma_semaphore, #tpu.memory_space<semaphore_mem>>)
    %add3A_125 = arith.constant 144 : i32
    %add3A_126 = arith.addi %mul3A_2, %add3A_125 : i32
    "tpu.region"() ({
      %run_scoped3A = tpu.sem_alloc : memref<!tpu.dma_semaphore, #tpu.memory_space<semaphore_mem>>
      %dma_start3A_769 = arith.constant 0 : i32
      %dma_start3A_770 = tpu.memref_slice %arg3[%add3A_126, %dma_start3A_769] : memref<32768x2048xf32, #tpu.memory_space<hbm>> -> memref<16x2048xf32, #tpu.memory_space<hbm>>
      %dma_start3A_771 = arith.constant 0 : i32
      %dma_start3A_772 = tpu.memref_slice %arg3[%add3A_126, %dma_start3A_771] : memref<32768x2048xf32, #tpu.memory_space<hbm>> -> memref<16x2048xf32, #tpu.memory_space<hbm>>
      tpu.enqueue_dma source(%arg5 : memref<16x2048xf32, #tpu.memory_space<vmem>>) target(%dma_start3A_772 : memref<16x2048xf32, #tpu.memory_space<hbm>>) target_semaphore(%run_scoped3A : memref<!tpu.dma_semaphore, #tpu.memory_space<semaphore_mem>>)
      %dma_wait3A_773 = arith.constant 0 : i32
      %dma_wait3A_774 = tpu.memref_slice %arg3[%add3A_126, %dma_wait3A_773] : memref<32768x2048xf32, #tpu.memory_space<hbm>> -> memref<16x2048xf32, #tpu.memory_space<hbm>>
      %dma_wait3A_775 = arith.constant 0 : i32
      %dma_wait3A_776 = tpu.memref_slice %arg3[%add3A_126, %dma_wait3A_775] : memref<32768x2048xf32, #tpu.memory_space<hbm>> -> memref<16x2048xf32, #tpu.memory_space<hbm>>
      tpu.wait_dma2 semaphore(%run_scoped3A : memref<!tpu.dma_semaphore, #tpu.memory_space<semaphore_mem>>) src(%arg5 : memref<16x2048xf32, #tpu.memory_space<vmem>>) dst(%dma_wait3A_776 : memref<16x2048xf32, #tpu.memory_space<hbm>>)
      tpu.yield
    }) : () -> ()
    %dma_wait3A_127 = arith.constant 0 : i32
    %dma_wait3A_128 = tpu.memref_slice %arg2[%add3A_120, %dma_wait3A_127] : memref<32768x2048xf32, #tpu.memory_space<hbm>> -> memref<16x2048xf32, #tpu.memory_space<hbm>>
    %dma_wait3A_129 = arith.constant 0 : i32
    %dma_wait3A_130 = tpu.memref_slice %arg2[%add3A_120, %dma_wait3A_129] : memref<32768x2048xf32, #tpu.memory_space<hbm>> -> memref<16x2048xf32, #tpu.memory_space<hbm>>
    tpu.wait_dma2 semaphore(%arg6 : memref<!tpu.dma_semaphore, #tpu.memory_space<semaphore_mem>>) src(%dma_wait3A_130 : memref<16x2048xf32, #tpu.memory_space<hbm>>) dst(%arg4 : memref<16x2048xf32, #tpu.memory_space<vmem>>)
    %add3A_131 = arith.constant 176 : i32
    %add3A_132 = arith.addi %mul3A_2, %add3A_131 : i32
    %dma_start3A_133 = arith.constant 0 : i32
    %dma_start3A_134 = tpu.memref_slice %arg2[%add3A_132, %dma_start3A_133] : memref<32768x2048xf32, #tpu.memory_space<hbm>> -> memref<16x2048xf32, #tpu.memory_space<hbm>>
    %dma_start3A_135 = arith.constant 0 : i32
    %dma_start3A_136 = tpu.memref_slice %arg2[%add3A_132, %dma_start3A_135] : memref<32768x2048xf32, #tpu.memory_space<hbm>> -> memref<16x2048xf32, #tpu.memory_space<hbm>>
    tpu.enqueue_dma source(%dma_start3A_136 : memref<16x2048xf32, #tpu.memory_space<hbm>>) target(%arg5 : memref<16x2048xf32, #tpu.memory_space<vmem>>) target_semaphore(%arg6 : memref<!tpu.dma_semaphore, #tpu.memory_space<semaphore_mem>>)
    %add3A_137 = arith.constant 160 : i32
    %add3A_138 = arith.addi %mul3A_2, %add3A_137 : i32
    "tpu.region"() ({
      %run_scoped3A = tpu.sem_alloc : memref<!tpu.dma_semaphore, #tpu.memory_space<semaphore_mem>>
      %dma_start3A_769 = arith.constant 0 : i32
      %dma_start3A_770 = tpu.memref_slice %arg3[%add3A_138, %dma_start3A_769] : memref<32768x2048xf32, #tpu.memory_space<hbm>> -> memref<16x2048xf32, #tpu.memory_space<hbm>>
      %dma_start3A_771 = arith.constant 0 : i32
      %dma_start3A_772 = tpu.memref_slice %arg3[%add3A_138, %dma_start3A_771] : memref<32768x2048xf32, #tpu.memory_space<hbm>> -> memref<16x2048xf32, #tpu.memory_space<hbm>>
      tpu.enqueue_dma source(%arg4 : memref<16x2048xf32, #tpu.memory_space<vmem>>) target(%dma_start3A_772 : memref<16x2048xf32, #tpu.memory_space<hbm>>) target_semaphore(%run_scoped3A : memref<!tpu.dma_semaphore, #tpu.memory_space<semaphore_mem>>)
      %dma_wait3A_773 = arith.constant 0 : i32
      %dma_wait3A_774 = tpu.memref_slice %arg3[%add3A_138, %dma_wait3A_773] : memref<32768x2048xf32, #tpu.memory_space<hbm>> -> memref<16x2048xf32, #tpu.memory_space<hbm>>
      %dma_wait3A_775 = arith.constant 0 : i32
      %dma_wait3A_776 = tpu.memref_slice %arg3[%add3A_138, %dma_wait3A_775] : memref<32768x2048xf32, #tpu.memory_space<hbm>> -> memref<16x2048xf32, #tpu.memory_space<hbm>>
      tpu.wait_dma2 semaphore(%run_scoped3A : memref<!tpu.dma_semaphore, #tpu.memory_space<semaphore_mem>>) src(%arg4 : memref<16x2048xf32, #tpu.memory_space<vmem>>) dst(%dma_wait3A_776 : memref<16x2048xf32, #tpu.memory_space<hbm>>)
      tpu.yield
    }) : () -> ()
    %dma_wait3A_139 = arith.constant 0 : i32
    %dma_wait3A_140 = tpu.memref_slice %arg2[%add3A_132, %dma_wait3A_139] : memref<32768x2048xf32, #tpu.memory_space<hbm>> -> memref<16x2048xf32, #tpu.memory_space<hbm>>
    %dma_wait3A_141 = arith.constant 0 : i32
    %dma_wait3A_142 = tpu.memref_slice %arg2[%add3A_132, %dma_wait3A_141] : memref<32768x2048xf32, #tpu.memory_space<hbm>> -> memref<16x2048xf32, #tpu.memory_space<hbm>>
    tpu.wait_dma2 semaphore(%arg6 : memref<!tpu.dma_semaphore, #tpu.memory_space<semaphore_mem>>) src(%dma_wait3A_142 : memref<16x2048xf32, #tpu.memory_space<hbm>>) dst(%arg5 : memref<16x2048xf32, #tpu.memory_space<vmem>>)
    %add3A_143 = arith.constant 192 : i32
    %add3A_144 = arith.addi %mul3A_2, %add3A_143 : i32
    %dma_start3A_145 = arith.constant 0 : i32
    %dma_start3A_146 = tpu.memref_slice %arg2[%add3A_144, %dma_start3A_145] : memref<32768x2048xf32, #tpu.memory_space<hbm>> -> memref<16x2048xf32, #tpu.memory_space<hbm>>
    %dma_start3A_147 = arith.constant 0 : i32
    %dma_start3A_148 = tpu.memref_slice %arg2[%add3A_144, %dma_start3A_147] : memref<32768x2048xf32, #tpu.memory_space<hbm>> -> memref<16x2048xf32, #tpu.memory_space<hbm>>
    tpu.enqueue_dma source(%dma_start3A_148 : memref<16x2048xf32, #tpu.memory_space<hbm>>) target(%arg4 : memref<16x2048xf32, #tpu.memory_space<vmem>>) target_semaphore(%arg6 : memref<!tpu.dma_semaphore, #tpu.memory_space<semaphore_mem>>)
    %add3A_149 = arith.constant 176 : i32
    %add3A_150 = arith.addi %mul3A_2, %add3A_149 : i32
    "tpu.region"() ({
      %run_scoped3A = tpu.sem_alloc : memref<!tpu.dma_semaphore, #tpu.memory_space<semaphore_mem>>
      %dma_start3A_769 = arith.constant 0 : i32
      %dma_start3A_770 = tpu.memref_slice %arg3[%add3A_150, %dma_start3A_769] : memref<32768x2048xf32, #tpu.memory_space<hbm>> -> memref<16x2048xf32, #tpu.memory_space<hbm>>
      %dma_start3A_771 = arith.constant 0 : i32
      %dma_start3A_772 = tpu.memref_slice %arg3[%add3A_150, %dma_start3A_771] : memref<32768x2048xf32, #tpu.memory_space<hbm>> -> memref<16x2048xf32, #tpu.memory_space<hbm>>
      tpu.enqueue_dma source(%arg5 : memref<16x2048xf32, #tpu.memory_space<vmem>>) target(%dma_start3A_772 : memref<16x2048xf32, #tpu.memory_space<hbm>>) target_semaphore(%run_scoped3A : memref<!tpu.dma_semaphore, #tpu.memory_space<semaphore_mem>>)
      %dma_wait3A_773 = arith.constant 0 : i32
      %dma_wait3A_774 = tpu.memref_slice %arg3[%add3A_150, %dma_wait3A_773] : memref<32768x2048xf32, #tpu.memory_space<hbm>> -> memref<16x2048xf32, #tpu.memory_space<hbm>>
      %dma_wait3A_775 = arith.constant 0 : i32
      %dma_wait3A_776 = tpu.memref_slice %arg3[%add3A_150, %dma_wait3A_775] : memref<32768x2048xf32, #tpu.memory_space<hbm>> -> memref<16x2048xf32, #tpu.memory_space<hbm>>
      tpu.wait_dma2 semaphore(%run_scoped3A : memref<!tpu.dma_semaphore, #tpu.memory_space<semaphore_mem>>) src(%arg5 : memref<16x2048xf32, #tpu.memory_space<vmem>>) dst(%dma_wait3A_776 : memref<16x2048xf32, #tpu.memory_space<hbm>>)
      tpu.yield
    }) : () -> ()
    %dma_wait3A_151 = arith.constant 0 : i32
    %dma_wait3A_152 = tpu.memref_slice %arg2[%add3A_144, %dma_wait3A_151] : memref<32768x2048xf32, #tpu.memory_space<hbm>> -> memref<16x2048xf32, #tpu.memory_space<hbm>>
    %dma_wait3A_153 = arith.constant 0 : i32
    %dma_wait3A_154 = tpu.memref_slice %arg2[%add3A_144, %dma_wait3A_153] : memref<32768x2048xf32, #tpu.memory_space<hbm>> -> memref<16x2048xf32, #tpu.memory_space<hbm>>
    tpu.wait_dma2 semaphore(%arg6 : memref<!tpu.dma_semaphore, #tpu.memory_space<semaphore_mem>>) src(%dma_wait3A_154 : memref<16x2048xf32, #tpu.memory_space<hbm>>) dst(%arg4 : memref<16x2048xf32, #tpu.memory_space<vmem>>)
    %add3A_155 = arith.constant 208 : i32
    %add3A_156 = arith.addi %mul3A_2, %add3A_155 : i32
    %dma_start3A_157 = arith.constant 0 : i32
    %dma_start3A_158 = tpu.memref_slice %arg2[%add3A_156, %dma_start3A_157] : memref<32768x2048xf32, #tpu.memory_space<hbm>> -> memref<16x2048xf32, #tpu.memory_space<hbm>>
    %dma_start3A_159 = arith.constant 0 : i32
    %dma_start3A_160 = tpu.memref_slice %arg2[%add3A_156, %dma_start3A_159] : memref<32768x2048xf32, #tpu.memory_space<hbm>> -> memref<16x2048xf32, #tpu.memory_space<hbm>>
    tpu.enqueue_dma source(%dma_start3A_160 : memref<16x2048xf32, #tpu.memory_space<hbm>>) target(%arg5 : memref<16x2048xf32, #tpu.memory_space<vmem>>) target_semaphore(%arg6 : memref<!tpu.dma_semaphore, #tpu.memory_space<semaphore_mem>>)
    %add3A_161 = arith.constant 192 : i32
    %add3A_162 = arith.addi %mul3A_2, %add3A_161 : i32
    "tpu.region"() ({
      %run_scoped3A = tpu.sem_alloc : memref<!tpu.dma_semaphore, #tpu.memory_space<semaphore_mem>>
      %dma_start3A_769 = arith.constant 0 : i32
      %dma_start3A_770 = tpu.memref_slice %arg3[%add3A_162, %dma_start3A_769] : memref<32768x2048xf32, #tpu.memory_space<hbm>> -> memref<16x2048xf32, #tpu.memory_space<hbm>>
      %dma_start3A_771 = arith.constant 0 : i32
      %dma_start3A_772 = tpu.memref_slice %arg3[%add3A_162, %dma_start3A_771] : memref<32768x2048xf32, #tpu.memory_space<hbm>> -> memref<16x2048xf32, #tpu.memory_space<hbm>>
      tpu.enqueue_dma source(%arg4 : memref<16x2048xf32, #tpu.memory_space<vmem>>) target(%dma_start3A_772 : memref<16x2048xf32, #tpu.memory_space<hbm>>) target_semaphore(%run_scoped3A : memref<!tpu.dma_semaphore, #tpu.memory_space<semaphore_mem>>)
      %dma_wait3A_773 = arith.constant 0 : i32
      %dma_wait3A_774 = tpu.memref_slice %arg3[%add3A_162, %dma_wait3A_773] : memref<32768x2048xf32, #tpu.memory_space<hbm>> -> memref<16x2048xf32, #tpu.memory_space<hbm>>
      %dma_wait3A_775 = arith.constant 0 : i32
      %dma_wait3A_776 = tpu.memref_slice %arg3[%add3A_162, %dma_wait3A_775] : memref<32768x2048xf32, #tpu.memory_space<hbm>> -> memref<16x2048xf32, #tpu.memory_space<hbm>>
      tpu.wait_dma2 semaphore(%run_scoped3A : memref<!tpu.dma_semaphore, #tpu.memory_space<semaphore_mem>>) src(%arg4 : memref<16x2048xf32, #tpu.memory_space<vmem>>) dst(%dma_wait3A_776 : memref<16x2048xf32, #tpu.memory_space<hbm>>)
      tpu.yield
    }) : () -> ()
    %dma_wait3A_163 = arith.constant 0 : i32
    %dma_wait3A_164 = tpu.memref_slice %arg2[%add3A_156, %dma_wait3A_163] : memref<32768x2048xf32, #tpu.memory_space<hbm>> -> memref<16x2048xf32, #tpu.memory_space<hbm>>
    %dma_wait3A_165 = arith.constant 0 : i32
    %dma_wait3A_166 = tpu.memref_slice %arg2[%add3A_156, %dma_wait3A_165] : memref<32768x2048xf32, #tpu.memory_space<hbm>> -> memref<16x2048xf32, #tpu.memory_space<hbm>>
    tpu.wait_dma2 semaphore(%arg6 : memref<!tpu.dma_semaphore, #tpu.memory_space<semaphore_mem>>) src(%dma_wait3A_166 : memref<16x2048xf32, #tpu.memory_space<hbm>>) dst(%arg5 : memref<16x2048xf32, #tpu.memory_space<vmem>>)
    %add3A_167 = arith.constant 224 : i32
    %add3A_168 = arith.addi %mul3A_2, %add3A_167 : i32
    %dma_start3A_169 = arith.constant 0 : i32
    %dma_start3A_170 = tpu.memref_slice %arg2[%add3A_168, %dma_start3A_169] : memref<32768x2048xf32, #tpu.memory_space<hbm>> -> memref<16x2048xf32, #tpu.memory_space<hbm>>
    %dma_start3A_171 = arith.constant 0 : i32
    %dma_start3A_172 = tpu.memref_slice %arg2[%add3A_168, %dma_start3A_171] : memref<32768x2048xf32, #tpu.memory_space<hbm>> -> memref<16x2048xf32, #tpu.memory_space<hbm>>
    tpu.enqueue_dma source(%dma_start3A_172 : memref<16x2048xf32, #tpu.memory_space<hbm>>) target(%arg4 : memref<16x2048xf32, #tpu.memory_space<vmem>>) target_semaphore(%arg6 : memref<!tpu.dma_semaphore, #tpu.memory_space<semaphore_mem>>)
    %add3A_173 = arith.constant 208 : i32
    %add3A_174 = arith.addi %mul3A_2, %add3A_173 : i32
    "tpu.region"() ({
      %run_scoped3A = tpu.sem_alloc : memref<!tpu.dma_semaphore, #tpu.memory_space<semaphore_mem>>
      %dma_start3A_769 = arith.constant 0 : i32
      %dma_start3A_770 = tpu.memref_slice %arg3[%add3A_174, %dma_start3A_769] : memref<32768x2048xf32, #tpu.memory_space<hbm>> -> memref<16x2048xf32, #tpu.memory_space<hbm>>
      %dma_start3A_771 = arith.constant 0 : i32
      %dma_start3A_772 = tpu.memref_slice %arg3[%add3A_174, %dma_start3A_771] : memref<32768x2048xf32, #tpu.memory_space<hbm>> -> memref<16x2048xf32, #tpu.memory_space<hbm>>
      tpu.enqueue_dma source(%arg5 : memref<16x2048xf32, #tpu.memory_space<vmem>>) target(%dma_start3A_772 : memref<16x2048xf32, #tpu.memory_space<hbm>>) target_semaphore(%run_scoped3A : memref<!tpu.dma_semaphore, #tpu.memory_space<semaphore_mem>>)
      %dma_wait3A_773 = arith.constant 0 : i32
      %dma_wait3A_774 = tpu.memref_slice %arg3[%add3A_174, %dma_wait3A_773] : memref<32768x2048xf32, #tpu.memory_space<hbm>> -> memref<16x2048xf32, #tpu.memory_space<hbm>>
      %dma_wait3A_775 = arith.constant 0 : i32
      %dma_wait3A_776 = tpu.memref_slice %arg3[%add3A_174, %dma_wait3A_775] : memref<32768x2048xf32, #tpu.memory_space<hbm>> -> memref<16x2048xf32, #tpu.memory_space<hbm>>
      tpu.wait_dma2 semaphore(%run_scoped3A : memref<!tpu.dma_semaphore, #tpu.memory_space<semaphore_mem>>) src(%arg5 : memref<16x2048xf32, #tpu.memory_space<vmem>>) dst(%dma_wait3A_776 : memref<16x2048xf32, #tpu.memory_space<hbm>>)
      tpu.yield
    }) : () -> ()
    %dma_wait3A_175 = arith.constant 0 : i32
    %dma_wait3A_176 = tpu.memref_slice %arg2[%add3A_168, %dma_wait3A_175] : memref<32768x2048xf32, #tpu.memory_space<hbm>> -> memref<16x2048xf32, #tpu.memory_space<hbm>>
    %dma_wait3A_177 = arith.constant 0 : i32
    %dma_wait3A_178 = tpu.memref_slice %arg2[%add3A_168, %dma_wait3A_177] : memref<32768x2048xf32, #tpu.memory_space<hbm>> -> memref<16x2048xf32, #tpu.memory_space<hbm>>
    tpu.wait_dma2 semaphore(%arg6 : memref<!tpu.dma_semaphore, #tpu.memory_space<semaphore_mem>>) src(%dma_wait3A_178 : memref<16x2048xf32, #tpu.memory_space<hbm>>) dst(%arg4 : memref<16x2048xf32, #tpu.memory_space<vmem>>)
    %add3A_179 = arith.constant 240 : i32
    %add3A_180 = arith.addi %mul3A_2, %add3A_179 : i32
    %dma_start3A_181 = arith.constant 0 : i32
    %dma_start3A_182 = tpu.memref_slice %arg2[%add3A_180, %dma_start3A_181] : memref<32768x2048xf32, #tpu.memory_space<hbm>> -> memref<16x2048xf32, #tpu.memory_space<hbm>>
    %dma_start3A_183 = arith.constant 0 : i32
    %dma_start3A_184 = tpu.memref_slice %arg2[%add3A_180, %dma_start3A_183] : memref<32768x2048xf32, #tpu.memory_space<hbm>> -> memref<16x2048xf32, #tpu.memory_space<hbm>>
    tpu.enqueue_dma source(%dma_start3A_184 : memref<16x2048xf32, #tpu.memory_space<hbm>>) target(%arg5 : memref<16x2048xf32, #tpu.memory_space<vmem>>) target_semaphore(%arg6 : memref<!tpu.dma_semaphore, #tpu.memory_space<semaphore_mem>>)
    %add3A_185 = arith.constant 224 : i32
    %add3A_186 = arith.addi %mul3A_2, %add3A_185 : i32
    "tpu.region"() ({
      %run_scoped3A = tpu.sem_alloc : memref<!tpu.dma_semaphore, #tpu.memory_space<semaphore_mem>>
      %dma_start3A_769 = arith.constant 0 : i32
      %dma_start3A_770 = tpu.memref_slice %arg3[%add3A_186, %dma_start3A_769] : memref<32768x2048xf32, #tpu.memory_space<hbm>> -> memref<16x2048xf32, #tpu.memory_space<hbm>>
      %dma_start3A_771 = arith.constant 0 : i32
      %dma_start3A_772 = tpu.memref_slice %arg3[%add3A_186, %dma_start3A_771] : memref<32768x2048xf32, #tpu.memory_space<hbm>> -> memref<16x2048xf32, #tpu.memory_space<hbm>>
      tpu.enqueue_dma source(%arg4 : memref<16x2048xf32, #tpu.memory_space<vmem>>) target(%dma_start3A_772 : memref<16x2048xf32, #tpu.memory_space<hbm>>) target_semaphore(%run_scoped3A : memref<!tpu.dma_semaphore, #tpu.memory_space<semaphore_mem>>)
      %dma_wait3A_773 = arith.constant 0 : i32
      %dma_wait3A_774 = tpu.memref_slice %arg3[%add3A_186, %dma_wait3A_773] : memref<32768x2048xf32, #tpu.memory_space<hbm>> -> memref<16x2048xf32, #tpu.memory_space<hbm>>
      %dma_wait3A_775 = arith.constant 0 : i32
      %dma_wait3A_776 = tpu.memref_slice %arg3[%add3A_186, %dma_wait3A_775] : memref<32768x2048xf32, #tpu.memory_space<hbm>> -> memref<16x2048xf32, #tpu.memory_space<hbm>>
      tpu.wait_dma2 semaphore(%run_scoped3A : memref<!tpu.dma_semaphore, #tpu.memory_space<semaphore_mem>>) src(%arg4 : memref<16x2048xf32, #tpu.memory_space<vmem>>) dst(%dma_wait3A_776 : memref<16x2048xf32, #tpu.memory_space<hbm>>)
      tpu.yield
    }) : () -> ()
    %dma_wait3A_187 = arith.constant 0 : i32
    %dma_wait3A_188 = tpu.memref_slice %arg2[%add3A_180, %dma_wait3A_187] : memref<32768x2048xf32, #tpu.memory_space<hbm>> -> memref<16x2048xf32, #tpu.memory_space<hbm>>
    %dma_wait3A_189 = arith.constant 0 : i32
    %dma_wait3A_190 = tpu.memref_slice %arg2[%add3A_180, %dma_wait3A_189] : memref<32768x2048xf32, #tpu.memory_space<hbm>> -> memref<16x2048xf32, #tpu.memory_space<hbm>>
    tpu.wait_dma2 semaphore(%arg6 : memref<!tpu.dma_semaphore, #tpu.memory_space<semaphore_mem>>) src(%dma_wait3A_190 : memref<16x2048xf32, #tpu.memory_space<hbm>>) dst(%arg5 : memref<16x2048xf32, #tpu.memory_space<vmem>>)
    %add3A_191 = arith.constant 256 : i32
    %add3A_192 = arith.addi %mul3A_2, %add3A_191 : i32
    %dma_start3A_193 = arith.constant 0 : i32
    %dma_start3A_194 = tpu.memref_slice %arg2[%add3A_192, %dma_start3A_193] : memref<32768x2048xf32, #tpu.memory_space<hbm>> -> memref<16x2048xf32, #tpu.memory_space<hbm>>
    %dma_start3A_195 = arith.constant 0 : i32
    %dma_start3A_196 = tpu.memref_slice %arg2[%add3A_192, %dma_start3A_195] : memref<32768x2048xf32, #tpu.memory_space<hbm>> -> memref<16x2048xf32, #tpu.memory_space<hbm>>
    tpu.enqueue_dma source(%dma_start3A_196 : memref<16x2048xf32, #tpu.memory_space<hbm>>) target(%arg4 : memref<16x2048xf32, #tpu.memory_space<vmem>>) target_semaphore(%arg6 : memref<!tpu.dma_semaphore, #tpu.memory_space<semaphore_mem>>)
    %add3A_197 = arith.constant 240 : i32
    %add3A_198 = arith.addi %mul3A_2, %add3A_197 : i32
    "tpu.region"() ({
      %run_scoped3A = tpu.sem_alloc : memref<!tpu.dma_semaphore, #tpu.memory_space<semaphore_mem>>
      %dma_start3A_769 = arith.constant 0 : i32
      %dma_start3A_770 = tpu.memref_slice %arg3[%add3A_198, %dma_start3A_769] : memref<32768x2048xf32, #tpu.memory_space<hbm>> -> memref<16x2048xf32, #tpu.memory_space<hbm>>
      %dma_start3A_771 = arith.constant 0 : i32
      %dma_start3A_772 = tpu.memref_slice %arg3[%add3A_198, %dma_start3A_771] : memref<32768x2048xf32, #tpu.memory_space<hbm>> -> memref<16x2048xf32, #tpu.memory_space<hbm>>
      tpu.enqueue_dma source(%arg5 : memref<16x2048xf32, #tpu.memory_space<vmem>>) target(%dma_start3A_772 : memref<16x2048xf32, #tpu.memory_space<hbm>>) target_semaphore(%run_scoped3A : memref<!tpu.dma_semaphore, #tpu.memory_space<semaphore_mem>>)
      %dma_wait3A_773 = arith.constant 0 : i32
      %dma_wait3A_774 = tpu.memref_slice %arg3[%add3A_198, %dma_wait3A_773] : memref<32768x2048xf32, #tpu.memory_space<hbm>> -> memref<16x2048xf32, #tpu.memory_space<hbm>>
      %dma_wait3A_775 = arith.constant 0 : i32
      %dma_wait3A_776 = tpu.memref_slice %arg3[%add3A_198, %dma_wait3A_775] : memref<32768x2048xf32, #tpu.memory_space<hbm>> -> memref<16x2048xf32, #tpu.memory_space<hbm>>
      tpu.wait_dma2 semaphore(%run_scoped3A : memref<!tpu.dma_semaphore, #tpu.memory_space<semaphore_mem>>) src(%arg5 : memref<16x2048xf32, #tpu.memory_space<vmem>>) dst(%dma_wait3A_776 : memref<16x2048xf32, #tpu.memory_space<hbm>>)
      tpu.yield
    }) : () -> ()
    %dma_wait3A_199 = arith.constant 0 : i32
    %dma_wait3A_200 = tpu.memref_slice %arg2[%add3A_192, %dma_wait3A_199] : memref<32768x2048xf32, #tpu.memory_space<hbm>> -> memref<16x2048xf32, #tpu.memory_space<hbm>>
    %dma_wait3A_201 = arith.constant 0 : i32
    %dma_wait3A_202 = tpu.memref_slice %arg2[%add3A_192, %dma_wait3A_201] : memref<32768x2048xf32, #tpu.memory_space<hbm>> -> memref<16x2048xf32, #tpu.memory_space<hbm>>
    tpu.wait_dma2 semaphore(%arg6 : memref<!tpu.dma_semaphore, #tpu.memory_space<semaphore_mem>>) src(%dma_wait3A_202 : memref<16x2048xf32, #tpu.memory_space<hbm>>) dst(%arg4 : memref<16x2048xf32, #tpu.memory_space<vmem>>)
    %add3A_203 = arith.constant 272 : i32
    %add3A_204 = arith.addi %mul3A_2, %add3A_203 : i32
    %dma_start3A_205 = arith.constant 0 : i32
    %dma_start3A_206 = tpu.memref_slice %arg2[%add3A_204, %dma_start3A_205] : memref<32768x2048xf32, #tpu.memory_space<hbm>> -> memref<16x2048xf32, #tpu.memory_space<hbm>>
    %dma_start3A_207 = arith.constant 0 : i32
    %dma_start3A_208 = tpu.memref_slice %arg2[%add3A_204, %dma_start3A_207] : memref<32768x2048xf32, #tpu.memory_space<hbm>> -> memref<16x2048xf32, #tpu.memory_space<hbm>>
    tpu.enqueue_dma source(%dma_start3A_208 : memref<16x2048xf32, #tpu.memory_space<hbm>>) target(%arg5 : memref<16x2048xf32, #tpu.memory_space<vmem>>) target_semaphore(%arg6 : memref<!tpu.dma_semaphore, #tpu.memory_space<semaphore_mem>>)
    %add3A_209 = arith.constant 256 : i32
    %add3A_210 = arith.addi %mul3A_2, %add3A_209 : i32
    "tpu.region"() ({
      %run_scoped3A = tpu.sem_alloc : memref<!tpu.dma_semaphore, #tpu.memory_space<semaphore_mem>>
      %dma_start3A_769 = arith.constant 0 : i32
      %dma_start3A_770 = tpu.memref_slice %arg3[%add3A_210, %dma_start3A_769] : memref<32768x2048xf32, #tpu.memory_space<hbm>> -> memref<16x2048xf32, #tpu.memory_space<hbm>>
      %dma_start3A_771 = arith.constant 0 : i32
      %dma_start3A_772 = tpu.memref_slice %arg3[%add3A_210, %dma_start3A_771] : memref<32768x2048xf32, #tpu.memory_space<hbm>> -> memref<16x2048xf32, #tpu.memory_space<hbm>>
      tpu.enqueue_dma source(%arg4 : memref<16x2048xf32, #tpu.memory_space<vmem>>) target(%dma_start3A_772 : memref<16x2048xf32, #tpu.memory_space<hbm>>) target_semaphore(%run_scoped3A : memref<!tpu.dma_semaphore, #tpu.memory_space<semaphore_mem>>)
      %dma_wait3A_773 = arith.constant 0 : i32
      %dma_wait3A_774 = tpu.memref_slice %arg3[%add3A_210, %dma_wait3A_773] : memref<32768x2048xf32, #tpu.memory_space<hbm>> -> memref<16x2048xf32, #tpu.memory_space<hbm>>
      %dma_wait3A_775 = arith.constant 0 : i32
      %dma_wait3A_776 = tpu.memref_slice %arg3[%add3A_210, %dma_wait3A_775] : memref<32768x2048xf32, #tpu.memory_space<hbm>> -> memref<16x2048xf32, #tpu.memory_space<hbm>>
      tpu.wait_dma2 semaphore(%run_scoped3A : memref<!tpu.dma_semaphore, #tpu.memory_space<semaphore_mem>>) src(%arg4 : memref<16x2048xf32, #tpu.memory_space<vmem>>) dst(%dma_wait3A_776 : memref<16x2048xf32, #tpu.memory_space<hbm>>)
      tpu.yield
    }) : () -> ()
    %dma_wait3A_211 = arith.constant 0 : i32
    %dma_wait3A_212 = tpu.memref_slice %arg2[%add3A_204, %dma_wait3A_211] : memref<32768x2048xf32, #tpu.memory_space<hbm>> -> memref<16x2048xf32, #tpu.memory_space<hbm>>
    %dma_wait3A_213 = arith.constant 0 : i32
    %dma_wait3A_214 = tpu.memref_slice %arg2[%add3A_204, %dma_wait3A_213] : memref<32768x2048xf32, #tpu.memory_space<hbm>> -> memref<16x2048xf32, #tpu.memory_space<hbm>>
    tpu.wait_dma2 semaphore(%arg6 : memref<!tpu.dma_semaphore, #tpu.memory_space<semaphore_mem>>) src(%dma_wait3A_214 : memref<16x2048xf32, #tpu.memory_space<hbm>>) dst(%arg5 : memref<16x2048xf32, #tpu.memory_space<vmem>>)
    %add3A_215 = arith.constant 288 : i32
    %add3A_216 = arith.addi %mul3A_2, %add3A_215 : i32
    %dma_start3A_217 = arith.constant 0 : i32
    %dma_start3A_218 = tpu.memref_slice %arg2[%add3A_216, %dma_start3A_217] : memref<32768x2048xf32, #tpu.memory_space<hbm>> -> memref<16x2048xf32, #tpu.memory_space<hbm>>
    %dma_start3A_219 = arith.constant 0 : i32
    %dma_start3A_220 = tpu.memref_slice %arg2[%add3A_216, %dma_start3A_219] : memref<32768x2048xf32, #tpu.memory_space<hbm>> -> memref<16x2048xf32, #tpu.memory_space<hbm>>
    tpu.enqueue_dma source(%dma_start3A_220 : memref<16x2048xf32, #tpu.memory_space<hbm>>) target(%arg4 : memref<16x2048xf32, #tpu.memory_space<vmem>>) target_semaphore(%arg6 : memref<!tpu.dma_semaphore, #tpu.memory_space<semaphore_mem>>)
    %add3A_221 = arith.constant 272 : i32
    %add3A_222 = arith.addi %mul3A_2, %add3A_221 : i32
    "tpu.region"() ({
      %run_scoped3A = tpu.sem_alloc : memref<!tpu.dma_semaphore, #tpu.memory_space<semaphore_mem>>
      %dma_start3A_769 = arith.constant 0 : i32
      %dma_start3A_770 = tpu.memref_slice %arg3[%add3A_222, %dma_start3A_769] : memref<32768x2048xf32, #tpu.memory_space<hbm>> -> memref<16x2048xf32, #tpu.memory_space<hbm>>
      %dma_start3A_771 = arith.constant 0 : i32
      %dma_start3A_772 = tpu.memref_slice %arg3[%add3A_222, %dma_start3A_771] : memref<32768x2048xf32, #tpu.memory_space<hbm>> -> memref<16x2048xf32, #tpu.memory_space<hbm>>
      tpu.enqueue_dma source(%arg5 : memref<16x2048xf32, #tpu.memory_space<vmem>>) target(%dma_start3A_772 : memref<16x2048xf32, #tpu.memory_space<hbm>>) target_semaphore(%run_scoped3A : memref<!tpu.dma_semaphore, #tpu.memory_space<semaphore_mem>>)
      %dma_wait3A_773 = arith.constant 0 : i32
      %dma_wait3A_774 = tpu.memref_slice %arg3[%add3A_222, %dma_wait3A_773] : memref<32768x2048xf32, #tpu.memory_space<hbm>> -> memref<16x2048xf32, #tpu.memory_space<hbm>>
      %dma_wait3A_775 = arith.constant 0 : i32
      %dma_wait3A_776 = tpu.memref_slice %arg3[%add3A_222, %dma_wait3A_775] : memref<32768x2048xf32, #tpu.memory_space<hbm>> -> memref<16x2048xf32, #tpu.memory_space<hbm>>
      tpu.wait_dma2 semaphore(%run_scoped3A : memref<!tpu.dma_semaphore, #tpu.memory_space<semaphore_mem>>) src(%arg5 : memref<16x2048xf32, #tpu.memory_space<vmem>>) dst(%dma_wait3A_776 : memref<16x2048xf32, #tpu.memory_space<hbm>>)
      tpu.yield
    }) : () -> ()
    %dma_wait3A_223 = arith.constant 0 : i32
    %dma_wait3A_224 = tpu.memref_slice %arg2[%add3A_216, %dma_wait3A_223] : memref<32768x2048xf32, #tpu.memory_space<hbm>> -> memref<16x2048xf32, #tpu.memory_space<hbm>>
    %dma_wait3A_225 = arith.constant 0 : i32
    %dma_wait3A_226 = tpu.memref_slice %arg2[%add3A_216, %dma_wait3A_225] : memref<32768x2048xf32, #tpu.memory_space<hbm>> -> memref<16x2048xf32, #tpu.memory_space<hbm>>
    tpu.wait_dma2 semaphore(%arg6 : memref<!tpu.dma_semaphore, #tpu.memory_space<semaphore_mem>>) src(%dma_wait3A_226 : memref<16x2048xf32, #tpu.memory_space<hbm>>) dst(%arg4 : memref<16x2048xf32, #tpu.memory_space<vmem>>)
    %add3A_227 = arith.constant 304 : i32
    %add3A_228 = arith.addi %mul3A_2, %add3A_227 : i32
    %dma_start3A_229 = arith.constant 0 : i32
    %dma_start3A_230 = tpu.memref_slice %arg2[%add3A_228, %dma_start3A_229] : memref<32768x2048xf32, #tpu.memory_space<hbm>> -> memref<16x2048xf32, #tpu.memory_space<hbm>>
    %dma_start3A_231 = arith.constant 0 : i32
    %dma_start3A_232 = tpu.memref_slice %arg2[%add3A_228, %dma_start3A_231] : memref<32768x2048xf32, #tpu.memory_space<hbm>> -> memref<16x2048xf32, #tpu.memory_space<hbm>>
    tpu.enqueue_dma source(%dma_start3A_232 : memref<16x2048xf32, #tpu.memory_space<hbm>>) target(%arg5 : memref<16x2048xf32, #tpu.memory_space<vmem>>) target_semaphore(%arg6 : memref<!tpu.dma_semaphore, #tpu.memory_space<semaphore_mem>>)
    %add3A_233 = arith.constant 288 : i32
    %add3A_234 = arith.addi %mul3A_2, %add3A_233 : i32
    "tpu.region"() ({
      %run_scoped3A = tpu.sem_alloc : memref<!tpu.dma_semaphore, #tpu.memory_space<semaphore_mem>>
      %dma_start3A_769 = arith.constant 0 : i32
      %dma_start3A_770 = tpu.memref_slice %arg3[%add3A_234, %dma_start3A_769] : memref<32768x2048xf32, #tpu.memory_space<hbm>> -> memref<16x2048xf32, #tpu.memory_space<hbm>>
      %dma_start3A_771 = arith.constant 0 : i32
      %dma_start3A_772 = tpu.memref_slice %arg3[%add3A_234, %dma_start3A_771] : memref<32768x2048xf32, #tpu.memory_space<hbm>> -> memref<16x2048xf32, #tpu.memory_space<hbm>>
      tpu.enqueue_dma source(%arg4 : memref<16x2048xf32, #tpu.memory_space<vmem>>) target(%dma_start3A_772 : memref<16x2048xf32, #tpu.memory_space<hbm>>) target_semaphore(%run_scoped3A : memref<!tpu.dma_semaphore, #tpu.memory_space<semaphore_mem>>)
      %dma_wait3A_773 = arith.constant 0 : i32
      %dma_wait3A_774 = tpu.memref_slice %arg3[%add3A_234, %dma_wait3A_773] : memref<32768x2048xf32, #tpu.memory_space<hbm>> -> memref<16x2048xf32, #tpu.memory_space<hbm>>
      %dma_wait3A_775 = arith.constant 0 : i32
      %dma_wait3A_776 = tpu.memref_slice %arg3[%add3A_234, %dma_wait3A_775] : memref<32768x2048xf32, #tpu.memory_space<hbm>> -> memref<16x2048xf32, #tpu.memory_space<hbm>>
      tpu.wait_dma2 semaphore(%run_scoped3A : memref<!tpu.dma_semaphore, #tpu.memory_space<semaphore_mem>>) src(%arg4 : memref<16x2048xf32, #tpu.memory_space<vmem>>) dst(%dma_wait3A_776 : memref<16x2048xf32, #tpu.memory_space<hbm>>)
      tpu.yield
    }) : () -> ()
    %dma_wait3A_235 = arith.constant 0 : i32
    %dma_wait3A_236 = tpu.memref_slice %arg2[%add3A_228, %dma_wait3A_235] : memref<32768x2048xf32, #tpu.memory_space<hbm>> -> memref<16x2048xf32, #tpu.memory_space<hbm>>
    %dma_wait3A_237 = arith.constant 0 : i32
    %dma_wait3A_238 = tpu.memref_slice %arg2[%add3A_228, %dma_wait3A_237] : memref<32768x2048xf32, #tpu.memory_space<hbm>> -> memref<16x2048xf32, #tpu.memory_space<hbm>>
    tpu.wait_dma2 semaphore(%arg6 : memref<!tpu.dma_semaphore, #tpu.memory_space<semaphore_mem>>) src(%dma_wait3A_238 : memref<16x2048xf32, #tpu.memory_space<hbm>>) dst(%arg5 : memref<16x2048xf32, #tpu.memory_space<vmem>>)
    %add3A_239 = arith.constant 320 : i32
    %add3A_240 = arith.addi %mul3A_2, %add3A_239 : i32
    %dma_start3A_241 = arith.constant 0 : i32
    %dma_start3A_242 = tpu.memref_slice %arg2[%add3A_240, %dma_start3A_241] : memref<32768x2048xf32, #tpu.memory_space<hbm>> -> memref<16x2048xf32, #tpu.memory_space<hbm>>
    %dma_start3A_243 = arith.constant 0 : i32
    %dma_start3A_244 = tpu.memref_slice %arg2[%add3A_240, %dma_start3A_243] : memref<32768x2048xf32, #tpu.memory_space<hbm>> -> memref<16x2048xf32, #tpu.memory_space<hbm>>
    tpu.enqueue_dma source(%dma_start3A_244 : memref<16x2048xf32, #tpu.memory_space<hbm>>) target(%arg4 : memref<16x2048xf32, #tpu.memory_space<vmem>>) target_semaphore(%arg6 : memref<!tpu.dma_semaphore, #tpu.memory_space<semaphore_mem>>)
    %add3A_245 = arith.constant 304 : i32
    %add3A_246 = arith.addi %mul3A_2, %add3A_245 : i32
    "tpu.region"() ({
      %run_scoped3A = tpu.sem_alloc : memref<!tpu.dma_semaphore, #tpu.memory_space<semaphore_mem>>
      %dma_start3A_769 = arith.constant 0 : i32
      %dma_start3A_770 = tpu.memref_slice %arg3[%add3A_246, %dma_start3A_769] : memref<32768x2048xf32, #tpu.memory_space<hbm>> -> memref<16x2048xf32, #tpu.memory_space<hbm>>
      %dma_start3A_771 = arith.constant 0 : i32
      %dma_start3A_772 = tpu.memref_slice %arg3[%add3A_246, %dma_start3A_771] : memref<32768x2048xf32, #tpu.memory_space<hbm>> -> memref<16x2048xf32, #tpu.memory_space<hbm>>
      tpu.enqueue_dma source(%arg5 : memref<16x2048xf32, #tpu.memory_space<vmem>>) target(%dma_start3A_772 : memref<16x2048xf32, #tpu.memory_space<hbm>>) target_semaphore(%run_scoped3A : memref<!tpu.dma_semaphore, #tpu.memory_space<semaphore_mem>>)
      %dma_wait3A_773 = arith.constant 0 : i32
      %dma_wait3A_774 = tpu.memref_slice %arg3[%add3A_246, %dma_wait3A_773] : memref<32768x2048xf32, #tpu.memory_space<hbm>> -> memref<16x2048xf32, #tpu.memory_space<hbm>>
      %dma_wait3A_775 = arith.constant 0 : i32
      %dma_wait3A_776 = tpu.memref_slice %arg3[%add3A_246, %dma_wait3A_775] : memref<32768x2048xf32, #tpu.memory_space<hbm>> -> memref<16x2048xf32, #tpu.memory_space<hbm>>
      tpu.wait_dma2 semaphore(%run_scoped3A : memref<!tpu.dma_semaphore, #tpu.memory_space<semaphore_mem>>) src(%arg5 : memref<16x2048xf32, #tpu.memory_space<vmem>>) dst(%dma_wait3A_776 : memref<16x2048xf32, #tpu.memory_space<hbm>>)
      tpu.yield
    }) : () -> ()
    %dma_wait3A_247 = arith.constant 0 : i32
    %dma_wait3A_248 = tpu.memref_slice %arg2[%add3A_240, %dma_wait3A_247] : memref<32768x2048xf32, #tpu.memory_space<hbm>> -> memref<16x2048xf32, #tpu.memory_space<hbm>>
    %dma_wait3A_249 = arith.constant 0 : i32
    %dma_wait3A_250 = tpu.memref_slice %arg2[%add3A_240, %dma_wait3A_249] : memref<32768x2048xf32, #tpu.memory_space<hbm>> -> memref<16x2048xf32, #tpu.memory_space<hbm>>
    tpu.wait_dma2 semaphore(%arg6 : memref<!tpu.dma_semaphore, #tpu.memory_space<semaphore_mem>>) src(%dma_wait3A_250 : memref<16x2048xf32, #tpu.memory_space<hbm>>) dst(%arg4 : memref<16x2048xf32, #tpu.memory_space<vmem>>)
    %add3A_251 = arith.constant 336 : i32
    %add3A_252 = arith.addi %mul3A_2, %add3A_251 : i32
    %dma_start3A_253 = arith.constant 0 : i32
    %dma_start3A_254 = tpu.memref_slice %arg2[%add3A_252, %dma_start3A_253] : memref<32768x2048xf32, #tpu.memory_space<hbm>> -> memref<16x2048xf32, #tpu.memory_space<hbm>>
    %dma_start3A_255 = arith.constant 0 : i32
    %dma_start3A_256 = tpu.memref_slice %arg2[%add3A_252, %dma_start3A_255] : memref<32768x2048xf32, #tpu.memory_space<hbm>> -> memref<16x2048xf32, #tpu.memory_space<hbm>>
    tpu.enqueue_dma source(%dma_start3A_256 : memref<16x2048xf32, #tpu.memory_space<hbm>>) target(%arg5 : memref<16x2048xf32, #tpu.memory_space<vmem>>) target_semaphore(%arg6 : memref<!tpu.dma_semaphore, #tpu.memory_space<semaphore_mem>>)
    %add3A_257 = arith.constant 320 : i32
    %add3A_258 = arith.addi %mul3A_2, %add3A_257 : i32
    "tpu.region"() ({
      %run_scoped3A = tpu.sem_alloc : memref<!tpu.dma_semaphore, #tpu.memory_space<semaphore_mem>>
      %dma_start3A_769 = arith.constant 0 : i32
      %dma_start3A_770 = tpu.memref_slice %arg3[%add3A_258, %dma_start3A_769] : memref<32768x2048xf32, #tpu.memory_space<hbm>> -> memref<16x2048xf32, #tpu.memory_space<hbm>>
      %dma_start3A_771 = arith.constant 0 : i32
      %dma_start3A_772 = tpu.memref_slice %arg3[%add3A_258, %dma_start3A_771] : memref<32768x2048xf32, #tpu.memory_space<hbm>> -> memref<16x2048xf32, #tpu.memory_space<hbm>>
      tpu.enqueue_dma source(%arg4 : memref<16x2048xf32, #tpu.memory_space<vmem>>) target(%dma_start3A_772 : memref<16x2048xf32, #tpu.memory_space<hbm>>) target_semaphore(%run_scoped3A : memref<!tpu.dma_semaphore, #tpu.memory_space<semaphore_mem>>)
      %dma_wait3A_773 = arith.constant 0 : i32
      %dma_wait3A_774 = tpu.memref_slice %arg3[%add3A_258, %dma_wait3A_773] : memref<32768x2048xf32, #tpu.memory_space<hbm>> -> memref<16x2048xf32, #tpu.memory_space<hbm>>
      %dma_wait3A_775 = arith.constant 0 : i32
      %dma_wait3A_776 = tpu.memref_slice %arg3[%add3A_258, %dma_wait3A_775] : memref<32768x2048xf32, #tpu.memory_space<hbm>> -> memref<16x2048xf32, #tpu.memory_space<hbm>>
      tpu.wait_dma2 semaphore(%run_scoped3A : memref<!tpu.dma_semaphore, #tpu.memory_space<semaphore_mem>>) src(%arg4 : memref<16x2048xf32, #tpu.memory_space<vmem>>) dst(%dma_wait3A_776 : memref<16x2048xf32, #tpu.memory_space<hbm>>)
      tpu.yield
    }) : () -> ()
    %dma_wait3A_259 = arith.constant 0 : i32
    %dma_wait3A_260 = tpu.memref_slice %arg2[%add3A_252, %dma_wait3A_259] : memref<32768x2048xf32, #tpu.memory_space<hbm>> -> memref<16x2048xf32, #tpu.memory_space<hbm>>
    %dma_wait3A_261 = arith.constant 0 : i32
    %dma_wait3A_262 = tpu.memref_slice %arg2[%add3A_252, %dma_wait3A_261] : memref<32768x2048xf32, #tpu.memory_space<hbm>> -> memref<16x2048xf32, #tpu.memory_space<hbm>>
    tpu.wait_dma2 semaphore(%arg6 : memref<!tpu.dma_semaphore, #tpu.memory_space<semaphore_mem>>) src(%dma_wait3A_262 : memref<16x2048xf32, #tpu.memory_space<hbm>>) dst(%arg5 : memref<16x2048xf32, #tpu.memory_space<vmem>>)
    %add3A_263 = arith.constant 352 : i32
    %add3A_264 = arith.addi %mul3A_2, %add3A_263 : i32
    %dma_start3A_265 = arith.constant 0 : i32
    %dma_start3A_266 = tpu.memref_slice %arg2[%add3A_264, %dma_start3A_265] : memref<32768x2048xf32, #tpu.memory_space<hbm>> -> memref<16x2048xf32, #tpu.memory_space<hbm>>
    %dma_start3A_267 = arith.constant 0 : i32
    %dma_start3A_268 = tpu.memref_slice %arg2[%add3A_264, %dma_start3A_267] : memref<32768x2048xf32, #tpu.memory_space<hbm>> -> memref<16x2048xf32, #tpu.memory_space<hbm>>
    tpu.enqueue_dma source(%dma_start3A_268 : memref<16x2048xf32, #tpu.memory_space<hbm>>) target(%arg4 : memref<16x2048xf32, #tpu.memory_space<vmem>>) target_semaphore(%arg6 : memref<!tpu.dma_semaphore, #tpu.memory_space<semaphore_mem>>)
    %add3A_269 = arith.constant 336 : i32
    %add3A_270 = arith.addi %mul3A_2, %add3A_269 : i32
    "tpu.region"() ({
      %run_scoped3A = tpu.sem_alloc : memref<!tpu.dma_semaphore, #tpu.memory_space<semaphore_mem>>
      %dma_start3A_769 = arith.constant 0 : i32
      %dma_start3A_770 = tpu.memref_slice %arg3[%add3A_270, %dma_start3A_769] : memref<32768x2048xf32, #tpu.memory_space<hbm>> -> memref<16x2048xf32, #tpu.memory_space<hbm>>
      %dma_start3A_771 = arith.constant 0 : i32
      %dma_start3A_772 = tpu.memref_slice %arg3[%add3A_270, %dma_start3A_771] : memref<32768x2048xf32, #tpu.memory_space<hbm>> -> memref<16x2048xf32, #tpu.memory_space<hbm>>
      tpu.enqueue_dma source(%arg5 : memref<16x2048xf32, #tpu.memory_space<vmem>>) target(%dma_start3A_772 : memref<16x2048xf32, #tpu.memory_space<hbm>>) target_semaphore(%run_scoped3A : memref<!tpu.dma_semaphore, #tpu.memory_space<semaphore_mem>>)
      %dma_wait3A_773 = arith.constant 0 : i32
      %dma_wait3A_774 = tpu.memref_slice %arg3[%add3A_270, %dma_wait3A_773] : memref<32768x2048xf32, #tpu.memory_space<hbm>> -> memref<16x2048xf32, #tpu.memory_space<hbm>>
      %dma_wait3A_775 = arith.constant 0 : i32
      %dma_wait3A_776 = tpu.memref_slice %arg3[%add3A_270, %dma_wait3A_775] : memref<32768x2048xf32, #tpu.memory_space<hbm>> -> memref<16x2048xf32, #tpu.memory_space<hbm>>
      tpu.wait_dma2 semaphore(%run_scoped3A : memref<!tpu.dma_semaphore, #tpu.memory_space<semaphore_mem>>) src(%arg5 : memref<16x2048xf32, #tpu.memory_space<vmem>>) dst(%dma_wait3A_776 : memref<16x2048xf32, #tpu.memory_space<hbm>>)
      tpu.yield
    }) : () -> ()
    %dma_wait3A_271 = arith.constant 0 : i32
    %dma_wait3A_272 = tpu.memref_slice %arg2[%add3A_264, %dma_wait3A_271] : memref<32768x2048xf32, #tpu.memory_space<hbm>> -> memref<16x2048xf32, #tpu.memory_space<hbm>>
    %dma_wait3A_273 = arith.constant 0 : i32
    %dma_wait3A_274 = tpu.memref_slice %arg2[%add3A_264, %dma_wait3A_273] : memref<32768x2048xf32, #tpu.memory_space<hbm>> -> memref<16x2048xf32, #tpu.memory_space<hbm>>
    tpu.wait_dma2 semaphore(%arg6 : memref<!tpu.dma_semaphore, #tpu.memory_space<semaphore_mem>>) src(%dma_wait3A_274 : memref<16x2048xf32, #tpu.memory_space<hbm>>) dst(%arg4 : memref<16x2048xf32, #tpu.memory_space<vmem>>)
    %add3A_275 = arith.constant 368 : i32
    %add3A_276 = arith.addi %mul3A_2, %add3A_275 : i32
    %dma_start3A_277 = arith.constant 0 : i32
    %dma_start3A_278 = tpu.memref_slice %arg2[%add3A_276, %dma_start3A_277] : memref<32768x2048xf32, #tpu.memory_space<hbm>> -> memref<16x2048xf32, #tpu.memory_space<hbm>>
    %dma_start3A_279 = arith.constant 0 : i32
    %dma_start3A_280 = tpu.memref_slice %arg2[%add3A_276, %dma_start3A_279] : memref<32768x2048xf32, #tpu.memory_space<hbm>> -> memref<16x2048xf32, #tpu.memory_space<hbm>>
    tpu.enqueue_dma source(%dma_start3A_280 : memref<16x2048xf32, #tpu.memory_space<hbm>>) target(%arg5 : memref<16x2048xf32, #tpu.memory_space<vmem>>) target_semaphore(%arg6 : memref<!tpu.dma_semaphore, #tpu.memory_space<semaphore_mem>>)
    %add3A_281 = arith.constant 352 : i32
    %add3A_282 = arith.addi %mul3A_2, %add3A_281 : i32
    "tpu.region"() ({
      %run_scoped3A = tpu.sem_alloc : memref<!tpu.dma_semaphore, #tpu.memory_space<semaphore_mem>>
      %dma_start3A_769 = arith.constant 0 : i32
      %dma_start3A_770 = tpu.memref_slice %arg3[%add3A_282, %dma_start3A_769] : memref<32768x2048xf32, #tpu.memory_space<hbm>> -> memref<16x2048xf32, #tpu.memory_space<hbm>>
      %dma_start3A_771 = arith.constant 0 : i32
      %dma_start3A_772 = tpu.memref_slice %arg3[%add3A_282, %dma_start3A_771] : memref<32768x2048xf32, #tpu.memory_space<hbm>> -> memref<16x2048xf32, #tpu.memory_space<hbm>>
      tpu.enqueue_dma source(%arg4 : memref<16x2048xf32, #tpu.memory_space<vmem>>) target(%dma_start3A_772 : memref<16x2048xf32, #tpu.memory_space<hbm>>) target_semaphore(%run_scoped3A : memref<!tpu.dma_semaphore, #tpu.memory_space<semaphore_mem>>)
      %dma_wait3A_773 = arith.constant 0 : i32
      %dma_wait3A_774 = tpu.memref_slice %arg3[%add3A_282, %dma_wait3A_773] : memref<32768x2048xf32, #tpu.memory_space<hbm>> -> memref<16x2048xf32, #tpu.memory_space<hbm>>
      %dma_wait3A_775 = arith.constant 0 : i32
      %dma_wait3A_776 = tpu.memref_slice %arg3[%add3A_282, %dma_wait3A_775] : memref<32768x2048xf32, #tpu.memory_space<hbm>> -> memref<16x2048xf32, #tpu.memory_space<hbm>>
      tpu.wait_dma2 semaphore(%run_scoped3A : memref<!tpu.dma_semaphore, #tpu.memory_space<semaphore_mem>>) src(%arg4 : memref<16x2048xf32, #tpu.memory_space<vmem>>) dst(%dma_wait3A_776 : memref<16x2048xf32, #tpu.memory_space<hbm>>)
      tpu.yield
    }) : () -> ()
    %dma_wait3A_283 = arith.constant 0 : i32
    %dma_wait3A_284 = tpu.memref_slice %arg2[%add3A_276, %dma_wait3A_283] : memref<32768x2048xf32, #tpu.memory_space<hbm>> -> memref<16x2048xf32, #tpu.memory_space<hbm>>
    %dma_wait3A_285 = arith.constant 0 : i32
    %dma_wait3A_286 = tpu.memref_slice %arg2[%add3A_276, %dma_wait3A_285] : memref<32768x2048xf32, #tpu.memory_space<hbm>> -> memref<16x2048xf32, #tpu.memory_space<hbm>>
    tpu.wait_dma2 semaphore(%arg6 : memref<!tpu.dma_semaphore, #tpu.memory_space<semaphore_mem>>) src(%dma_wait3A_286 : memref<16x2048xf32, #tpu.memory_space<hbm>>) dst(%arg5 : memref<16x2048xf32, #tpu.memory_space<vmem>>)
    %add3A_287 = arith.constant 384 : i32
    %add3A_288 = arith.addi %mul3A_2, %add3A_287 : i32
    %dma_start3A_289 = arith.constant 0 : i32
    %dma_start3A_290 = tpu.memref_slice %arg2[%add3A_288, %dma_start3A_289] : memref<32768x2048xf32, #tpu.memory_space<hbm>> -> memref<16x2048xf32, #tpu.memory_space<hbm>>
    %dma_start3A_291 = arith.constant 0 : i32
    %dma_start3A_292 = tpu.memref_slice %arg2[%add3A_288, %dma_start3A_291] : memref<32768x2048xf32, #tpu.memory_space<hbm>> -> memref<16x2048xf32, #tpu.memory_space<hbm>>
    tpu.enqueue_dma source(%dma_start3A_292 : memref<16x2048xf32, #tpu.memory_space<hbm>>) target(%arg4 : memref<16x2048xf32, #tpu.memory_space<vmem>>) target_semaphore(%arg6 : memref<!tpu.dma_semaphore, #tpu.memory_space<semaphore_mem>>)
    %add3A_293 = arith.constant 368 : i32
    %add3A_294 = arith.addi %mul3A_2, %add3A_293 : i32
    "tpu.region"() ({
      %run_scoped3A = tpu.sem_alloc : memref<!tpu.dma_semaphore, #tpu.memory_space<semaphore_mem>>
      %dma_start3A_769 = arith.constant 0 : i32
      %dma_start3A_770 = tpu.memref_slice %arg3[%add3A_294, %dma_start3A_769] : memref<32768x2048xf32, #tpu.memory_space<hbm>> -> memref<16x2048xf32, #tpu.memory_space<hbm>>
      %dma_start3A_771 = arith.constant 0 : i32
      %dma_start3A_772 = tpu.memref_slice %arg3[%add3A_294, %dma_start3A_771] : memref<32768x2048xf32, #tpu.memory_space<hbm>> -> memref<16x2048xf32, #tpu.memory_space<hbm>>
      tpu.enqueue_dma source(%arg5 : memref<16x2048xf32, #tpu.memory_space<vmem>>) target(%dma_start3A_772 : memref<16x2048xf32, #tpu.memory_space<hbm>>) target_semaphore(%run_scoped3A : memref<!tpu.dma_semaphore, #tpu.memory_space<semaphore_mem>>)
      %dma_wait3A_773 = arith.constant 0 : i32
      %dma_wait3A_774 = tpu.memref_slice %arg3[%add3A_294, %dma_wait3A_773] : memref<32768x2048xf32, #tpu.memory_space<hbm>> -> memref<16x2048xf32, #tpu.memory_space<hbm>>
      %dma_wait3A_775 = arith.constant 0 : i32
      %dma_wait3A_776 = tpu.memref_slice %arg3[%add3A_294, %dma_wait3A_775] : memref<32768x2048xf32, #tpu.memory_space<hbm>> -> memref<16x2048xf32, #tpu.memory_space<hbm>>
      tpu.wait_dma2 semaphore(%run_scoped3A : memref<!tpu.dma_semaphore, #tpu.memory_space<semaphore_mem>>) src(%arg5 : memref<16x2048xf32, #tpu.memory_space<vmem>>) dst(%dma_wait3A_776 : memref<16x2048xf32, #tpu.memory_space<hbm>>)
      tpu.yield
    }) : () -> ()
    %dma_wait3A_295 = arith.constant 0 : i32
    %dma_wait3A_296 = tpu.memref_slice %arg2[%add3A_288, %dma_wait3A_295] : memref<32768x2048xf32, #tpu.memory_space<hbm>> -> memref<16x2048xf32, #tpu.memory_space<hbm>>
    %dma_wait3A_297 = arith.constant 0 : i32
    %dma_wait3A_298 = tpu.memref_slice %arg2[%add3A_288, %dma_wait3A_297] : memref<32768x2048xf32, #tpu.memory_space<hbm>> -> memref<16x2048xf32, #tpu.memory_space<hbm>>
    tpu.wait_dma2 semaphore(%arg6 : memref<!tpu.dma_semaphore, #tpu.memory_space<semaphore_mem>>) src(%dma_wait3A_298 : memref<16x2048xf32, #tpu.memory_space<hbm>>) dst(%arg4 : memref<16x2048xf32, #tpu.memory_space<vmem>>)
    %add3A_299 = arith.constant 400 : i32
    %add3A_300 = arith.addi %mul3A_2, %add3A_299 : i32
    %dma_start3A_301 = arith.constant 0 : i32
    %dma_start3A_302 = tpu.memref_slice %arg2[%add3A_300, %dma_start3A_301] : memref<32768x2048xf32, #tpu.memory_space<hbm>> -> memref<16x2048xf32, #tpu.memory_space<hbm>>
    %dma_start3A_303 = arith.constant 0 : i32
    %dma_start3A_304 = tpu.memref_slice %arg2[%add3A_300, %dma_start3A_303] : memref<32768x2048xf32, #tpu.memory_space<hbm>> -> memref<16x2048xf32, #tpu.memory_space<hbm>>
    tpu.enqueue_dma source(%dma_start3A_304 : memref<16x2048xf32, #tpu.memory_space<hbm>>) target(%arg5 : memref<16x2048xf32, #tpu.memory_space<vmem>>) target_semaphore(%arg6 : memref<!tpu.dma_semaphore, #tpu.memory_space<semaphore_mem>>)
    %add3A_305 = arith.constant 384 : i32
    %add3A_306 = arith.addi %mul3A_2, %add3A_305 : i32
    "tpu.region"() ({
      %run_scoped3A = tpu.sem_alloc : memref<!tpu.dma_semaphore, #tpu.memory_space<semaphore_mem>>
      %dma_start3A_769 = arith.constant 0 : i32
      %dma_start3A_770 = tpu.memref_slice %arg3[%add3A_306, %dma_start3A_769] : memref<32768x2048xf32, #tpu.memory_space<hbm>> -> memref<16x2048xf32, #tpu.memory_space<hbm>>
      %dma_start3A_771 = arith.constant 0 : i32
      %dma_start3A_772 = tpu.memref_slice %arg3[%add3A_306, %dma_start3A_771] : memref<32768x2048xf32, #tpu.memory_space<hbm>> -> memref<16x2048xf32, #tpu.memory_space<hbm>>
      tpu.enqueue_dma source(%arg4 : memref<16x2048xf32, #tpu.memory_space<vmem>>) target(%dma_start3A_772 : memref<16x2048xf32, #tpu.memory_space<hbm>>) target_semaphore(%run_scoped3A : memref<!tpu.dma_semaphore, #tpu.memory_space<semaphore_mem>>)
      %dma_wait3A_773 = arith.constant 0 : i32
      %dma_wait3A_774 = tpu.memref_slice %arg3[%add3A_306, %dma_wait3A_773] : memref<32768x2048xf32, #tpu.memory_space<hbm>> -> memref<16x2048xf32, #tpu.memory_space<hbm>>
      %dma_wait3A_775 = arith.constant 0 : i32
      %dma_wait3A_776 = tpu.memref_slice %arg3[%add3A_306, %dma_wait3A_775] : memref<32768x2048xf32, #tpu.memory_space<hbm>> -> memref<16x2048xf32, #tpu.memory_space<hbm>>
      tpu.wait_dma2 semaphore(%run_scoped3A : memref<!tpu.dma_semaphore, #tpu.memory_space<semaphore_mem>>) src(%arg4 : memref<16x2048xf32, #tpu.memory_space<vmem>>) dst(%dma_wait3A_776 : memref<16x2048xf32, #tpu.memory_space<hbm>>)
      tpu.yield
    }) : () -> ()
    %dma_wait3A_307 = arith.constant 0 : i32
    %dma_wait3A_308 = tpu.memref_slice %arg2[%add3A_300, %dma_wait3A_307] : memref<32768x2048xf32, #tpu.memory_space<hbm>> -> memref<16x2048xf32, #tpu.memory_space<hbm>>
    %dma_wait3A_309 = arith.constant 0 : i32
    %dma_wait3A_310 = tpu.memref_slice %arg2[%add3A_300, %dma_wait3A_309] : memref<32768x2048xf32, #tpu.memory_space<hbm>> -> memref<16x2048xf32, #tpu.memory_space<hbm>>
    tpu.wait_dma2 semaphore(%arg6 : memref<!tpu.dma_semaphore, #tpu.memory_space<semaphore_mem>>) src(%dma_wait3A_310 : memref<16x2048xf32, #tpu.memory_space<hbm>>) dst(%arg5 : memref<16x2048xf32, #tpu.memory_space<vmem>>)
    %add3A_311 = arith.constant 416 : i32
    %add3A_312 = arith.addi %mul3A_2, %add3A_311 : i32
    %dma_start3A_313 = arith.constant 0 : i32
    %dma_start3A_314 = tpu.memref_slice %arg2[%add3A_312, %dma_start3A_313] : memref<32768x2048xf32, #tpu.memory_space<hbm>> -> memref<16x2048xf32, #tpu.memory_space<hbm>>
    %dma_start3A_315 = arith.constant 0 : i32
    %dma_start3A_316 = tpu.memref_slice %arg2[%add3A_312, %dma_start3A_315] : memref<32768x2048xf32, #tpu.memory_space<hbm>> -> memref<16x2048xf32, #tpu.memory_space<hbm>>
    tpu.enqueue_dma source(%dma_start3A_316 : memref<16x2048xf32, #tpu.memory_space<hbm>>) target(%arg4 : memref<16x2048xf32, #tpu.memory_space<vmem>>) target_semaphore(%arg6 : memref<!tpu.dma_semaphore, #tpu.memory_space<semaphore_mem>>)
    %add3A_317 = arith.constant 400 : i32
    %add3A_318 = arith.addi %mul3A_2, %add3A_317 : i32
    "tpu.region"() ({
      %run_scoped3A = tpu.sem_alloc : memref<!tpu.dma_semaphore, #tpu.memory_space<semaphore_mem>>
      %dma_start3A_769 = arith.constant 0 : i32
      %dma_start3A_770 = tpu.memref_slice %arg3[%add3A_318, %dma_start3A_769] : memref<32768x2048xf32, #tpu.memory_space<hbm>> -> memref<16x2048xf32, #tpu.memory_space<hbm>>
      %dma_start3A_771 = arith.constant 0 : i32
      %dma_start3A_772 = tpu.memref_slice %arg3[%add3A_318, %dma_start3A_771] : memref<32768x2048xf32, #tpu.memory_space<hbm>> -> memref<16x2048xf32, #tpu.memory_space<hbm>>
      tpu.enqueue_dma source(%arg5 : memref<16x2048xf32, #tpu.memory_space<vmem>>) target(%dma_start3A_772 : memref<16x2048xf32, #tpu.memory_space<hbm>>) target_semaphore(%run_scoped3A : memref<!tpu.dma_semaphore, #tpu.memory_space<semaphore_mem>>)
      %dma_wait3A_773 = arith.constant 0 : i32
      %dma_wait3A_774 = tpu.memref_slice %arg3[%add3A_318, %dma_wait3A_773] : memref<32768x2048xf32, #tpu.memory_space<hbm>> -> memref<16x2048xf32, #tpu.memory_space<hbm>>
      %dma_wait3A_775 = arith.constant 0 : i32
      %dma_wait3A_776 = tpu.memref_slice %arg3[%add3A_318, %dma_wait3A_775] : memref<32768x2048xf32, #tpu.memory_space<hbm>> -> memref<16x2048xf32, #tpu.memory_space<hbm>>
      tpu.wait_dma2 semaphore(%run_scoped3A : memref<!tpu.dma_semaphore, #tpu.memory_space<semaphore_mem>>) src(%arg5 : memref<16x2048xf32, #tpu.memory_space<vmem>>) dst(%dma_wait3A_776 : memref<16x2048xf32, #tpu.memory_space<hbm>>)
      tpu.yield
    }) : () -> ()
    %dma_wait3A_319 = arith.constant 0 : i32
    %dma_wait3A_320 = tpu.memref_slice %arg2[%add3A_312, %dma_wait3A_319] : memref<32768x2048xf32, #tpu.memory_space<hbm>> -> memref<16x2048xf32, #tpu.memory_space<hbm>>
    %dma_wait3A_321 = arith.constant 0 : i32
    %dma_wait3A_322 = tpu.memref_slice %arg2[%add3A_312, %dma_wait3A_321] : memref<32768x2048xf32, #tpu.memory_space<hbm>> -> memref<16x2048xf32, #tpu.memory_space<hbm>>
    tpu.wait_dma2 semaphore(%arg6 : memref<!tpu.dma_semaphore, #tpu.memory_space<semaphore_mem>>) src(%dma_wait3A_322 : memref<16x2048xf32, #tpu.memory_space<hbm>>) dst(%arg4 : memref<16x2048xf32, #tpu.memory_space<vmem>>)
    %add3A_323 = arith.constant 432 : i32
    %add3A_324 = arith.addi %mul3A_2, %add3A_323 : i32
    %dma_start3A_325 = arith.constant 0 : i32
    %dma_start3A_326 = tpu.memref_slice %arg2[%add3A_324, %dma_start3A_325] : memref<32768x2048xf32, #tpu.memory_space<hbm>> -> memref<16x2048xf32, #tpu.memory_space<hbm>>
    %dma_start3A_327 = arith.constant 0 : i32
    %dma_start3A_328 = tpu.memref_slice %arg2[%add3A_324, %dma_start3A_327] : memref<32768x2048xf32, #tpu.memory_space<hbm>> -> memref<16x2048xf32, #tpu.memory_space<hbm>>
    tpu.enqueue_dma source(%dma_start3A_328 : memref<16x2048xf32, #tpu.memory_space<hbm>>) target(%arg5 : memref<16x2048xf32, #tpu.memory_space<vmem>>) target_semaphore(%arg6 : memref<!tpu.dma_semaphore, #tpu.memory_space<semaphore_mem>>)
    %add3A_329 = arith.constant 416 : i32
    %add3A_330 = arith.addi %mul3A_2, %add3A_329 : i32
    "tpu.region"() ({
      %run_scoped3A = tpu.sem_alloc : memref<!tpu.dma_semaphore, #tpu.memory_space<semaphore_mem>>
      %dma_start3A_769 = arith.constant 0 : i32
      %dma_start3A_770 = tpu.memref_slice %arg3[%add3A_330, %dma_start3A_769] : memref<32768x2048xf32, #tpu.memory_space<hbm>> -> memref<16x2048xf32, #tpu.memory_space<hbm>>
      %dma_start3A_771 = arith.constant 0 : i32
      %dma_start3A_772 = tpu.memref_slice %arg3[%add3A_330, %dma_start3A_771] : memref<32768x2048xf32, #tpu.memory_space<hbm>> -> memref<16x2048xf32, #tpu.memory_space<hbm>>
      tpu.enqueue_dma source(%arg4 : memref<16x2048xf32, #tpu.memory_space<vmem>>) target(%dma_start3A_772 : memref<16x2048xf32, #tpu.memory_space<hbm>>) target_semaphore(%run_scoped3A : memref<!tpu.dma_semaphore, #tpu.memory_space<semaphore_mem>>)
      %dma_wait3A_773 = arith.constant 0 : i32
      %dma_wait3A_774 = tpu.memref_slice %arg3[%add3A_330, %dma_wait3A_773] : memref<32768x2048xf32, #tpu.memory_space<hbm>> -> memref<16x2048xf32, #tpu.memory_space<hbm>>
      %dma_wait3A_775 = arith.constant 0 : i32
      %dma_wait3A_776 = tpu.memref_slice %arg3[%add3A_330, %dma_wait3A_775] : memref<32768x2048xf32, #tpu.memory_space<hbm>> -> memref<16x2048xf32, #tpu.memory_space<hbm>>
      tpu.wait_dma2 semaphore(%run_scoped3A : memref<!tpu.dma_semaphore, #tpu.memory_space<semaphore_mem>>) src(%arg4 : memref<16x2048xf32, #tpu.memory_space<vmem>>) dst(%dma_wait3A_776 : memref<16x2048xf32, #tpu.memory_space<hbm>>)
      tpu.yield
    }) : () -> ()
    %dma_wait3A_331 = arith.constant 0 : i32
    %dma_wait3A_332 = tpu.memref_slice %arg2[%add3A_324, %dma_wait3A_331] : memref<32768x2048xf32, #tpu.memory_space<hbm>> -> memref<16x2048xf32, #tpu.memory_space<hbm>>
    %dma_wait3A_333 = arith.constant 0 : i32
    %dma_wait3A_334 = tpu.memref_slice %arg2[%add3A_324, %dma_wait3A_333] : memref<32768x2048xf32, #tpu.memory_space<hbm>> -> memref<16x2048xf32, #tpu.memory_space<hbm>>
    tpu.wait_dma2 semaphore(%arg6 : memref<!tpu.dma_semaphore, #tpu.memory_space<semaphore_mem>>) src(%dma_wait3A_334 : memref<16x2048xf32, #tpu.memory_space<hbm>>) dst(%arg5 : memref<16x2048xf32, #tpu.memory_space<vmem>>)
    %add3A_335 = arith.constant 448 : i32
    %add3A_336 = arith.addi %mul3A_2, %add3A_335 : i32
    %dma_start3A_337 = arith.constant 0 : i32
    %dma_start3A_338 = tpu.memref_slice %arg2[%add3A_336, %dma_start3A_337] : memref<32768x2048xf32, #tpu.memory_space<hbm>> -> memref<16x2048xf32, #tpu.memory_space<hbm>>
    %dma_start3A_339 = arith.constant 0 : i32
    %dma_start3A_340 = tpu.memref_slice %arg2[%add3A_336, %dma_start3A_339] : memref<32768x2048xf32, #tpu.memory_space<hbm>> -> memref<16x2048xf32, #tpu.memory_space<hbm>>
    tpu.enqueue_dma source(%dma_start3A_340 : memref<16x2048xf32, #tpu.memory_space<hbm>>) target(%arg4 : memref<16x2048xf32, #tpu.memory_space<vmem>>) target_semaphore(%arg6 : memref<!tpu.dma_semaphore, #tpu.memory_space<semaphore_mem>>)
    %add3A_341 = arith.constant 432 : i32
    %add3A_342 = arith.addi %mul3A_2, %add3A_341 : i32
    "tpu.region"() ({
      %run_scoped3A = tpu.sem_alloc : memref<!tpu.dma_semaphore, #tpu.memory_space<semaphore_mem>>
      %dma_start3A_769 = arith.constant 0 : i32
      %dma_start3A_770 = tpu.memref_slice %arg3[%add3A_342, %dma_start3A_769] : memref<32768x2048xf32, #tpu.memory_space<hbm>> -> memref<16x2048xf32, #tpu.memory_space<hbm>>
      %dma_start3A_771 = arith.constant 0 : i32
      %dma_start3A_772 = tpu.memref_slice %arg3[%add3A_342, %dma_start3A_771] : memref<32768x2048xf32, #tpu.memory_space<hbm>> -> memref<16x2048xf32, #tpu.memory_space<hbm>>
      tpu.enqueue_dma source(%arg5 : memref<16x2048xf32, #tpu.memory_space<vmem>>) target(%dma_start3A_772 : memref<16x2048xf32, #tpu.memory_space<hbm>>) target_semaphore(%run_scoped3A : memref<!tpu.dma_semaphore, #tpu.memory_space<semaphore_mem>>)
      %dma_wait3A_773 = arith.constant 0 : i32
      %dma_wait3A_774 = tpu.memref_slice %arg3[%add3A_342, %dma_wait3A_773] : memref<32768x2048xf32, #tpu.memory_space<hbm>> -> memref<16x2048xf32, #tpu.memory_space<hbm>>
      %dma_wait3A_775 = arith.constant 0 : i32
      %dma_wait3A_776 = tpu.memref_slice %arg3[%add3A_342, %dma_wait3A_775] : memref<32768x2048xf32, #tpu.memory_space<hbm>> -> memref<16x2048xf32, #tpu.memory_space<hbm>>
      tpu.wait_dma2 semaphore(%run_scoped3A : memref<!tpu.dma_semaphore, #tpu.memory_space<semaphore_mem>>) src(%arg5 : memref<16x2048xf32, #tpu.memory_space<vmem>>) dst(%dma_wait3A_776 : memref<16x2048xf32, #tpu.memory_space<hbm>>)
      tpu.yield
    }) : () -> ()
    %dma_wait3A_343 = arith.constant 0 : i32
    %dma_wait3A_344 = tpu.memref_slice %arg2[%add3A_336, %dma_wait3A_343] : memref<32768x2048xf32, #tpu.memory_space<hbm>> -> memref<16x2048xf32, #tpu.memory_space<hbm>>
    %dma_wait3A_345 = arith.constant 0 : i32
    %dma_wait3A_346 = tpu.memref_slice %arg2[%add3A_336, %dma_wait3A_345] : memref<32768x2048xf32, #tpu.memory_space<hbm>> -> memref<16x2048xf32, #tpu.memory_space<hbm>>
    tpu.wait_dma2 semaphore(%arg6 : memref<!tpu.dma_semaphore, #tpu.memory_space<semaphore_mem>>) src(%dma_wait3A_346 : memref<16x2048xf32, #tpu.memory_space<hbm>>) dst(%arg4 : memref<16x2048xf32, #tpu.memory_space<vmem>>)
    %add3A_347 = arith.constant 464 : i32
    %add3A_348 = arith.addi %mul3A_2, %add3A_347 : i32
    %dma_start3A_349 = arith.constant 0 : i32
    %dma_start3A_350 = tpu.memref_slice %arg2[%add3A_348, %dma_start3A_349] : memref<32768x2048xf32, #tpu.memory_space<hbm>> -> memref<16x2048xf32, #tpu.memory_space<hbm>>
    %dma_start3A_351 = arith.constant 0 : i32
    %dma_start3A_352 = tpu.memref_slice %arg2[%add3A_348, %dma_start3A_351] : memref<32768x2048xf32, #tpu.memory_space<hbm>> -> memref<16x2048xf32, #tpu.memory_space<hbm>>
    tpu.enqueue_dma source(%dma_start3A_352 : memref<16x2048xf32, #tpu.memory_space<hbm>>) target(%arg5 : memref<16x2048xf32, #tpu.memory_space<vmem>>) target_semaphore(%arg6 : memref<!tpu.dma_semaphore, #tpu.memory_space<semaphore_mem>>)
    %add3A_353 = arith.constant 448 : i32
    %add3A_354 = arith.addi %mul3A_2, %add3A_353 : i32
    "tpu.region"() ({
      %run_scoped3A = tpu.sem_alloc : memref<!tpu.dma_semaphore, #tpu.memory_space<semaphore_mem>>
      %dma_start3A_769 = arith.constant 0 : i32
      %dma_start3A_770 = tpu.memref_slice %arg3[%add3A_354, %dma_start3A_769] : memref<32768x2048xf32, #tpu.memory_space<hbm>> -> memref<16x2048xf32, #tpu.memory_space<hbm>>
      %dma_start3A_771 = arith.constant 0 : i32
      %dma_start3A_772 = tpu.memref_slice %arg3[%add3A_354, %dma_start3A_771] : memref<32768x2048xf32, #tpu.memory_space<hbm>> -> memref<16x2048xf32, #tpu.memory_space<hbm>>
      tpu.enqueue_dma source(%arg4 : memref<16x2048xf32, #tpu.memory_space<vmem>>) target(%dma_start3A_772 : memref<16x2048xf32, #tpu.memory_space<hbm>>) target_semaphore(%run_scoped3A : memref<!tpu.dma_semaphore, #tpu.memory_space<semaphore_mem>>)
      %dma_wait3A_773 = arith.constant 0 : i32
      %dma_wait3A_774 = tpu.memref_slice %arg3[%add3A_354, %dma_wait3A_773] : memref<32768x2048xf32, #tpu.memory_space<hbm>> -> memref<16x2048xf32, #tpu.memory_space<hbm>>
      %dma_wait3A_775 = arith.constant 0 : i32
      %dma_wait3A_776 = tpu.memref_slice %arg3[%add3A_354, %dma_wait3A_775] : memref<32768x2048xf32, #tpu.memory_space<hbm>> -> memref<16x2048xf32, #tpu.memory_space<hbm>>
      tpu.wait_dma2 semaphore(%run_scoped3A : memref<!tpu.dma_semaphore, #tpu.memory_space<semaphore_mem>>) src(%arg4 : memref<16x2048xf32, #tpu.memory_space<vmem>>) dst(%dma_wait3A_776 : memref<16x2048xf32, #tpu.memory_space<hbm>>)
      tpu.yield
    }) : () -> ()
    %dma_wait3A_355 = arith.constant 0 : i32
    %dma_wait3A_356 = tpu.memref_slice %arg2[%add3A_348, %dma_wait3A_355] : memref<32768x2048xf32, #tpu.memory_space<hbm>> -> memref<16x2048xf32, #tpu.memory_space<hbm>>
    %dma_wait3A_357 = arith.constant 0 : i32
    %dma_wait3A_358 = tpu.memref_slice %arg2[%add3A_348, %dma_wait3A_357] : memref<32768x2048xf32, #tpu.memory_space<hbm>> -> memref<16x2048xf32, #tpu.memory_space<hbm>>
    tpu.wait_dma2 semaphore(%arg6 : memref<!tpu.dma_semaphore, #tpu.memory_space<semaphore_mem>>) src(%dma_wait3A_358 : memref<16x2048xf32, #tpu.memory_space<hbm>>) dst(%arg5 : memref<16x2048xf32, #tpu.memory_space<vmem>>)
    %add3A_359 = arith.constant 480 : i32
    %add3A_360 = arith.addi %mul3A_2, %add3A_359 : i32
    %dma_start3A_361 = arith.constant 0 : i32
    %dma_start3A_362 = tpu.memref_slice %arg2[%add3A_360, %dma_start3A_361] : memref<32768x2048xf32, #tpu.memory_space<hbm>> -> memref<16x2048xf32, #tpu.memory_space<hbm>>
    %dma_start3A_363 = arith.constant 0 : i32
    %dma_start3A_364 = tpu.memref_slice %arg2[%add3A_360, %dma_start3A_363] : memref<32768x2048xf32, #tpu.memory_space<hbm>> -> memref<16x2048xf32, #tpu.memory_space<hbm>>
    tpu.enqueue_dma source(%dma_start3A_364 : memref<16x2048xf32, #tpu.memory_space<hbm>>) target(%arg4 : memref<16x2048xf32, #tpu.memory_space<vmem>>) target_semaphore(%arg6 : memref<!tpu.dma_semaphore, #tpu.memory_space<semaphore_mem>>)
    %add3A_365 = arith.constant 464 : i32
    %add3A_366 = arith.addi %mul3A_2, %add3A_365 : i32
    "tpu.region"() ({
      %run_scoped3A = tpu.sem_alloc : memref<!tpu.dma_semaphore, #tpu.memory_space<semaphore_mem>>
      %dma_start3A_769 = arith.constant 0 : i32
      %dma_start3A_770 = tpu.memref_slice %arg3[%add3A_366, %dma_start3A_769] : memref<32768x2048xf32, #tpu.memory_space<hbm>> -> memref<16x2048xf32, #tpu.memory_space<hbm>>
      %dma_start3A_771 = arith.constant 0 : i32
      %dma_start3A_772 = tpu.memref_slice %arg3[%add3A_366, %dma_start3A_771] : memref<32768x2048xf32, #tpu.memory_space<hbm>> -> memref<16x2048xf32, #tpu.memory_space<hbm>>
      tpu.enqueue_dma source(%arg5 : memref<16x2048xf32, #tpu.memory_space<vmem>>) target(%dma_start3A_772 : memref<16x2048xf32, #tpu.memory_space<hbm>>) target_semaphore(%run_scoped3A : memref<!tpu.dma_semaphore, #tpu.memory_space<semaphore_mem>>)
      %dma_wait3A_773 = arith.constant 0 : i32
      %dma_wait3A_774 = tpu.memref_slice %arg3[%add3A_366, %dma_wait3A_773] : memref<32768x2048xf32, #tpu.memory_space<hbm>> -> memref<16x2048xf32, #tpu.memory_space<hbm>>
      %dma_wait3A_775 = arith.constant 0 : i32
      %dma_wait3A_776 = tpu.memref_slice %arg3[%add3A_366, %dma_wait3A_775] : memref<32768x2048xf32, #tpu.memory_space<hbm>> -> memref<16x2048xf32, #tpu.memory_space<hbm>>
      tpu.wait_dma2 semaphore(%run_scoped3A : memref<!tpu.dma_semaphore, #tpu.memory_space<semaphore_mem>>) src(%arg5 : memref<16x2048xf32, #tpu.memory_space<vmem>>) dst(%dma_wait3A_776 : memref<16x2048xf32, #tpu.memory_space<hbm>>)
      tpu.yield
    }) : () -> ()
    %dma_wait3A_367 = arith.constant 0 : i32
    %dma_wait3A_368 = tpu.memref_slice %arg2[%add3A_360, %dma_wait3A_367] : memref<32768x2048xf32, #tpu.memory_space<hbm>> -> memref<16x2048xf32, #tpu.memory_space<hbm>>
    %dma_wait3A_369 = arith.constant 0 : i32
    %dma_wait3A_370 = tpu.memref_slice %arg2[%add3A_360, %dma_wait3A_369] : memref<32768x2048xf32, #tpu.memory_space<hbm>> -> memref<16x2048xf32, #tpu.memory_space<hbm>>
    tpu.wait_dma2 semaphore(%arg6 : memref<!tpu.dma_semaphore, #tpu.memory_space<semaphore_mem>>) src(%dma_wait3A_370 : memref<16x2048xf32, #tpu.memory_space<hbm>>) dst(%arg4 : memref<16x2048xf32, #tpu.memory_space<vmem>>)
    %add3A_371 = arith.constant 496 : i32
    %add3A_372 = arith.addi %mul3A_2, %add3A_371 : i32
    %dma_start3A_373 = arith.constant 0 : i32
    %dma_start3A_374 = tpu.memref_slice %arg2[%add3A_372, %dma_start3A_373] : memref<32768x2048xf32, #tpu.memory_space<hbm>> -> memref<16x2048xf32, #tpu.memory_space<hbm>>
    %dma_start3A_375 = arith.constant 0 : i32
    %dma_start3A_376 = tpu.memref_slice %arg2[%add3A_372, %dma_start3A_375] : memref<32768x2048xf32, #tpu.memory_space<hbm>> -> memref<16x2048xf32, #tpu.memory_space<hbm>>
    tpu.enqueue_dma source(%dma_start3A_376 : memref<16x2048xf32, #tpu.memory_space<hbm>>) target(%arg5 : memref<16x2048xf32, #tpu.memory_space<vmem>>) target_semaphore(%arg6 : memref<!tpu.dma_semaphore, #tpu.memory_space<semaphore_mem>>)
    %add3A_377 = arith.constant 480 : i32
    %add3A_378 = arith.addi %mul3A_2, %add3A_377 : i32
    "tpu.region"() ({
      %run_scoped3A = tpu.sem_alloc : memref<!tpu.dma_semaphore, #tpu.memory_space<semaphore_mem>>
      %dma_start3A_769 = arith.constant 0 : i32
      %dma_start3A_770 = tpu.memref_slice %arg3[%add3A_378, %dma_start3A_769] : memref<32768x2048xf32, #tpu.memory_space<hbm>> -> memref<16x2048xf32, #tpu.memory_space<hbm>>
      %dma_start3A_771 = arith.constant 0 : i32
      %dma_start3A_772 = tpu.memref_slice %arg3[%add3A_378, %dma_start3A_771] : memref<32768x2048xf32, #tpu.memory_space<hbm>> -> memref<16x2048xf32, #tpu.memory_space<hbm>>
      tpu.enqueue_dma source(%arg4 : memref<16x2048xf32, #tpu.memory_space<vmem>>) target(%dma_start3A_772 : memref<16x2048xf32, #tpu.memory_space<hbm>>) target_semaphore(%run_scoped3A : memref<!tpu.dma_semaphore, #tpu.memory_space<semaphore_mem>>)
      %dma_wait3A_773 = arith.constant 0 : i32
      %dma_wait3A_774 = tpu.memref_slice %arg3[%add3A_378, %dma_wait3A_773] : memref<32768x2048xf32, #tpu.memory_space<hbm>> -> memref<16x2048xf32, #tpu.memory_space<hbm>>
      %dma_wait3A_775 = arith.constant 0 : i32
      %dma_wait3A_776 = tpu.memref_slice %arg3[%add3A_378, %dma_wait3A_775] : memref<32768x2048xf32, #tpu.memory_space<hbm>> -> memref<16x2048xf32, #tpu.memory_space<hbm>>
      tpu.wait_dma2 semaphore(%run_scoped3A : memref<!tpu.dma_semaphore, #tpu.memory_space<semaphore_mem>>) src(%arg4 : memref<16x2048xf32, #tpu.memory_space<vmem>>) dst(%dma_wait3A_776 : memref<16x2048xf32, #tpu.memory_space<hbm>>)
      tpu.yield
    }) : () -> ()
    %dma_wait3A_379 = arith.constant 0 : i32
    %dma_wait3A_380 = tpu.memref_slice %arg2[%add3A_372, %dma_wait3A_379] : memref<32768x2048xf32, #tpu.memory_space<hbm>> -> memref<16x2048xf32, #tpu.memory_space<hbm>>
    %dma_wait3A_381 = arith.constant 0 : i32
    %dma_wait3A_382 = tpu.memref_slice %arg2[%add3A_372, %dma_wait3A_381] : memref<32768x2048xf32, #tpu.memory_space<hbm>> -> memref<16x2048xf32, #tpu.memory_space<hbm>>
    tpu.wait_dma2 semaphore(%arg6 : memref<!tpu.dma_semaphore, #tpu.memory_space<semaphore_mem>>) src(%dma_wait3A_382 : memref<16x2048xf32, #tpu.memory_space<hbm>>) dst(%arg5 : memref<16x2048xf32, #tpu.memory_space<vmem>>)
    %add3A_383 = arith.constant 512 : i32
    %add3A_384 = arith.addi %mul3A_2, %add3A_383 : i32
    %dma_start3A_385 = arith.constant 0 : i32
    %dma_start3A_386 = tpu.memref_slice %arg2[%add3A_384, %dma_start3A_385] : memref<32768x2048xf32, #tpu.memory_space<hbm>> -> memref<16x2048xf32, #tpu.memory_space<hbm>>
    %dma_start3A_387 = arith.constant 0 : i32
    %dma_start3A_388 = tpu.memref_slice %arg2[%add3A_384, %dma_start3A_387] : memref<32768x2048xf32, #tpu.memory_space<hbm>> -> memref<16x2048xf32, #tpu.memory_space<hbm>>
    tpu.enqueue_dma source(%dma_start3A_388 : memref<16x2048xf32, #tpu.memory_space<hbm>>) target(%arg4 : memref<16x2048xf32, #tpu.memory_space<vmem>>) target_semaphore(%arg6 : memref<!tpu.dma_semaphore, #tpu.memory_space<semaphore_mem>>)
    %add3A_389 = arith.constant 496 : i32
    %add3A_390 = arith.addi %mul3A_2, %add3A_389 : i32
    "tpu.region"() ({
      %run_scoped3A = tpu.sem_alloc : memref<!tpu.dma_semaphore, #tpu.memory_space<semaphore_mem>>
      %dma_start3A_769 = arith.constant 0 : i32
      %dma_start3A_770 = tpu.memref_slice %arg3[%add3A_390, %dma_start3A_769] : memref<32768x2048xf32, #tpu.memory_space<hbm>> -> memref<16x2048xf32, #tpu.memory_space<hbm>>
      %dma_start3A_771 = arith.constant 0 : i32
      %dma_start3A_772 = tpu.memref_slice %arg3[%add3A_390, %dma_start3A_771] : memref<32768x2048xf32, #tpu.memory_space<hbm>> -> memref<16x2048xf32, #tpu.memory_space<hbm>>
      tpu.enqueue_dma source(%arg5 : memref<16x2048xf32, #tpu.memory_space<vmem>>) target(%dma_start3A_772 : memref<16x2048xf32, #tpu.memory_space<hbm>>) target_semaphore(%run_scoped3A : memref<!tpu.dma_semaphore, #tpu.memory_space<semaphore_mem>>)
      %dma_wait3A_773 = arith.constant 0 : i32
      %dma_wait3A_774 = tpu.memref_slice %arg3[%add3A_390, %dma_wait3A_773] : memref<32768x2048xf32, #tpu.memory_space<hbm>> -> memref<16x2048xf32, #tpu.memory_space<hbm>>
      %dma_wait3A_775 = arith.constant 0 : i32
      %dma_wait3A_776 = tpu.memref_slice %arg3[%add3A_390, %dma_wait3A_775] : memref<32768x2048xf32, #tpu.memory_space<hbm>> -> memref<16x2048xf32, #tpu.memory_space<hbm>>
      tpu.wait_dma2 semaphore(%run_scoped3A : memref<!tpu.dma_semaphore, #tpu.memory_space<semaphore_mem>>) src(%arg5 : memref<16x2048xf32, #tpu.memory_space<vmem>>) dst(%dma_wait3A_776 : memref<16x2048xf32, #tpu.memory_space<hbm>>)
      tpu.yield
    }) : () -> ()
    %dma_wait3A_391 = arith.constant 0 : i32
    %dma_wait3A_392 = tpu.memref_slice %arg2[%add3A_384, %dma_wait3A_391] : memref<32768x2048xf32, #tpu.memory_space<hbm>> -> memref<16x2048xf32, #tpu.memory_space<hbm>>
    %dma_wait3A_393 = arith.constant 0 : i32
    %dma_wait3A_394 = tpu.memref_slice %arg2[%add3A_384, %dma_wait3A_393] : memref<32768x2048xf32, #tpu.memory_space<hbm>> -> memref<16x2048xf32, #tpu.memory_space<hbm>>
    tpu.wait_dma2 semaphore(%arg6 : memref<!tpu.dma_semaphore, #tpu.memory_space<semaphore_mem>>) src(%dma_wait3A_394 : memref<16x2048xf32, #tpu.memory_space<hbm>>) dst(%arg4 : memref<16x2048xf32, #tpu.memory_space<vmem>>)
    %add3A_395 = arith.constant 528 : i32
    %add3A_396 = arith.addi %mul3A_2, %add3A_395 : i32
    %dma_start3A_397 = arith.constant 0 : i32
    %dma_start3A_398 = tpu.memref_slice %arg2[%add3A_396, %dma_start3A_397] : memref<32768x2048xf32, #tpu.memory_space<hbm>> -> memref<16x2048xf32, #tpu.memory_space<hbm>>
    %dma_start3A_399 = arith.constant 0 : i32
    %dma_start3A_400 = tpu.memref_slice %arg2[%add3A_396, %dma_start3A_399] : memref<32768x2048xf32, #tpu.memory_space<hbm>> -> memref<16x2048xf32, #tpu.memory_space<hbm>>
    tpu.enqueue_dma source(%dma_start3A_400 : memref<16x2048xf32, #tpu.memory_space<hbm>>) target(%arg5 : memref<16x2048xf32, #tpu.memory_space<vmem>>) target_semaphore(%arg6 : memref<!tpu.dma_semaphore, #tpu.memory_space<semaphore_mem>>)
    %add3A_401 = arith.constant 512 : i32
    %add3A_402 = arith.addi %mul3A_2, %add3A_401 : i32
    "tpu.region"() ({
      %run_scoped3A = tpu.sem_alloc : memref<!tpu.dma_semaphore, #tpu.memory_space<semaphore_mem>>
      %dma_start3A_769 = arith.constant 0 : i32
      %dma_start3A_770 = tpu.memref_slice %arg3[%add3A_402, %dma_start3A_769] : memref<32768x2048xf32, #tpu.memory_space<hbm>> -> memref<16x2048xf32, #tpu.memory_space<hbm>>
      %dma_start3A_771 = arith.constant 0 : i32
      %dma_start3A_772 = tpu.memref_slice %arg3[%add3A_402, %dma_start3A_771] : memref<32768x2048xf32, #tpu.memory_space<hbm>> -> memref<16x2048xf32, #tpu.memory_space<hbm>>
      tpu.enqueue_dma source(%arg4 : memref<16x2048xf32, #tpu.memory_space<vmem>>) target(%dma_start3A_772 : memref<16x2048xf32, #tpu.memory_space<hbm>>) target_semaphore(%run_scoped3A : memref<!tpu.dma_semaphore, #tpu.memory_space<semaphore_mem>>)
      %dma_wait3A_773 = arith.constant 0 : i32
      %dma_wait3A_774 = tpu.memref_slice %arg3[%add3A_402, %dma_wait3A_773] : memref<32768x2048xf32, #tpu.memory_space<hbm>> -> memref<16x2048xf32, #tpu.memory_space<hbm>>
      %dma_wait3A_775 = arith.constant 0 : i32
      %dma_wait3A_776 = tpu.memref_slice %arg3[%add3A_402, %dma_wait3A_775] : memref<32768x2048xf32, #tpu.memory_space<hbm>> -> memref<16x2048xf32, #tpu.memory_space<hbm>>
      tpu.wait_dma2 semaphore(%run_scoped3A : memref<!tpu.dma_semaphore, #tpu.memory_space<semaphore_mem>>) src(%arg4 : memref<16x2048xf32, #tpu.memory_space<vmem>>) dst(%dma_wait3A_776 : memref<16x2048xf32, #tpu.memory_space<hbm>>)
      tpu.yield
    }) : () -> ()
    %dma_wait3A_403 = arith.constant 0 : i32
    %dma_wait3A_404 = tpu.memref_slice %arg2[%add3A_396, %dma_wait3A_403] : memref<32768x2048xf32, #tpu.memory_space<hbm>> -> memref<16x2048xf32, #tpu.memory_space<hbm>>
    %dma_wait3A_405 = arith.constant 0 : i32
    %dma_wait3A_406 = tpu.memref_slice %arg2[%add3A_396, %dma_wait3A_405] : memref<32768x2048xf32, #tpu.memory_space<hbm>> -> memref<16x2048xf32, #tpu.memory_space<hbm>>
    tpu.wait_dma2 semaphore(%arg6 : memref<!tpu.dma_semaphore, #tpu.memory_space<semaphore_mem>>) src(%dma_wait3A_406 : memref<16x2048xf32, #tpu.memory_space<hbm>>) dst(%arg5 : memref<16x2048xf32, #tpu.memory_space<vmem>>)
    %add3A_407 = arith.constant 544 : i32
    %add3A_408 = arith.addi %mul3A_2, %add3A_407 : i32
    %dma_start3A_409 = arith.constant 0 : i32
    %dma_start3A_410 = tpu.memref_slice %arg2[%add3A_408, %dma_start3A_409] : memref<32768x2048xf32, #tpu.memory_space<hbm>> -> memref<16x2048xf32, #tpu.memory_space<hbm>>
    %dma_start3A_411 = arith.constant 0 : i32
    %dma_start3A_412 = tpu.memref_slice %arg2[%add3A_408, %dma_start3A_411] : memref<32768x2048xf32, #tpu.memory_space<hbm>> -> memref<16x2048xf32, #tpu.memory_space<hbm>>
    tpu.enqueue_dma source(%dma_start3A_412 : memref<16x2048xf32, #tpu.memory_space<hbm>>) target(%arg4 : memref<16x2048xf32, #tpu.memory_space<vmem>>) target_semaphore(%arg6 : memref<!tpu.dma_semaphore, #tpu.memory_space<semaphore_mem>>)
    %add3A_413 = arith.constant 528 : i32
    %add3A_414 = arith.addi %mul3A_2, %add3A_413 : i32
    "tpu.region"() ({
      %run_scoped3A = tpu.sem_alloc : memref<!tpu.dma_semaphore, #tpu.memory_space<semaphore_mem>>
      %dma_start3A_769 = arith.constant 0 : i32
      %dma_start3A_770 = tpu.memref_slice %arg3[%add3A_414, %dma_start3A_769] : memref<32768x2048xf32, #tpu.memory_space<hbm>> -> memref<16x2048xf32, #tpu.memory_space<hbm>>
      %dma_start3A_771 = arith.constant 0 : i32
      %dma_start3A_772 = tpu.memref_slice %arg3[%add3A_414, %dma_start3A_771] : memref<32768x2048xf32, #tpu.memory_space<hbm>> -> memref<16x2048xf32, #tpu.memory_space<hbm>>
      tpu.enqueue_dma source(%arg5 : memref<16x2048xf32, #tpu.memory_space<vmem>>) target(%dma_start3A_772 : memref<16x2048xf32, #tpu.memory_space<hbm>>) target_semaphore(%run_scoped3A : memref<!tpu.dma_semaphore, #tpu.memory_space<semaphore_mem>>)
      %dma_wait3A_773 = arith.constant 0 : i32
      %dma_wait3A_774 = tpu.memref_slice %arg3[%add3A_414, %dma_wait3A_773] : memref<32768x2048xf32, #tpu.memory_space<hbm>> -> memref<16x2048xf32, #tpu.memory_space<hbm>>
      %dma_wait3A_775 = arith.constant 0 : i32
      %dma_wait3A_776 = tpu.memref_slice %arg3[%add3A_414, %dma_wait3A_775] : memref<32768x2048xf32, #tpu.memory_space<hbm>> -> memref<16x2048xf32, #tpu.memory_space<hbm>>
      tpu.wait_dma2 semaphore(%run_scoped3A : memref<!tpu.dma_semaphore, #tpu.memory_space<semaphore_mem>>) src(%arg5 : memref<16x2048xf32, #tpu.memory_space<vmem>>) dst(%dma_wait3A_776 : memref<16x2048xf32, #tpu.memory_space<hbm>>)
      tpu.yield
    }) : () -> ()
    %dma_wait3A_415 = arith.constant 0 : i32
    %dma_wait3A_416 = tpu.memref_slice %arg2[%add3A_408, %dma_wait3A_415] : memref<32768x2048xf32, #tpu.memory_space<hbm>> -> memref<16x2048xf32, #tpu.memory_space<hbm>>
    %dma_wait3A_417 = arith.constant 0 : i32
    %dma_wait3A_418 = tpu.memref_slice %arg2[%add3A_408, %dma_wait3A_417] : memref<32768x2048xf32, #tpu.memory_space<hbm>> -> memref<16x2048xf32, #tpu.memory_space<hbm>>
    tpu.wait_dma2 semaphore(%arg6 : memref<!tpu.dma_semaphore, #tpu.memory_space<semaphore_mem>>) src(%dma_wait3A_418 : memref<16x2048xf32, #tpu.memory_space<hbm>>) dst(%arg4 : memref<16x2048xf32, #tpu.memory_space<vmem>>)
    %add3A_419 = arith.constant 560 : i32
    %add3A_420 = arith.addi %mul3A_2, %add3A_419 : i32
    %dma_start3A_421 = arith.constant 0 : i32
    %dma_start3A_422 = tpu.memref_slice %arg2[%add3A_420, %dma_start3A_421] : memref<32768x2048xf32, #tpu.memory_space<hbm>> -> memref<16x2048xf32, #tpu.memory_space<hbm>>
    %dma_start3A_423 = arith.constant 0 : i32
    %dma_start3A_424 = tpu.memref_slice %arg2[%add3A_420, %dma_start3A_423] : memref<32768x2048xf32, #tpu.memory_space<hbm>> -> memref<16x2048xf32, #tpu.memory_space<hbm>>
    tpu.enqueue_dma source(%dma_start3A_424 : memref<16x2048xf32, #tpu.memory_space<hbm>>) target(%arg5 : memref<16x2048xf32, #tpu.memory_space<vmem>>) target_semaphore(%arg6 : memref<!tpu.dma_semaphore, #tpu.memory_space<semaphore_mem>>)
    %add3A_425 = arith.constant 544 : i32
    %add3A_426 = arith.addi %mul3A_2, %add3A_425 : i32
    "tpu.region"() ({
      %run_scoped3A = tpu.sem_alloc : memref<!tpu.dma_semaphore, #tpu.memory_space<semaphore_mem>>
      %dma_start3A_769 = arith.constant 0 : i32
      %dma_start3A_770 = tpu.memref_slice %arg3[%add3A_426, %dma_start3A_769] : memref<32768x2048xf32, #tpu.memory_space<hbm>> -> memref<16x2048xf32, #tpu.memory_space<hbm>>
      %dma_start3A_771 = arith.constant 0 : i32
      %dma_start3A_772 = tpu.memref_slice %arg3[%add3A_426, %dma_start3A_771] : memref<32768x2048xf32, #tpu.memory_space<hbm>> -> memref<16x2048xf32, #tpu.memory_space<hbm>>
      tpu.enqueue_dma source(%arg4 : memref<16x2048xf32, #tpu.memory_space<vmem>>) target(%dma_start3A_772 : memref<16x2048xf32, #tpu.memory_space<hbm>>) target_semaphore(%run_scoped3A : memref<!tpu.dma_semaphore, #tpu.memory_space<semaphore_mem>>)
      %dma_wait3A_773 = arith.constant 0 : i32
      %dma_wait3A_774 = tpu.memref_slice %arg3[%add3A_426, %dma_wait3A_773] : memref<32768x2048xf32, #tpu.memory_space<hbm>> -> memref<16x2048xf32, #tpu.memory_space<hbm>>
      %dma_wait3A_775 = arith.constant 0 : i32
      %dma_wait3A_776 = tpu.memref_slice %arg3[%add3A_426, %dma_wait3A_775] : memref<32768x2048xf32, #tpu.memory_space<hbm>> -> memref<16x2048xf32, #tpu.memory_space<hbm>>
      tpu.wait_dma2 semaphore(%run_scoped3A : memref<!tpu.dma_semaphore, #tpu.memory_space<semaphore_mem>>) src(%arg4 : memref<16x2048xf32, #tpu.memory_space<vmem>>) dst(%dma_wait3A_776 : memref<16x2048xf32, #tpu.memory_space<hbm>>)
      tpu.yield
    }) : () -> ()
    %dma_wait3A_427 = arith.constant 0 : i32
    %dma_wait3A_428 = tpu.memref_slice %arg2[%add3A_420, %dma_wait3A_427] : memref<32768x2048xf32, #tpu.memory_space<hbm>> -> memref<16x2048xf32, #tpu.memory_space<hbm>>
    %dma_wait3A_429 = arith.constant 0 : i32
    %dma_wait3A_430 = tpu.memref_slice %arg2[%add3A_420, %dma_wait3A_429] : memref<32768x2048xf32, #tpu.memory_space<hbm>> -> memref<16x2048xf32, #tpu.memory_space<hbm>>
    tpu.wait_dma2 semaphore(%arg6 : memref<!tpu.dma_semaphore, #tpu.memory_space<semaphore_mem>>) src(%dma_wait3A_430 : memref<16x2048xf32, #tpu.memory_space<hbm>>) dst(%arg5 : memref<16x2048xf32, #tpu.memory_space<vmem>>)
    %add3A_431 = arith.constant 576 : i32
    %add3A_432 = arith.addi %mul3A_2, %add3A_431 : i32
    %dma_start3A_433 = arith.constant 0 : i32
    %dma_start3A_434 = tpu.memref_slice %arg2[%add3A_432, %dma_start3A_433] : memref<32768x2048xf32, #tpu.memory_space<hbm>> -> memref<16x2048xf32, #tpu.memory_space<hbm>>
    %dma_start3A_435 = arith.constant 0 : i32
    %dma_start3A_436 = tpu.memref_slice %arg2[%add3A_432, %dma_start3A_435] : memref<32768x2048xf32, #tpu.memory_space<hbm>> -> memref<16x2048xf32, #tpu.memory_space<hbm>>
    tpu.enqueue_dma source(%dma_start3A_436 : memref<16x2048xf32, #tpu.memory_space<hbm>>) target(%arg4 : memref<16x2048xf32, #tpu.memory_space<vmem>>) target_semaphore(%arg6 : memref<!tpu.dma_semaphore, #tpu.memory_space<semaphore_mem>>)
    %add3A_437 = arith.constant 560 : i32
    %add3A_438 = arith.addi %mul3A_2, %add3A_437 : i32
    "tpu.region"() ({
      %run_scoped3A = tpu.sem_alloc : memref<!tpu.dma_semaphore, #tpu.memory_space<semaphore_mem>>
      %dma_start3A_769 = arith.constant 0 : i32
      %dma_start3A_770 = tpu.memref_slice %arg3[%add3A_438, %dma_start3A_769] : memref<32768x2048xf32, #tpu.memory_space<hbm>> -> memref<16x2048xf32, #tpu.memory_space<hbm>>
      %dma_start3A_771 = arith.constant 0 : i32
      %dma_start3A_772 = tpu.memref_slice %arg3[%add3A_438, %dma_start3A_771] : memref<32768x2048xf32, #tpu.memory_space<hbm>> -> memref<16x2048xf32, #tpu.memory_space<hbm>>
      tpu.enqueue_dma source(%arg5 : memref<16x2048xf32, #tpu.memory_space<vmem>>) target(%dma_start3A_772 : memref<16x2048xf32, #tpu.memory_space<hbm>>) target_semaphore(%run_scoped3A : memref<!tpu.dma_semaphore, #tpu.memory_space<semaphore_mem>>)
      %dma_wait3A_773 = arith.constant 0 : i32
      %dma_wait3A_774 = tpu.memref_slice %arg3[%add3A_438, %dma_wait3A_773] : memref<32768x2048xf32, #tpu.memory_space<hbm>> -> memref<16x2048xf32, #tpu.memory_space<hbm>>
      %dma_wait3A_775 = arith.constant 0 : i32
      %dma_wait3A_776 = tpu.memref_slice %arg3[%add3A_438, %dma_wait3A_775] : memref<32768x2048xf32, #tpu.memory_space<hbm>> -> memref<16x2048xf32, #tpu.memory_space<hbm>>
      tpu.wait_dma2 semaphore(%run_scoped3A : memref<!tpu.dma_semaphore, #tpu.memory_space<semaphore_mem>>) src(%arg5 : memref<16x2048xf32, #tpu.memory_space<vmem>>) dst(%dma_wait3A_776 : memref<16x2048xf32, #tpu.memory_space<hbm>>)
      tpu.yield
    }) : () -> ()
    %dma_wait3A_439 = arith.constant 0 : i32
    %dma_wait3A_440 = tpu.memref_slice %arg2[%add3A_432, %dma_wait3A_439] : memref<32768x2048xf32, #tpu.memory_space<hbm>> -> memref<16x2048xf32, #tpu.memory_space<hbm>>
    %dma_wait3A_441 = arith.constant 0 : i32
    %dma_wait3A_442 = tpu.memref_slice %arg2[%add3A_432, %dma_wait3A_441] : memref<32768x2048xf32, #tpu.memory_space<hbm>> -> memref<16x2048xf32, #tpu.memory_space<hbm>>
    tpu.wait_dma2 semaphore(%arg6 : memref<!tpu.dma_semaphore, #tpu.memory_space<semaphore_mem>>) src(%dma_wait3A_442 : memref<16x2048xf32, #tpu.memory_space<hbm>>) dst(%arg4 : memref<16x2048xf32, #tpu.memory_space<vmem>>)
    %add3A_443 = arith.constant 592 : i32
    %add3A_444 = arith.addi %mul3A_2, %add3A_443 : i32
    %dma_start3A_445 = arith.constant 0 : i32
    %dma_start3A_446 = tpu.memref_slice %arg2[%add3A_444, %dma_start3A_445] : memref<32768x2048xf32, #tpu.memory_space<hbm>> -> memref<16x2048xf32, #tpu.memory_space<hbm>>
    %dma_start3A_447 = arith.constant 0 : i32
    %dma_start3A_448 = tpu.memref_slice %arg2[%add3A_444, %dma_start3A_447] : memref<32768x2048xf32, #tpu.memory_space<hbm>> -> memref<16x2048xf32, #tpu.memory_space<hbm>>
    tpu.enqueue_dma source(%dma_start3A_448 : memref<16x2048xf32, #tpu.memory_space<hbm>>) target(%arg5 : memref<16x2048xf32, #tpu.memory_space<vmem>>) target_semaphore(%arg6 : memref<!tpu.dma_semaphore, #tpu.memory_space<semaphore_mem>>)
    %add3A_449 = arith.constant 576 : i32
    %add3A_450 = arith.addi %mul3A_2, %add3A_449 : i32
    "tpu.region"() ({
      %run_scoped3A = tpu.sem_alloc : memref<!tpu.dma_semaphore, #tpu.memory_space<semaphore_mem>>
      %dma_start3A_769 = arith.constant 0 : i32
      %dma_start3A_770 = tpu.memref_slice %arg3[%add3A_450, %dma_start3A_769] : memref<32768x2048xf32, #tpu.memory_space<hbm>> -> memref<16x2048xf32, #tpu.memory_space<hbm>>
      %dma_start3A_771 = arith.constant 0 : i32
      %dma_start3A_772 = tpu.memref_slice %arg3[%add3A_450, %dma_start3A_771] : memref<32768x2048xf32, #tpu.memory_space<hbm>> -> memref<16x2048xf32, #tpu.memory_space<hbm>>
      tpu.enqueue_dma source(%arg4 : memref<16x2048xf32, #tpu.memory_space<vmem>>) target(%dma_start3A_772 : memref<16x2048xf32, #tpu.memory_space<hbm>>) target_semaphore(%run_scoped3A : memref<!tpu.dma_semaphore, #tpu.memory_space<semaphore_mem>>)
      %dma_wait3A_773 = arith.constant 0 : i32
      %dma_wait3A_774 = tpu.memref_slice %arg3[%add3A_450, %dma_wait3A_773] : memref<32768x2048xf32, #tpu.memory_space<hbm>> -> memref<16x2048xf32, #tpu.memory_space<hbm>>
      %dma_wait3A_775 = arith.constant 0 : i32
      %dma_wait3A_776 = tpu.memref_slice %arg3[%add3A_450, %dma_wait3A_775] : memref<32768x2048xf32, #tpu.memory_space<hbm>> -> memref<16x2048xf32, #tpu.memory_space<hbm>>
      tpu.wait_dma2 semaphore(%run_scoped3A : memref<!tpu.dma_semaphore, #tpu.memory_space<semaphore_mem>>) src(%arg4 : memref<16x2048xf32, #tpu.memory_space<vmem>>) dst(%dma_wait3A_776 : memref<16x2048xf32, #tpu.memory_space<hbm>>)
      tpu.yield
    }) : () -> ()
    %dma_wait3A_451 = arith.constant 0 : i32
    %dma_wait3A_452 = tpu.memref_slice %arg2[%add3A_444, %dma_wait3A_451] : memref<32768x2048xf32, #tpu.memory_space<hbm>> -> memref<16x2048xf32, #tpu.memory_space<hbm>>
    %dma_wait3A_453 = arith.constant 0 : i32
    %dma_wait3A_454 = tpu.memref_slice %arg2[%add3A_444, %dma_wait3A_453] : memref<32768x2048xf32, #tpu.memory_space<hbm>> -> memref<16x2048xf32, #tpu.memory_space<hbm>>
    tpu.wait_dma2 semaphore(%arg6 : memref<!tpu.dma_semaphore, #tpu.memory_space<semaphore_mem>>) src(%dma_wait3A_454 : memref<16x2048xf32, #tpu.memory_space<hbm>>) dst(%arg5 : memref<16x2048xf32, #tpu.memory_space<vmem>>)
    %add3A_455 = arith.constant 608 : i32
    %add3A_456 = arith.addi %mul3A_2, %add3A_455 : i32
    %dma_start3A_457 = arith.constant 0 : i32
    %dma_start3A_458 = tpu.memref_slice %arg2[%add3A_456, %dma_start3A_457] : memref<32768x2048xf32, #tpu.memory_space<hbm>> -> memref<16x2048xf32, #tpu.memory_space<hbm>>
    %dma_start3A_459 = arith.constant 0 : i32
    %dma_start3A_460 = tpu.memref_slice %arg2[%add3A_456, %dma_start3A_459] : memref<32768x2048xf32, #tpu.memory_space<hbm>> -> memref<16x2048xf32, #tpu.memory_space<hbm>>
    tpu.enqueue_dma source(%dma_start3A_460 : memref<16x2048xf32, #tpu.memory_space<hbm>>) target(%arg4 : memref<16x2048xf32, #tpu.memory_space<vmem>>) target_semaphore(%arg6 : memref<!tpu.dma_semaphore, #tpu.memory_space<semaphore_mem>>)
    %add3A_461 = arith.constant 592 : i32
    %add3A_462 = arith.addi %mul3A_2, %add3A_461 : i32
    "tpu.region"() ({
      %run_scoped3A = tpu.sem_alloc : memref<!tpu.dma_semaphore, #tpu.memory_space<semaphore_mem>>
      %dma_start3A_769 = arith.constant 0 : i32
      %dma_start3A_770 = tpu.memref_slice %arg3[%add3A_462, %dma_start3A_769] : memref<32768x2048xf32, #tpu.memory_space<hbm>> -> memref<16x2048xf32, #tpu.memory_space<hbm>>
      %dma_start3A_771 = arith.constant 0 : i32
      %dma_start3A_772 = tpu.memref_slice %arg3[%add3A_462, %dma_start3A_771] : memref<32768x2048xf32, #tpu.memory_space<hbm>> -> memref<16x2048xf32, #tpu.memory_space<hbm>>
      tpu.enqueue_dma source(%arg5 : memref<16x2048xf32, #tpu.memory_space<vmem>>) target(%dma_start3A_772 : memref<16x2048xf32, #tpu.memory_space<hbm>>) target_semaphore(%run_scoped3A : memref<!tpu.dma_semaphore, #tpu.memory_space<semaphore_mem>>)
      %dma_wait3A_773 = arith.constant 0 : i32
      %dma_wait3A_774 = tpu.memref_slice %arg3[%add3A_462, %dma_wait3A_773] : memref<32768x2048xf32, #tpu.memory_space<hbm>> -> memref<16x2048xf32, #tpu.memory_space<hbm>>
      %dma_wait3A_775 = arith.constant 0 : i32
      %dma_wait3A_776 = tpu.memref_slice %arg3[%add3A_462, %dma_wait3A_775] : memref<32768x2048xf32, #tpu.memory_space<hbm>> -> memref<16x2048xf32, #tpu.memory_space<hbm>>
      tpu.wait_dma2 semaphore(%run_scoped3A : memref<!tpu.dma_semaphore, #tpu.memory_space<semaphore_mem>>) src(%arg5 : memref<16x2048xf32, #tpu.memory_space<vmem>>) dst(%dma_wait3A_776 : memref<16x2048xf32, #tpu.memory_space<hbm>>)
      tpu.yield
    }) : () -> ()
    %dma_wait3A_463 = arith.constant 0 : i32
    %dma_wait3A_464 = tpu.memref_slice %arg2[%add3A_456, %dma_wait3A_463] : memref<32768x2048xf32, #tpu.memory_space<hbm>> -> memref<16x2048xf32, #tpu.memory_space<hbm>>
    %dma_wait3A_465 = arith.constant 0 : i32
    %dma_wait3A_466 = tpu.memref_slice %arg2[%add3A_456, %dma_wait3A_465] : memref<32768x2048xf32, #tpu.memory_space<hbm>> -> memref<16x2048xf32, #tpu.memory_space<hbm>>
    tpu.wait_dma2 semaphore(%arg6 : memref<!tpu.dma_semaphore, #tpu.memory_space<semaphore_mem>>) src(%dma_wait3A_466 : memref<16x2048xf32, #tpu.memory_space<hbm>>) dst(%arg4 : memref<16x2048xf32, #tpu.memory_space<vmem>>)
    %add3A_467 = arith.constant 624 : i32
    %add3A_468 = arith.addi %mul3A_2, %add3A_467 : i32
    %dma_start3A_469 = arith.constant 0 : i32
    %dma_start3A_470 = tpu.memref_slice %arg2[%add3A_468, %dma_start3A_469] : memref<32768x2048xf32, #tpu.memory_space<hbm>> -> memref<16x2048xf32, #tpu.memory_space<hbm>>
    %dma_start3A_471 = arith.constant 0 : i32
    %dma_start3A_472 = tpu.memref_slice %arg2[%add3A_468, %dma_start3A_471] : memref<32768x2048xf32, #tpu.memory_space<hbm>> -> memref<16x2048xf32, #tpu.memory_space<hbm>>
    tpu.enqueue_dma source(%dma_start3A_472 : memref<16x2048xf32, #tpu.memory_space<hbm>>) target(%arg5 : memref<16x2048xf32, #tpu.memory_space<vmem>>) target_semaphore(%arg6 : memref<!tpu.dma_semaphore, #tpu.memory_space<semaphore_mem>>)
    %add3A_473 = arith.constant 608 : i32
    %add3A_474 = arith.addi %mul3A_2, %add3A_473 : i32
    "tpu.region"() ({
      %run_scoped3A = tpu.sem_alloc : memref<!tpu.dma_semaphore, #tpu.memory_space<semaphore_mem>>
      %dma_start3A_769 = arith.constant 0 : i32
      %dma_start3A_770 = tpu.memref_slice %arg3[%add3A_474, %dma_start3A_769] : memref<32768x2048xf32, #tpu.memory_space<hbm>> -> memref<16x2048xf32, #tpu.memory_space<hbm>>
      %dma_start3A_771 = arith.constant 0 : i32
      %dma_start3A_772 = tpu.memref_slice %arg3[%add3A_474, %dma_start3A_771] : memref<32768x2048xf32, #tpu.memory_space<hbm>> -> memref<16x2048xf32, #tpu.memory_space<hbm>>
      tpu.enqueue_dma source(%arg4 : memref<16x2048xf32, #tpu.memory_space<vmem>>) target(%dma_start3A_772 : memref<16x2048xf32, #tpu.memory_space<hbm>>) target_semaphore(%run_scoped3A : memref<!tpu.dma_semaphore, #tpu.memory_space<semaphore_mem>>)
      %dma_wait3A_773 = arith.constant 0 : i32
      %dma_wait3A_774 = tpu.memref_slice %arg3[%add3A_474, %dma_wait3A_773] : memref<32768x2048xf32, #tpu.memory_space<hbm>> -> memref<16x2048xf32, #tpu.memory_space<hbm>>
      %dma_wait3A_775 = arith.constant 0 : i32
      %dma_wait3A_776 = tpu.memref_slice %arg3[%add3A_474, %dma_wait3A_775] : memref<32768x2048xf32, #tpu.memory_space<hbm>> -> memref<16x2048xf32, #tpu.memory_space<hbm>>
      tpu.wait_dma2 semaphore(%run_scoped3A : memref<!tpu.dma_semaphore, #tpu.memory_space<semaphore_mem>>) src(%arg4 : memref<16x2048xf32, #tpu.memory_space<vmem>>) dst(%dma_wait3A_776 : memref<16x2048xf32, #tpu.memory_space<hbm>>)
      tpu.yield
    }) : () -> ()
    %dma_wait3A_475 = arith.constant 0 : i32
    %dma_wait3A_476 = tpu.memref_slice %arg2[%add3A_468, %dma_wait3A_475] : memref<32768x2048xf32, #tpu.memory_space<hbm>> -> memref<16x2048xf32, #tpu.memory_space<hbm>>
    %dma_wait3A_477 = arith.constant 0 : i32
    %dma_wait3A_478 = tpu.memref_slice %arg2[%add3A_468, %dma_wait3A_477] : memref<32768x2048xf32, #tpu.memory_space<hbm>> -> memref<16x2048xf32, #tpu.memory_space<hbm>>
    tpu.wait_dma2 semaphore(%arg6 : memref<!tpu.dma_semaphore, #tpu.memory_space<semaphore_mem>>) src(%dma_wait3A_478 : memref<16x2048xf32, #tpu.memory_space<hbm>>) dst(%arg5 : memref<16x2048xf32, #tpu.memory_space<vmem>>)
    %add3A_479 = arith.constant 640 : i32
    %add3A_480 = arith.addi %mul3A_2, %add3A_479 : i32
    %dma_start3A_481 = arith.constant 0 : i32
    %dma_start3A_482 = tpu.memref_slice %arg2[%add3A_480, %dma_start3A_481] : memref<32768x2048xf32, #tpu.memory_space<hbm>> -> memref<16x2048xf32, #tpu.memory_space<hbm>>
    %dma_start3A_483 = arith.constant 0 : i32
    %dma_start3A_484 = tpu.memref_slice %arg2[%add3A_480, %dma_start3A_483] : memref<32768x2048xf32, #tpu.memory_space<hbm>> -> memref<16x2048xf32, #tpu.memory_space<hbm>>
    tpu.enqueue_dma source(%dma_start3A_484 : memref<16x2048xf32, #tpu.memory_space<hbm>>) target(%arg4 : memref<16x2048xf32, #tpu.memory_space<vmem>>) target_semaphore(%arg6 : memref<!tpu.dma_semaphore, #tpu.memory_space<semaphore_mem>>)
    %add3A_485 = arith.constant 624 : i32
    %add3A_486 = arith.addi %mul3A_2, %add3A_485 : i32
    "tpu.region"() ({
      %run_scoped3A = tpu.sem_alloc : memref<!tpu.dma_semaphore, #tpu.memory_space<semaphore_mem>>
      %dma_start3A_769 = arith.constant 0 : i32
      %dma_start3A_770 = tpu.memref_slice %arg3[%add3A_486, %dma_start3A_769] : memref<32768x2048xf32, #tpu.memory_space<hbm>> -> memref<16x2048xf32, #tpu.memory_space<hbm>>
      %dma_start3A_771 = arith.constant 0 : i32
      %dma_start3A_772 = tpu.memref_slice %arg3[%add3A_486, %dma_start3A_771] : memref<32768x2048xf32, #tpu.memory_space<hbm>> -> memref<16x2048xf32, #tpu.memory_space<hbm>>
      tpu.enqueue_dma source(%arg5 : memref<16x2048xf32, #tpu.memory_space<vmem>>) target(%dma_start3A_772 : memref<16x2048xf32, #tpu.memory_space<hbm>>) target_semaphore(%run_scoped3A : memref<!tpu.dma_semaphore, #tpu.memory_space<semaphore_mem>>)
      %dma_wait3A_773 = arith.constant 0 : i32
      %dma_wait3A_774 = tpu.memref_slice %arg3[%add3A_486, %dma_wait3A_773] : memref<32768x2048xf32, #tpu.memory_space<hbm>> -> memref<16x2048xf32, #tpu.memory_space<hbm>>
      %dma_wait3A_775 = arith.constant 0 : i32
      %dma_wait3A_776 = tpu.memref_slice %arg3[%add3A_486, %dma_wait3A_775] : memref<32768x2048xf32, #tpu.memory_space<hbm>> -> memref<16x2048xf32, #tpu.memory_space<hbm>>
      tpu.wait_dma2 semaphore(%run_scoped3A : memref<!tpu.dma_semaphore, #tpu.memory_space<semaphore_mem>>) src(%arg5 : memref<16x2048xf32, #tpu.memory_space<vmem>>) dst(%dma_wait3A_776 : memref<16x2048xf32, #tpu.memory_space<hbm>>)
      tpu.yield
    }) : () -> ()
    %dma_wait3A_487 = arith.constant 0 : i32
    %dma_wait3A_488 = tpu.memref_slice %arg2[%add3A_480, %dma_wait3A_487] : memref<32768x2048xf32, #tpu.memory_space<hbm>> -> memref<16x2048xf32, #tpu.memory_space<hbm>>
    %dma_wait3A_489 = arith.constant 0 : i32
    %dma_wait3A_490 = tpu.memref_slice %arg2[%add3A_480, %dma_wait3A_489] : memref<32768x2048xf32, #tpu.memory_space<hbm>> -> memref<16x2048xf32, #tpu.memory_space<hbm>>
    tpu.wait_dma2 semaphore(%arg6 : memref<!tpu.dma_semaphore, #tpu.memory_space<semaphore_mem>>) src(%dma_wait3A_490 : memref<16x2048xf32, #tpu.memory_space<hbm>>) dst(%arg4 : memref<16x2048xf32, #tpu.memory_space<vmem>>)
    %add3A_491 = arith.constant 656 : i32
    %add3A_492 = arith.addi %mul3A_2, %add3A_491 : i32
    %dma_start3A_493 = arith.constant 0 : i32
    %dma_start3A_494 = tpu.memref_slice %arg2[%add3A_492, %dma_start3A_493] : memref<32768x2048xf32, #tpu.memory_space<hbm>> -> memref<16x2048xf32, #tpu.memory_space<hbm>>
    %dma_start3A_495 = arith.constant 0 : i32
    %dma_start3A_496 = tpu.memref_slice %arg2[%add3A_492, %dma_start3A_495] : memref<32768x2048xf32, #tpu.memory_space<hbm>> -> memref<16x2048xf32, #tpu.memory_space<hbm>>
    tpu.enqueue_dma source(%dma_start3A_496 : memref<16x2048xf32, #tpu.memory_space<hbm>>) target(%arg5 : memref<16x2048xf32, #tpu.memory_space<vmem>>) target_semaphore(%arg6 : memref<!tpu.dma_semaphore, #tpu.memory_space<semaphore_mem>>)
    %add3A_497 = arith.constant 640 : i32
    %add3A_498 = arith.addi %mul3A_2, %add3A_497 : i32
    "tpu.region"() ({
      %run_scoped3A = tpu.sem_alloc : memref<!tpu.dma_semaphore, #tpu.memory_space<semaphore_mem>>
      %dma_start3A_769 = arith.constant 0 : i32
      %dma_start3A_770 = tpu.memref_slice %arg3[%add3A_498, %dma_start3A_769] : memref<32768x2048xf32, #tpu.memory_space<hbm>> -> memref<16x2048xf32, #tpu.memory_space<hbm>>
      %dma_start3A_771 = arith.constant 0 : i32
      %dma_start3A_772 = tpu.memref_slice %arg3[%add3A_498, %dma_start3A_771] : memref<32768x2048xf32, #tpu.memory_space<hbm>> -> memref<16x2048xf32, #tpu.memory_space<hbm>>
      tpu.enqueue_dma source(%arg4 : memref<16x2048xf32, #tpu.memory_space<vmem>>) target(%dma_start3A_772 : memref<16x2048xf32, #tpu.memory_space<hbm>>) target_semaphore(%run_scoped3A : memref<!tpu.dma_semaphore, #tpu.memory_space<semaphore_mem>>)
      %dma_wait3A_773 = arith.constant 0 : i32
      %dma_wait3A_774 = tpu.memref_slice %arg3[%add3A_498, %dma_wait3A_773] : memref<32768x2048xf32, #tpu.memory_space<hbm>> -> memref<16x2048xf32, #tpu.memory_space<hbm>>
      %dma_wait3A_775 = arith.constant 0 : i32
      %dma_wait3A_776 = tpu.memref_slice %arg3[%add3A_498, %dma_wait3A_775] : memref<32768x2048xf32, #tpu.memory_space<hbm>> -> memref<16x2048xf32, #tpu.memory_space<hbm>>
      tpu.wait_dma2 semaphore(%run_scoped3A : memref<!tpu.dma_semaphore, #tpu.memory_space<semaphore_mem>>) src(%arg4 : memref<16x2048xf32, #tpu.memory_space<vmem>>) dst(%dma_wait3A_776 : memref<16x2048xf32, #tpu.memory_space<hbm>>)
      tpu.yield
    }) : () -> ()
    %dma_wait3A_499 = arith.constant 0 : i32
    %dma_wait3A_500 = tpu.memref_slice %arg2[%add3A_492, %dma_wait3A_499] : memref<32768x2048xf32, #tpu.memory_space<hbm>> -> memref<16x2048xf32, #tpu.memory_space<hbm>>
    %dma_wait3A_501 = arith.constant 0 : i32
    %dma_wait3A_502 = tpu.memref_slice %arg2[%add3A_492, %dma_wait3A_501] : memref<32768x2048xf32, #tpu.memory_space<hbm>> -> memref<16x2048xf32, #tpu.memory_space<hbm>>
    tpu.wait_dma2 semaphore(%arg6 : memref<!tpu.dma_semaphore, #tpu.memory_space<semaphore_mem>>) src(%dma_wait3A_502 : memref<16x2048xf32, #tpu.memory_space<hbm>>) dst(%arg5 : memref<16x2048xf32, #tpu.memory_space<vmem>>)
    %add3A_503 = arith.constant 672 : i32
    %add3A_504 = arith.addi %mul3A_2, %add3A_503 : i32
    %dma_start3A_505 = arith.constant 0 : i32
    %dma_start3A_506 = tpu.memref_slice %arg2[%add3A_504, %dma_start3A_505] : memref<32768x2048xf32, #tpu.memory_space<hbm>> -> memref<16x2048xf32, #tpu.memory_space<hbm>>
    %dma_start3A_507 = arith.constant 0 : i32
    %dma_start3A_508 = tpu.memref_slice %arg2[%add3A_504, %dma_start3A_507] : memref<32768x2048xf32, #tpu.memory_space<hbm>> -> memref<16x2048xf32, #tpu.memory_space<hbm>>
    tpu.enqueue_dma source(%dma_start3A_508 : memref<16x2048xf32, #tpu.memory_space<hbm>>) target(%arg4 : memref<16x2048xf32, #tpu.memory_space<vmem>>) target_semaphore(%arg6 : memref<!tpu.dma_semaphore, #tpu.memory_space<semaphore_mem>>)
    %add3A_509 = arith.constant 656 : i32
    %add3A_510 = arith.addi %mul3A_2, %add3A_509 : i32
    "tpu.region"() ({
      %run_scoped3A = tpu.sem_alloc : memref<!tpu.dma_semaphore, #tpu.memory_space<semaphore_mem>>
      %dma_start3A_769 = arith.constant 0 : i32
      %dma_start3A_770 = tpu.memref_slice %arg3[%add3A_510, %dma_start3A_769] : memref<32768x2048xf32, #tpu.memory_space<hbm>> -> memref<16x2048xf32, #tpu.memory_space<hbm>>
      %dma_start3A_771 = arith.constant 0 : i32
      %dma_start3A_772 = tpu.memref_slice %arg3[%add3A_510, %dma_start3A_771] : memref<32768x2048xf32, #tpu.memory_space<hbm>> -> memref<16x2048xf32, #tpu.memory_space<hbm>>
      tpu.enqueue_dma source(%arg5 : memref<16x2048xf32, #tpu.memory_space<vmem>>) target(%dma_start3A_772 : memref<16x2048xf32, #tpu.memory_space<hbm>>) target_semaphore(%run_scoped3A : memref<!tpu.dma_semaphore, #tpu.memory_space<semaphore_mem>>)
      %dma_wait3A_773 = arith.constant 0 : i32
      %dma_wait3A_774 = tpu.memref_slice %arg3[%add3A_510, %dma_wait3A_773] : memref<32768x2048xf32, #tpu.memory_space<hbm>> -> memref<16x2048xf32, #tpu.memory_space<hbm>>
      %dma_wait3A_775 = arith.constant 0 : i32
      %dma_wait3A_776 = tpu.memref_slice %arg3[%add3A_510, %dma_wait3A_775] : memref<32768x2048xf32, #tpu.memory_space<hbm>> -> memref<16x2048xf32, #tpu.memory_space<hbm>>
      tpu.wait_dma2 semaphore(%run_scoped3A : memref<!tpu.dma_semaphore, #tpu.memory_space<semaphore_mem>>) src(%arg5 : memref<16x2048xf32, #tpu.memory_space<vmem>>) dst(%dma_wait3A_776 : memref<16x2048xf32, #tpu.memory_space<hbm>>)
      tpu.yield
    }) : () -> ()
    %dma_wait3A_511 = arith.constant 0 : i32
    %dma_wait3A_512 = tpu.memref_slice %arg2[%add3A_504, %dma_wait3A_511] : memref<32768x2048xf32, #tpu.memory_space<hbm>> -> memref<16x2048xf32, #tpu.memory_space<hbm>>
    %dma_wait3A_513 = arith.constant 0 : i32
    %dma_wait3A_514 = tpu.memref_slice %arg2[%add3A_504, %dma_wait3A_513] : memref<32768x2048xf32, #tpu.memory_space<hbm>> -> memref<16x2048xf32, #tpu.memory_space<hbm>>
    tpu.wait_dma2 semaphore(%arg6 : memref<!tpu.dma_semaphore, #tpu.memory_space<semaphore_mem>>) src(%dma_wait3A_514 : memref<16x2048xf32, #tpu.memory_space<hbm>>) dst(%arg4 : memref<16x2048xf32, #tpu.memory_space<vmem>>)
    %add3A_515 = arith.constant 688 : i32
    %add3A_516 = arith.addi %mul3A_2, %add3A_515 : i32
    %dma_start3A_517 = arith.constant 0 : i32
    %dma_start3A_518 = tpu.memref_slice %arg2[%add3A_516, %dma_start3A_517] : memref<32768x2048xf32, #tpu.memory_space<hbm>> -> memref<16x2048xf32, #tpu.memory_space<hbm>>
    %dma_start3A_519 = arith.constant 0 : i32
    %dma_start3A_520 = tpu.memref_slice %arg2[%add3A_516, %dma_start3A_519] : memref<32768x2048xf32, #tpu.memory_space<hbm>> -> memref<16x2048xf32, #tpu.memory_space<hbm>>
    tpu.enqueue_dma source(%dma_start3A_520 : memref<16x2048xf32, #tpu.memory_space<hbm>>) target(%arg5 : memref<16x2048xf32, #tpu.memory_space<vmem>>) target_semaphore(%arg6 : memref<!tpu.dma_semaphore, #tpu.memory_space<semaphore_mem>>)
    %add3A_521 = arith.constant 672 : i32
    %add3A_522 = arith.addi %mul3A_2, %add3A_521 : i32
    "tpu.region"() ({
      %run_scoped3A = tpu.sem_alloc : memref<!tpu.dma_semaphore, #tpu.memory_space<semaphore_mem>>
      %dma_start3A_769 = arith.constant 0 : i32
      %dma_start3A_770 = tpu.memref_slice %arg3[%add3A_522, %dma_start3A_769] : memref<32768x2048xf32, #tpu.memory_space<hbm>> -> memref<16x2048xf32, #tpu.memory_space<hbm>>
      %dma_start3A_771 = arith.constant 0 : i32
      %dma_start3A_772 = tpu.memref_slice %arg3[%add3A_522, %dma_start3A_771] : memref<32768x2048xf32, #tpu.memory_space<hbm>> -> memref<16x2048xf32, #tpu.memory_space<hbm>>
      tpu.enqueue_dma source(%arg4 : memref<16x2048xf32, #tpu.memory_space<vmem>>) target(%dma_start3A_772 : memref<16x2048xf32, #tpu.memory_space<hbm>>) target_semaphore(%run_scoped3A : memref<!tpu.dma_semaphore, #tpu.memory_space<semaphore_mem>>)
      %dma_wait3A_773 = arith.constant 0 : i32
      %dma_wait3A_774 = tpu.memref_slice %arg3[%add3A_522, %dma_wait3A_773] : memref<32768x2048xf32, #tpu.memory_space<hbm>> -> memref<16x2048xf32, #tpu.memory_space<hbm>>
      %dma_wait3A_775 = arith.constant 0 : i32
      %dma_wait3A_776 = tpu.memref_slice %arg3[%add3A_522, %dma_wait3A_775] : memref<32768x2048xf32, #tpu.memory_space<hbm>> -> memref<16x2048xf32, #tpu.memory_space<hbm>>
      tpu.wait_dma2 semaphore(%run_scoped3A : memref<!tpu.dma_semaphore, #tpu.memory_space<semaphore_mem>>) src(%arg4 : memref<16x2048xf32, #tpu.memory_space<vmem>>) dst(%dma_wait3A_776 : memref<16x2048xf32, #tpu.memory_space<hbm>>)
      tpu.yield
    }) : () -> ()
    %dma_wait3A_523 = arith.constant 0 : i32
    %dma_wait3A_524 = tpu.memref_slice %arg2[%add3A_516, %dma_wait3A_523] : memref<32768x2048xf32, #tpu.memory_space<hbm>> -> memref<16x2048xf32, #tpu.memory_space<hbm>>
    %dma_wait3A_525 = arith.constant 0 : i32
    %dma_wait3A_526 = tpu.memref_slice %arg2[%add3A_516, %dma_wait3A_525] : memref<32768x2048xf32, #tpu.memory_space<hbm>> -> memref<16x2048xf32, #tpu.memory_space<hbm>>
    tpu.wait_dma2 semaphore(%arg6 : memref<!tpu.dma_semaphore, #tpu.memory_space<semaphore_mem>>) src(%dma_wait3A_526 : memref<16x2048xf32, #tpu.memory_space<hbm>>) dst(%arg5 : memref<16x2048xf32, #tpu.memory_space<vmem>>)
    %add3A_527 = arith.constant 704 : i32
    %add3A_528 = arith.addi %mul3A_2, %add3A_527 : i32
    %dma_start3A_529 = arith.constant 0 : i32
    %dma_start3A_530 = tpu.memref_slice %arg2[%add3A_528, %dma_start3A_529] : memref<32768x2048xf32, #tpu.memory_space<hbm>> -> memref<16x2048xf32, #tpu.memory_space<hbm>>
    %dma_start3A_531 = arith.constant 0 : i32
    %dma_start3A_532 = tpu.memref_slice %arg2[%add3A_528, %dma_start3A_531] : memref<32768x2048xf32, #tpu.memory_space<hbm>> -> memref<16x2048xf32, #tpu.memory_space<hbm>>
    tpu.enqueue_dma source(%dma_start3A_532 : memref<16x2048xf32, #tpu.memory_space<hbm>>) target(%arg4 : memref<16x2048xf32, #tpu.memory_space<vmem>>) target_semaphore(%arg6 : memref<!tpu.dma_semaphore, #tpu.memory_space<semaphore_mem>>)
    %add3A_533 = arith.constant 688 : i32
    %add3A_534 = arith.addi %mul3A_2, %add3A_533 : i32
    "tpu.region"() ({
      %run_scoped3A = tpu.sem_alloc : memref<!tpu.dma_semaphore, #tpu.memory_space<semaphore_mem>>
      %dma_start3A_769 = arith.constant 0 : i32
      %dma_start3A_770 = tpu.memref_slice %arg3[%add3A_534, %dma_start3A_769] : memref<32768x2048xf32, #tpu.memory_space<hbm>> -> memref<16x2048xf32, #tpu.memory_space<hbm>>
      %dma_start3A_771 = arith.constant 0 : i32
      %dma_start3A_772 = tpu.memref_slice %arg3[%add3A_534, %dma_start3A_771] : memref<32768x2048xf32, #tpu.memory_space<hbm>> -> memref<16x2048xf32, #tpu.memory_space<hbm>>
      tpu.enqueue_dma source(%arg5 : memref<16x2048xf32, #tpu.memory_space<vmem>>) target(%dma_start3A_772 : memref<16x2048xf32, #tpu.memory_space<hbm>>) target_semaphore(%run_scoped3A : memref<!tpu.dma_semaphore, #tpu.memory_space<semaphore_mem>>)
      %dma_wait3A_773 = arith.constant 0 : i32
      %dma_wait3A_774 = tpu.memref_slice %arg3[%add3A_534, %dma_wait3A_773] : memref<32768x2048xf32, #tpu.memory_space<hbm>> -> memref<16x2048xf32, #tpu.memory_space<hbm>>
      %dma_wait3A_775 = arith.constant 0 : i32
      %dma_wait3A_776 = tpu.memref_slice %arg3[%add3A_534, %dma_wait3A_775] : memref<32768x2048xf32, #tpu.memory_space<hbm>> -> memref<16x2048xf32, #tpu.memory_space<hbm>>
      tpu.wait_dma2 semaphore(%run_scoped3A : memref<!tpu.dma_semaphore, #tpu.memory_space<semaphore_mem>>) src(%arg5 : memref<16x2048xf32, #tpu.memory_space<vmem>>) dst(%dma_wait3A_776 : memref<16x2048xf32, #tpu.memory_space<hbm>>)
      tpu.yield
    }) : () -> ()
    %dma_wait3A_535 = arith.constant 0 : i32
    %dma_wait3A_536 = tpu.memref_slice %arg2[%add3A_528, %dma_wait3A_535] : memref<32768x2048xf32, #tpu.memory_space<hbm>> -> memref<16x2048xf32, #tpu.memory_space<hbm>>
    %dma_wait3A_537 = arith.constant 0 : i32
    %dma_wait3A_538 = tpu.memref_slice %arg2[%add3A_528, %dma_wait3A_537] : memref<32768x2048xf32, #tpu.memory_space<hbm>> -> memref<16x2048xf32, #tpu.memory_space<hbm>>
    tpu.wait_dma2 semaphore(%arg6 : memref<!tpu.dma_semaphore, #tpu.memory_space<semaphore_mem>>) src(%dma_wait3A_538 : memref<16x2048xf32, #tpu.memory_space<hbm>>) dst(%arg4 : memref<16x2048xf32, #tpu.memory_space<vmem>>)
    %add3A_539 = arith.constant 720 : i32
    %add3A_540 = arith.addi %mul3A_2, %add3A_539 : i32
    %dma_start3A_541 = arith.constant 0 : i32
    %dma_start3A_542 = tpu.memref_slice %arg2[%add3A_540, %dma_start3A_541] : memref<32768x2048xf32, #tpu.memory_space<hbm>> -> memref<16x2048xf32, #tpu.memory_space<hbm>>
    %dma_start3A_543 = arith.constant 0 : i32
    %dma_start3A_544 = tpu.memref_slice %arg2[%add3A_540, %dma_start3A_543] : memref<32768x2048xf32, #tpu.memory_space<hbm>> -> memref<16x2048xf32, #tpu.memory_space<hbm>>
    tpu.enqueue_dma source(%dma_start3A_544 : memref<16x2048xf32, #tpu.memory_space<hbm>>) target(%arg5 : memref<16x2048xf32, #tpu.memory_space<vmem>>) target_semaphore(%arg6 : memref<!tpu.dma_semaphore, #tpu.memory_space<semaphore_mem>>)
    %add3A_545 = arith.constant 704 : i32
    %add3A_546 = arith.addi %mul3A_2, %add3A_545 : i32
    "tpu.region"() ({
      %run_scoped3A = tpu.sem_alloc : memref<!tpu.dma_semaphore, #tpu.memory_space<semaphore_mem>>
      %dma_start3A_769 = arith.constant 0 : i32
      %dma_start3A_770 = tpu.memref_slice %arg3[%add3A_546, %dma_start3A_769] : memref<32768x2048xf32, #tpu.memory_space<hbm>> -> memref<16x2048xf32, #tpu.memory_space<hbm>>
      %dma_start3A_771 = arith.constant 0 : i32
      %dma_start3A_772 = tpu.memref_slice %arg3[%add3A_546, %dma_start3A_771] : memref<32768x2048xf32, #tpu.memory_space<hbm>> -> memref<16x2048xf32, #tpu.memory_space<hbm>>
      tpu.enqueue_dma source(%arg4 : memref<16x2048xf32, #tpu.memory_space<vmem>>) target(%dma_start3A_772 : memref<16x2048xf32, #tpu.memory_space<hbm>>) target_semaphore(%run_scoped3A : memref<!tpu.dma_semaphore, #tpu.memory_space<semaphore_mem>>)
      %dma_wait3A_773 = arith.constant 0 : i32
      %dma_wait3A_774 = tpu.memref_slice %arg3[%add3A_546, %dma_wait3A_773] : memref<32768x2048xf32, #tpu.memory_space<hbm>> -> memref<16x2048xf32, #tpu.memory_space<hbm>>
      %dma_wait3A_775 = arith.constant 0 : i32
      %dma_wait3A_776 = tpu.memref_slice %arg3[%add3A_546, %dma_wait3A_775] : memref<32768x2048xf32, #tpu.memory_space<hbm>> -> memref<16x2048xf32, #tpu.memory_space<hbm>>
      tpu.wait_dma2 semaphore(%run_scoped3A : memref<!tpu.dma_semaphore, #tpu.memory_space<semaphore_mem>>) src(%arg4 : memref<16x2048xf32, #tpu.memory_space<vmem>>) dst(%dma_wait3A_776 : memref<16x2048xf32, #tpu.memory_space<hbm>>)
      tpu.yield
    }) : () -> ()
    %dma_wait3A_547 = arith.constant 0 : i32
    %dma_wait3A_548 = tpu.memref_slice %arg2[%add3A_540, %dma_wait3A_547] : memref<32768x2048xf32, #tpu.memory_space<hbm>> -> memref<16x2048xf32, #tpu.memory_space<hbm>>
    %dma_wait3A_549 = arith.constant 0 : i32
    %dma_wait3A_550 = tpu.memref_slice %arg2[%add3A_540, %dma_wait3A_549] : memref<32768x2048xf32, #tpu.memory_space<hbm>> -> memref<16x2048xf32, #tpu.memory_space<hbm>>
    tpu.wait_dma2 semaphore(%arg6 : memref<!tpu.dma_semaphore, #tpu.memory_space<semaphore_mem>>) src(%dma_wait3A_550 : memref<16x2048xf32, #tpu.memory_space<hbm>>) dst(%arg5 : memref<16x2048xf32, #tpu.memory_space<vmem>>)
    %add3A_551 = arith.constant 736 : i32
    %add3A_552 = arith.addi %mul3A_2, %add3A_551 : i32
    %dma_start3A_553 = arith.constant 0 : i32
    %dma_start3A_554 = tpu.memref_slice %arg2[%add3A_552, %dma_start3A_553] : memref<32768x2048xf32, #tpu.memory_space<hbm>> -> memref<16x2048xf32, #tpu.memory_space<hbm>>
    %dma_start3A_555 = arith.constant 0 : i32
    %dma_start3A_556 = tpu.memref_slice %arg2[%add3A_552, %dma_start3A_555] : memref<32768x2048xf32, #tpu.memory_space<hbm>> -> memref<16x2048xf32, #tpu.memory_space<hbm>>
    tpu.enqueue_dma source(%dma_start3A_556 : memref<16x2048xf32, #tpu.memory_space<hbm>>) target(%arg4 : memref<16x2048xf32, #tpu.memory_space<vmem>>) target_semaphore(%arg6 : memref<!tpu.dma_semaphore, #tpu.memory_space<semaphore_mem>>)
    %add3A_557 = arith.constant 720 : i32
    %add3A_558 = arith.addi %mul3A_2, %add3A_557 : i32
    "tpu.region"() ({
      %run_scoped3A = tpu.sem_alloc : memref<!tpu.dma_semaphore, #tpu.memory_space<semaphore_mem>>
      %dma_start3A_769 = arith.constant 0 : i32
      %dma_start3A_770 = tpu.memref_slice %arg3[%add3A_558, %dma_start3A_769] : memref<32768x2048xf32, #tpu.memory_space<hbm>> -> memref<16x2048xf32, #tpu.memory_space<hbm>>
      %dma_start3A_771 = arith.constant 0 : i32
      %dma_start3A_772 = tpu.memref_slice %arg3[%add3A_558, %dma_start3A_771] : memref<32768x2048xf32, #tpu.memory_space<hbm>> -> memref<16x2048xf32, #tpu.memory_space<hbm>>
      tpu.enqueue_dma source(%arg5 : memref<16x2048xf32, #tpu.memory_space<vmem>>) target(%dma_start3A_772 : memref<16x2048xf32, #tpu.memory_space<hbm>>) target_semaphore(%run_scoped3A : memref<!tpu.dma_semaphore, #tpu.memory_space<semaphore_mem>>)
      %dma_wait3A_773 = arith.constant 0 : i32
      %dma_wait3A_774 = tpu.memref_slice %arg3[%add3A_558, %dma_wait3A_773] : memref<32768x2048xf32, #tpu.memory_space<hbm>> -> memref<16x2048xf32, #tpu.memory_space<hbm>>
      %dma_wait3A_775 = arith.constant 0 : i32
      %dma_wait3A_776 = tpu.memref_slice %arg3[%add3A_558, %dma_wait3A_775] : memref<32768x2048xf32, #tpu.memory_space<hbm>> -> memref<16x2048xf32, #tpu.memory_space<hbm>>
      tpu.wait_dma2 semaphore(%run_scoped3A : memref<!tpu.dma_semaphore, #tpu.memory_space<semaphore_mem>>) src(%arg5 : memref<16x2048xf32, #tpu.memory_space<vmem>>) dst(%dma_wait3A_776 : memref<16x2048xf32, #tpu.memory_space<hbm>>)
      tpu.yield
    }) : () -> ()
    %dma_wait3A_559 = arith.constant 0 : i32
    %dma_wait3A_560 = tpu.memref_slice %arg2[%add3A_552, %dma_wait3A_559] : memref<32768x2048xf32, #tpu.memory_space<hbm>> -> memref<16x2048xf32, #tpu.memory_space<hbm>>
    %dma_wait3A_561 = arith.constant 0 : i32
    %dma_wait3A_562 = tpu.memref_slice %arg2[%add3A_552, %dma_wait3A_561] : memref<32768x2048xf32, #tpu.memory_space<hbm>> -> memref<16x2048xf32, #tpu.memory_space<hbm>>
    tpu.wait_dma2 semaphore(%arg6 : memref<!tpu.dma_semaphore, #tpu.memory_space<semaphore_mem>>) src(%dma_wait3A_562 : memref<16x2048xf32, #tpu.memory_space<hbm>>) dst(%arg4 : memref<16x2048xf32, #tpu.memory_space<vmem>>)
    %add3A_563 = arith.constant 752 : i32
    %add3A_564 = arith.addi %mul3A_2, %add3A_563 : i32
    %dma_start3A_565 = arith.constant 0 : i32
    %dma_start3A_566 = tpu.memref_slice %arg2[%add3A_564, %dma_start3A_565] : memref<32768x2048xf32, #tpu.memory_space<hbm>> -> memref<16x2048xf32, #tpu.memory_space<hbm>>
    %dma_start3A_567 = arith.constant 0 : i32
    %dma_start3A_568 = tpu.memref_slice %arg2[%add3A_564, %dma_start3A_567] : memref<32768x2048xf32, #tpu.memory_space<hbm>> -> memref<16x2048xf32, #tpu.memory_space<hbm>>
    tpu.enqueue_dma source(%dma_start3A_568 : memref<16x2048xf32, #tpu.memory_space<hbm>>) target(%arg5 : memref<16x2048xf32, #tpu.memory_space<vmem>>) target_semaphore(%arg6 : memref<!tpu.dma_semaphore, #tpu.memory_space<semaphore_mem>>)
    %add3A_569 = arith.constant 736 : i32
    %add3A_570 = arith.addi %mul3A_2, %add3A_569 : i32
    "tpu.region"() ({
      %run_scoped3A = tpu.sem_alloc : memref<!tpu.dma_semaphore, #tpu.memory_space<semaphore_mem>>
      %dma_start3A_769 = arith.constant 0 : i32
      %dma_start3A_770 = tpu.memref_slice %arg3[%add3A_570, %dma_start3A_769] : memref<32768x2048xf32, #tpu.memory_space<hbm>> -> memref<16x2048xf32, #tpu.memory_space<hbm>>
      %dma_start3A_771 = arith.constant 0 : i32
      %dma_start3A_772 = tpu.memref_slice %arg3[%add3A_570, %dma_start3A_771] : memref<32768x2048xf32, #tpu.memory_space<hbm>> -> memref<16x2048xf32, #tpu.memory_space<hbm>>
      tpu.enqueue_dma source(%arg4 : memref<16x2048xf32, #tpu.memory_space<vmem>>) target(%dma_start3A_772 : memref<16x2048xf32, #tpu.memory_space<hbm>>) target_semaphore(%run_scoped3A : memref<!tpu.dma_semaphore, #tpu.memory_space<semaphore_mem>>)
      %dma_wait3A_773 = arith.constant 0 : i32
      %dma_wait3A_774 = tpu.memref_slice %arg3[%add3A_570, %dma_wait3A_773] : memref<32768x2048xf32, #tpu.memory_space<hbm>> -> memref<16x2048xf32, #tpu.memory_space<hbm>>
      %dma_wait3A_775 = arith.constant 0 : i32
      %dma_wait3A_776 = tpu.memref_slice %arg3[%add3A_570, %dma_wait3A_775] : memref<32768x2048xf32, #tpu.memory_space<hbm>> -> memref<16x2048xf32, #tpu.memory_space<hbm>>
      tpu.wait_dma2 semaphore(%run_scoped3A : memref<!tpu.dma_semaphore, #tpu.memory_space<semaphore_mem>>) src(%arg4 : memref<16x2048xf32, #tpu.memory_space<vmem>>) dst(%dma_wait3A_776 : memref<16x2048xf32, #tpu.memory_space<hbm>>)
      tpu.yield
    }) : () -> ()
    %dma_wait3A_571 = arith.constant 0 : i32
    %dma_wait3A_572 = tpu.memref_slice %arg2[%add3A_564, %dma_wait3A_571] : memref<32768x2048xf32, #tpu.memory_space<hbm>> -> memref<16x2048xf32, #tpu.memory_space<hbm>>
    %dma_wait3A_573 = arith.constant 0 : i32
    %dma_wait3A_574 = tpu.memref_slice %arg2[%add3A_564, %dma_wait3A_573] : memref<32768x2048xf32, #tpu.memory_space<hbm>> -> memref<16x2048xf32, #tpu.memory_space<hbm>>
    tpu.wait_dma2 semaphore(%arg6 : memref<!tpu.dma_semaphore, #tpu.memory_space<semaphore_mem>>) src(%dma_wait3A_574 : memref<16x2048xf32, #tpu.memory_space<hbm>>) dst(%arg5 : memref<16x2048xf32, #tpu.memory_space<vmem>>)
    %add3A_575 = arith.constant 768 : i32
    %add3A_576 = arith.addi %mul3A_2, %add3A_575 : i32
    %dma_start3A_577 = arith.constant 0 : i32
    %dma_start3A_578 = tpu.memref_slice %arg2[%add3A_576, %dma_start3A_577] : memref<32768x2048xf32, #tpu.memory_space<hbm>> -> memref<16x2048xf32, #tpu.memory_space<hbm>>
    %dma_start3A_579 = arith.constant 0 : i32
    %dma_start3A_580 = tpu.memref_slice %arg2[%add3A_576, %dma_start3A_579] : memref<32768x2048xf32, #tpu.memory_space<hbm>> -> memref<16x2048xf32, #tpu.memory_space<hbm>>
    tpu.enqueue_dma source(%dma_start3A_580 : memref<16x2048xf32, #tpu.memory_space<hbm>>) target(%arg4 : memref<16x2048xf32, #tpu.memory_space<vmem>>) target_semaphore(%arg6 : memref<!tpu.dma_semaphore, #tpu.memory_space<semaphore_mem>>)
    %add3A_581 = arith.constant 752 : i32
    %add3A_582 = arith.addi %mul3A_2, %add3A_581 : i32
    "tpu.region"() ({
      %run_scoped3A = tpu.sem_alloc : memref<!tpu.dma_semaphore, #tpu.memory_space<semaphore_mem>>
      %dma_start3A_769 = arith.constant 0 : i32
      %dma_start3A_770 = tpu.memref_slice %arg3[%add3A_582, %dma_start3A_769] : memref<32768x2048xf32, #tpu.memory_space<hbm>> -> memref<16x2048xf32, #tpu.memory_space<hbm>>
      %dma_start3A_771 = arith.constant 0 : i32
      %dma_start3A_772 = tpu.memref_slice %arg3[%add3A_582, %dma_start3A_771] : memref<32768x2048xf32, #tpu.memory_space<hbm>> -> memref<16x2048xf32, #tpu.memory_space<hbm>>
      tpu.enqueue_dma source(%arg5 : memref<16x2048xf32, #tpu.memory_space<vmem>>) target(%dma_start3A_772 : memref<16x2048xf32, #tpu.memory_space<hbm>>) target_semaphore(%run_scoped3A : memref<!tpu.dma_semaphore, #tpu.memory_space<semaphore_mem>>)
      %dma_wait3A_773 = arith.constant 0 : i32
      %dma_wait3A_774 = tpu.memref_slice %arg3[%add3A_582, %dma_wait3A_773] : memref<32768x2048xf32, #tpu.memory_space<hbm>> -> memref<16x2048xf32, #tpu.memory_space<hbm>>
      %dma_wait3A_775 = arith.constant 0 : i32
      %dma_wait3A_776 = tpu.memref_slice %arg3[%add3A_582, %dma_wait3A_775] : memref<32768x2048xf32, #tpu.memory_space<hbm>> -> memref<16x2048xf32, #tpu.memory_space<hbm>>
      tpu.wait_dma2 semaphore(%run_scoped3A : memref<!tpu.dma_semaphore, #tpu.memory_space<semaphore_mem>>) src(%arg5 : memref<16x2048xf32, #tpu.memory_space<vmem>>) dst(%dma_wait3A_776 : memref<16x2048xf32, #tpu.memory_space<hbm>>)
      tpu.yield
    }) : () -> ()
    %dma_wait3A_583 = arith.constant 0 : i32
    %dma_wait3A_584 = tpu.memref_slice %arg2[%add3A_576, %dma_wait3A_583] : memref<32768x2048xf32, #tpu.memory_space<hbm>> -> memref<16x2048xf32, #tpu.memory_space<hbm>>
    %dma_wait3A_585 = arith.constant 0 : i32
    %dma_wait3A_586 = tpu.memref_slice %arg2[%add3A_576, %dma_wait3A_585] : memref<32768x2048xf32, #tpu.memory_space<hbm>> -> memref<16x2048xf32, #tpu.memory_space<hbm>>
    tpu.wait_dma2 semaphore(%arg6 : memref<!tpu.dma_semaphore, #tpu.memory_space<semaphore_mem>>) src(%dma_wait3A_586 : memref<16x2048xf32, #tpu.memory_space<hbm>>) dst(%arg4 : memref<16x2048xf32, #tpu.memory_space<vmem>>)
    %add3A_587 = arith.constant 784 : i32
    %add3A_588 = arith.addi %mul3A_2, %add3A_587 : i32
    %dma_start3A_589 = arith.constant 0 : i32
    %dma_start3A_590 = tpu.memref_slice %arg2[%add3A_588, %dma_start3A_589] : memref<32768x2048xf32, #tpu.memory_space<hbm>> -> memref<16x2048xf32, #tpu.memory_space<hbm>>
    %dma_start3A_591 = arith.constant 0 : i32
    %dma_start3A_592 = tpu.memref_slice %arg2[%add3A_588, %dma_start3A_591] : memref<32768x2048xf32, #tpu.memory_space<hbm>> -> memref<16x2048xf32, #tpu.memory_space<hbm>>
    tpu.enqueue_dma source(%dma_start3A_592 : memref<16x2048xf32, #tpu.memory_space<hbm>>) target(%arg5 : memref<16x2048xf32, #tpu.memory_space<vmem>>) target_semaphore(%arg6 : memref<!tpu.dma_semaphore, #tpu.memory_space<semaphore_mem>>)
    %add3A_593 = arith.constant 768 : i32
    %add3A_594 = arith.addi %mul3A_2, %add3A_593 : i32
    "tpu.region"() ({
      %run_scoped3A = tpu.sem_alloc : memref<!tpu.dma_semaphore, #tpu.memory_space<semaphore_mem>>
      %dma_start3A_769 = arith.constant 0 : i32
      %dma_start3A_770 = tpu.memref_slice %arg3[%add3A_594, %dma_start3A_769] : memref<32768x2048xf32, #tpu.memory_space<hbm>> -> memref<16x2048xf32, #tpu.memory_space<hbm>>
      %dma_start3A_771 = arith.constant 0 : i32
      %dma_start3A_772 = tpu.memref_slice %arg3[%add3A_594, %dma_start3A_771] : memref<32768x2048xf32, #tpu.memory_space<hbm>> -> memref<16x2048xf32, #tpu.memory_space<hbm>>
      tpu.enqueue_dma source(%arg4 : memref<16x2048xf32, #tpu.memory_space<vmem>>) target(%dma_start3A_772 : memref<16x2048xf32, #tpu.memory_space<hbm>>) target_semaphore(%run_scoped3A : memref<!tpu.dma_semaphore, #tpu.memory_space<semaphore_mem>>)
      %dma_wait3A_773 = arith.constant 0 : i32
      %dma_wait3A_774 = tpu.memref_slice %arg3[%add3A_594, %dma_wait3A_773] : memref<32768x2048xf32, #tpu.memory_space<hbm>> -> memref<16x2048xf32, #tpu.memory_space<hbm>>
      %dma_wait3A_775 = arith.constant 0 : i32
      %dma_wait3A_776 = tpu.memref_slice %arg3[%add3A_594, %dma_wait3A_775] : memref<32768x2048xf32, #tpu.memory_space<hbm>> -> memref<16x2048xf32, #tpu.memory_space<hbm>>
      tpu.wait_dma2 semaphore(%run_scoped3A : memref<!tpu.dma_semaphore, #tpu.memory_space<semaphore_mem>>) src(%arg4 : memref<16x2048xf32, #tpu.memory_space<vmem>>) dst(%dma_wait3A_776 : memref<16x2048xf32, #tpu.memory_space<hbm>>)
      tpu.yield
    }) : () -> ()
    %dma_wait3A_595 = arith.constant 0 : i32
    %dma_wait3A_596 = tpu.memref_slice %arg2[%add3A_588, %dma_wait3A_595] : memref<32768x2048xf32, #tpu.memory_space<hbm>> -> memref<16x2048xf32, #tpu.memory_space<hbm>>
    %dma_wait3A_597 = arith.constant 0 : i32
    %dma_wait3A_598 = tpu.memref_slice %arg2[%add3A_588, %dma_wait3A_597] : memref<32768x2048xf32, #tpu.memory_space<hbm>> -> memref<16x2048xf32, #tpu.memory_space<hbm>>
    tpu.wait_dma2 semaphore(%arg6 : memref<!tpu.dma_semaphore, #tpu.memory_space<semaphore_mem>>) src(%dma_wait3A_598 : memref<16x2048xf32, #tpu.memory_space<hbm>>) dst(%arg5 : memref<16x2048xf32, #tpu.memory_space<vmem>>)
    %add3A_599 = arith.constant 800 : i32
    %add3A_600 = arith.addi %mul3A_2, %add3A_599 : i32
    %dma_start3A_601 = arith.constant 0 : i32
    %dma_start3A_602 = tpu.memref_slice %arg2[%add3A_600, %dma_start3A_601] : memref<32768x2048xf32, #tpu.memory_space<hbm>> -> memref<16x2048xf32, #tpu.memory_space<hbm>>
    %dma_start3A_603 = arith.constant 0 : i32
    %dma_start3A_604 = tpu.memref_slice %arg2[%add3A_600, %dma_start3A_603] : memref<32768x2048xf32, #tpu.memory_space<hbm>> -> memref<16x2048xf32, #tpu.memory_space<hbm>>
    tpu.enqueue_dma source(%dma_start3A_604 : memref<16x2048xf32, #tpu.memory_space<hbm>>) target(%arg4 : memref<16x2048xf32, #tpu.memory_space<vmem>>) target_semaphore(%arg6 : memref<!tpu.dma_semaphore, #tpu.memory_space<semaphore_mem>>)
    %add3A_605 = arith.constant 784 : i32
    %add3A_606 = arith.addi %mul3A_2, %add3A_605 : i32
    "tpu.region"() ({
      %run_scoped3A = tpu.sem_alloc : memref<!tpu.dma_semaphore, #tpu.memory_space<semaphore_mem>>
      %dma_start3A_769 = arith.constant 0 : i32
      %dma_start3A_770 = tpu.memref_slice %arg3[%add3A_606, %dma_start3A_769] : memref<32768x2048xf32, #tpu.memory_space<hbm>> -> memref<16x2048xf32, #tpu.memory_space<hbm>>
      %dma_start3A_771 = arith.constant 0 : i32
      %dma_start3A_772 = tpu.memref_slice %arg3[%add3A_606, %dma_start3A_771] : memref<32768x2048xf32, #tpu.memory_space<hbm>> -> memref<16x2048xf32, #tpu.memory_space<hbm>>
      tpu.enqueue_dma source(%arg5 : memref<16x2048xf32, #tpu.memory_space<vmem>>) target(%dma_start3A_772 : memref<16x2048xf32, #tpu.memory_space<hbm>>) target_semaphore(%run_scoped3A : memref<!tpu.dma_semaphore, #tpu.memory_space<semaphore_mem>>)
      %dma_wait3A_773 = arith.constant 0 : i32
      %dma_wait3A_774 = tpu.memref_slice %arg3[%add3A_606, %dma_wait3A_773] : memref<32768x2048xf32, #tpu.memory_space<hbm>> -> memref<16x2048xf32, #tpu.memory_space<hbm>>
      %dma_wait3A_775 = arith.constant 0 : i32
      %dma_wait3A_776 = tpu.memref_slice %arg3[%add3A_606, %dma_wait3A_775] : memref<32768x2048xf32, #tpu.memory_space<hbm>> -> memref<16x2048xf32, #tpu.memory_space<hbm>>
      tpu.wait_dma2 semaphore(%run_scoped3A : memref<!tpu.dma_semaphore, #tpu.memory_space<semaphore_mem>>) src(%arg5 : memref<16x2048xf32, #tpu.memory_space<vmem>>) dst(%dma_wait3A_776 : memref<16x2048xf32, #tpu.memory_space<hbm>>)
      tpu.yield
    }) : () -> ()
    %dma_wait3A_607 = arith.constant 0 : i32
    %dma_wait3A_608 = tpu.memref_slice %arg2[%add3A_600, %dma_wait3A_607] : memref<32768x2048xf32, #tpu.memory_space<hbm>> -> memref<16x2048xf32, #tpu.memory_space<hbm>>
    %dma_wait3A_609 = arith.constant 0 : i32
    %dma_wait3A_610 = tpu.memref_slice %arg2[%add3A_600, %dma_wait3A_609] : memref<32768x2048xf32, #tpu.memory_space<hbm>> -> memref<16x2048xf32, #tpu.memory_space<hbm>>
    tpu.wait_dma2 semaphore(%arg6 : memref<!tpu.dma_semaphore, #tpu.memory_space<semaphore_mem>>) src(%dma_wait3A_610 : memref<16x2048xf32, #tpu.memory_space<hbm>>) dst(%arg4 : memref<16x2048xf32, #tpu.memory_space<vmem>>)
    %add3A_611 = arith.constant 816 : i32
    %add3A_612 = arith.addi %mul3A_2, %add3A_611 : i32
    %dma_start3A_613 = arith.constant 0 : i32
    %dma_start3A_614 = tpu.memref_slice %arg2[%add3A_612, %dma_start3A_613] : memref<32768x2048xf32, #tpu.memory_space<hbm>> -> memref<16x2048xf32, #tpu.memory_space<hbm>>
    %dma_start3A_615 = arith.constant 0 : i32
    %dma_start3A_616 = tpu.memref_slice %arg2[%add3A_612, %dma_start3A_615] : memref<32768x2048xf32, #tpu.memory_space<hbm>> -> memref<16x2048xf32, #tpu.memory_space<hbm>>
    tpu.enqueue_dma source(%dma_start3A_616 : memref<16x2048xf32, #tpu.memory_space<hbm>>) target(%arg5 : memref<16x2048xf32, #tpu.memory_space<vmem>>) target_semaphore(%arg6 : memref<!tpu.dma_semaphore, #tpu.memory_space<semaphore_mem>>)
    %add3A_617 = arith.constant 800 : i32
    %add3A_618 = arith.addi %mul3A_2, %add3A_617 : i32
    "tpu.region"() ({
      %run_scoped3A = tpu.sem_alloc : memref<!tpu.dma_semaphore, #tpu.memory_space<semaphore_mem>>
      %dma_start3A_769 = arith.constant 0 : i32
      %dma_start3A_770 = tpu.memref_slice %arg3[%add3A_618, %dma_start3A_769] : memref<32768x2048xf32, #tpu.memory_space<hbm>> -> memref<16x2048xf32, #tpu.memory_space<hbm>>
      %dma_start3A_771 = arith.constant 0 : i32
      %dma_start3A_772 = tpu.memref_slice %arg3[%add3A_618, %dma_start3A_771] : memref<32768x2048xf32, #tpu.memory_space<hbm>> -> memref<16x2048xf32, #tpu.memory_space<hbm>>
      tpu.enqueue_dma source(%arg4 : memref<16x2048xf32, #tpu.memory_space<vmem>>) target(%dma_start3A_772 : memref<16x2048xf32, #tpu.memory_space<hbm>>) target_semaphore(%run_scoped3A : memref<!tpu.dma_semaphore, #tpu.memory_space<semaphore_mem>>)
      %dma_wait3A_773 = arith.constant 0 : i32
      %dma_wait3A_774 = tpu.memref_slice %arg3[%add3A_618, %dma_wait3A_773] : memref<32768x2048xf32, #tpu.memory_space<hbm>> -> memref<16x2048xf32, #tpu.memory_space<hbm>>
      %dma_wait3A_775 = arith.constant 0 : i32
      %dma_wait3A_776 = tpu.memref_slice %arg3[%add3A_618, %dma_wait3A_775] : memref<32768x2048xf32, #tpu.memory_space<hbm>> -> memref<16x2048xf32, #tpu.memory_space<hbm>>
      tpu.wait_dma2 semaphore(%run_scoped3A : memref<!tpu.dma_semaphore, #tpu.memory_space<semaphore_mem>>) src(%arg4 : memref<16x2048xf32, #tpu.memory_space<vmem>>) dst(%dma_wait3A_776 : memref<16x2048xf32, #tpu.memory_space<hbm>>)
      tpu.yield
    }) : () -> ()
    %dma_wait3A_619 = arith.constant 0 : i32
    %dma_wait3A_620 = tpu.memref_slice %arg2[%add3A_612, %dma_wait3A_619] : memref<32768x2048xf32, #tpu.memory_space<hbm>> -> memref<16x2048xf32, #tpu.memory_space<hbm>>
    %dma_wait3A_621 = arith.constant 0 : i32
    %dma_wait3A_622 = tpu.memref_slice %arg2[%add3A_612, %dma_wait3A_621] : memref<32768x2048xf32, #tpu.memory_space<hbm>> -> memref<16x2048xf32, #tpu.memory_space<hbm>>
    tpu.wait_dma2 semaphore(%arg6 : memref<!tpu.dma_semaphore, #tpu.memory_space<semaphore_mem>>) src(%dma_wait3A_622 : memref<16x2048xf32, #tpu.memory_space<hbm>>) dst(%arg5 : memref<16x2048xf32, #tpu.memory_space<vmem>>)
    %add3A_623 = arith.constant 832 : i32
    %add3A_624 = arith.addi %mul3A_2, %add3A_623 : i32
    %dma_start3A_625 = arith.constant 0 : i32
    %dma_start3A_626 = tpu.memref_slice %arg2[%add3A_624, %dma_start3A_625] : memref<32768x2048xf32, #tpu.memory_space<hbm>> -> memref<16x2048xf32, #tpu.memory_space<hbm>>
    %dma_start3A_627 = arith.constant 0 : i32
    %dma_start3A_628 = tpu.memref_slice %arg2[%add3A_624, %dma_start3A_627] : memref<32768x2048xf32, #tpu.memory_space<hbm>> -> memref<16x2048xf32, #tpu.memory_space<hbm>>
    tpu.enqueue_dma source(%dma_start3A_628 : memref<16x2048xf32, #tpu.memory_space<hbm>>) target(%arg4 : memref<16x2048xf32, #tpu.memory_space<vmem>>) target_semaphore(%arg6 : memref<!tpu.dma_semaphore, #tpu.memory_space<semaphore_mem>>)
    %add3A_629 = arith.constant 816 : i32
    %add3A_630 = arith.addi %mul3A_2, %add3A_629 : i32
    "tpu.region"() ({
      %run_scoped3A = tpu.sem_alloc : memref<!tpu.dma_semaphore, #tpu.memory_space<semaphore_mem>>
      %dma_start3A_769 = arith.constant 0 : i32
      %dma_start3A_770 = tpu.memref_slice %arg3[%add3A_630, %dma_start3A_769] : memref<32768x2048xf32, #tpu.memory_space<hbm>> -> memref<16x2048xf32, #tpu.memory_space<hbm>>
      %dma_start3A_771 = arith.constant 0 : i32
      %dma_start3A_772 = tpu.memref_slice %arg3[%add3A_630, %dma_start3A_771] : memref<32768x2048xf32, #tpu.memory_space<hbm>> -> memref<16x2048xf32, #tpu.memory_space<hbm>>
      tpu.enqueue_dma source(%arg5 : memref<16x2048xf32, #tpu.memory_space<vmem>>) target(%dma_start3A_772 : memref<16x2048xf32, #tpu.memory_space<hbm>>) target_semaphore(%run_scoped3A : memref<!tpu.dma_semaphore, #tpu.memory_space<semaphore_mem>>)
      %dma_wait3A_773 = arith.constant 0 : i32
      %dma_wait3A_774 = tpu.memref_slice %arg3[%add3A_630, %dma_wait3A_773] : memref<32768x2048xf32, #tpu.memory_space<hbm>> -> memref<16x2048xf32, #tpu.memory_space<hbm>>
      %dma_wait3A_775 = arith.constant 0 : i32
      %dma_wait3A_776 = tpu.memref_slice %arg3[%add3A_630, %dma_wait3A_775] : memref<32768x2048xf32, #tpu.memory_space<hbm>> -> memref<16x2048xf32, #tpu.memory_space<hbm>>
      tpu.wait_dma2 semaphore(%run_scoped3A : memref<!tpu.dma_semaphore, #tpu.memory_space<semaphore_mem>>) src(%arg5 : memref<16x2048xf32, #tpu.memory_space<vmem>>) dst(%dma_wait3A_776 : memref<16x2048xf32, #tpu.memory_space<hbm>>)
      tpu.yield
    }) : () -> ()
    %dma_wait3A_631 = arith.constant 0 : i32
    %dma_wait3A_632 = tpu.memref_slice %arg2[%add3A_624, %dma_wait3A_631] : memref<32768x2048xf32, #tpu.memory_space<hbm>> -> memref<16x2048xf32, #tpu.memory_space<hbm>>
    %dma_wait3A_633 = arith.constant 0 : i32
    %dma_wait3A_634 = tpu.memref_slice %arg2[%add3A_624, %dma_wait3A_633] : memref<32768x2048xf32, #tpu.memory_space<hbm>> -> memref<16x2048xf32, #tpu.memory_space<hbm>>
    tpu.wait_dma2 semaphore(%arg6 : memref<!tpu.dma_semaphore, #tpu.memory_space<semaphore_mem>>) src(%dma_wait3A_634 : memref<16x2048xf32, #tpu.memory_space<hbm>>) dst(%arg4 : memref<16x2048xf32, #tpu.memory_space<vmem>>)
    %add3A_635 = arith.constant 848 : i32
    %add3A_636 = arith.addi %mul3A_2, %add3A_635 : i32
    %dma_start3A_637 = arith.constant 0 : i32
    %dma_start3A_638 = tpu.memref_slice %arg2[%add3A_636, %dma_start3A_637] : memref<32768x2048xf32, #tpu.memory_space<hbm>> -> memref<16x2048xf32, #tpu.memory_space<hbm>>
    %dma_start3A_639 = arith.constant 0 : i32
    %dma_start3A_640 = tpu.memref_slice %arg2[%add3A_636, %dma_start3A_639] : memref<32768x2048xf32, #tpu.memory_space<hbm>> -> memref<16x2048xf32, #tpu.memory_space<hbm>>
    tpu.enqueue_dma source(%dma_start3A_640 : memref<16x2048xf32, #tpu.memory_space<hbm>>) target(%arg5 : memref<16x2048xf32, #tpu.memory_space<vmem>>) target_semaphore(%arg6 : memref<!tpu.dma_semaphore, #tpu.memory_space<semaphore_mem>>)
    %add3A_641 = arith.constant 832 : i32
    %add3A_642 = arith.addi %mul3A_2, %add3A_641 : i32
    "tpu.region"() ({
      %run_scoped3A = tpu.sem_alloc : memref<!tpu.dma_semaphore, #tpu.memory_space<semaphore_mem>>
      %dma_start3A_769 = arith.constant 0 : i32
      %dma_start3A_770 = tpu.memref_slice %arg3[%add3A_642, %dma_start3A_769] : memref<32768x2048xf32, #tpu.memory_space<hbm>> -> memref<16x2048xf32, #tpu.memory_space<hbm>>
      %dma_start3A_771 = arith.constant 0 : i32
      %dma_start3A_772 = tpu.memref_slice %arg3[%add3A_642, %dma_start3A_771] : memref<32768x2048xf32, #tpu.memory_space<hbm>> -> memref<16x2048xf32, #tpu.memory_space<hbm>>
      tpu.enqueue_dma source(%arg4 : memref<16x2048xf32, #tpu.memory_space<vmem>>) target(%dma_start3A_772 : memref<16x2048xf32, #tpu.memory_space<hbm>>) target_semaphore(%run_scoped3A : memref<!tpu.dma_semaphore, #tpu.memory_space<semaphore_mem>>)
      %dma_wait3A_773 = arith.constant 0 : i32
      %dma_wait3A_774 = tpu.memref_slice %arg3[%add3A_642, %dma_wait3A_773] : memref<32768x2048xf32, #tpu.memory_space<hbm>> -> memref<16x2048xf32, #tpu.memory_space<hbm>>
      %dma_wait3A_775 = arith.constant 0 : i32
      %dma_wait3A_776 = tpu.memref_slice %arg3[%add3A_642, %dma_wait3A_775] : memref<32768x2048xf32, #tpu.memory_space<hbm>> -> memref<16x2048xf32, #tpu.memory_space<hbm>>
      tpu.wait_dma2 semaphore(%run_scoped3A : memref<!tpu.dma_semaphore, #tpu.memory_space<semaphore_mem>>) src(%arg4 : memref<16x2048xf32, #tpu.memory_space<vmem>>) dst(%dma_wait3A_776 : memref<16x2048xf32, #tpu.memory_space<hbm>>)
      tpu.yield
    }) : () -> ()
    %dma_wait3A_643 = arith.constant 0 : i32
    %dma_wait3A_644 = tpu.memref_slice %arg2[%add3A_636, %dma_wait3A_643] : memref<32768x2048xf32, #tpu.memory_space<hbm>> -> memref<16x2048xf32, #tpu.memory_space<hbm>>
    %dma_wait3A_645 = arith.constant 0 : i32
    %dma_wait3A_646 = tpu.memref_slice %arg2[%add3A_636, %dma_wait3A_645] : memref<32768x2048xf32, #tpu.memory_space<hbm>> -> memref<16x2048xf32, #tpu.memory_space<hbm>>
    tpu.wait_dma2 semaphore(%arg6 : memref<!tpu.dma_semaphore, #tpu.memory_space<semaphore_mem>>) src(%dma_wait3A_646 : memref<16x2048xf32, #tpu.memory_space<hbm>>) dst(%arg5 : memref<16x2048xf32, #tpu.memory_space<vmem>>)
    %add3A_647 = arith.constant 864 : i32
    %add3A_648 = arith.addi %mul3A_2, %add3A_647 : i32
    %dma_start3A_649 = arith.constant 0 : i32
    %dma_start3A_650 = tpu.memref_slice %arg2[%add3A_648, %dma_start3A_649] : memref<32768x2048xf32, #tpu.memory_space<hbm>> -> memref<16x2048xf32, #tpu.memory_space<hbm>>
    %dma_start3A_651 = arith.constant 0 : i32
    %dma_start3A_652 = tpu.memref_slice %arg2[%add3A_648, %dma_start3A_651] : memref<32768x2048xf32, #tpu.memory_space<hbm>> -> memref<16x2048xf32, #tpu.memory_space<hbm>>
    tpu.enqueue_dma source(%dma_start3A_652 : memref<16x2048xf32, #tpu.memory_space<hbm>>) target(%arg4 : memref<16x2048xf32, #tpu.memory_space<vmem>>) target_semaphore(%arg6 : memref<!tpu.dma_semaphore, #tpu.memory_space<semaphore_mem>>)
    %add3A_653 = arith.constant 848 : i32
    %add3A_654 = arith.addi %mul3A_2, %add3A_653 : i32
    "tpu.region"() ({
      %run_scoped3A = tpu.sem_alloc : memref<!tpu.dma_semaphore, #tpu.memory_space<semaphore_mem>>
      %dma_start3A_769 = arith.constant 0 : i32
      %dma_start3A_770 = tpu.memref_slice %arg3[%add3A_654, %dma_start3A_769] : memref<32768x2048xf32, #tpu.memory_space<hbm>> -> memref<16x2048xf32, #tpu.memory_space<hbm>>
      %dma_start3A_771 = arith.constant 0 : i32
      %dma_start3A_772 = tpu.memref_slice %arg3[%add3A_654, %dma_start3A_771] : memref<32768x2048xf32, #tpu.memory_space<hbm>> -> memref<16x2048xf32, #tpu.memory_space<hbm>>
      tpu.enqueue_dma source(%arg5 : memref<16x2048xf32, #tpu.memory_space<vmem>>) target(%dma_start3A_772 : memref<16x2048xf32, #tpu.memory_space<hbm>>) target_semaphore(%run_scoped3A : memref<!tpu.dma_semaphore, #tpu.memory_space<semaphore_mem>>)
      %dma_wait3A_773 = arith.constant 0 : i32
      %dma_wait3A_774 = tpu.memref_slice %arg3[%add3A_654, %dma_wait3A_773] : memref<32768x2048xf32, #tpu.memory_space<hbm>> -> memref<16x2048xf32, #tpu.memory_space<hbm>>
      %dma_wait3A_775 = arith.constant 0 : i32
      %dma_wait3A_776 = tpu.memref_slice %arg3[%add3A_654, %dma_wait3A_775] : memref<32768x2048xf32, #tpu.memory_space<hbm>> -> memref<16x2048xf32, #tpu.memory_space<hbm>>
      tpu.wait_dma2 semaphore(%run_scoped3A : memref<!tpu.dma_semaphore, #tpu.memory_space<semaphore_mem>>) src(%arg5 : memref<16x2048xf32, #tpu.memory_space<vmem>>) dst(%dma_wait3A_776 : memref<16x2048xf32, #tpu.memory_space<hbm>>)
      tpu.yield
    }) : () -> ()
    %dma_wait3A_655 = arith.constant 0 : i32
    %dma_wait3A_656 = tpu.memref_slice %arg2[%add3A_648, %dma_wait3A_655] : memref<32768x2048xf32, #tpu.memory_space<hbm>> -> memref<16x2048xf32, #tpu.memory_space<hbm>>
    %dma_wait3A_657 = arith.constant 0 : i32
    %dma_wait3A_658 = tpu.memref_slice %arg2[%add3A_648, %dma_wait3A_657] : memref<32768x2048xf32, #tpu.memory_space<hbm>> -> memref<16x2048xf32, #tpu.memory_space<hbm>>
    tpu.wait_dma2 semaphore(%arg6 : memref<!tpu.dma_semaphore, #tpu.memory_space<semaphore_mem>>) src(%dma_wait3A_658 : memref<16x2048xf32, #tpu.memory_space<hbm>>) dst(%arg4 : memref<16x2048xf32, #tpu.memory_space<vmem>>)
    %add3A_659 = arith.constant 880 : i32
    %add3A_660 = arith.addi %mul3A_2, %add3A_659 : i32
    %dma_start3A_661 = arith.constant 0 : i32
    %dma_start3A_662 = tpu.memref_slice %arg2[%add3A_660, %dma_start3A_661] : memref<32768x2048xf32, #tpu.memory_space<hbm>> -> memref<16x2048xf32, #tpu.memory_space<hbm>>
    %dma_start3A_663 = arith.constant 0 : i32
    %dma_start3A_664 = tpu.memref_slice %arg2[%add3A_660, %dma_start3A_663] : memref<32768x2048xf32, #tpu.memory_space<hbm>> -> memref<16x2048xf32, #tpu.memory_space<hbm>>
    tpu.enqueue_dma source(%dma_start3A_664 : memref<16x2048xf32, #tpu.memory_space<hbm>>) target(%arg5 : memref<16x2048xf32, #tpu.memory_space<vmem>>) target_semaphore(%arg6 : memref<!tpu.dma_semaphore, #tpu.memory_space<semaphore_mem>>)
    %add3A_665 = arith.constant 864 : i32
    %add3A_666 = arith.addi %mul3A_2, %add3A_665 : i32
    "tpu.region"() ({
      %run_scoped3A = tpu.sem_alloc : memref<!tpu.dma_semaphore, #tpu.memory_space<semaphore_mem>>
      %dma_start3A_769 = arith.constant 0 : i32
      %dma_start3A_770 = tpu.memref_slice %arg3[%add3A_666, %dma_start3A_769] : memref<32768x2048xf32, #tpu.memory_space<hbm>> -> memref<16x2048xf32, #tpu.memory_space<hbm>>
      %dma_start3A_771 = arith.constant 0 : i32
      %dma_start3A_772 = tpu.memref_slice %arg3[%add3A_666, %dma_start3A_771] : memref<32768x2048xf32, #tpu.memory_space<hbm>> -> memref<16x2048xf32, #tpu.memory_space<hbm>>
      tpu.enqueue_dma source(%arg4 : memref<16x2048xf32, #tpu.memory_space<vmem>>) target(%dma_start3A_772 : memref<16x2048xf32, #tpu.memory_space<hbm>>) target_semaphore(%run_scoped3A : memref<!tpu.dma_semaphore, #tpu.memory_space<semaphore_mem>>)
      %dma_wait3A_773 = arith.constant 0 : i32
      %dma_wait3A_774 = tpu.memref_slice %arg3[%add3A_666, %dma_wait3A_773] : memref<32768x2048xf32, #tpu.memory_space<hbm>> -> memref<16x2048xf32, #tpu.memory_space<hbm>>
      %dma_wait3A_775 = arith.constant 0 : i32
      %dma_wait3A_776 = tpu.memref_slice %arg3[%add3A_666, %dma_wait3A_775] : memref<32768x2048xf32, #tpu.memory_space<hbm>> -> memref<16x2048xf32, #tpu.memory_space<hbm>>
      tpu.wait_dma2 semaphore(%run_scoped3A : memref<!tpu.dma_semaphore, #tpu.memory_space<semaphore_mem>>) src(%arg4 : memref<16x2048xf32, #tpu.memory_space<vmem>>) dst(%dma_wait3A_776 : memref<16x2048xf32, #tpu.memory_space<hbm>>)
      tpu.yield
    }) : () -> ()
    %dma_wait3A_667 = arith.constant 0 : i32
    %dma_wait3A_668 = tpu.memref_slice %arg2[%add3A_660, %dma_wait3A_667] : memref<32768x2048xf32, #tpu.memory_space<hbm>> -> memref<16x2048xf32, #tpu.memory_space<hbm>>
    %dma_wait3A_669 = arith.constant 0 : i32
    %dma_wait3A_670 = tpu.memref_slice %arg2[%add3A_660, %dma_wait3A_669] : memref<32768x2048xf32, #tpu.memory_space<hbm>> -> memref<16x2048xf32, #tpu.memory_space<hbm>>
    tpu.wait_dma2 semaphore(%arg6 : memref<!tpu.dma_semaphore, #tpu.memory_space<semaphore_mem>>) src(%dma_wait3A_670 : memref<16x2048xf32, #tpu.memory_space<hbm>>) dst(%arg5 : memref<16x2048xf32, #tpu.memory_space<vmem>>)
    %add3A_671 = arith.constant 896 : i32
    %add3A_672 = arith.addi %mul3A_2, %add3A_671 : i32
    %dma_start3A_673 = arith.constant 0 : i32
    %dma_start3A_674 = tpu.memref_slice %arg2[%add3A_672, %dma_start3A_673] : memref<32768x2048xf32, #tpu.memory_space<hbm>> -> memref<16x2048xf32, #tpu.memory_space<hbm>>
    %dma_start3A_675 = arith.constant 0 : i32
    %dma_start3A_676 = tpu.memref_slice %arg2[%add3A_672, %dma_start3A_675] : memref<32768x2048xf32, #tpu.memory_space<hbm>> -> memref<16x2048xf32, #tpu.memory_space<hbm>>
    tpu.enqueue_dma source(%dma_start3A_676 : memref<16x2048xf32, #tpu.memory_space<hbm>>) target(%arg4 : memref<16x2048xf32, #tpu.memory_space<vmem>>) target_semaphore(%arg6 : memref<!tpu.dma_semaphore, #tpu.memory_space<semaphore_mem>>)
    %add3A_677 = arith.constant 880 : i32
    %add3A_678 = arith.addi %mul3A_2, %add3A_677 : i32
    "tpu.region"() ({
      %run_scoped3A = tpu.sem_alloc : memref<!tpu.dma_semaphore, #tpu.memory_space<semaphore_mem>>
      %dma_start3A_769 = arith.constant 0 : i32
      %dma_start3A_770 = tpu.memref_slice %arg3[%add3A_678, %dma_start3A_769] : memref<32768x2048xf32, #tpu.memory_space<hbm>> -> memref<16x2048xf32, #tpu.memory_space<hbm>>
      %dma_start3A_771 = arith.constant 0 : i32
      %dma_start3A_772 = tpu.memref_slice %arg3[%add3A_678, %dma_start3A_771] : memref<32768x2048xf32, #tpu.memory_space<hbm>> -> memref<16x2048xf32, #tpu.memory_space<hbm>>
      tpu.enqueue_dma source(%arg5 : memref<16x2048xf32, #tpu.memory_space<vmem>>) target(%dma_start3A_772 : memref<16x2048xf32, #tpu.memory_space<hbm>>) target_semaphore(%run_scoped3A : memref<!tpu.dma_semaphore, #tpu.memory_space<semaphore_mem>>)
      %dma_wait3A_773 = arith.constant 0 : i32
      %dma_wait3A_774 = tpu.memref_slice %arg3[%add3A_678, %dma_wait3A_773] : memref<32768x2048xf32, #tpu.memory_space<hbm>> -> memref<16x2048xf32, #tpu.memory_space<hbm>>
      %dma_wait3A_775 = arith.constant 0 : i32
      %dma_wait3A_776 = tpu.memref_slice %arg3[%add3A_678, %dma_wait3A_775] : memref<32768x2048xf32, #tpu.memory_space<hbm>> -> memref<16x2048xf32, #tpu.memory_space<hbm>>
      tpu.wait_dma2 semaphore(%run_scoped3A : memref<!tpu.dma_semaphore, #tpu.memory_space<semaphore_mem>>) src(%arg5 : memref<16x2048xf32, #tpu.memory_space<vmem>>) dst(%dma_wait3A_776 : memref<16x2048xf32, #tpu.memory_space<hbm>>)
      tpu.yield
    }) : () -> ()
    %dma_wait3A_679 = arith.constant 0 : i32
    %dma_wait3A_680 = tpu.memref_slice %arg2[%add3A_672, %dma_wait3A_679] : memref<32768x2048xf32, #tpu.memory_space<hbm>> -> memref<16x2048xf32, #tpu.memory_space<hbm>>
    %dma_wait3A_681 = arith.constant 0 : i32
    %dma_wait3A_682 = tpu.memref_slice %arg2[%add3A_672, %dma_wait3A_681] : memref<32768x2048xf32, #tpu.memory_space<hbm>> -> memref<16x2048xf32, #tpu.memory_space<hbm>>
    tpu.wait_dma2 semaphore(%arg6 : memref<!tpu.dma_semaphore, #tpu.memory_space<semaphore_mem>>) src(%dma_wait3A_682 : memref<16x2048xf32, #tpu.memory_space<hbm>>) dst(%arg4 : memref<16x2048xf32, #tpu.memory_space<vmem>>)
    %add3A_683 = arith.constant 912 : i32
    %add3A_684 = arith.addi %mul3A_2, %add3A_683 : i32
    %dma_start3A_685 = arith.constant 0 : i32
    %dma_start3A_686 = tpu.memref_slice %arg2[%add3A_684, %dma_start3A_685] : memref<32768x2048xf32, #tpu.memory_space<hbm>> -> memref<16x2048xf32, #tpu.memory_space<hbm>>
    %dma_start3A_687 = arith.constant 0 : i32
    %dma_start3A_688 = tpu.memref_slice %arg2[%add3A_684, %dma_start3A_687] : memref<32768x2048xf32, #tpu.memory_space<hbm>> -> memref<16x2048xf32, #tpu.memory_space<hbm>>
    tpu.enqueue_dma source(%dma_start3A_688 : memref<16x2048xf32, #tpu.memory_space<hbm>>) target(%arg5 : memref<16x2048xf32, #tpu.memory_space<vmem>>) target_semaphore(%arg6 : memref<!tpu.dma_semaphore, #tpu.memory_space<semaphore_mem>>)
    %add3A_689 = arith.constant 896 : i32
    %add3A_690 = arith.addi %mul3A_2, %add3A_689 : i32
    "tpu.region"() ({
      %run_scoped3A = tpu.sem_alloc : memref<!tpu.dma_semaphore, #tpu.memory_space<semaphore_mem>>
      %dma_start3A_769 = arith.constant 0 : i32
      %dma_start3A_770 = tpu.memref_slice %arg3[%add3A_690, %dma_start3A_769] : memref<32768x2048xf32, #tpu.memory_space<hbm>> -> memref<16x2048xf32, #tpu.memory_space<hbm>>
      %dma_start3A_771 = arith.constant 0 : i32
      %dma_start3A_772 = tpu.memref_slice %arg3[%add3A_690, %dma_start3A_771] : memref<32768x2048xf32, #tpu.memory_space<hbm>> -> memref<16x2048xf32, #tpu.memory_space<hbm>>
      tpu.enqueue_dma source(%arg4 : memref<16x2048xf32, #tpu.memory_space<vmem>>) target(%dma_start3A_772 : memref<16x2048xf32, #tpu.memory_space<hbm>>) target_semaphore(%run_scoped3A : memref<!tpu.dma_semaphore, #tpu.memory_space<semaphore_mem>>)
      %dma_wait3A_773 = arith.constant 0 : i32
      %dma_wait3A_774 = tpu.memref_slice %arg3[%add3A_690, %dma_wait3A_773] : memref<32768x2048xf32, #tpu.memory_space<hbm>> -> memref<16x2048xf32, #tpu.memory_space<hbm>>
      %dma_wait3A_775 = arith.constant 0 : i32
      %dma_wait3A_776 = tpu.memref_slice %arg3[%add3A_690, %dma_wait3A_775] : memref<32768x2048xf32, #tpu.memory_space<hbm>> -> memref<16x2048xf32, #tpu.memory_space<hbm>>
      tpu.wait_dma2 semaphore(%run_scoped3A : memref<!tpu.dma_semaphore, #tpu.memory_space<semaphore_mem>>) src(%arg4 : memref<16x2048xf32, #tpu.memory_space<vmem>>) dst(%dma_wait3A_776 : memref<16x2048xf32, #tpu.memory_space<hbm>>)
      tpu.yield
    }) : () -> ()
    %dma_wait3A_691 = arith.constant 0 : i32
    %dma_wait3A_692 = tpu.memref_slice %arg2[%add3A_684, %dma_wait3A_691] : memref<32768x2048xf32, #tpu.memory_space<hbm>> -> memref<16x2048xf32, #tpu.memory_space<hbm>>
    %dma_wait3A_693 = arith.constant 0 : i32
    %dma_wait3A_694 = tpu.memref_slice %arg2[%add3A_684, %dma_wait3A_693] : memref<32768x2048xf32, #tpu.memory_space<hbm>> -> memref<16x2048xf32, #tpu.memory_space<hbm>>
    tpu.wait_dma2 semaphore(%arg6 : memref<!tpu.dma_semaphore, #tpu.memory_space<semaphore_mem>>) src(%dma_wait3A_694 : memref<16x2048xf32, #tpu.memory_space<hbm>>) dst(%arg5 : memref<16x2048xf32, #tpu.memory_space<vmem>>)
    %add3A_695 = arith.constant 928 : i32
    %add3A_696 = arith.addi %mul3A_2, %add3A_695 : i32
    %dma_start3A_697 = arith.constant 0 : i32
    %dma_start3A_698 = tpu.memref_slice %arg2[%add3A_696, %dma_start3A_697] : memref<32768x2048xf32, #tpu.memory_space<hbm>> -> memref<16x2048xf32, #tpu.memory_space<hbm>>
    %dma_start3A_699 = arith.constant 0 : i32
    %dma_start3A_700 = tpu.memref_slice %arg2[%add3A_696, %dma_start3A_699] : memref<32768x2048xf32, #tpu.memory_space<hbm>> -> memref<16x2048xf32, #tpu.memory_space<hbm>>
    tpu.enqueue_dma source(%dma_start3A_700 : memref<16x2048xf32, #tpu.memory_space<hbm>>) target(%arg4 : memref<16x2048xf32, #tpu.memory_space<vmem>>) target_semaphore(%arg6 : memref<!tpu.dma_semaphore, #tpu.memory_space<semaphore_mem>>)
    %add3A_701 = arith.constant 912 : i32
    %add3A_702 = arith.addi %mul3A_2, %add3A_701 : i32
    "tpu.region"() ({
      %run_scoped3A = tpu.sem_alloc : memref<!tpu.dma_semaphore, #tpu.memory_space<semaphore_mem>>
      %dma_start3A_769 = arith.constant 0 : i32
      %dma_start3A_770 = tpu.memref_slice %arg3[%add3A_702, %dma_start3A_769] : memref<32768x2048xf32, #tpu.memory_space<hbm>> -> memref<16x2048xf32, #tpu.memory_space<hbm>>
      %dma_start3A_771 = arith.constant 0 : i32
      %dma_start3A_772 = tpu.memref_slice %arg3[%add3A_702, %dma_start3A_771] : memref<32768x2048xf32, #tpu.memory_space<hbm>> -> memref<16x2048xf32, #tpu.memory_space<hbm>>
      tpu.enqueue_dma source(%arg5 : memref<16x2048xf32, #tpu.memory_space<vmem>>) target(%dma_start3A_772 : memref<16x2048xf32, #tpu.memory_space<hbm>>) target_semaphore(%run_scoped3A : memref<!tpu.dma_semaphore, #tpu.memory_space<semaphore_mem>>)
      %dma_wait3A_773 = arith.constant 0 : i32
      %dma_wait3A_774 = tpu.memref_slice %arg3[%add3A_702, %dma_wait3A_773] : memref<32768x2048xf32, #tpu.memory_space<hbm>> -> memref<16x2048xf32, #tpu.memory_space<hbm>>
      %dma_wait3A_775 = arith.constant 0 : i32
      %dma_wait3A_776 = tpu.memref_slice %arg3[%add3A_702, %dma_wait3A_775] : memref<32768x2048xf32, #tpu.memory_space<hbm>> -> memref<16x2048xf32, #tpu.memory_space<hbm>>
      tpu.wait_dma2 semaphore(%run_scoped3A : memref<!tpu.dma_semaphore, #tpu.memory_space<semaphore_mem>>) src(%arg5 : memref<16x2048xf32, #tpu.memory_space<vmem>>) dst(%dma_wait3A_776 : memref<16x2048xf32, #tpu.memory_space<hbm>>)
      tpu.yield
    }) : () -> ()
    %dma_wait3A_703 = arith.constant 0 : i32
    %dma_wait3A_704 = tpu.memref_slice %arg2[%add3A_696, %dma_wait3A_703] : memref<32768x2048xf32, #tpu.memory_space<hbm>> -> memref<16x2048xf32, #tpu.memory_space<hbm>>
    %dma_wait3A_705 = arith.constant 0 : i32
    %dma_wait3A_706 = tpu.memref_slice %arg2[%add3A_696, %dma_wait3A_705] : memref<32768x2048xf32, #tpu.memory_space<hbm>> -> memref<16x2048xf32, #tpu.memory_space<hbm>>
    tpu.wait_dma2 semaphore(%arg6 : memref<!tpu.dma_semaphore, #tpu.memory_space<semaphore_mem>>) src(%dma_wait3A_706 : memref<16x2048xf32, #tpu.memory_space<hbm>>) dst(%arg4 : memref<16x2048xf32, #tpu.memory_space<vmem>>)
    %add3A_707 = arith.constant 944 : i32
    %add3A_708 = arith.addi %mul3A_2, %add3A_707 : i32
    %dma_start3A_709 = arith.constant 0 : i32
    %dma_start3A_710 = tpu.memref_slice %arg2[%add3A_708, %dma_start3A_709] : memref<32768x2048xf32, #tpu.memory_space<hbm>> -> memref<16x2048xf32, #tpu.memory_space<hbm>>
    %dma_start3A_711 = arith.constant 0 : i32
    %dma_start3A_712 = tpu.memref_slice %arg2[%add3A_708, %dma_start3A_711] : memref<32768x2048xf32, #tpu.memory_space<hbm>> -> memref<16x2048xf32, #tpu.memory_space<hbm>>
    tpu.enqueue_dma source(%dma_start3A_712 : memref<16x2048xf32, #tpu.memory_space<hbm>>) target(%arg5 : memref<16x2048xf32, #tpu.memory_space<vmem>>) target_semaphore(%arg6 : memref<!tpu.dma_semaphore, #tpu.memory_space<semaphore_mem>>)
    %add3A_713 = arith.constant 928 : i32
    %add3A_714 = arith.addi %mul3A_2, %add3A_713 : i32
    "tpu.region"() ({
      %run_scoped3A = tpu.sem_alloc : memref<!tpu.dma_semaphore, #tpu.memory_space<semaphore_mem>>
      %dma_start3A_769 = arith.constant 0 : i32
      %dma_start3A_770 = tpu.memref_slice %arg3[%add3A_714, %dma_start3A_769] : memref<32768x2048xf32, #tpu.memory_space<hbm>> -> memref<16x2048xf32, #tpu.memory_space<hbm>>
      %dma_start3A_771 = arith.constant 0 : i32
      %dma_start3A_772 = tpu.memref_slice %arg3[%add3A_714, %dma_start3A_771] : memref<32768x2048xf32, #tpu.memory_space<hbm>> -> memref<16x2048xf32, #tpu.memory_space<hbm>>
      tpu.enqueue_dma source(%arg4 : memref<16x2048xf32, #tpu.memory_space<vmem>>) target(%dma_start3A_772 : memref<16x2048xf32, #tpu.memory_space<hbm>>) target_semaphore(%run_scoped3A : memref<!tpu.dma_semaphore, #tpu.memory_space<semaphore_mem>>)
      %dma_wait3A_773 = arith.constant 0 : i32
      %dma_wait3A_774 = tpu.memref_slice %arg3[%add3A_714, %dma_wait3A_773] : memref<32768x2048xf32, #tpu.memory_space<hbm>> -> memref<16x2048xf32, #tpu.memory_space<hbm>>
      %dma_wait3A_775 = arith.constant 0 : i32
      %dma_wait3A_776 = tpu.memref_slice %arg3[%add3A_714, %dma_wait3A_775] : memref<32768x2048xf32, #tpu.memory_space<hbm>> -> memref<16x2048xf32, #tpu.memory_space<hbm>>
      tpu.wait_dma2 semaphore(%run_scoped3A : memref<!tpu.dma_semaphore, #tpu.memory_space<semaphore_mem>>) src(%arg4 : memref<16x2048xf32, #tpu.memory_space<vmem>>) dst(%dma_wait3A_776 : memref<16x2048xf32, #tpu.memory_space<hbm>>)
      tpu.yield
    }) : () -> ()
    %dma_wait3A_715 = arith.constant 0 : i32
    %dma_wait3A_716 = tpu.memref_slice %arg2[%add3A_708, %dma_wait3A_715] : memref<32768x2048xf32, #tpu.memory_space<hbm>> -> memref<16x2048xf32, #tpu.memory_space<hbm>>
    %dma_wait3A_717 = arith.constant 0 : i32
    %dma_wait3A_718 = tpu.memref_slice %arg2[%add3A_708, %dma_wait3A_717] : memref<32768x2048xf32, #tpu.memory_space<hbm>> -> memref<16x2048xf32, #tpu.memory_space<hbm>>
    tpu.wait_dma2 semaphore(%arg6 : memref<!tpu.dma_semaphore, #tpu.memory_space<semaphore_mem>>) src(%dma_wait3A_718 : memref<16x2048xf32, #tpu.memory_space<hbm>>) dst(%arg5 : memref<16x2048xf32, #tpu.memory_space<vmem>>)
    %add3A_719 = arith.constant 960 : i32
    %add3A_720 = arith.addi %mul3A_2, %add3A_719 : i32
    %dma_start3A_721 = arith.constant 0 : i32
    %dma_start3A_722 = tpu.memref_slice %arg2[%add3A_720, %dma_start3A_721] : memref<32768x2048xf32, #tpu.memory_space<hbm>> -> memref<16x2048xf32, #tpu.memory_space<hbm>>
    %dma_start3A_723 = arith.constant 0 : i32
    %dma_start3A_724 = tpu.memref_slice %arg2[%add3A_720, %dma_start3A_723] : memref<32768x2048xf32, #tpu.memory_space<hbm>> -> memref<16x2048xf32, #tpu.memory_space<hbm>>
    tpu.enqueue_dma source(%dma_start3A_724 : memref<16x2048xf32, #tpu.memory_space<hbm>>) target(%arg4 : memref<16x2048xf32, #tpu.memory_space<vmem>>) target_semaphore(%arg6 : memref<!tpu.dma_semaphore, #tpu.memory_space<semaphore_mem>>)
    %add3A_725 = arith.constant 944 : i32
    %add3A_726 = arith.addi %mul3A_2, %add3A_725 : i32
    "tpu.region"() ({
      %run_scoped3A = tpu.sem_alloc : memref<!tpu.dma_semaphore, #tpu.memory_space<semaphore_mem>>
      %dma_start3A_769 = arith.constant 0 : i32
      %dma_start3A_770 = tpu.memref_slice %arg3[%add3A_726, %dma_start3A_769] : memref<32768x2048xf32, #tpu.memory_space<hbm>> -> memref<16x2048xf32, #tpu.memory_space<hbm>>
      %dma_start3A_771 = arith.constant 0 : i32
      %dma_start3A_772 = tpu.memref_slice %arg3[%add3A_726, %dma_start3A_771] : memref<32768x2048xf32, #tpu.memory_space<hbm>> -> memref<16x2048xf32, #tpu.memory_space<hbm>>
      tpu.enqueue_dma source(%arg5 : memref<16x2048xf32, #tpu.memory_space<vmem>>) target(%dma_start3A_772 : memref<16x2048xf32, #tpu.memory_space<hbm>>) target_semaphore(%run_scoped3A : memref<!tpu.dma_semaphore, #tpu.memory_space<semaphore_mem>>)
      %dma_wait3A_773 = arith.constant 0 : i32
      %dma_wait3A_774 = tpu.memref_slice %arg3[%add3A_726, %dma_wait3A_773] : memref<32768x2048xf32, #tpu.memory_space<hbm>> -> memref<16x2048xf32, #tpu.memory_space<hbm>>
      %dma_wait3A_775 = arith.constant 0 : i32
      %dma_wait3A_776 = tpu.memref_slice %arg3[%add3A_726, %dma_wait3A_775] : memref<32768x2048xf32, #tpu.memory_space<hbm>> -> memref<16x2048xf32, #tpu.memory_space<hbm>>
      tpu.wait_dma2 semaphore(%run_scoped3A : memref<!tpu.dma_semaphore, #tpu.memory_space<semaphore_mem>>) src(%arg5 : memref<16x2048xf32, #tpu.memory_space<vmem>>) dst(%dma_wait3A_776 : memref<16x2048xf32, #tpu.memory_space<hbm>>)
      tpu.yield
    }) : () -> ()
    %dma_wait3A_727 = arith.constant 0 : i32
    %dma_wait3A_728 = tpu.memref_slice %arg2[%add3A_720, %dma_wait3A_727] : memref<32768x2048xf32, #tpu.memory_space<hbm>> -> memref<16x2048xf32, #tpu.memory_space<hbm>>
    %dma_wait3A_729 = arith.constant 0 : i32
    %dma_wait3A_730 = tpu.memref_slice %arg2[%add3A_720, %dma_wait3A_729] : memref<32768x2048xf32, #tpu.memory_space<hbm>> -> memref<16x2048xf32, #tpu.memory_space<hbm>>
    tpu.wait_dma2 semaphore(%arg6 : memref<!tpu.dma_semaphore, #tpu.memory_space<semaphore_mem>>) src(%dma_wait3A_730 : memref<16x2048xf32, #tpu.memory_space<hbm>>) dst(%arg4 : memref<16x2048xf32, #tpu.memory_space<vmem>>)
    %add3A_731 = arith.constant 976 : i32
    %add3A_732 = arith.addi %mul3A_2, %add3A_731 : i32
    %dma_start3A_733 = arith.constant 0 : i32
    %dma_start3A_734 = tpu.memref_slice %arg2[%add3A_732, %dma_start3A_733] : memref<32768x2048xf32, #tpu.memory_space<hbm>> -> memref<16x2048xf32, #tpu.memory_space<hbm>>
    %dma_start3A_735 = arith.constant 0 : i32
    %dma_start3A_736 = tpu.memref_slice %arg2[%add3A_732, %dma_start3A_735] : memref<32768x2048xf32, #tpu.memory_space<hbm>> -> memref<16x2048xf32, #tpu.memory_space<hbm>>
    tpu.enqueue_dma source(%dma_start3A_736 : memref<16x2048xf32, #tpu.memory_space<hbm>>) target(%arg5 : memref<16x2048xf32, #tpu.memory_space<vmem>>) target_semaphore(%arg6 : memref<!tpu.dma_semaphore, #tpu.memory_space<semaphore_mem>>)
    %add3A_737 = arith.constant 960 : i32
    %add3A_738 = arith.addi %mul3A_2, %add3A_737 : i32
    "tpu.region"() ({
      %run_scoped3A = tpu.sem_alloc : memref<!tpu.dma_semaphore, #tpu.memory_space<semaphore_mem>>
      %dma_start3A_769 = arith.constant 0 : i32
      %dma_start3A_770 = tpu.memref_slice %arg3[%add3A_738, %dma_start3A_769] : memref<32768x2048xf32, #tpu.memory_space<hbm>> -> memref<16x2048xf32, #tpu.memory_space<hbm>>
      %dma_start3A_771 = arith.constant 0 : i32
      %dma_start3A_772 = tpu.memref_slice %arg3[%add3A_738, %dma_start3A_771] : memref<32768x2048xf32, #tpu.memory_space<hbm>> -> memref<16x2048xf32, #tpu.memory_space<hbm>>
      tpu.enqueue_dma source(%arg4 : memref<16x2048xf32, #tpu.memory_space<vmem>>) target(%dma_start3A_772 : memref<16x2048xf32, #tpu.memory_space<hbm>>) target_semaphore(%run_scoped3A : memref<!tpu.dma_semaphore, #tpu.memory_space<semaphore_mem>>)
      %dma_wait3A_773 = arith.constant 0 : i32
      %dma_wait3A_774 = tpu.memref_slice %arg3[%add3A_738, %dma_wait3A_773] : memref<32768x2048xf32, #tpu.memory_space<hbm>> -> memref<16x2048xf32, #tpu.memory_space<hbm>>
      %dma_wait3A_775 = arith.constant 0 : i32
      %dma_wait3A_776 = tpu.memref_slice %arg3[%add3A_738, %dma_wait3A_775] : memref<32768x2048xf32, #tpu.memory_space<hbm>> -> memref<16x2048xf32, #tpu.memory_space<hbm>>
      tpu.wait_dma2 semaphore(%run_scoped3A : memref<!tpu.dma_semaphore, #tpu.memory_space<semaphore_mem>>) src(%arg4 : memref<16x2048xf32, #tpu.memory_space<vmem>>) dst(%dma_wait3A_776 : memref<16x2048xf32, #tpu.memory_space<hbm>>)
      tpu.yield
    }) : () -> ()
    %dma_wait3A_739 = arith.constant 0 : i32
    %dma_wait3A_740 = tpu.memref_slice %arg2[%add3A_732, %dma_wait3A_739] : memref<32768x2048xf32, #tpu.memory_space<hbm>> -> memref<16x2048xf32, #tpu.memory_space<hbm>>
    %dma_wait3A_741 = arith.constant 0 : i32
    %dma_wait3A_742 = tpu.memref_slice %arg2[%add3A_732, %dma_wait3A_741] : memref<32768x2048xf32, #tpu.memory_space<hbm>> -> memref<16x2048xf32, #tpu.memory_space<hbm>>
    tpu.wait_dma2 semaphore(%arg6 : memref<!tpu.dma_semaphore, #tpu.memory_space<semaphore_mem>>) src(%dma_wait3A_742 : memref<16x2048xf32, #tpu.memory_space<hbm>>) dst(%arg5 : memref<16x2048xf32, #tpu.memory_space<vmem>>)
    %add3A_743 = arith.constant 992 : i32
    %add3A_744 = arith.addi %mul3A_2, %add3A_743 : i32
    %dma_start3A_745 = arith.constant 0 : i32
    %dma_start3A_746 = tpu.memref_slice %arg2[%add3A_744, %dma_start3A_745] : memref<32768x2048xf32, #tpu.memory_space<hbm>> -> memref<16x2048xf32, #tpu.memory_space<hbm>>
    %dma_start3A_747 = arith.constant 0 : i32
    %dma_start3A_748 = tpu.memref_slice %arg2[%add3A_744, %dma_start3A_747] : memref<32768x2048xf32, #tpu.memory_space<hbm>> -> memref<16x2048xf32, #tpu.memory_space<hbm>>
    tpu.enqueue_dma source(%dma_start3A_748 : memref<16x2048xf32, #tpu.memory_space<hbm>>) target(%arg4 : memref<16x2048xf32, #tpu.memory_space<vmem>>) target_semaphore(%arg6 : memref<!tpu.dma_semaphore, #tpu.memory_space<semaphore_mem>>)
    %add3A_749 = arith.constant 976 : i32
    %add3A_750 = arith.addi %mul3A_2, %add3A_749 : i32
    "tpu.region"() ({
      %run_scoped3A = tpu.sem_alloc : memref<!tpu.dma_semaphore, #tpu.memory_space<semaphore_mem>>
      %dma_start3A_769 = arith.constant 0 : i32
      %dma_start3A_770 = tpu.memref_slice %arg3[%add3A_750, %dma_start3A_769] : memref<32768x2048xf32, #tpu.memory_space<hbm>> -> memref<16x2048xf32, #tpu.memory_space<hbm>>
      %dma_start3A_771 = arith.constant 0 : i32
      %dma_start3A_772 = tpu.memref_slice %arg3[%add3A_750, %dma_start3A_771] : memref<32768x2048xf32, #tpu.memory_space<hbm>> -> memref<16x2048xf32, #tpu.memory_space<hbm>>
      tpu.enqueue_dma source(%arg5 : memref<16x2048xf32, #tpu.memory_space<vmem>>) target(%dma_start3A_772 : memref<16x2048xf32, #tpu.memory_space<hbm>>) target_semaphore(%run_scoped3A : memref<!tpu.dma_semaphore, #tpu.memory_space<semaphore_mem>>)
      %dma_wait3A_773 = arith.constant 0 : i32
      %dma_wait3A_774 = tpu.memref_slice %arg3[%add3A_750, %dma_wait3A_773] : memref<32768x2048xf32, #tpu.memory_space<hbm>> -> memref<16x2048xf32, #tpu.memory_space<hbm>>
      %dma_wait3A_775 = arith.constant 0 : i32
      %dma_wait3A_776 = tpu.memref_slice %arg3[%add3A_750, %dma_wait3A_775] : memref<32768x2048xf32, #tpu.memory_space<hbm>> -> memref<16x2048xf32, #tpu.memory_space<hbm>>
      tpu.wait_dma2 semaphore(%run_scoped3A : memref<!tpu.dma_semaphore, #tpu.memory_space<semaphore_mem>>) src(%arg5 : memref<16x2048xf32, #tpu.memory_space<vmem>>) dst(%dma_wait3A_776 : memref<16x2048xf32, #tpu.memory_space<hbm>>)
      tpu.yield
    }) : () -> ()
    %dma_wait3A_751 = arith.constant 0 : i32
    %dma_wait3A_752 = tpu.memref_slice %arg2[%add3A_744, %dma_wait3A_751] : memref<32768x2048xf32, #tpu.memory_space<hbm>> -> memref<16x2048xf32, #tpu.memory_space<hbm>>
    %dma_wait3A_753 = arith.constant 0 : i32
    %dma_wait3A_754 = tpu.memref_slice %arg2[%add3A_744, %dma_wait3A_753] : memref<32768x2048xf32, #tpu.memory_space<hbm>> -> memref<16x2048xf32, #tpu.memory_space<hbm>>
    tpu.wait_dma2 semaphore(%arg6 : memref<!tpu.dma_semaphore, #tpu.memory_space<semaphore_mem>>) src(%dma_wait3A_754 : memref<16x2048xf32, #tpu.memory_space<hbm>>) dst(%arg4 : memref<16x2048xf32, #tpu.memory_space<vmem>>)
    %add3A_755 = arith.constant 1008 : i32
    %add3A_756 = arith.addi %mul3A_2, %add3A_755 : i32
    %dma_start3A_757 = arith.constant 0 : i32
    %dma_start3A_758 = tpu.memref_slice %arg2[%add3A_756, %dma_start3A_757] : memref<32768x2048xf32, #tpu.memory_space<hbm>> -> memref<16x2048xf32, #tpu.memory_space<hbm>>
    %dma_start3A_759 = arith.constant 0 : i32
    %dma_start3A_760 = tpu.memref_slice %arg2[%add3A_756, %dma_start3A_759] : memref<32768x2048xf32, #tpu.memory_space<hbm>> -> memref<16x2048xf32, #tpu.memory_space<hbm>>
    tpu.enqueue_dma source(%dma_start3A_760 : memref<16x2048xf32, #tpu.memory_space<hbm>>) target(%arg5 : memref<16x2048xf32, #tpu.memory_space<vmem>>) target_semaphore(%arg6 : memref<!tpu.dma_semaphore, #tpu.memory_space<semaphore_mem>>)
    %add3A_761 = arith.constant 992 : i32
    %add3A_762 = arith.addi %mul3A_2, %add3A_761 : i32
    "tpu.region"() ({
      %run_scoped3A = tpu.sem_alloc : memref<!tpu.dma_semaphore, #tpu.memory_space<semaphore_mem>>
      %dma_start3A_769 = arith.constant 0 : i32
      %dma_start3A_770 = tpu.memref_slice %arg3[%add3A_762, %dma_start3A_769] : memref<32768x2048xf32, #tpu.memory_space<hbm>> -> memref<16x2048xf32, #tpu.memory_space<hbm>>
      %dma_start3A_771 = arith.constant 0 : i32
      %dma_start3A_772 = tpu.memref_slice %arg3[%add3A_762, %dma_start3A_771] : memref<32768x2048xf32, #tpu.memory_space<hbm>> -> memref<16x2048xf32, #tpu.memory_space<hbm>>
      tpu.enqueue_dma source(%arg4 : memref<16x2048xf32, #tpu.memory_space<vmem>>) target(%dma_start3A_772 : memref<16x2048xf32, #tpu.memory_space<hbm>>) target_semaphore(%run_scoped3A : memref<!tpu.dma_semaphore, #tpu.memory_space<semaphore_mem>>)
      %dma_wait3A_773 = arith.constant 0 : i32
      %dma_wait3A_774 = tpu.memref_slice %arg3[%add3A_762, %dma_wait3A_773] : memref<32768x2048xf32, #tpu.memory_space<hbm>> -> memref<16x2048xf32, #tpu.memory_space<hbm>>
      %dma_wait3A_775 = arith.constant 0 : i32
      %dma_wait3A_776 = tpu.memref_slice %arg3[%add3A_762, %dma_wait3A_775] : memref<32768x2048xf32, #tpu.memory_space<hbm>> -> memref<16x2048xf32, #tpu.memory_space<hbm>>
      tpu.wait_dma2 semaphore(%run_scoped3A : memref<!tpu.dma_semaphore, #tpu.memory_space<semaphore_mem>>) src(%arg4 : memref<16x2048xf32, #tpu.memory_space<vmem>>) dst(%dma_wait3A_776 : memref<16x2048xf32, #tpu.memory_space<hbm>>)
      tpu.yield
    }) : () -> ()
    %dma_wait3A_763 = arith.constant 0 : i32
    %dma_wait3A_764 = tpu.memref_slice %arg2[%add3A_756, %dma_wait3A_763] : memref<32768x2048xf32, #tpu.memory_space<hbm>> -> memref<16x2048xf32, #tpu.memory_space<hbm>>
    %dma_wait3A_765 = arith.constant 0 : i32
    %dma_wait3A_766 = tpu.memref_slice %arg2[%add3A_756, %dma_wait3A_765] : memref<32768x2048xf32, #tpu.memory_space<hbm>> -> memref<16x2048xf32, #tpu.memory_space<hbm>>
    tpu.wait_dma2 semaphore(%arg6 : memref<!tpu.dma_semaphore, #tpu.memory_space<semaphore_mem>>) src(%dma_wait3A_766 : memref<16x2048xf32, #tpu.memory_space<hbm>>) dst(%arg5 : memref<16x2048xf32, #tpu.memory_space<vmem>>)
    %add3A_767 = arith.constant 1008 : i32
    %add3A_768 = arith.addi %mul3A_2, %add3A_767 : i32
    "tpu.region"() ({
      %run_scoped3A = tpu.sem_alloc : memref<!tpu.dma_semaphore, #tpu.memory_space<semaphore_mem>>
      %dma_start3A_769 = arith.constant 0 : i32
      %dma_start3A_770 = tpu.memref_slice %arg3[%add3A_768, %dma_start3A_769] : memref<32768x2048xf32, #tpu.memory_space<hbm>> -> memref<16x2048xf32, #tpu.memory_space<hbm>>
      %dma_start3A_771 = arith.constant 0 : i32
      %dma_start3A_772 = tpu.memref_slice %arg3[%add3A_768, %dma_start3A_771] : memref<32768x2048xf32, #tpu.memory_space<hbm>> -> memref<16x2048xf32, #tpu.memory_space<hbm>>
      tpu.enqueue_dma source(%arg5 : memref<16x2048xf32, #tpu.memory_space<vmem>>) target(%dma_start3A_772 : memref<16x2048xf32, #tpu.memory_space<hbm>>) target_semaphore(%run_scoped3A : memref<!tpu.dma_semaphore, #tpu.memory_space<semaphore_mem>>)
      %dma_wait3A_773 = arith.constant 0 : i32
      %dma_wait3A_774 = tpu.memref_slice %arg3[%add3A_768, %dma_wait3A_773] : memref<32768x2048xf32, #tpu.memory_space<hbm>> -> memref<16x2048xf32, #tpu.memory_space<hbm>>
      %dma_wait3A_775 = arith.constant 0 : i32
      %dma_wait3A_776 = tpu.memref_slice %arg3[%add3A_768, %dma_wait3A_775] : memref<32768x2048xf32, #tpu.memory_space<hbm>> -> memref<16x2048xf32, #tpu.memory_space<hbm>>
      tpu.wait_dma2 semaphore(%run_scoped3A : memref<!tpu.dma_semaphore, #tpu.memory_space<semaphore_mem>>) src(%arg5 : memref<16x2048xf32, #tpu.memory_space<vmem>>) dst(%dma_wait3A_776 : memref<16x2048xf32, #tpu.memory_space<hbm>>)
      tpu.yield
    }) : () -> ()
    return
  }
}

</mosaic_0001>

<sc_bundles>
// kernel: kernel.3.cloned.1.call-start
scs
__scs_entry_jumppad:
0x0: {  	(pc) =	sbr.rel $0x88, $3  }
0x1: {  	(tag) =	ssettag $0x0;
	lr =	simm.s32 $0x1  }
0x2: {  	[smem:$0x3FA0] =	sst lr;
	_ =	strace $0xD0000000  }
0x3: {  	_ = 	snop  }
0x4: {  	_ = 	snop  }
0x5: {  	_ = 	snop  }
0x6: {  	_ = 	snop  }
0x7: {  	_ = 	snop  }
__scs_overlays_trampoline_lowered:
0x8: {  	[smem:$0x3FAF] =	sst s0  }
0x9: {  	[smem:$0x3FB0] =	sst s1  }
0xa: {  	[smem:$0x3FB1] =	sst s2  }
0xb: {  	[smem:$0x3FB2] =	sst s3  }
0xc: {  	[smem:$0x3FB3] =	sst s4  }
0xd: {  	[smem:$0x3FB4] =	sst s5  }
0xe: {  	[smem:$0x3FB5] =	sst s6  }
0xf: {  	[smem:$0x3FB6] =	sst s7  }
0x10: {  	[smem:$0x3FB7] =	sst s8  }
0x11: {  	[smem:$0x3FB8] =	sst s9;
	s0 =	simm.s32 @!p0 $0x0  }
0x12: {  	s1 =	sld [smem:$0x3F9E];
	s0 =	simm.s32 @p0 $0x1  }
0x13: {  	[smem:$0x3FB9] =	sst s0;
	s0 =	simm.s32 @!p1 $0x0  }
0x14: {  	s2 =	sld [smem:$0x3F9D];
	s0 =	simm.s32 @p1 $0x1  }
0x15: {  	[smem:$0x3FBA] =	sst s0;
	s0 =	simm.s32 @!p2 $0x0  }
0x16: {  	s3 =	sld [smem:$0x3FDB];
	s0 =	simm.s32 @p2 $0x1  }
0x17: {  	s4 =	simm.s32 $0x1BF5;
	[smem:$0x3FBC] =	sst s0  }
0x18: {  	s0 =	sld [smem:$0x3F9F];
	_ =	swait.ge [sflag:s4], $0x0  }
0x19: {  	s7 =	sld [smem:$0x3FA0]  }
0x1a: {  	s8 =	sadd.s32 $0xFFFFE003, lr  }
0x1b: {  	s9 =	sadd.s32 $0xFFFFFEF7, lr;
	s5 =	simm.s32 $0xFFFFFFFF;
	p2 =	slt.u32 s8, $0xFFFFF086  }
0x1c: {  	p1 =	slt.u32 s9, $0xF7A;
	s5 =	simm.s32 @!p2 $0x0  }
0x1d: {  	s5 =	simm.s32 @p1 $0x1;
	p0 =	seq.s32 s7, s2  }
0x1e: {  	s7 =	smul.u32 @!p0 $0xF7A, s2;
	p2 =	seq.s32 @!p0 s5, $0x0  }
0x1f: {  	s9 =	smul.u32 $0xF7A, s1;
	s8 =	simm.s32 @!p0 $0x1BF5;
	p2 =	por !p2, p0  }
0x20: {  	[sflag:s8] =	ssyncset.s32 @!p0 $0xFFFFF086;
	s6 =	sadd.s32 @!p0 s3, s7;
	s7 =	simm.s32 @!p0 $0x108  }
0x21: {  	s3 =	sadd.s32 s3, s9;
	s6 =	sadd.s32 @!p0 $0x88, s6;
	s7 =	simm.s32 @p2 $0x1082  }
0x22: {  	[simem:s7], [sflag:s8] =	dma.local @!p0 [hbm:s6], $0xF7A  }
0x23: {  	s9 =	sor.u32 $0xD0000000, s2;
	s6 =	simm.s32 $0x108;
	_ =	swait.ge @!p0 [sflag:s8], $0x0  }
0x24: {  	s3 =	sadd.s32 $0x88, s3;
	s6 =	simm.s32 @!p1 $0x1082;
	[sflag:s4] =	ssyncset.s32 $0xFFFFF086  }
0x25: {  	[simem:s6], [sflag:s4] =	dma.local [hbm:s3], $0xF7A  }
0x26: {  	[smem:$0x3FA0] =	sst s1;
	(tag) =	ssettag s2;
	_ =	strace s9  }
0x27: {  	s1 =	sld [smem:$0x3FB0]  }
0x28: {  	s2 =	sld [smem:$0x3FB1]  }
0x29: {  	s4 =	sld [smem:$0x3FB3]  }
0x2a: {  	p0 =	seq.s32 s5, $0x0;
	s5 =	sld [smem:$0x3FB4]  }
0x2b: {  	s6 =	sld [smem:$0x3FB5]  }
0x2c: {  	s7 =	sld [smem:$0x3FB6]  }
0x2d: {  	s3 =	simm.s32 $0x108;
	s8 =	sld [smem:$0x3FB7]  }
0x2e: {  	s3 =	simm.s32 @!p0 $0x1082;
	s9 =	sld [smem:$0x3FB8]  }
0x2f: {  	lr =	sadd.s32 s0, s3;
	s0 =	sld [smem:$0x3FAF]  }
0x30: {  	s3 =	sld [smem:$0x3FB2]  }
0x31: {  	[smem:$0x3FBB] =	sst s10  }
0x32: {  	s10 =	sld [smem:$0x3FB9];
	_ =	sdelay $0x3  }
0x33: {  	p0 =	seq.s32 s10, $0x1;
	s10 =	sld [smem:$0x3FBB];
	_ =	sdelay $0x3  }
0x34: {  	[smem:$0x3FBB] =	sst s10  }
0x35: {  	s10 =	sld [smem:$0x3FBA];
	_ =	sdelay $0x3  }
0x36: {  	p1 =	seq.s32 s10, $0x1;
	s10 =	sld [smem:$0x3FBB];
	_ =	sdelay $0x3  }
0x37: {  	[smem:$0x3FBB] =	sst s10  }
0x38: {  	s10 =	sld [smem:$0x3FBC]  }
0x39: {  	_ = 	snop;
	(pc) =	sbr.ind lr, $3  }
0x3a: {  	_ = 	snop  }
0x3b: {  	_ = 	snop  }
0x3c: {  	p2 =	seq.s32 s10, $0x1;
	s10 =	sld [smem:$0x3FBB]  }
0x3d: {  	_ =	shalt  }
0x3e: {  	_ =	shalt  }
0x3f: {  	_ =	shalt  }
0x40: {  	_ =	shalt  }
0x41: {  	_ =	shalt  }
0x42: {  	_ =	shalt  }
0x43: {  	_ =	shalt  }
0x44: {  	_ =	shalt  }
0x45: {  	_ =	shalt  }
0x46: {  	_ =	shalt  }
0x47: {  	_ =	shalt  }
0x48: {  	_ =	shalt  }
0x49: {  	_ =	shalt  }
0x4a: {  	_ =	shalt  }
0x4b: {  	_ =	shalt  }
0x4c: {  	_ =	shalt  }
0x4d: {  	_ =	shalt  }
0x4e: {  	_ =	shalt  }
0x4f: {  	_ =	shalt  }
0x50: {  	_ =	shalt  }
0x51: {  	_ =	shalt  }
0x52: {  	_ =	shalt  }
0x53: {  	_ =	shalt  }
0x54: {  	_ =	shalt  }
0x55: {  	_ =	shalt  }
0x56: {  	_ =	shalt  }
0x57: {  	_ =	shalt  }
0x58: {  	_ =	shalt  }
0x59: {  	_ =	shalt  }
0x5a: {  	_ =	shalt  }
0x5b: {  	_ =	shalt  }
0x5c: {  	_ =	shalt  }
0x5d: {  	_ =	shalt  }
0x5e: {  	_ =	shalt  }
0x5f: {  	_ =	shalt  }
0x60: {  	_ =	shalt  }
0x61: {  	_ =	shalt  }
0x62: {  	_ =	shalt  }
0x63: {  	_ =	shalt  }
0x64: {  	_ =	shalt  }
0x65: {  	_ =	shalt  }
0x66: {  	_ =	shalt  }
0x67: {  	_ =	shalt  }
0x68: {  	_ =	shalt  }
0x69: {  	_ =	shalt  }
0x6a: {  	_ =	shalt  }
0x6b: {  	_ =	shalt  }
0x6c: {  	_ =	shalt  }
0x6d: {  	_ =	shalt  }
0x6e: {  	_ =	shalt  }
0x6f: {  	_ =	shalt  }
0x70: {  	_ =	shalt  }
0x71: {  	_ =	shalt  }
0x72: {  	_ =	shalt  }
0x73: {  	_ =	shalt  }
0x74: {  	_ =	shalt  }
0x75: {  	_ =	shalt  }
0x76: {  	_ =	shalt  }
0x77: {  	_ =	shalt  }
0x78: {  	_ =	shalt  }
0x79: {  	_ =	shalt  }
0x7a: {  	_ =	shalt  }
0x7b: {  	_ =	shalt  }
0x7c: {  	_ =	shalt  }
0x7d: {  	_ =	shalt  }
0x7e: {  	_ =	shalt  }
0x7f: {  	_ =	shalt  }
0x80: {  	_ =	shalt  }
0x81: {  	_ =	shalt  }
0x82: {  	_ =	shalt  }
0x83: {  	_ =	shalt  }
0x84: {  	_ =	shalt  }
0x85: {  	_ =	shalt  }
0x86: {  	_ =	shalt  }
0x87: {  	_ =	shalt  }
.Lfunc_end0:
.L_simem_size_0:
called_computation_lowered:
.L_overlay_start_0:
0x88: {  	s2 =	sld [smem:$0x3FD9]  }
0x89: {  	s3 =	sld [smem:$0x3FFE];
	_ =	sdelay $0x1  }
0x8a: {  	s1 =	srdreg.scid  }
0x8b: {  	s0 =	sand.u32 $0x1, s1  }
0x8c: {  	s18 =	sshll.u32 s0, $0xA;
	s2 =	sadd.s32 s3, s2  }
0x8d: {  	s2 =	sadd.s32 s2, s18  }
0x8e: {  	[smem:$0x3FC7] =	sst s2  }
0x8f: {  	_ = 	snop  }
0x90: {  	s2 =	sld [smem:$0x3FC9]  }
0x91: {  	s19 =	sld [smem:$0x3FD0];
	(tm) =	ssettm $0x1  }
0x92: {  	s4 =	sld [smem:$0x3FFB];
	_ =	sdelay $0x3  }
0x93: {  	_ =	strace s4  }
0x94: {  	s4 =	sld [smem:$0x3FFC];
	_ =	sdelay $0x3  }
0x95: {  	_ =	strace s4  }
0x96: {  	s4 =	sld [smem:$0x3FFD];
	_ =	sdelay $0x3  }
0x97: {  	_ =	strace s4  }
0x98: {  	_ =	strace $0x8FFFFFFF  }
0x99: {  	s20 =	sld [smem:$0x3FDB];
	_ =	sdelay $0x1  }
0x9a: {  	s5 =	simm.s32 $_scs_section_size  }
0x9b: {  	s6 =	simm.s32 $_size__tile_overlayer_lowered;
	s7 =	simm.s32 $_tile_overlayer_lowered  }
0x9c: {  	s23 =	simm.s32 $0x1BFF;
	s22 =	sshll.u32 s7, $0x1;
	s4 =	sadd.s32 s5, s20  }
0x9d: {  	s8 =	simm.s32 $0x0;
	s21 =	sshll.u32 s6, $0x1;
	s6 =	sadd.s32 s22, s4  }
0x9e: {  	[timem:s8], [sflag:s23] =	dma.local [hbm:s6], s21  }
0x9f: {  	_ =	swait.ge [sflag:s23], s21  }
0xa0: {  	s5 =	ssub.s32 $0x0, s21;
	[sflag:s23] =	ssyncset.done $0x0  }
0xa1: {  	[sflag:s23] =	ssyncadd.s32 s5;
	_ =	sdelay $0x1  }
0xa2: {  	s24 =	simm.s32 $0x1B8B  }
0xa3: {  	_ =	swait.ge [sflag:s24], $0x1  }
0xa4: {  	[sflag:s24] =	ssyncset.done $0x0  }
0xa5: {  	s25 =	simm.s32 $0x1B8E;
	[sflag:s24] =	ssyncadd.s32 $0xFFFFFFFF  }
0xa6: {  	s26 =	simm.s32 $execute0_lowered;
	[smem:$0x3FD2] =	sst s25  }
0xa7: {  	s5 =	sshll.u32 s26, $0x1;
	_ =	strace $0x80000046;
	[dreg:$0x1] =	wrdreg $0xFFFFFFFF  }
0xa8: {  	s28 =	simm.s32 $_size_execute0_lowered;
	s4 =	sadd.s32 s4, s5;
	[dreg:$0x0] =	wrdreg $0x0  }
0xa9: {  	s5 =	sshll.u32 s28, $0x1;
	[dreg:$0x2] =	wrdreg s4  }
0xaa: {  	[dreg:$0x3] =	wrdreg s5  }
0xab: {  	[dreg:$0x4] =	wrdreg $0xC0  }
0xac: {  	_ =	task [dreg:s8], $0x5FFFF  }
0xad: {  	[dreg:$0x1] =	wrdreg $0xFFFFFFFF  }
0xae: {  	[dreg:$0x0] =	wrdreg $0x60  }
0xaf: {  	[dreg:$0x2] =	wrdreg s2  }
0xb0: {  	[dreg:$0x3] =	wrdreg s19  }
0xb1: {  	[dreg:$0x4] =	wrdreg $0x9  }
0xb2: {  	_ =	task.clear_ibuf [dreg:s8], $0x5FFFF;
	_ =	strace $0x90000046  }
0xb3: {  	s29 =	simm.s32 $0x9;
	_ =	strace $0x80000048  }
0xb4: {  	_ =	swait.ge [sflag:s29], $0x1  }
0xb5: {  	[sflag:s29] =	ssyncadd.s32 $0xFFFFFFFF  }
0xb6: {  	_ =	strace $0x90000048  }
0xb7: {  	_ =	sfence  }
0xb8: {  	s30 =	sld [smem:$0x0];
	_ =	sdelay $0x2  }
0xb9: {  	s31 =	sshll.u32 s1, $0xD;
	s1 =	sshrl.u32 s1, $0x2  }
0xba: {  	s3 =	sand.u32 $0x4000, s31;
	s1 =	sadd.s32 s1, s30  }
0xbb: {  	s0 =	sor.u32 s3, s0;
	s1 =	sshll.u32 s1, $0x11  }
0xbc: {  	s0 =	sor.u32 s1, s0  }
0xbd: {  	s0 =	sadd.s32 $0x8F2B, s0  }
0xbe: {  	[sflag:s0] =	ssyncadd.remote.s32 $0x1  }
0xbf: {  	_ =	sfence.sel $0xFFFF  }
0xc0: {  	[dreg:$0x0] =	wrdreg $0xFFFFFFFF;
	(pc) =	sbr.abs _section_cstart, $3  }
0xc1: {  	[dreg:$0x1] =	wrdreg $0xFFFFFFFF  }
0xc2: {  	_ =	task.clear_ibuf [dreg:s8], $0x2FFFF;
	_ =	strace $0x9FFFFFFF  }
0xc3: {  	(tm) =	ssettm $0x7FFFFFFF  }
tec
execute0_lowered:
.L_overlay_start_1:
0x0: {  	(tag) =	ssettag $0x1  }
0x1: {  	s1 =	srdreg.scid  }
0x2: {  	s3 =	rddreg [dreg:$0x0];
	s4 =	stileid.u32;
	s5 =	sand.u32 $0x1, s1  }
0x3: {  	s2 =	simm.s32 $0x0;
	s13 =	sshll.u32 s4, $0x13;
	s14 =	sshll.u32 s5, $0x12  }
0x4: {  	[smem:$0x7FF] =	sst s2;
	s4 =	sor.u32 s14, s13  }
0x5: {  	s0 =	rddreg [dreg:$0x1];
	_ =	strace $0x80000047;
	s1 =	sadd.s32 s3, s4  }
0x6: {  	s6 =	sor.u32 $0x1000, s4;
	s16 =	sadd.s32 s0, s4;
	[dreg:$0x3] =	wrdreg s1  }
0x7: {  	s7 =	sor.u32 $0x2000, s4;
	s15 =	sadd.s32 s3, s6;
	[dreg:$0x5] =	wrdreg s16  }
0x8: {  	s17 =	sadd.s32 s3, s7;
	[dreg:$0x4] =	wrdreg s15  }
0x9: {  	s19 =	sor.u32 $0x3000, s4;
	s18 =	sadd.s32 s0, s6;
	[dreg:$0x6] =	wrdreg s17  }
0xa: {  	s20 =	sadd.s32 s3, s19;
	[dreg:$0x7] =	wrdreg s18  }
0xb: {  	s22 =	sor.u32 $0x4000, s4;
	s21 =	sadd.s32 s0, s7;
	[dreg:$0x8] =	wrdreg s20  }
0xc: {  	s23 =	sadd.s32 s3, s22;
	[dreg:$0x9] =	wrdreg s21  }
0xd: {  	s25 =	sor.u32 $0x5000, s4;
	s24 =	sadd.s32 s0, s19;
	[dreg:$0xa] =	wrdreg s23  }
0xe: {  	s26 =	sadd.s32 s3, s25;
	[dreg:$0xb] =	wrdreg s24  }
0xf: {  	s8 =	sor.u32 $0x6000, s4;
	s7 =	sadd.s32 s0, s22;
	[dreg:$0xc] =	wrdreg s26  }
0x10: {  	s9 =	sadd.s32 s3, s8;
	[dreg:$0xd] =	wrdreg s7  }
0x11: {  	s11 =	sor.u32 $0x7000, s4;
	s10 =	sadd.s32 s0, s25;
	[dreg:$0xe] =	wrdreg s9  }
0x12: {  	s12 =	sadd.s32 s3, s11;
	[dreg:$0xf] =	wrdreg s10  }
0x13: {  	s13 =	sadd.s32 s0, s8;
	[dreg:$0x10] =	wrdreg s12  }
0x14: {  	s14 =	sor.u32 $0x8000, s4;
	s16 =	sadd.s32 s0, s11;
	[dreg:$0x11] =	wrdreg s13  }
0x15: {  	s19 =	sadd.s32 s0, s14;
	[dreg:$0x13] =	wrdreg s16  }
0x16: {  	[dreg:$0x15] =	wrdreg s19  }
0x17: {  	s15 =	sadd.s32 s3, s14;
	s17 =	sor.u32 $0x9000, s4;
	s1 =	rddreg [dreg:$0x3]  }
0x18: {  	s20 =	sor.u32 $0xA000, s4;
	[dreg:$0x12] =	wrdreg s15;
	s18 =	sadd.s32 s3, s17  }
0x19: {  	s21 =	sadd.s32 s3, s20;
	[dreg:$0x14] =	wrdreg s18  }
0x1a: {  	s23 =	sor.u32 $0xB000, s4;
	s22 =	sadd.s32 s0, s17;
	[dreg:$0x16] =	wrdreg s21  }
0x1b: {  	s24 =	sadd.s32 s3, s23;
	[dreg:$0x17] =	wrdreg s22  }
0x1c: {  	s26 =	sor.u32 $0xC000, s4;
	s25 =	sadd.s32 s0, s20;
	[dreg:$0x18] =	wrdreg s24  }
0x1d: {  	s8 =	sadd.s32 s3, s26;
	[dreg:$0x19] =	wrdreg s25  }
0x1e: {  	s10 =	sor.u32 $0xD000, s4;
	s9 =	sadd.s32 s0, s23;
	[dreg:$0x1a] =	wrdreg s8  }
0x1f: {  	s11 =	sadd.s32 s3, s10;
	[dreg:$0x1b] =	wrdreg s9  }
0x20: {  	s13 =	sor.u32 $0xE000, s4;
	s12 =	sadd.s32 s0, s26;
	[dreg:$0x1c] =	wrdreg s11  }
0x21: {  	s14 =	sadd.s32 s3, s13;
	[dreg:$0x1d] =	wrdreg s12  }
0x22: {  	s16 =	sor.u32 $0xF000, s4;
	s15 =	sadd.s32 s0, s10;
	[dreg:$0x1e] =	wrdreg s14  }
0x23: {  	s19 =	sor.u32 $0x10000, s4;
	s17 =	sadd.s32 s3, s16;
	[dreg:$0x1f] =	wrdreg s15  }
0x24: {  	s20 =	sadd.s32 s3, s19;
	[smem:$0x7B4] =	sst s17  }
0x25: {  	s18 =	sadd.s32 s0, s13;
	[smem:$0x7B6] =	sst s20  }
0x26: {  	s21 =	sadd.s32 s0, s16;
	[smem:$0x7B5] =	sst s18  }
0x27: {  	s22 =	sor.u32 $0x11000, s4;
	s24 =	sadd.s32 s0, s19;
	[smem:$0x7B7] =	sst s21  }
0x28: {  	s25 =	sor.u32 $0x12000, s4;
	s23 =	sadd.s32 s3, s22;
	[smem:$0x7B9] =	sst s24  }
0x29: {  	s26 =	sadd.s32 s3, s25;
	[smem:$0x7B8] =	sst s23  }
0x2a: {  	s8 =	sor.u32 $0x13000, s4;
	s6 =	sadd.s32 s0, s22;
	[smem:$0x7BA] =	sst s26  }
0x2b: {  	s9 =	sadd.s32 s3, s8;
	[smem:$0x7BB] =	sst s6  }
0x2c: {  	s11 =	sor.u32 $0x14000, s4;
	s10 =	sadd.s32 s0, s25;
	[smem:$0x7BC] =	sst s9  }
0x2d: {  	s12 =	sadd.s32 s3, s11;
	[smem:$0x7BD] =	sst s10  }
0x2e: {  	s14 =	sor.u32 $0x15000, s4;
	s13 =	sadd.s32 s0, s8;
	[smem:$0x7BE] =	sst s12  }
0x2f: {  	s15 =	sadd.s32 s3, s14;
	[smem:$0x7BF] =	sst s13  }
0x30: {  	s17 =	sor.u32 $0x16000, s4;
	s16 =	sadd.s32 s0, s11;
	[smem:$0x7C0] =	sst s15  }
0x31: {  	s18 =	sadd.s32 s3, s17;
	[smem:$0x7C1] =	sst s16  }
0x32: {  	s20 =	sor.u32 $0x17000, s4;
	s19 =	sadd.s32 s0, s14;
	[smem:$0x7C2] =	sst s18  }
0x33: {  	s21 =	sadd.s32 s3, s20;
	[smem:$0x7C3] =	sst s19  }
0x34: {  	s22 =	sadd.s32 s0, s17;
	[smem:$0x7C4] =	sst s21  }
0x35: {  	s25 =	sadd.s32 s0, s20;
	s23 =	sor.u32 $0x18000, s4;
	[smem:$0x7C5] =	sst s22  }
0x36: {  	s26 =	sor.u32 $0x19000, s4;
	[smem:$0x7C7] =	sst s25;
	s24 =	sadd.s32 s3, s23  }
0x37: {  	s8 =	sadd.s32 s3, s26;
	[smem:$0x7C6] =	sst s24  }
0x38: {  	s10 =	sor.u32 $0x1A000, s4;
	s9 =	sadd.s32 s0, s23;
	[smem:$0x7C8] =	sst s8  }
0x39: {  	s11 =	sadd.s32 s3, s10;
	[smem:$0x7C9] =	sst s9  }
0x3a: {  	s13 =	sor.u32 $0x1B000, s4;
	s12 =	sadd.s32 s0, s26;
	[smem:$0x7CA] =	sst s11  }
0x3b: {  	s14 =	sadd.s32 s3, s13;
	[smem:$0x7CB] =	sst s12  }
0x3c: {  	s16 =	sor.u32 $0x1C000, s4;
	s15 =	sadd.s32 s0, s10;
	[smem:$0x7CC] =	sst s14  }
0x3d: {  	s17 =	sadd.s32 s3, s16;
	[smem:$0x7CD] =	sst s15  }
0x3e: {  	s19 =	sor.u32 $0x1D000, s4;
	s18 =	sadd.s32 s0, s13;
	[smem:$0x7CE] =	sst s17  }
0x3f: {  	s20 =	sadd.s32 s3, s19;
	[smem:$0x7CF] =	sst s18  }
0x40: {  	s22 =	sor.u32 $0x1E000, s4;
	s21 =	sadd.s32 s0, s16;
	[smem:$0x7D0] =	sst s20  }
0x41: {  	s25 =	sor.u32 $0x1F000, s4;
	s23 =	sadd.s32 s3, s22;
	[smem:$0x7D1] =	sst s21  }
0x42: {  	s26 =	sadd.s32 s3, s25;
	[smem:$0x7D2] =	sst s23  }
0x43: {  	s7 =	sadd.s32 s0, s22;
	[smem:$0x7D4] =	sst s26  }
0x44: {  	s10 =	sadd.s32 s0, s25;
	[smem:$0x7D5] =	sst s7  }
0x45: {  	s24 =	sadd.s32 s0, s19;
	s8 =	sor.u32 $0x20000, s4;
	[smem:$0x7D7] =	sst s10  }
0x46: {  	s11 =	sor.u32 $0x21000, s4;
	[smem:$0x7D3] =	sst s24;
	s9 =	sadd.s32 s3, s8  }
0x47: {  	s12 =	sadd.s32 s3, s11;
	[smem:$0x7D6] =	sst s9  }
0x48: {  	s14 =	sor.u32 $0x22000, s4;
	s13 =	sadd.s32 s0, s8;
	[smem:$0x7D8] =	sst s12  }
0x49: {  	s15 =	sadd.s32 s3, s14;
	[smem:$0x7D9] =	sst s13  }
0x4a: {  	s17 =	sor.u32 $0x23000, s4;
	s16 =	sadd.s32 s0, s11;
	[smem:$0x7DA] =	sst s15  }
0x4b: {  	s18 =	sadd.s32 s3, s17;
	[smem:$0x7DB] =	sst s16  }
0x4c: {  	s20 =	sor.u32 $0x24000, s4;
	s19 =	sadd.s32 s0, s14;
	[smem:$0x7DC] =	sst s18  }
0x4d: {  	s21 =	sadd.s32 s3, s20;
	[smem:$0x7DD] =	sst s19  }
0x4e: {  	s23 =	sor.u32 $0x25000, s4;
	s22 =	sadd.s32 s0, s17;
	[smem:$0x7DE] =	sst s21  }
0x4f: {  	s24 =	sadd.s32 s3, s23;
	[smem:$0x7DF] =	sst s22  }
0x50: {  	s26 =	sor.u32 $0x26000, s4;
	s25 =	sadd.s32 s0, s20;
	[smem:$0x7E0] =	sst s24  }
0x51: {  	s10 =	sor.u32 $0x27000, s4;
	s8 =	sadd.s32 s3, s26;
	[smem:$0x7E1] =	sst s25  }
0x52: {  	s11 =	sadd.s32 s3, s10;
	[smem:$0x7E2] =	sst s8  }
0x53: {  	s9 =	sadd.s32 s0, s23;
	[smem:$0x7E4] =	sst s11  }
0x54: {  	s12 =	sadd.s32 s0, s26;
	[smem:$0x7E3] =	sst s9  }
0x55: {  	s13 =	sor.u32 $0x28000, s4;
	s15 =	sadd.s32 s0, s10;
	[smem:$0x7E5] =	sst s12  }
0x56: {  	s16 =	sor.u32 $0x29000, s4;
	s14 =	sadd.s32 s3, s13;
	[smem:$0x7E7] =	sst s15  }
0x57: {  	s17 =	sadd.s32 s3, s16;
	[smem:$0x7E6] =	sst s14  }
0x58: {  	s19 =	sor.u32 $0x2A000, s4;
	s18 =	sadd.s32 s0, s13;
	[smem:$0x7E8] =	sst s17  }
0x59: {  	s20 =	sadd.s32 s3, s19;
	[smem:$0x7E9] =	sst s18  }
0x5a: {  	s22 =	sor.u32 $0x2B000, s4;
	s21 =	sadd.s32 s0, s16;
	[smem:$0x7EA] =	sst s20  }
0x5b: {  	p0 =	por $0x0, $0x0;
	s23 =	sadd.s32 s3, s22;
	[smem:$0x7EB] =	sst s21  }
0x5c: {  	s25 =	sor.u32 $0x2C000, s4;
	s24 =	sadd.s32 s0, s19;
	[smem:$0x7EC] =	sst s23  }
0x5d: {  	s5 =	ssub.s32 $0x2, s5;
	s26 =	sadd.s32 s3, s25;
	[smem:$0x7ED] =	sst s24  }
0x5e: {  	s8 =	sor.u32 $0x2D000, s4;
	s6 =	sadd.s32 s0, s22;
	[smem:$0x7EE] =	sst s26  }
0x5f: {  	s7 =	sor.u32 $0x3B000, s4;
	s9 =	sadd.s32 s3, s8;
	[smem:$0x7EF] =	sst s6  }
0x60: {  	s11 =	sor.u32 $0x2E000, s4;
	s10 =	sadd.s32 s0, s25;
	[smem:$0x7F0] =	sst s9  }
0x61: {  	s12 =	sadd.s32 s3, s11;
	s13 =	sadd.s32 s0, s8;
	[smem:$0x7F1] =	sst s10  }
0x62: {  	s16 =	sadd.s32 s0, s11;
	s8 =	sshrl.u32 s5, $0x1;
	[smem:$0x7F2] =	sst s12  }
0x63: {  	s11 =	sor.u32 $0x35000, s4;
	s14 =	sor.u32 $0x2F000, s4;
	[smem:$0x7F3] =	sst s13  }
0x64: {  	s17 =	sor.u32 $0x30000, s4;
	[smem:$0x7F5] =	sst s16;
	s20 =	sor.u32 $0x31000, s4  }
0x65: {  	s23 =	sor.u32 $0x32000, s4;
	s26 =	sor.u32 $0x33000, s4;
	s8 =	ssub.s32 s5, s8  }
0x66: {  	s10 =	sor.u32 $0x34000, s4;
	s28 =	sadd.s32 s3, s11;
	s12 =	sor.u32 $0x36000, s4  }
0x67: {  	s13 =	sor.u32 $0x37000, s4;
	s16 =	sor.u32 $0x3A000, s4;
	s15 =	sadd.s32 s3, s14  }
0x68: {  	s6 =	sor.u32 $0x3E000, s4;
	s18 =	sadd.s32 s3, s17;
	[smem:$0x7F4] =	sst s15  }
0x69: {  	s19 =	sadd.s32 s0, s14;
	s21 =	sadd.s32 s3, s20;
	[smem:$0x7F6] =	sst s18  }
0x6a: {  	s22 =	sadd.s32 s0, s17;
	s24 =	sadd.s32 s3, s23;
	[smem:$0x7F7] =	sst s19  }
0x6b: {  	s25 =	sadd.s32 s0, s20;
	s5 =	sadd.s32 s3, s26;
	[smem:$0x7F8] =	sst s21  }
0x6c: {  	s9 =	sadd.s32 s0, s23;
	s30 =	sadd.s32 s3, s10;
	[smem:$0x7F9] =	sst s22  }
0x6d: {  	s31 =	sadd.s32 s0, s26;
	s29 =	sadd.s32 s0, s10;
	[smem:$0x7FA] =	sst s24  }
0x6e: {  	s26 =	sadd.s32 s0, s11;
	s23 =	sadd.s32 s3, s13;
	[smem:$0x7FB] =	sst s25  }
0x6f: {  	s14 =	sor.u32 $0x38000, s4;
	s17 =	sadd.s32 s3, s16;
	[smem:$0x7FC] =	sst s5  }
0x70: {  	s16 =	sadd.s32 s0, s16;
	s10 =	sor.u32 $0x3D000, s4;
	[smem:$0x7FD] =	sst s9  }
0x71: {  	s25 =	sadd.s32 s3, s12;
	s24 =	sadd.s32 s0, s12;
	s15 =	sor.u32 $0x39000, s4  }
0x72: {  	s22 =	sadd.s32 s0, s13;
	s13 =	sadd.s32 s0, s7;
	s19 =	sadd.s32 s3, s15  }
0x73: {  	s18 =	sadd.s32 s0, s15;
	s15 =	sadd.s32 s3, s7;
	s7 =	smax.u32 s8, $0x1  }
0x74: {  	s21 =	sadd.s32 s3, s14;
	s20 =	sadd.s32 s0, s14;
	p1 =	sne.s32 s7, $0x1  }
.Ltmp0:
0x75: {  	s9 =	sor.u32 $0x3C000, s4;
	s12 =	sadd.s32 s3, s10;
	(pc) =	sbr.rel @!p1 .LBB2_3-.Ltmp0, $4  }
0x76: {  	s4 =	sor.u32 $0x3F000, s4;
	s14 =	sadd.s32 s3, s9;
	s11 =	sadd.s32 s0, s9  }
0x77: {  	s9 =	sadd.s32 s0, s10;
	s10 =	sadd.s32 s3, s6;
	s5 =	sadd.s32 s3, s4  }
0x78: {  	s8 =	sadd.s32 s0, s6;
	s3 =	sadd.s32 s0, s4;
	s6 =	simm.s32 $0x1  }
0x79: {  	s4 =	simm.s32 $0x2;
	s0 =	sadd.s32 $0xFFFFFFFF, s7;
	s7 =	simm.s32 $0x8000  }
0x7a: {  	[tilespmem:s2], [sflag:$0x1] =	stream.linear.gather [hbm4b:s1+s2], $0x8000, $0x38;
	[tilespmem:$0x10000] =	vst v63  }
0x7b: {  	_ =	swait.ge [sflag:s6], $0x8000  }
0x7c: {  	s1 =	rddreg [dreg:$0x4];
	[sflag:s6] =	ssyncset.done $0x0  }
0x7d: {  	[smem:$0x7B2] =	sst s0;
	[sflag:s6] =	ssyncadd.s32 $0xFFFF8000  }
0x7e: {  	[tilespmem:s7], [sflag:$0x1] =	stream.linear.gather [hbm4b:s1+s2], $0x8000, $0x38;
	[tilespmem:$0x10000] =	vst v63  }
0x7f: {  	s0 =	rddreg [dreg:$0x5]  }
0x80: {  	[hbm4b:s0+s2] =	stream.linear.scatter [tilespmem:s2], [sflag:$0x2], $0x8000, $0x38;
	[tilespmem:$0x10000] =	vst v63  }
0x81: {  	_ =	swait.ge [sflag:s4], $0x8000  }
0x82: {  	[sflag:s4] =	ssyncset.done $0x0  }
0x83: {  	[sflag:s4] =	ssyncadd.s32 $0xFFFF8000  }
0x84: {  	_ =	swait.ge [sflag:s6], $0x8000  }
0x85: {  	[sflag:s6] =	ssyncset.done $0x0  }
0x86: {  	s0 =	rddreg [dreg:$0x6];
	[sflag:s6] =	ssyncadd.s32 $0xFFFF8000  }
0x87: {  	[tilespmem:s2], [sflag:$0x1] =	stream.linear.gather [hbm4b:s0+s2], $0x8000, $0x38;
	[tilespmem:$0x10000] =	vst v63  }
0x88: {  	s1 =	rddreg [dreg:$0x7]  }
0x89: {  	[hbm4b:s1+s2] =	stream.linear.scatter [tilespmem:s7], [sflag:$0x2], $0x8000, $0x38;
	[tilespmem:$0x10000] =	vst v63  }
0x8a: {  	_ =	swait.ge [sflag:s4], $0x8000  }
0x8b: {  	[sflag:s4] =	ssyncset.done $0x0  }
0x8c: {  	[sflag:s4] =	ssyncadd.s32 $0xFFFF8000  }
0x8d: {  	_ =	swait.ge [sflag:s6], $0x8000  }
0x8e: {  	[sflag:s6] =	ssyncset.done $0x0  }
0x8f: {  	s0 =	rddreg [dreg:$0x8];
	[sflag:s6] =	ssyncadd.s32 $0xFFFF8000  }
0x90: {  	[tilespmem:s7], [sflag:$0x1] =	stream.linear.gather [hbm4b:s0+s2], $0x8000, $0x38;
	[tilespmem:$0x10000] =	vst v63  }
0x91: {  	s1 =	rddreg [dreg:$0x9]  }
0x92: {  	[hbm4b:s1+s2] =	stream.linear.scatter [tilespmem:s2], [sflag:$0x2], $0x8000, $0x38;
	[tilespmem:$0x10000] =	vst v63  }
0x93: {  	_ =	swait.ge [sflag:s4], $0x8000  }
0x94: {  	[sflag:s4] =	ssyncset.done $0x0  }
0x95: {  	[sflag:s4] =	ssyncadd.s32 $0xFFFF8000  }
0x96: {  	_ =	swait.ge [sflag:s6], $0x8000  }
0x97: {  	[sflag:s6] =	ssyncset.done $0x0  }
0x98: {  	s0 =	rddreg [dreg:$0xa];
	[sflag:s6] =	ssyncadd.s32 $0xFFFF8000  }
0x99: {  	[tilespmem:s2], [sflag:$0x1] =	stream.linear.gather [hbm4b:s0+s2], $0x8000, $0x38;
	[tilespmem:$0x10000] =	vst v63  }
0x9a: {  	s1 =	rddreg [dreg:$0xb]  }
0x9b: {  	[hbm4b:s1+s2] =	stream.linear.scatter [tilespmem:s7], [sflag:$0x2], $0x8000, $0x38;
	[tilespmem:$0x10000] =	vst v63  }
0x9c: {  	_ =	swait.ge [sflag:s4], $0x8000  }
0x9d: {  	[sflag:s4] =	ssyncset.done $0x0  }
0x9e: {  	[sflag:s4] =	ssyncadd.s32 $0xFFFF8000  }
0x9f: {  	_ =	swait.ge [sflag:s6], $0x8000  }
0xa0: {  	[sflag:s6] =	ssyncset.done $0x0  }
0xa1: {  	s0 =	rddreg [dreg:$0xc];
	[sflag:s6] =	ssyncadd.s32 $0xFFFF8000  }
0xa2: {  	[tilespmem:s7], [sflag:$0x1] =	stream.linear.gather [hbm4b:s0+s2], $0x8000, $0x38;
	[tilespmem:$0x10000] =	vst v63  }
0xa3: {  	s1 =	rddreg [dreg:$0xd]  }
0xa4: {  	[hbm4b:s1+s2] =	stream.linear.scatter [tilespmem:s2], [sflag:$0x2], $0x8000, $0x38;
	[tilespmem:$0x10000] =	vst v63  }
0xa5: {  	_ =	swait.ge [sflag:s4], $0x8000  }
0xa6: {  	[sflag:s4] =	ssyncset.done $0x0  }
0xa7: {  	[sflag:s4] =	ssyncadd.s32 $0xFFFF8000  }
0xa8: {  	_ =	swait.ge [sflag:s6], $0x8000  }
0xa9: {  	[sflag:s6] =	ssyncset.done $0x0  }
0xaa: {  	s0 =	rddreg [dreg:$0xe];
	[sflag:s6] =	ssyncadd.s32 $0xFFFF8000  }
0xab: {  	[tilespmem:s2], [sflag:$0x1] =	stream.linear.gather [hbm4b:s0+s2], $0x8000, $0x38;
	[tilespmem:$0x10000] =	vst v63  }
0xac: {  	s1 =	rddreg [dreg:$0xf]  }
0xad: {  	[hbm4b:s1+s2] =	stream.linear.scatter [tilespmem:s7], [sflag:$0x2], $0x8000, $0x38;
	[tilespmem:$0x10000] =	vst v63  }
0xae: {  	_ =	swait.ge [sflag:s4], $0x8000  }
0xaf: {  	[sflag:s4] =	ssyncset.done $0x0  }
0xb0: {  	[sflag:s4] =	ssyncadd.s32 $0xFFFF8000  }
0xb1: {  	_ =	swait.ge [sflag:s6], $0x8000  }
0xb2: {  	[sflag:s6] =	ssyncset.done $0x0  }
0xb3: {  	s0 =	rddreg [dreg:$0x10];
	[sflag:s6] =	ssyncadd.s32 $0xFFFF8000  }
0xb4: {  	[tilespmem:s7], [sflag:$0x1] =	stream.linear.gather [hbm4b:s0+s2], $0x8000, $0x38;
	[tilespmem:$0x10000] =	vst v63  }
0xb5: {  	s1 =	rddreg [dreg:$0x11]  }
0xb6: {  	[hbm4b:s1+s2] =	stream.linear.scatter [tilespmem:s2], [sflag:$0x2], $0x8000, $0x38;
	[tilespmem:$0x10000] =	vst v63  }
0xb7: {  	_ =	swait.ge [sflag:s4], $0x8000  }
0xb8: {  	[sflag:s4] =	ssyncset.done $0x0  }
0xb9: {  	[sflag:s4] =	ssyncadd.s32 $0xFFFF8000  }
0xba: {  	_ =	swait.ge [sflag:s6], $0x8000  }
0xbb: {  	[sflag:s6] =	ssyncset.done $0x0  }
0xbc: {  	s0 =	rddreg [dreg:$0x12];
	[sflag:s6] =	ssyncadd.s32 $0xFFFF8000  }
0xbd: {  	[tilespmem:s2], [sflag:$0x1] =	stream.linear.gather [hbm4b:s0+s2], $0x8000, $0x38;
	[tilespmem:$0x10000] =	vst v63  }
0xbe: {  	s1 =	rddreg [dreg:$0x13]  }
0xbf: {  	[hbm4b:s1+s2] =	stream.linear.scatter [tilespmem:s7], [sflag:$0x2], $0x8000, $0x38;
	[tilespmem:$0x10000] =	vst v63  }
0xc0: {  	_ =	swait.ge [sflag:s4], $0x8000  }
0xc1: {  	[sflag:s4] =	ssyncset.done $0x0  }
0xc2: {  	[sflag:s4] =	ssyncadd.s32 $0xFFFF8000  }
0xc3: {  	_ =	swait.ge [sflag:s6], $0x8000  }
0xc4: {  	[sflag:s6] =	ssyncset.done $0x0  }
0xc5: {  	s0 =	rddreg [dreg:$0x14];
	[sflag:s6] =	ssyncadd.s32 $0xFFFF8000  }
0xc6: {  	[tilespmem:s7], [sflag:$0x1] =	stream.linear.gather [hbm4b:s0+s2], $0x8000, $0x38;
	[tilespmem:$0x10000] =	vst v63  }
0xc7: {  	s1 =	rddreg [dreg:$0x15]  }
0xc8: {  	[hbm4b:s1+s2] =	stream.linear.scatter [tilespmem:s2], [sflag:$0x2], $0x8000, $0x38;
	[tilespmem:$0x10000] =	vst v63  }
0xc9: {  	_ =	swait.ge [sflag:s4], $0x8000  }
0xca: {  	[sflag:s4] =	ssyncset.done $0x0  }
0xcb: {  	[sflag:s4] =	ssyncadd.s32 $0xFFFF8000  }
0xcc: {  	_ =	swait.ge [sflag:s6], $0x8000  }
0xcd: {  	[sflag:s6] =	ssyncset.done $0x0  }
0xce: {  	s0 =	rddreg [dreg:$0x16];
	[sflag:s6] =	ssyncadd.s32 $0xFFFF8000  }
0xcf: {  	[tilespmem:s2], [sflag:$0x1] =	stream.linear.gather [hbm4b:s0+s2], $0x8000, $0x38;
	[tilespmem:$0x10000] =	vst v63  }
0xd0: {  	s1 =	rddreg [dreg:$0x17]  }
0xd1: {  	[hbm4b:s1+s2] =	stream.linear.scatter [tilespmem:s7], [sflag:$0x2], $0x8000, $0x38;
	[tilespmem:$0x10000] =	vst v63  }
0xd2: {  	_ =	swait.ge [sflag:s4], $0x8000  }
0xd3: {  	[sflag:s4] =	ssyncset.done $0x0  }
0xd4: {  	[sflag:s4] =	ssyncadd.s32 $0xFFFF8000  }
0xd5: {  	_ =	swait.ge [sflag:s6], $0x8000  }
0xd6: {  	[sflag:s6] =	ssyncset.done $0x0  }
0xd7: {  	s0 =	rddreg [dreg:$0x18];
	[sflag:s6] =	ssyncadd.s32 $0xFFFF8000  }
0xd8: {  	[tilespmem:s7], [sflag:$0x1] =	stream.linear.gather [hbm4b:s0+s2], $0x8000, $0x38;
	[tilespmem:$0x10000] =	vst v63  }
0xd9: {  	s1 =	rddreg [dreg:$0x19]  }
0xda: {  	[hbm4b:s1+s2] =	stream.linear.scatter [tilespmem:s2], [sflag:$0x2], $0x8000, $0x38;
	[tilespmem:$0x10000] =	vst v63  }
0xdb: {  	_ =	swait.ge [sflag:s4], $0x8000  }
0xdc: {  	[sflag:s4] =	ssyncset.done $0x0  }
0xdd: {  	[sflag:s4] =	ssyncadd.s32 $0xFFFF8000  }
0xde: {  	_ =	swait.ge [sflag:s6], $0x8000  }
0xdf: {  	[sflag:s6] =	ssyncset.done $0x0  }
0xe0: {  	s0 =	rddreg [dreg:$0x1a];
	[sflag:s6] =	ssyncadd.s32 $0xFFFF8000  }
0xe1: {  	[tilespmem:s2], [sflag:$0x1] =	stream.linear.gather [hbm4b:s0+s2], $0x8000, $0x38;
	[tilespmem:$0x10000] =	vst v63  }
0xe2: {  	s1 =	rddreg [dreg:$0x1b]  }
0xe3: {  	[hbm4b:s1+s2] =	stream.linear.scatter [tilespmem:s7], [sflag:$0x2], $0x8000, $0x38;
	[tilespmem:$0x10000] =	vst v63  }
0xe4: {  	_ =	swait.ge [sflag:s4], $0x8000  }
0xe5: {  	[sflag:s4] =	ssyncset.done $0x0  }
0xe6: {  	[sflag:s4] =	ssyncadd.s32 $0xFFFF8000  }
0xe7: {  	_ =	swait.ge [sflag:s6], $0x8000  }
0xe8: {  	[sflag:s6] =	ssyncset.done $0x0  }
0xe9: {  	s0 =	rddreg [dreg:$0x1c];
	[sflag:s6] =	ssyncadd.s32 $0xFFFF8000  }
0xea: {  	[tilespmem:s7], [sflag:$0x1] =	stream.linear.gather [hbm4b:s0+s2], $0x8000, $0x38;
	[tilespmem:$0x10000] =	vst v63  }
0xeb: {  	s1 =	rddreg [dreg:$0x1d]  }
0xec: {  	[hbm4b:s1+s2] =	stream.linear.scatter [tilespmem:s2], [sflag:$0x2], $0x8000, $0x38;
	[tilespmem:$0x10000] =	vst v63  }
0xed: {  	_ =	swait.ge [sflag:s4], $0x8000  }
0xee: {  	[sflag:s4] =	ssyncset.done $0x0  }
0xef: {  	[sflag:s4] =	ssyncadd.s32 $0xFFFF8000  }
0xf0: {  	_ =	swait.ge [sflag:s6], $0x8000  }
0xf1: {  	[sflag:s6] =	ssyncset.done $0x0  }
0xf2: {  	s0 =	rddreg [dreg:$0x1e];
	[sflag:s6] =	ssyncadd.s32 $0xFFFF8000  }
0xf3: {  	[tilespmem:s2], [sflag:$0x1] =	stream.linear.gather [hbm4b:s0+s2], $0x8000, $0x38;
	[tilespmem:$0x10000] =	vst v63  }
0xf4: {  	s1 =	rddreg [dreg:$0x1f]  }
0xf5: {  	[hbm4b:s1+s2] =	stream.linear.scatter [tilespmem:s7], [sflag:$0x2], $0x8000, $0x38;
	[tilespmem:$0x10000] =	vst v63  }
0xf6: {  	_ =	swait.ge [sflag:s4], $0x8000  }
0xf7: {  	[sflag:s4] =	ssyncset.done $0x0  }
0xf8: {  	[sflag:s4] =	ssyncadd.s32 $0xFFFF8000  }
0xf9: {  	_ =	swait.ge [sflag:s6], $0x8000  }
0xfa: {  	s0 =	sld [smem:$0x7B4]  }
0xfb: {  	[sflag:s6] =	ssyncset.done $0x0  }
0xfc: {  	s1 =	sld [smem:$0x7B5];
	[sflag:s6] =	ssyncadd.s32 $0xFFFF8000  }
0xfd: {  	[tilespmem:s7], [sflag:$0x1] =	stream.linear.gather [hbm4b:s0+s2], $0x8000, $0x38;
	[tilespmem:$0x10000] =	vst v63  }
0xfe: {  	_ = 	snop  }
0xff: {  	[hbm4b:s1+s2] =	stream.linear.scatter [tilespmem:s2], [sflag:$0x2], $0x8000, $0x38;
	[tilespmem:$0x10000] =	vst v63  }
0x100: {  	_ =	swait.ge [sflag:s4], $0x8000  }
0x101: {  	[sflag:s4] =	ssyncset.done $0x0  }
0x102: {  	[sflag:s4] =	ssyncadd.s32 $0xFFFF8000  }
0x103: {  	_ =	swait.ge [sflag:s6], $0x8000  }
0x104: {  	s0 =	sld [smem:$0x7B6]  }
0x105: {  	[sflag:s6] =	ssyncset.done $0x0  }
0x106: {  	s1 =	sld [smem:$0x7B7];
	[sflag:s6] =	ssyncadd.s32 $0xFFFF8000  }
0x107: {  	[tilespmem:s2], [sflag:$0x1] =	stream.linear.gather [hbm4b:s0+s2], $0x8000, $0x38;
	[tilespmem:$0x10000] =	vst v63  }
0x108: {  	_ = 	snop  }
0x109: {  	[hbm4b:s1+s2] =	stream.linear.scatter [tilespmem:s7], [sflag:$0x2], $0x8000, $0x38;
	[tilespmem:$0x10000] =	vst v63  }
0x10a: {  	_ =	swait.ge [sflag:s4], $0x8000  }
0x10b: {  	[sflag:s4] =	ssyncset.done $0x0  }
0x10c: {  	[sflag:s4] =	ssyncadd.s32 $0xFFFF8000  }
0x10d: {  	_ =	swait.ge [sflag:s6], $0x8000  }
0x10e: {  	s0 =	sld [smem:$0x7B8]  }
0x10f: {  	[sflag:s6] =	ssyncset.done $0x0  }
0x110: {  	s1 =	sld [smem:$0x7B9];
	[sflag:s6] =	ssyncadd.s32 $0xFFFF8000  }
0x111: {  	[tilespmem:s7], [sflag:$0x1] =	stream.linear.gather [hbm4b:s0+s2], $0x8000, $0x38;
	[tilespmem:$0x10000] =	vst v63  }
0x112: {  	_ = 	snop  }
0x113: {  	[hbm4b:s1+s2] =	stream.linear.scatter [tilespmem:s2], [sflag:$0x2], $0x8000, $0x38;
	[tilespmem:$0x10000] =	vst v63  }
0x114: {  	_ =	swait.ge [sflag:s4], $0x8000  }
0x115: {  	[sflag:s4] =	ssyncset.done $0x0  }
0x116: {  	[sflag:s4] =	ssyncadd.s32 $0xFFFF8000  }
0x117: {  	_ =	swait.ge [sflag:s6], $0x8000  }
0x118: {  	s0 =	sld [smem:$0x7BA]  }
0x119: {  	[sflag:s6] =	ssyncset.done $0x0  }
0x11a: {  	s1 =	sld [smem:$0x7BB];
	[sflag:s6] =	ssyncadd.s32 $0xFFFF8000  }
0x11b: {  	[tilespmem:s2], [sflag:$0x1] =	stream.linear.gather [hbm4b:s0+s2], $0x8000, $0x38;
	[tilespmem:$0x10000] =	vst v63  }
0x11c: {  	_ = 	snop  }
0x11d: {  	[hbm4b:s1+s2] =	stream.linear.scatter [tilespmem:s7], [sflag:$0x2], $0x8000, $0x38;
	[tilespmem:$0x10000] =	vst v63  }
0x11e: {  	_ =	swait.ge [sflag:s4], $0x8000  }
0x11f: {  	[sflag:s4] =	ssyncset.done $0x0  }
0x120: {  	[sflag:s4] =	ssyncadd.s32 $0xFFFF8000  }
0x121: {  	_ =	swait.ge [sflag:s6], $0x8000  }
0x122: {  	s0 =	sld [smem:$0x7BC]  }
0x123: {  	[sflag:s6] =	ssyncset.done $0x0  }
0x124: {  	s1 =	sld [smem:$0x7BD];
	[sflag:s6] =	ssyncadd.s32 $0xFFFF8000  }
0x125: {  	[tilespmem:s7], [sflag:$0x1] =	stream.linear.gather [hbm4b:s0+s2], $0x8000, $0x38;
	[tilespmem:$0x10000] =	vst v63  }
0x126: {  	_ = 	snop  }
0x127: {  	[hbm4b:s1+s2] =	stream.linear.scatter [tilespmem:s2], [sflag:$0x2], $0x8000, $0x38;
	[tilespmem:$0x10000] =	vst v63  }
0x128: {  	_ =	swait.ge [sflag:s4], $0x8000  }
0x129: {  	[sflag:s4] =	ssyncset.done $0x0  }
0x12a: {  	[sflag:s4] =	ssyncadd.s32 $0xFFFF8000  }
0x12b: {  	_ =	swait.ge [sflag:s6], $0x8000  }
0x12c: {  	s0 =	sld [smem:$0x7BE]  }
0x12d: {  	[sflag:s6] =	ssyncset.done $0x0  }
0x12e: {  	s1 =	sld [smem:$0x7BF];
	[sflag:s6] =	ssyncadd.s32 $0xFFFF8000  }
0x12f: {  	[tilespmem:s2], [sflag:$0x1] =	stream.linear.gather [hbm4b:s0+s2], $0x8000, $0x38;
	[tilespmem:$0x10000] =	vst v63  }
0x130: {  	_ = 	snop  }
0x131: {  	[hbm4b:s1+s2] =	stream.linear.scatter [tilespmem:s7], [sflag:$0x2], $0x8000, $0x38;
	[tilespmem:$0x10000] =	vst v63  }
0x132: {  	_ =	swait.ge [sflag:s4], $0x8000  }
0x133: {  	[sflag:s4] =	ssyncset.done $0x0  }
0x134: {  	[sflag:s4] =	ssyncadd.s32 $0xFFFF8000  }
0x135: {  	_ =	swait.ge [sflag:s6], $0x8000  }
0x136: {  	s0 =	sld [smem:$0x7C0]  }
0x137: {  	[sflag:s6] =	ssyncset.done $0x0  }
0x138: {  	s1 =	sld [smem:$0x7C1];
	[sflag:s6] =	ssyncadd.s32 $0xFFFF8000  }
0x139: {  	[tilespmem:s7], [sflag:$0x1] =	stream.linear.gather [hbm4b:s0+s2], $0x8000, $0x38;
	[tilespmem:$0x10000] =	vst v63  }
0x13a: {  	_ = 	snop  }
0x13b: {  	[hbm4b:s1+s2] =	stream.linear.scatter [tilespmem:s2], [sflag:$0x2], $0x8000, $0x38;
	[tilespmem:$0x10000] =	vst v63  }
0x13c: {  	_ =	swait.ge [sflag:s4], $0x8000  }
0x13d: {  	[sflag:s4] =	ssyncset.done $0x0  }
0x13e: {  	[sflag:s4] =	ssyncadd.s32 $0xFFFF8000  }
0x13f: {  	_ =	swait.ge [sflag:s6], $0x8000  }
0x140: {  	s0 =	sld [smem:$0x7C2]  }
0x141: {  	[sflag:s6] =	ssyncset.done $0x0  }
0x142: {  	s1 =	sld [smem:$0x7C3];
	[sflag:s6] =	ssyncadd.s32 $0xFFFF8000  }
0x143: {  	[tilespmem:s2], [sflag:$0x1] =	stream.linear.gather [hbm4b:s0+s2], $0x8000, $0x38;
	[tilespmem:$0x10000] =	vst v63  }
0x144: {  	_ = 	snop  }
0x145: {  	[hbm4b:s1+s2] =	stream.linear.scatter [tilespmem:s7], [sflag:$0x2], $0x8000, $0x38;
	[tilespmem:$0x10000] =	vst v63  }
0x146: {  	_ =	swait.ge [sflag:s4], $0x8000  }
0x147: {  	[sflag:s4] =	ssyncset.done $0x0  }
0x148: {  	[sflag:s4] =	ssyncadd.s32 $0xFFFF8000  }
0x149: {  	_ =	swait.ge [sflag:s6], $0x8000  }
0x14a: {  	s0 =	sld [smem:$0x7C4]  }
0x14b: {  	[sflag:s6] =	ssyncset.done $0x0  }
0x14c: {  	s1 =	sld [smem:$0x7C5];
	[sflag:s6] =	ssyncadd.s32 $0xFFFF8000  }
0x14d: {  	[tilespmem:s7], [sflag:$0x1] =	stream.linear.gather [hbm4b:s0+s2], $0x8000, $0x38;
	[tilespmem:$0x10000] =	vst v63  }
0x14e: {  	_ = 	snop  }
0x14f: {  	[hbm4b:s1+s2] =	stream.linear.scatter [tilespmem:s2], [sflag:$0x2], $0x8000, $0x38;
	[tilespmem:$0x10000] =	vst v63  }
0x150: {  	_ =	swait.ge [sflag:s4], $0x8000  }
0x151: {  	[sflag:s4] =	ssyncset.done $0x0  }
0x152: {  	[sflag:s4] =	ssyncadd.s32 $0xFFFF8000  }
0x153: {  	_ =	swait.ge [sflag:s6], $0x8000  }
0x154: {  	s0 =	sld [smem:$0x7C6]  }
0x155: {  	[sflag:s6] =	ssyncset.done $0x0  }
0x156: {  	s1 =	sld [smem:$0x7C7];
	[sflag:s6] =	ssyncadd.s32 $0xFFFF8000  }
0x157: {  	[tilespmem:s2], [sflag:$0x1] =	stream.linear.gather [hbm4b:s0+s2], $0x8000, $0x38;
	[tilespmem:$0x10000] =	vst v63  }
0x158: {  	_ = 	snop  }
0x159: {  	[hbm4b:s1+s2] =	stream.linear.scatter [tilespmem:s7], [sflag:$0x2], $0x8000, $0x38;
	[tilespmem:$0x10000] =	vst v63  }
0x15a: {  	_ =	swait.ge [sflag:s4], $0x8000  }
0x15b: {  	[sflag:s4] =	ssyncset.done $0x0  }
0x15c: {  	[sflag:s4] =	ssyncadd.s32 $0xFFFF8000  }
0x15d: {  	_ =	swait.ge [sflag:s6], $0x8000  }
0x15e: {  	s0 =	sld [smem:$0x7C8]  }
0x15f: {  	[sflag:s6] =	ssyncset.done $0x0  }
0x160: {  	s1 =	sld [smem:$0x7C9];
	[sflag:s6] =	ssyncadd.s32 $0xFFFF8000  }
0x161: {  	[tilespmem:s7], [sflag:$0x1] =	stream.linear.gather [hbm4b:s0+s2], $0x8000, $0x38;
	[tilespmem:$0x10000] =	vst v63  }
0x162: {  	_ = 	snop  }
0x163: {  	[hbm4b:s1+s2] =	stream.linear.scatter [tilespmem:s2], [sflag:$0x2], $0x8000, $0x38;
	[tilespmem:$0x10000] =	vst v63  }
0x164: {  	_ =	swait.ge [sflag:s4], $0x8000  }
0x165: {  	[sflag:s4] =	ssyncset.done $0x0  }
0x166: {  	[sflag:s4] =	ssyncadd.s32 $0xFFFF8000  }
0x167: {  	_ =	swait.ge [sflag:s6], $0x8000  }
0x168: {  	s0 =	sld [smem:$0x7CA]  }
0x169: {  	[sflag:s6] =	ssyncset.done $0x0  }
0x16a: {  	s1 =	sld [smem:$0x7CB];
	[sflag:s6] =	ssyncadd.s32 $0xFFFF8000  }
0x16b: {  	[tilespmem:s2], [sflag:$0x1] =	stream.linear.gather [hbm4b:s0+s2], $0x8000, $0x38;
	[tilespmem:$0x10000] =	vst v63  }
0x16c: {  	_ = 	snop  }
0x16d: {  	[hbm4b:s1+s2] =	stream.linear.scatter [tilespmem:s7], [sflag:$0x2], $0x8000, $0x38;
	[tilespmem:$0x10000] =	vst v63  }
0x16e: {  	_ =	swait.ge [sflag:s4], $0x8000  }
0x16f: {  	[sflag:s4] =	ssyncset.done $0x0  }
0x170: {  	[sflag:s4] =	ssyncadd.s32 $0xFFFF8000  }
0x171: {  	_ =	swait.ge [sflag:s6], $0x8000  }
0x172: {  	s0 =	sld [smem:$0x7CC]  }
0x173: {  	[sflag:s6] =	ssyncset.done $0x0  }
0x174: {  	s1 =	sld [smem:$0x7CD];
	[sflag:s6] =	ssyncadd.s32 $0xFFFF8000  }
0x175: {  	[tilespmem:s7], [sflag:$0x1] =	stream.linear.gather [hbm4b:s0+s2], $0x8000, $0x38;
	[tilespmem:$0x10000] =	vst v63  }
0x176: {  	_ = 	snop  }
0x177: {  	[hbm4b:s1+s2] =	stream.linear.scatter [tilespmem:s2], [sflag:$0x2], $0x8000, $0x38;
	[tilespmem:$0x10000] =	vst v63  }
0x178: {  	_ =	swait.ge [sflag:s4], $0x8000  }
0x179: {  	[sflag:s4] =	ssyncset.done $0x0  }
0x17a: {  	[sflag:s4] =	ssyncadd.s32 $0xFFFF8000  }
0x17b: {  	_ =	swait.ge [sflag:s6], $0x8000  }
0x17c: {  	s0 =	sld [smem:$0x7CE]  }
0x17d: {  	[sflag:s6] =	ssyncset.done $0x0  }
0x17e: {  	s1 =	sld [smem:$0x7CF];
	[sflag:s6] =	ssyncadd.s32 $0xFFFF8000  }
0x17f: {  	[tilespmem:s2], [sflag:$0x1] =	stream.linear.gather [hbm4b:s0+s2], $0x8000, $0x38;
	[tilespmem:$0x10000] =	vst v63  }
0x180: {  	_ = 	snop  }
0x181: {  	[hbm4b:s1+s2] =	stream.linear.scatter [tilespmem:s7], [sflag:$0x2], $0x8000, $0x38;
	[tilespmem:$0x10000] =	vst v63  }
0x182: {  	_ =	swait.ge [sflag:s4], $0x8000  }
0x183: {  	[sflag:s4] =	ssyncset.done $0x0  }
0x184: {  	[sflag:s4] =	ssyncadd.s32 $0xFFFF8000  }
0x185: {  	_ =	swait.ge [sflag:s6], $0x8000  }
0x186: {  	s0 =	sld [smem:$0x7D0]  }
0x187: {  	[sflag:s6] =	ssyncset.done $0x0  }
0x188: {  	s1 =	sld [smem:$0x7D1];
	[sflag:s6] =	ssyncadd.s32 $0xFFFF8000  }
0x189: {  	[tilespmem:s7], [sflag:$0x1] =	stream.linear.gather [hbm4b:s0+s2], $0x8000, $0x38;
	[tilespmem:$0x10000] =	vst v63  }
0x18a: {  	_ = 	snop  }
0x18b: {  	[hbm4b:s1+s2] =	stream.linear.scatter [tilespmem:s2], [sflag:$0x2], $0x8000, $0x38;
	[tilespmem:$0x10000] =	vst v63  }
0x18c: {  	_ =	swait.ge [sflag:s4], $0x8000  }
0x18d: {  	[sflag:s4] =	ssyncset.done $0x0  }
0x18e: {  	[sflag:s4] =	ssyncadd.s32 $0xFFFF8000  }
0x18f: {  	_ =	swait.ge [sflag:s6], $0x8000  }
0x190: {  	s0 =	sld [smem:$0x7D2]  }
0x191: {  	[sflag:s6] =	ssyncset.done $0x0  }
0x192: {  	s1 =	sld [smem:$0x7D3];
	[sflag:s6] =	ssyncadd.s32 $0xFFFF8000  }
0x193: {  	[tilespmem:s2], [sflag:$0x1] =	stream.linear.gather [hbm4b:s0+s2], $0x8000, $0x38;
	[tilespmem:$0x10000] =	vst v63  }
0x194: {  	_ = 	snop  }
0x195: {  	[hbm4b:s1+s2] =	stream.linear.scatter [tilespmem:s7], [sflag:$0x2], $0x8000, $0x38;
	[tilespmem:$0x10000] =	vst v63  }
0x196: {  	_ =	swait.ge [sflag:s4], $0x8000  }
0x197: {  	[sflag:s4] =	ssyncset.done $0x0  }
0x198: {  	[sflag:s4] =	ssyncadd.s32 $0xFFFF8000  }
0x199: {  	_ =	swait.ge [sflag:s6], $0x8000  }
0x19a: {  	s0 =	sld [smem:$0x7D4]  }
0x19b: {  	[sflag:s6] =	ssyncset.done $0x0  }
0x19c: {  	s1 =	sld [smem:$0x7D5];
	[sflag:s6] =	ssyncadd.s32 $0xFFFF8000  }
0x19d: {  	[tilespmem:s7], [sflag:$0x1] =	stream.linear.gather [hbm4b:s0+s2], $0x8000, $0x38;
	[tilespmem:$0x10000] =	vst v63  }
0x19e: {  	_ = 	snop  }
0x19f: {  	[hbm4b:s1+s2] =	stream.linear.scatter [tilespmem:s2], [sflag:$0x2], $0x8000, $0x38;
	[tilespmem:$0x10000] =	vst v63  }
0x1a0: {  	_ =	swait.ge [sflag:s4], $0x8000  }
0x1a1: {  	[sflag:s4] =	ssyncset.done $0x0  }
0x1a2: {  	[sflag:s4] =	ssyncadd.s32 $0xFFFF8000  }
0x1a3: {  	_ =	swait.ge [sflag:s6], $0x8000  }
0x1a4: {  	s0 =	sld [smem:$0x7D6]  }
0x1a5: {  	[sflag:s6] =	ssyncset.done $0x0  }
0x1a6: {  	s1 =	sld [smem:$0x7D7];
	[sflag:s6] =	ssyncadd.s32 $0xFFFF8000  }
0x1a7: {  	[tilespmem:s2], [sflag:$0x1] =	stream.linear.gather [hbm4b:s0+s2], $0x8000, $0x38;
	[tilespmem:$0x10000] =	vst v63  }
0x1a8: {  	_ = 	snop  }
0x1a9: {  	[hbm4b:s1+s2] =	stream.linear.scatter [tilespmem:s7], [sflag:$0x2], $0x8000, $0x38;
	[tilespmem:$0x10000] =	vst v63  }
0x1aa: {  	_ =	swait.ge [sflag:s4], $0x8000  }
0x1ab: {  	[sflag:s4] =	ssyncset.done $0x0  }
0x1ac: {  	[sflag:s4] =	ssyncadd.s32 $0xFFFF8000  }
0x1ad: {  	_ =	swait.ge [sflag:s6], $0x8000  }
0x1ae: {  	s0 =	sld [smem:$0x7D8]  }
0x1af: {  	[sflag:s6] =	ssyncset.done $0x0  }
0x1b0: {  	s1 =	sld [smem:$0x7D9];
	[sflag:s6] =	ssyncadd.s32 $0xFFFF8000  }
0x1b1: {  	[tilespmem:s7], [sflag:$0x1] =	stream.linear.gather [hbm4b:s0+s2], $0x8000, $0x38;
	[tilespmem:$0x10000] =	vst v63  }
0x1b2: {  	_ = 	snop  }
0x1b3: {  	[hbm4b:s1+s2] =	stream.linear.scatter [tilespmem:s2], [sflag:$0x2], $0x8000, $0x38;
	[tilespmem:$0x10000] =	vst v63  }
0x1b4: {  	_ =	swait.ge [sflag:s4], $0x8000  }
0x1b5: {  	[sflag:s4] =	ssyncset.done $0x0  }
0x1b6: {  	[sflag:s4] =	ssyncadd.s32 $0xFFFF8000  }
0x1b7: {  	_ =	swait.ge [sflag:s6], $0x8000  }
0x1b8: {  	s0 =	sld [smem:$0x7DA]  }
0x1b9: {  	[sflag:s6] =	ssyncset.done $0x0  }
0x1ba: {  	s1 =	sld [smem:$0x7DB];
	[sflag:s6] =	ssyncadd.s32 $0xFFFF8000  }
0x1bb: {  	[tilespmem:s2], [sflag:$0x1] =	stream.linear.gather [hbm4b:s0+s2], $0x8000, $0x38;
	[tilespmem:$0x10000] =	vst v63  }
0x1bc: {  	_ = 	snop  }
0x1bd: {  	[hbm4b:s1+s2] =	stream.linear.scatter [tilespmem:s7], [sflag:$0x2], $0x8000, $0x38;
	[tilespmem:$0x10000] =	vst v63  }
0x1be: {  	_ =	swait.ge [sflag:s4], $0x8000  }
0x1bf: {  	[sflag:s4] =	ssyncset.done $0x0  }
0x1c0: {  	[sflag:s4] =	ssyncadd.s32 $0xFFFF8000  }
0x1c1: {  	_ =	swait.ge [sflag:s6], $0x8000  }
0x1c2: {  	s0 =	sld [smem:$0x7DC]  }
0x1c3: {  	[sflag:s6] =	ssyncset.done $0x0  }
0x1c4: {  	s1 =	sld [smem:$0x7DD];
	[sflag:s6] =	ssyncadd.s32 $0xFFFF8000  }
0x1c5: {  	[tilespmem:s7], [sflag:$0x1] =	stream.linear.gather [hbm4b:s0+s2], $0x8000, $0x38;
	[tilespmem:$0x10000] =	vst v63  }
0x1c6: {  	_ = 	snop  }
0x1c7: {  	[hbm4b:s1+s2] =	stream.linear.scatter [tilespmem:s2], [sflag:$0x2], $0x8000, $0x38;
	[tilespmem:$0x10000] =	vst v63  }
0x1c8: {  	_ =	swait.ge [sflag:s4], $0x8000  }
0x1c9: {  	[sflag:s4] =	ssyncset.done $0x0  }
0x1ca: {  	[sflag:s4] =	ssyncadd.s32 $0xFFFF8000  }
0x1cb: {  	_ =	swait.ge [sflag:s6], $0x8000  }
0x1cc: {  	s0 =	sld [smem:$0x7DE]  }
0x1cd: {  	[sflag:s6] =	ssyncset.done $0x0  }
0x1ce: {  	s1 =	sld [smem:$0x7DF];
	[sflag:s6] =	ssyncadd.s32 $0xFFFF8000  }
0x1cf: {  	[tilespmem:s2], [sflag:$0x1] =	stream.linear.gather [hbm4b:s0+s2], $0x8000, $0x38;
	[tilespmem:$0x10000] =	vst v63  }
0x1d0: {  	_ = 	snop  }
0x1d1: {  	[hbm4b:s1+s2] =	stream.linear.scatter [tilespmem:s7], [sflag:$0x2], $0x8000, $0x38;
	[tilespmem:$0x10000] =	vst v63  }
0x1d2: {  	_ =	swait.ge [sflag:s4], $0x8000  }
0x1d3: {  	[sflag:s4] =	ssyncset.done $0x0  }
0x1d4: {  	[sflag:s4] =	ssyncadd.s32 $0xFFFF8000  }
0x1d5: {  	_ =	swait.ge [sflag:s6], $0x8000  }
0x1d6: {  	s0 =	sld [smem:$0x7E0]  }
0x1d7: {  	[sflag:s6] =	ssyncset.done $0x0  }
0x1d8: {  	s1 =	sld [smem:$0x7E1];
	[sflag:s6] =	ssyncadd.s32 $0xFFFF8000  }
0x1d9: {  	[tilespmem:s7], [sflag:$0x1] =	stream.linear.gather [hbm4b:s0+s2], $0x8000, $0x38;
	[tilespmem:$0x10000] =	vst v63  }
0x1da: {  	_ = 	snop  }
0x1db: {  	[hbm4b:s1+s2] =	stream.linear.scatter [tilespmem:s2], [sflag:$0x2], $0x8000, $0x38;
	[tilespmem:$0x10000] =	vst v63  }
0x1dc: {  	_ =	swait.ge [sflag:s4], $0x8000  }
0x1dd: {  	[sflag:s4] =	ssyncset.done $0x0  }
0x1de: {  	[sflag:s4] =	ssyncadd.s32 $0xFFFF8000  }
0x1df: {  	_ =	swait.ge [sflag:s6], $0x8000  }
0x1e0: {  	s0 =	sld [smem:$0x7E2]  }
0x1e1: {  	[sflag:s6] =	ssyncset.done $0x0  }
0x1e2: {  	s1 =	sld [smem:$0x7E3];
	[sflag:s6] =	ssyncadd.s32 $0xFFFF8000  }
0x1e3: {  	[tilespmem:s2], [sflag:$0x1] =	stream.linear.gather [hbm4b:s0+s2], $0x8000, $0x38;
	[tilespmem:$0x10000] =	vst v63  }
0x1e4: {  	_ = 	snop  }
0x1e5: {  	[hbm4b:s1+s2] =	stream.linear.scatter [tilespmem:s7], [sflag:$0x2], $0x8000, $0x38;
	[tilespmem:$0x10000] =	vst v63  }
0x1e6: {  	_ =	swait.ge [sflag:s4], $0x8000  }
0x1e7: {  	[sflag:s4] =	ssyncset.done $0x0  }
0x1e8: {  	[sflag:s4] =	ssyncadd.s32 $0xFFFF8000  }
0x1e9: {  	_ =	swait.ge [sflag:s6], $0x8000  }
0x1ea: {  	s0 =	sld [smem:$0x7E4]  }
0x1eb: {  	[sflag:s6] =	ssyncset.done $0x0  }
0x1ec: {  	s1 =	sld [smem:$0x7E5];
	[sflag:s6] =	ssyncadd.s32 $0xFFFF8000  }
0x1ed: {  	[tilespmem:s7], [sflag:$0x1] =	stream.linear.gather [hbm4b:s0+s2], $0x8000, $0x38;
	[tilespmem:$0x10000] =	vst v63  }
0x1ee: {  	_ = 	snop  }
0x1ef: {  	[hbm4b:s1+s2] =	stream.linear.scatter [tilespmem:s2], [sflag:$0x2], $0x8000, $0x38;
	[tilespmem:$0x10000] =	vst v63  }
0x1f0: {  	_ =	swait.ge [sflag:s4], $0x8000  }
0x1f1: {  	[sflag:s4] =	ssyncset.done $0x0  }
0x1f2: {  	[sflag:s4] =	ssyncadd.s32 $0xFFFF8000  }
0x1f3: {  	_ =	swait.ge [sflag:s6], $0x8000  }
0x1f4: {  	s0 =	sld [smem:$0x7E6]  }
0x1f5: {  	[sflag:s6] =	ssyncset.done $0x0  }
0x1f6: {  	s1 =	sld [smem:$0x7E7];
	[sflag:s6] =	ssyncadd.s32 $0xFFFF8000  }
0x1f7: {  	[tilespmem:s2], [sflag:$0x1] =	stream.linear.gather [hbm4b:s0+s2], $0x8000, $0x38;
	[tilespmem:$0x10000] =	vst v63  }
0x1f8: {  	_ = 	snop  }
0x1f9: {  	[hbm4b:s1+s2] =	stream.linear.scatter [tilespmem:s7], [sflag:$0x2], $0x8000, $0x38;
	[tilespmem:$0x10000] =	vst v63  }
0x1fa: {  	_ =	swait.ge [sflag:s4], $0x8000  }
0x1fb: {  	[sflag:s4] =	ssyncset.done $0x0  }
0x1fc: {  	[sflag:s4] =	ssyncadd.s32 $0xFFFF8000  }
0x1fd: {  	_ =	swait.ge [sflag:s6], $0x8000  }
0x1fe: {  	s0 =	sld [smem:$0x7E8]  }
0x1ff: {  	[sflag:s6] =	ssyncset.done $0x0  }
0x200: {  	s1 =	sld [smem:$0x7E9];
	[sflag:s6] =	ssyncadd.s32 $0xFFFF8000  }
0x201: {  	[tilespmem:s7], [sflag:$0x1] =	stream.linear.gather [hbm4b:s0+s2], $0x8000, $0x38;
	[tilespmem:$0x10000] =	vst v63  }
0x202: {  	_ = 	snop  }
0x203: {  	[hbm4b:s1+s2] =	stream.linear.scatter [tilespmem:s2], [sflag:$0x2], $0x8000, $0x38;
	[tilespmem:$0x10000] =	vst v63  }
0x204: {  	_ =	swait.ge [sflag:s4], $0x8000  }
0x205: {  	[sflag:s4] =	ssyncset.done $0x0  }
0x206: {  	[sflag:s4] =	ssyncadd.s32 $0xFFFF8000  }
0x207: {  	_ =	swait.ge [sflag:s6], $0x8000  }
0x208: {  	s0 =	sld [smem:$0x7EA]  }
0x209: {  	[sflag:s6] =	ssyncset.done $0x0  }
0x20a: {  	s1 =	sld [smem:$0x7EB];
	[sflag:s6] =	ssyncadd.s32 $0xFFFF8000  }
0x20b: {  	[tilespmem:s2], [sflag:$0x1] =	stream.linear.gather [hbm4b:s0+s2], $0x8000, $0x38;
	[tilespmem:$0x10000] =	vst v63  }
0x20c: {  	_ = 	snop  }
0x20d: {  	[hbm4b:s1+s2] =	stream.linear.scatter [tilespmem:s7], [sflag:$0x2], $0x8000, $0x38;
	[tilespmem:$0x10000] =	vst v63  }
0x20e: {  	_ =	swait.ge [sflag:s4], $0x8000  }
0x20f: {  	[sflag:s4] =	ssyncset.done $0x0  }
0x210: {  	[sflag:s4] =	ssyncadd.s32 $0xFFFF8000  }
0x211: {  	_ =	swait.ge [sflag:s6], $0x8000  }
0x212: {  	s0 =	sld [smem:$0x7EC]  }
0x213: {  	[sflag:s6] =	ssyncset.done $0x0  }
0x214: {  	s1 =	sld [smem:$0x7ED];
	[sflag:s6] =	ssyncadd.s32 $0xFFFF8000  }
0x215: {  	[tilespmem:s7], [sflag:$0x1] =	stream.linear.gather [hbm4b:s0+s2], $0x8000, $0x38;
	[tilespmem:$0x10000] =	vst v63  }
0x216: {  	_ = 	snop  }
0x217: {  	[hbm4b:s1+s2] =	stream.linear.scatter [tilespmem:s2], [sflag:$0x2], $0x8000, $0x38;
	[tilespmem:$0x10000] =	vst v63  }
0x218: {  	_ =	swait.ge [sflag:s4], $0x8000  }
0x219: {  	[sflag:s4] =	ssyncset.done $0x0  }
0x21a: {  	[sflag:s4] =	ssyncadd.s32 $0xFFFF8000  }
0x21b: {  	_ =	swait.ge [sflag:s6], $0x8000  }
0x21c: {  	s0 =	sld [smem:$0x7EE]  }
0x21d: {  	[sflag:s6] =	ssyncset.done $0x0  }
0x21e: {  	s1 =	sld [smem:$0x7EF];
	[sflag:s6] =	ssyncadd.s32 $0xFFFF8000  }
0x21f: {  	[tilespmem:s2], [sflag:$0x1] =	stream.linear.gather [hbm4b:s0+s2], $0x8000, $0x38;
	[tilespmem:$0x10000] =	vst v63  }
0x220: {  	_ = 	snop  }
0x221: {  	[hbm4b:s1+s2] =	stream.linear.scatter [tilespmem:s7], [sflag:$0x2], $0x8000, $0x38;
	[tilespmem:$0x10000] =	vst v63  }
0x222: {  	_ =	swait.ge [sflag:s4], $0x8000  }
0x223: {  	[sflag:s4] =	ssyncset.done $0x0  }
0x224: {  	[sflag:s4] =	ssyncadd.s32 $0xFFFF8000  }
0x225: {  	_ =	swait.ge [sflag:s6], $0x8000  }
0x226: {  	s0 =	sld [smem:$0x7F0]  }
0x227: {  	[sflag:s6] =	ssyncset.done $0x0  }
0x228: {  	s1 =	sld [smem:$0x7F1];
	[sflag:s6] =	ssyncadd.s32 $0xFFFF8000  }
0x229: {  	[tilespmem:s7], [sflag:$0x1] =	stream.linear.gather [hbm4b:s0+s2], $0x8000, $0x38;
	[tilespmem:$0x10000] =	vst v63  }
0x22a: {  	_ = 	snop  }
0x22b: {  	[hbm4b:s1+s2] =	stream.linear.scatter [tilespmem:s2], [sflag:$0x2], $0x8000, $0x38;
	[tilespmem:$0x10000] =	vst v63  }
0x22c: {  	_ =	swait.ge [sflag:s4], $0x8000  }
0x22d: {  	[sflag:s4] =	ssyncset.done $0x0  }
0x22e: {  	[sflag:s4] =	ssyncadd.s32 $0xFFFF8000  }
0x22f: {  	_ =	swait.ge [sflag:s6], $0x8000  }
0x230: {  	s0 =	sld [smem:$0x7F2]  }
0x231: {  	[sflag:s6] =	ssyncset.done $0x0  }
0x232: {  	s1 =	sld [smem:$0x7F3];
	[sflag:s6] =	ssyncadd.s32 $0xFFFF8000  }
0x233: {  	[tilespmem:s2], [sflag:$0x1] =	stream.linear.gather [hbm4b:s0+s2], $0x8000, $0x38;
	[tilespmem:$0x10000] =	vst v63  }
0x234: {  	_ = 	snop  }
0x235: {  	[hbm4b:s1+s2] =	stream.linear.scatter [tilespmem:s7], [sflag:$0x2], $0x8000, $0x38;
	[tilespmem:$0x10000] =	vst v63  }
0x236: {  	_ =	swait.ge [sflag:s4], $0x8000  }
0x237: {  	[sflag:s4] =	ssyncset.done $0x0  }
0x238: {  	[sflag:s4] =	ssyncadd.s32 $0xFFFF8000  }
0x239: {  	_ =	swait.ge [sflag:s6], $0x8000  }
0x23a: {  	s0 =	sld [smem:$0x7F4]  }
0x23b: {  	[sflag:s6] =	ssyncset.done $0x0  }
0x23c: {  	s1 =	sld [smem:$0x7F5];
	[sflag:s6] =	ssyncadd.s32 $0xFFFF8000  }
0x23d: {  	[tilespmem:s7], [sflag:$0x1] =	stream.linear.gather [hbm4b:s0+s2], $0x8000, $0x38;
	[tilespmem:$0x10000] =	vst v63  }
0x23e: {  	_ = 	snop  }
0x23f: {  	[hbm4b:s1+s2] =	stream.linear.scatter [tilespmem:s2], [sflag:$0x2], $0x8000, $0x38;
	[tilespmem:$0x10000] =	vst v63  }
0x240: {  	_ =	swait.ge [sflag:s4], $0x8000  }
0x241: {  	[sflag:s4] =	ssyncset.done $0x0  }
0x242: {  	[sflag:s4] =	ssyncadd.s32 $0xFFFF8000  }
0x243: {  	_ =	swait.ge [sflag:s6], $0x8000  }
0x244: {  	s0 =	sld [smem:$0x7F6]  }
0x245: {  	[sflag:s6] =	ssyncset.done $0x0  }
0x246: {  	s1 =	sld [smem:$0x7F7];
	[sflag:s6] =	ssyncadd.s32 $0xFFFF8000  }
0x247: {  	[tilespmem:s2], [sflag:$0x1] =	stream.linear.gather [hbm4b:s0+s2], $0x8000, $0x38;
	[tilespmem:$0x10000] =	vst v63  }
0x248: {  	_ = 	snop  }
0x249: {  	[hbm4b:s1+s2] =	stream.linear.scatter [tilespmem:s7], [sflag:$0x2], $0x8000, $0x38;
	[tilespmem:$0x10000] =	vst v63  }
0x24a: {  	_ =	swait.ge [sflag:s4], $0x8000  }
0x24b: {  	[sflag:s4] =	ssyncset.done $0x0  }
0x24c: {  	[sflag:s4] =	ssyncadd.s32 $0xFFFF8000  }
0x24d: {  	_ =	swait.ge [sflag:s6], $0x8000  }
0x24e: {  	s0 =	sld [smem:$0x7F8]  }
0x24f: {  	[sflag:s6] =	ssyncset.done $0x0  }
0x250: {  	s1 =	sld [smem:$0x7F9];
	[sflag:s6] =	ssyncadd.s32 $0xFFFF8000  }
0x251: {  	[tilespmem:s7], [sflag:$0x1] =	stream.linear.gather [hbm4b:s0+s2], $0x8000, $0x38;
	[tilespmem:$0x10000] =	vst v63  }
0x252: {  	_ = 	snop  }
0x253: {  	[hbm4b:s1+s2] =	stream.linear.scatter [tilespmem:s2], [sflag:$0x2], $0x8000, $0x38;
	[tilespmem:$0x10000] =	vst v63  }
0x254: {  	_ =	swait.ge [sflag:s4], $0x8000  }
0x255: {  	[sflag:s4] =	ssyncset.done $0x0  }
0x256: {  	[sflag:s4] =	ssyncadd.s32 $0xFFFF8000  }
0x257: {  	_ =	swait.ge [sflag:s6], $0x8000  }
0x258: {  	s0 =	sld [smem:$0x7FA]  }
0x259: {  	[sflag:s6] =	ssyncset.done $0x0  }
0x25a: {  	s1 =	sld [smem:$0x7FB];
	[sflag:s6] =	ssyncadd.s32 $0xFFFF8000  }
0x25b: {  	[tilespmem:s2], [sflag:$0x1] =	stream.linear.gather [hbm4b:s0+s2], $0x8000, $0x38;
	[tilespmem:$0x10000] =	vst v63  }
0x25c: {  	_ = 	snop  }
0x25d: {  	[hbm4b:s1+s2] =	stream.linear.scatter [tilespmem:s7], [sflag:$0x2], $0x8000, $0x38;
	[tilespmem:$0x10000] =	vst v63  }
0x25e: {  	_ =	swait.ge [sflag:s4], $0x8000  }
0x25f: {  	[sflag:s4] =	ssyncset.done $0x0  }
0x260: {  	[sflag:s4] =	ssyncadd.s32 $0xFFFF8000  }
0x261: {  	_ =	swait.ge [sflag:s6], $0x8000  }
0x262: {  	s0 =	sld [smem:$0x7FC]  }
0x263: {  	[sflag:s6] =	ssyncset.done $0x0  }
0x264: {  	s1 =	sld [smem:$0x7FD];
	[sflag:s6] =	ssyncadd.s32 $0xFFFF8000  }
0x265: {  	[tilespmem:s7], [sflag:$0x1] =	stream.linear.gather [hbm4b:s0+s2], $0x8000, $0x38;
	[tilespmem:$0x10000] =	vst v63  }
0x266: {  	_ = 	snop  }
0x267: {  	[hbm4b:s1+s2] =	stream.linear.scatter [tilespmem:s2], [sflag:$0x2], $0x8000, $0x38;
	[tilespmem:$0x10000] =	vst v63  }
0x268: {  	_ =	swait.ge [sflag:s4], $0x8000  }
0x269: {  	[sflag:s4] =	ssyncset.done $0x0  }
0x26a: {  	[sflag:s4] =	ssyncadd.s32 $0xFFFF8000  }
0x26b: {  	_ =	swait.ge [sflag:s6], $0x8000  }
0x26c: {  	[sflag:s6] =	ssyncset.done $0x0  }
0x26d: {  	[sflag:s6] =	ssyncadd.s32 $0xFFFF8000  }
0x26e: {  	[tilespmem:s2], [sflag:$0x1] =	stream.linear.gather [hbm4b:s30+s2], $0x8000, $0x38;
	[tilespmem:$0x10000] =	vst v63  }
0x26f: {  	_ = 	snop  }
0x270: {  	[hbm4b:s31+s2] =	stream.linear.scatter [tilespmem:s7], [sflag:$0x2], $0x8000, $0x38;
	[tilespmem:$0x10000] =	vst v63  }
0x271: {  	_ =	swait.ge [sflag:s4], $0x8000  }
0x272: {  	[sflag:s4] =	ssyncset.done $0x0  }
0x273: {  	[sflag:s4] =	ssyncadd.s32 $0xFFFF8000  }
0x274: {  	_ =	swait.ge [sflag:s6], $0x8000  }
0x275: {  	[sflag:s6] =	ssyncset.done $0x0  }
0x276: {  	[sflag:s6] =	ssyncadd.s32 $0xFFFF8000  }
0x277: {  	[tilespmem:s7], [sflag:$0x1] =	stream.linear.gather [hbm4b:s28+s2], $0x8000, $0x38;
	[tilespmem:$0x10000] =	vst v63  }
0x278: {  	_ = 	snop  }
0x279: {  	[hbm4b:s29+s2] =	stream.linear.scatter [tilespmem:s2], [sflag:$0x2], $0x8000, $0x38;
	[tilespmem:$0x10000] =	vst v63  }
0x27a: {  	_ =	swait.ge [sflag:s4], $0x8000  }
0x27b: {  	[sflag:s4] =	ssyncset.done $0x0  }
0x27c: {  	[sflag:s4] =	ssyncadd.s32 $0xFFFF8000  }
0x27d: {  	_ =	swait.ge [sflag:s6], $0x8000  }
0x27e: {  	[sflag:s6] =	ssyncset.done $0x0  }
0x27f: {  	[sflag:s6] =	ssyncadd.s32 $0xFFFF8000  }
0x280: {  	[tilespmem:s2], [sflag:$0x1] =	stream.linear.gather [hbm4b:s25+s2], $0x8000, $0x38;
	[tilespmem:$0x10000] =	vst v63  }
0x281: {  	_ = 	snop  }
0x282: {  	[hbm4b:s26+s2] =	stream.linear.scatter [tilespmem:s7], [sflag:$0x2], $0x8000, $0x38;
	[tilespmem:$0x10000] =	vst v63  }
0x283: {  	_ =	swait.ge [sflag:s4], $0x8000  }
0x284: {  	[sflag:s4] =	ssyncset.done $0x0  }
0x285: {  	[sflag:s4] =	ssyncadd.s32 $0xFFFF8000  }
0x286: {  	_ =	swait.ge [sflag:s6], $0x8000  }
0x287: {  	[sflag:s6] =	ssyncset.done $0x0  }
0x288: {  	[sflag:s6] =	ssyncadd.s32 $0xFFFF8000  }
0x289: {  	[tilespmem:s7], [sflag:$0x1] =	stream.linear.gather [hbm4b:s23+s2], $0x8000, $0x38;
	[tilespmem:$0x10000] =	vst v63  }
0x28a: {  	_ = 	snop  }
0x28b: {  	[hbm4b:s24+s2] =	stream.linear.scatter [tilespmem:s2], [sflag:$0x2], $0x8000, $0x38;
	[tilespmem:$0x10000] =	vst v63  }
0x28c: {  	_ =	swait.ge [sflag:s4], $0x8000  }
0x28d: {  	[sflag:s4] =	ssyncset.done $0x0  }
0x28e: {  	[sflag:s4] =	ssyncadd.s32 $0xFFFF8000  }
0x28f: {  	_ =	swait.ge [sflag:s6], $0x8000  }
0x290: {  	[sflag:s6] =	ssyncset.done $0x0  }
0x291: {  	[sflag:s6] =	ssyncadd.s32 $0xFFFF8000  }
0x292: {  	[tilespmem:s2], [sflag:$0x1] =	stream.linear.gather [hbm4b:s21+s2], $0x8000, $0x38;
	[tilespmem:$0x10000] =	vst v63  }
0x293: {  	_ = 	snop  }
0x294: {  	[hbm4b:s22+s2] =	stream.linear.scatter [tilespmem:s7], [sflag:$0x2], $0x8000, $0x38;
	[tilespmem:$0x10000] =	vst v63  }
0x295: {  	_ =	swait.ge [sflag:s4], $0x8000  }
0x296: {  	[sflag:s4] =	ssyncset.done $0x0  }
0x297: {  	[sflag:s4] =	ssyncadd.s32 $0xFFFF8000  }
0x298: {  	_ =	swait.ge [sflag:s6], $0x8000  }
0x299: {  	[sflag:s6] =	ssyncset.done $0x0  }
0x29a: {  	[sflag:s6] =	ssyncadd.s32 $0xFFFF8000  }
0x29b: {  	[tilespmem:s7], [sflag:$0x1] =	stream.linear.gather [hbm4b:s19+s2], $0x8000, $0x38;
	[tilespmem:$0x10000] =	vst v63  }
0x29c: {  	_ = 	snop  }
0x29d: {  	[hbm4b:s20+s2] =	stream.linear.scatter [tilespmem:s2], [sflag:$0x2], $0x8000, $0x38;
	[tilespmem:$0x10000] =	vst v63  }
0x29e: {  	_ =	swait.ge [sflag:s4], $0x8000  }
0x29f: {  	[sflag:s4] =	ssyncset.done $0x0  }
0x2a0: {  	[sflag:s4] =	ssyncadd.s32 $0xFFFF8000  }
0x2a1: {  	_ =	swait.ge [sflag:s6], $0x8000  }
0x2a2: {  	[sflag:s6] =	ssyncset.done $0x0  }
0x2a3: {  	[sflag:s6] =	ssyncadd.s32 $0xFFFF8000  }
0x2a4: {  	[tilespmem:s2], [sflag:$0x1] =	stream.linear.gather [hbm4b:s17+s2], $0x8000, $0x38;
	[tilespmem:$0x10000] =	vst v63  }
0x2a5: {  	_ = 	snop  }
0x2a6: {  	[hbm4b:s18+s2] =	stream.linear.scatter [tilespmem:s7], [sflag:$0x2], $0x8000, $0x38;
	[tilespmem:$0x10000] =	vst v63  }
0x2a7: {  	_ =	swait.ge [sflag:s4], $0x8000  }
0x2a8: {  	[sflag:s4] =	ssyncset.done $0x0  }
0x2a9: {  	[sflag:s4] =	ssyncadd.s32 $0xFFFF8000  }
0x2aa: {  	_ =	swait.ge [sflag:s6], $0x8000  }
0x2ab: {  	[sflag:s6] =	ssyncset.done $0x0  }
0x2ac: {  	[sflag:s6] =	ssyncadd.s32 $0xFFFF8000  }
0x2ad: {  	[tilespmem:s7], [sflag:$0x1] =	stream.linear.gather [hbm4b:s15+s2], $0x8000, $0x38;
	[tilespmem:$0x10000] =	vst v63  }
0x2ae: {  	_ = 	snop  }
0x2af: {  	[hbm4b:s16+s2] =	stream.linear.scatter [tilespmem:s2], [sflag:$0x2], $0x8000, $0x38;
	[tilespmem:$0x10000] =	vst v63  }
0x2b0: {  	_ =	swait.ge [sflag:s4], $0x8000  }
0x2b1: {  	[sflag:s4] =	ssyncset.done $0x0  }
0x2b2: {  	[sflag:s4] =	ssyncadd.s32 $0xFFFF8000  }
0x2b3: {  	_ =	swait.ge [sflag:s6], $0x8000  }
0x2b4: {  	[sflag:s6] =	ssyncset.done $0x0  }
0x2b5: {  	[sflag:s6] =	ssyncadd.s32 $0xFFFF8000  }
0x2b6: {  	[tilespmem:s2], [sflag:$0x1] =	stream.linear.gather [hbm4b:s14+s2], $0x8000, $0x38;
	[tilespmem:$0x10000] =	vst v63  }
0x2b7: {  	_ = 	snop  }
0x2b8: {  	[hbm4b:s13+s2] =	stream.linear.scatter [tilespmem:s7], [sflag:$0x2], $0x8000, $0x38;
	[tilespmem:$0x10000] =	vst v63  }
0x2b9: {  	_ =	swait.ge [sflag:s4], $0x8000  }
0x2ba: {  	[sflag:s4] =	ssyncset.done $0x0  }
0x2bb: {  	[sflag:s4] =	ssyncadd.s32 $0xFFFF8000  }
0x2bc: {  	_ =	swait.ge [sflag:s6], $0x8000  }
0x2bd: {  	[sflag:s6] =	ssyncset.done $0x0  }
0x2be: {  	[sflag:s6] =	ssyncadd.s32 $0xFFFF8000  }
0x2bf: {  	[tilespmem:s7], [sflag:$0x1] =	stream.linear.gather [hbm4b:s12+s2], $0x8000, $0x38;
	[tilespmem:$0x10000] =	vst v63  }
0x2c0: {  	_ = 	snop  }
0x2c1: {  	[hbm4b:s11+s2] =	stream.linear.scatter [tilespmem:s2], [sflag:$0x2], $0x8000, $0x38;
	[tilespmem:$0x10000] =	vst v63  }
0x2c2: {  	_ =	swait.ge [sflag:s4], $0x8000  }
0x2c3: {  	[sflag:s4] =	ssyncset.done $0x0  }
0x2c4: {  	[sflag:s4] =	ssyncadd.s32 $0xFFFF8000  }
0x2c5: {  	_ =	swait.ge [sflag:s6], $0x8000  }
0x2c6: {  	[sflag:s6] =	ssyncset.done $0x0  }
0x2c7: {  	[sflag:s6] =	ssyncadd.s32 $0xFFFF8000  }
0x2c8: {  	[tilespmem:s2], [sflag:$0x1] =	stream.linear.gather [hbm4b:s10+s2], $0x8000, $0x38;
	[tilespmem:$0x10000] =	vst v63  }
0x2c9: {  	_ = 	snop  }
0x2ca: {  	[hbm4b:s9+s2] =	stream.linear.scatter [tilespmem:s7], [sflag:$0x2], $0x8000, $0x38;
	[tilespmem:$0x10000] =	vst v63  }
0x2cb: {  	_ =	swait.ge [sflag:s4], $0x8000  }
0x2cc: {  	[sflag:s4] =	ssyncset.done $0x0  }
0x2cd: {  	[sflag:s4] =	ssyncadd.s32 $0xFFFF8000  }
0x2ce: {  	_ =	swait.ge [sflag:s6], $0x8000  }
0x2cf: {  	[sflag:s6] =	ssyncset.done $0x0  }
0x2d0: {  	[sflag:s6] =	ssyncadd.s32 $0xFFFF8000  }
0x2d1: {  	[tilespmem:s7], [sflag:$0x1] =	stream.linear.gather [hbm4b:s5+s2], $0x8000, $0x38;
	[tilespmem:$0x10000] =	vst v63  }
0x2d2: {  	_ = 	snop  }
0x2d3: {  	[hbm4b:s8+s2] =	stream.linear.scatter [tilespmem:s2], [sflag:$0x2], $0x8000, $0x38;
	[tilespmem:$0x10000] =	vst v63  }
0x2d4: {  	_ =	swait.ge [sflag:s4], $0x8000  }
0x2d5: {  	[sflag:s4] =	ssyncset.done $0x0  }
0x2d6: {  	[sflag:s4] =	ssyncadd.s32 $0xFFFF8000  }
0x2d7: {  	_ =	swait.ge [sflag:s6], $0x8000  }
0x2d8: {  	s1 =	sld [smem:$0x7B2];
	_ =	sdelay $0x2  }
0x2d9: {  	[sflag:s6] =	ssyncset.done $0x0;
	p1 =	sne.s32 s1, $0x1  }
.Ltmp1:
0x2da: {  	[sflag:s6] =	ssyncadd.s32 $0xFFFF8000;
	(pc) =	sbr.rel @!p1 .LBB2_3-.Ltmp1, $4  }
0x2db: {  	[hbm4b:s3+s2] =	stream.linear.scatter [tilespmem:s7], [sflag:$0x2], $0x8000, $0x38;
	[tilespmem:$0x10000] =	vst v63  }
0x2dc: {  	_ =	swait.ge [sflag:s4], $0x8000  }
0x2dd: {  	s0 =	sadd.s32 $0xFFFFFFFF, s1;
	s1 =	rddreg [dreg:$0x3]  }
0x2de: {  	p0 =	por $0x1, $0x1;
	[sflag:s4] =	ssyncset.done $0x0;
	[smem:$0x7B3] =	sst s31  }
.LBB2_2:
0x2df: {  	[sflag:s4] =	ssyncadd.s32 $0xFFFF8000;
	s31 =	smov.u32 s30;
	s30 =	smov.u32 s29  }
0x2e0: {  	s29 =	smov.u32 s28;
	s28 =	smov.u32 s26;
	s26 =	smov.u32 s25  }
0x2e1: {  	s25 =	smov.u32 s24;
	s24 =	smov.u32 s23;
	s23 =	smov.u32 s22  }
0x2e2: {  	s22 =	smov.u32 s21;
	s21 =	smov.u32 s20;
	s20 =	smov.u32 s19  }
0x2e3: {  	s19 =	smov.u32 s18;
	s18 =	smov.u32 s17;
	s17 =	smov.u32 s16  }
0x2e4: {  	s16 =	smov.u32 s15;
	s15 =	smov.u32 s14;
	s14 =	smov.u32 s13  }
0x2e5: {  	[tilespmem:s2], [sflag:$0x1] =	stream.linear.gather [hbm4b:s1+s2], $0x8000, $0x38;
	[tilespmem:$0x10000] =	vst v63  }
0x2e6: {  	s13 =	smov.u32 s12;
	s12 =	smov.u32 s11;
	_ =	swait.ge [sflag:s6], $0x8000  }
0x2e7: {  	s11 =	smov.u32 s10;
	s10 =	smov.u32 s9;
	[sflag:s6] =	ssyncset.done $0x0  }
0x2e8: {  	s9 =	smov.u32 s8;
	s1 =	rddreg [dreg:$0x4];
	[sflag:s6] =	ssyncadd.s32 $0xFFFF8000  }
0x2e9: {  	[tilespmem:s7], [sflag:$0x1] =	stream.linear.gather [hbm4b:s1+s2], $0x8000, $0x38;
	[tilespmem:$0x10000] =	vst v63  }
0x2ea: {  	s8 =	smov.u32 s5;
	s5 =	smov.u32 s3;
	s3 =	rddreg [dreg:$0x5]  }
0x2eb: {  	[hbm4b:s3+s2] =	stream.linear.scatter [tilespmem:s2], [sflag:$0x2], $0x8000, $0x38;
	[tilespmem:$0x10000] =	vst v63  }
0x2ec: {  	_ =	swait.ge [sflag:s4], $0x8000  }
0x2ed: {  	[sflag:s4] =	ssyncset.done $0x0  }
0x2ee: {  	[sflag:s4] =	ssyncadd.s32 $0xFFFF8000  }
0x2ef: {  	_ =	swait.ge [sflag:s6], $0x8000  }
0x2f0: {  	[sflag:s6] =	ssyncset.done $0x0  }
0x2f1: {  	s1 =	rddreg [dreg:$0x6];
	[sflag:s6] =	ssyncadd.s32 $0xFFFF8000  }
0x2f2: {  	[tilespmem:s2], [sflag:$0x1] =	stream.linear.gather [hbm4b:s1+s2], $0x8000, $0x38;
	[tilespmem:$0x10000] =	vst v63  }
0x2f3: {  	s3 =	rddreg [dreg:$0x7]  }
0x2f4: {  	[hbm4b:s3+s2] =	stream.linear.scatter [tilespmem:s7], [sflag:$0x2], $0x8000, $0x38;
	[tilespmem:$0x10000] =	vst v63  }
0x2f5: {  	_ =	swait.ge [sflag:s4], $0x8000  }
0x2f6: {  	[sflag:s4] =	ssyncset.done $0x0  }
0x2f7: {  	[sflag:s4] =	ssyncadd.s32 $0xFFFF8000  }
0x2f8: {  	_ =	swait.ge [sflag:s6], $0x8000  }
0x2f9: {  	[sflag:s6] =	ssyncset.done $0x0  }
0x2fa: {  	s1 =	rddreg [dreg:$0x8];
	[sflag:s6] =	ssyncadd.s32 $0xFFFF8000  }
0x2fb: {  	[tilespmem:s7], [sflag:$0x1] =	stream.linear.gather [hbm4b:s1+s2], $0x8000, $0x38;
	[tilespmem:$0x10000] =	vst v63  }
0x2fc: {  	s3 =	rddreg [dreg:$0x9]  }
0x2fd: {  	[hbm4b:s3+s2] =	stream.linear.scatter [tilespmem:s2], [sflag:$0x2], $0x8000, $0x38;
	[tilespmem:$0x10000] =	vst v63  }
0x2fe: {  	_ =	swait.ge [sflag:s4], $0x8000  }
0x2ff: {  	[sflag:s4] =	ssyncset.done $0x0  }
0x300: {  	[sflag:s4] =	ssyncadd.s32 $0xFFFF8000  }
0x301: {  	_ =	swait.ge [sflag:s6], $0x8000  }
0x302: {  	[sflag:s6] =	ssyncset.done $0x0  }
0x303: {  	s1 =	rddreg [dreg:$0xa];
	[sflag:s6] =	ssyncadd.s32 $0xFFFF8000  }
0x304: {  	[tilespmem:s2], [sflag:$0x1] =	stream.linear.gather [hbm4b:s1+s2], $0x8000, $0x38;
	[tilespmem:$0x10000] =	vst v63  }
0x305: {  	s3 =	rddreg [dreg:$0xb]  }
0x306: {  	[hbm4b:s3+s2] =	stream.linear.scatter [tilespmem:s7], [sflag:$0x2], $0x8000, $0x38;
	[tilespmem:$0x10000] =	vst v63  }
0x307: {  	_ =	swait.ge [sflag:s4], $0x8000  }
0x308: {  	[sflag:s4] =	ssyncset.done $0x0  }
0x309: {  	[sflag:s4] =	ssyncadd.s32 $0xFFFF8000  }
0x30a: {  	_ =	swait.ge [sflag:s6], $0x8000  }
0x30b: {  	[sflag:s6] =	ssyncset.done $0x0  }
0x30c: {  	s1 =	rddreg [dreg:$0xc];
	[sflag:s6] =	ssyncadd.s32 $0xFFFF8000  }
0x30d: {  	[tilespmem:s7], [sflag:$0x1] =	stream.linear.gather [hbm4b:s1+s2], $0x8000, $0x38;
	[tilespmem:$0x10000] =	vst v63  }
0x30e: {  	s3 =	rddreg [dreg:$0xd]  }
0x30f: {  	[hbm4b:s3+s2] =	stream.linear.scatter [tilespmem:s2], [sflag:$0x2], $0x8000, $0x38;
	[tilespmem:$0x10000] =	vst v63  }
0x310: {  	_ =	swait.ge [sflag:s4], $0x8000  }
0x311: {  	[sflag:s4] =	ssyncset.done $0x0  }
0x312: {  	[sflag:s4] =	ssyncadd.s32 $0xFFFF8000  }
0x313: {  	_ =	swait.ge [sflag:s6], $0x8000  }
0x314: {  	[sflag:s6] =	ssyncset.done $0x0  }
0x315: {  	s1 =	rddreg [dreg:$0xe];
	[sflag:s6] =	ssyncadd.s32 $0xFFFF8000  }
0x316: {  	[tilespmem:s2], [sflag:$0x1] =	stream.linear.gather [hbm4b:s1+s2], $0x8000, $0x38;
	[tilespmem:$0x10000] =	vst v63  }
0x317: {  	s3 =	rddreg [dreg:$0xf]  }
0x318: {  	[hbm4b:s3+s2] =	stream.linear.scatter [tilespmem:s7], [sflag:$0x2], $0x8000, $0x38;
	[tilespmem:$0x10000] =	vst v63  }
0x319: {  	_ =	swait.ge [sflag:s4], $0x8000  }
0x31a: {  	[sflag:s4] =	ssyncset.done $0x0  }
0x31b: {  	[sflag:s4] =	ssyncadd.s32 $0xFFFF8000  }
0x31c: {  	_ =	swait.ge [sflag:s6], $0x8000  }
0x31d: {  	[sflag:s6] =	ssyncset.done $0x0  }
0x31e: {  	s1 =	rddreg [dreg:$0x10];
	[sflag:s6] =	ssyncadd.s32 $0xFFFF8000  }
0x31f: {  	[tilespmem:s7], [sflag:$0x1] =	stream.linear.gather [hbm4b:s1+s2], $0x8000, $0x38;
	[tilespmem:$0x10000] =	vst v63  }
0x320: {  	s3 =	rddreg [dreg:$0x11]  }
0x321: {  	[hbm4b:s3+s2] =	stream.linear.scatter [tilespmem:s2], [sflag:$0x2], $0x8000, $0x38;
	[tilespmem:$0x10000] =	vst v63  }
0x322: {  	_ =	swait.ge [sflag:s4], $0x8000  }
0x323: {  	[sflag:s4] =	ssyncset.done $0x0  }
0x324: {  	[sflag:s4] =	ssyncadd.s32 $0xFFFF8000  }
0x325: {  	_ =	swait.ge [sflag:s6], $0x8000  }
0x326: {  	[sflag:s6] =	ssyncset.done $0x0  }
0x327: {  	s1 =	rddreg [dreg:$0x12];
	[sflag:s6] =	ssyncadd.s32 $0xFFFF8000  }
0x328: {  	[tilespmem:s2], [sflag:$0x1] =	stream.linear.gather [hbm4b:s1+s2], $0x8000, $0x38;
	[tilespmem:$0x10000] =	vst v63  }
0x329: {  	s3 =	rddreg [dreg:$0x13]  }
0x32a: {  	[hbm4b:s3+s2] =	stream.linear.scatter [tilespmem:s7], [sflag:$0x2], $0x8000, $0x38;
	[tilespmem:$0x10000] =	vst v63  }
0x32b: {  	_ =	swait.ge [sflag:s4], $0x8000  }
0x32c: {  	[sflag:s4] =	ssyncset.done $0x0  }
0x32d: {  	[sflag:s4] =	ssyncadd.s32 $0xFFFF8000  }
0x32e: {  	_ =	swait.ge [sflag:s6], $0x8000  }
0x32f: {  	[sflag:s6] =	ssyncset.done $0x0  }
0x330: {  	s1 =	rddreg [dreg:$0x14];
	[sflag:s6] =	ssyncadd.s32 $0xFFFF8000  }
0x331: {  	[tilespmem:s7], [sflag:$0x1] =	stream.linear.gather [hbm4b:s1+s2], $0x8000, $0x38;
	[tilespmem:$0x10000] =	vst v63  }
0x332: {  	s3 =	rddreg [dreg:$0x15]  }
0x333: {  	[hbm4b:s3+s2] =	stream.linear.scatter [tilespmem:s2], [sflag:$0x2], $0x8000, $0x38;
	[tilespmem:$0x10000] =	vst v63  }
0x334: {  	_ =	swait.ge [sflag:s4], $0x8000  }
0x335: {  	[sflag:s4] =	ssyncset.done $0x0  }
0x336: {  	[sflag:s4] =	ssyncadd.s32 $0xFFFF8000  }
0x337: {  	_ =	swait.ge [sflag:s6], $0x8000  }
0x338: {  	[sflag:s6] =	ssyncset.done $0x0  }
0x339: {  	s1 =	rddreg [dreg:$0x16];
	[sflag:s6] =	ssyncadd.s32 $0xFFFF8000  }
0x33a: {  	[tilespmem:s2], [sflag:$0x1] =	stream.linear.gather [hbm4b:s1+s2], $0x8000, $0x38;
	[tilespmem:$0x10000] =	vst v63  }
0x33b: {  	s3 =	rddreg [dreg:$0x17]  }
0x33c: {  	[hbm4b:s3+s2] =	stream.linear.scatter [tilespmem:s7], [sflag:$0x2], $0x8000, $0x38;
	[tilespmem:$0x10000] =	vst v63  }
0x33d: {  	_ =	swait.ge [sflag:s4], $0x8000  }
0x33e: {  	[sflag:s4] =	ssyncset.done $0x0  }
0x33f: {  	[sflag:s4] =	ssyncadd.s32 $0xFFFF8000  }
0x340: {  	_ =	swait.ge [sflag:s6], $0x8000  }
0x341: {  	[sflag:s6] =	ssyncset.done $0x0  }
0x342: {  	s1 =	rddreg [dreg:$0x18];
	[sflag:s6] =	ssyncadd.s32 $0xFFFF8000  }
0x343: {  	[tilespmem:s7], [sflag:$0x1] =	stream.linear.gather [hbm4b:s1+s2], $0x8000, $0x38;
	[tilespmem:$0x10000] =	vst v63  }
0x344: {  	s3 =	rddreg [dreg:$0x19]  }
0x345: {  	[hbm4b:s3+s2] =	stream.linear.scatter [tilespmem:s2], [sflag:$0x2], $0x8000, $0x38;
	[tilespmem:$0x10000] =	vst v63  }
0x346: {  	_ =	swait.ge [sflag:s4], $0x8000  }
0x347: {  	[sflag:s4] =	ssyncset.done $0x0  }
0x348: {  	[sflag:s4] =	ssyncadd.s32 $0xFFFF8000  }
0x349: {  	_ =	swait.ge [sflag:s6], $0x8000  }
0x34a: {  	[sflag:s6] =	ssyncset.done $0x0  }
0x34b: {  	s1 =	rddreg [dreg:$0x1a];
	[sflag:s6] =	ssyncadd.s32 $0xFFFF8000  }
0x34c: {  	[tilespmem:s2], [sflag:$0x1] =	stream.linear.gather [hbm4b:s1+s2], $0x8000, $0x38;
	[tilespmem:$0x10000] =	vst v63  }
0x34d: {  	s3 =	rddreg [dreg:$0x1b]  }
0x34e: {  	[hbm4b:s3+s2] =	stream.linear.scatter [tilespmem:s7], [sflag:$0x2], $0x8000, $0x38;
	[tilespmem:$0x10000] =	vst v63  }
0x34f: {  	_ =	swait.ge [sflag:s4], $0x8000  }
0x350: {  	[sflag:s4] =	ssyncset.done $0x0  }
0x351: {  	[sflag:s4] =	ssyncadd.s32 $0xFFFF8000  }
0x352: {  	_ =	swait.ge [sflag:s6], $0x8000  }
0x353: {  	[sflag:s6] =	ssyncset.done $0x0  }
0x354: {  	s1 =	rddreg [dreg:$0x1c];
	[sflag:s6] =	ssyncadd.s32 $0xFFFF8000  }
0x355: {  	[tilespmem:s7], [sflag:$0x1] =	stream.linear.gather [hbm4b:s1+s2], $0x8000, $0x38;
	[tilespmem:$0x10000] =	vst v63  }
0x356: {  	s3 =	rddreg [dreg:$0x1d]  }
0x357: {  	[hbm4b:s3+s2] =	stream.linear.scatter [tilespmem:s2], [sflag:$0x2], $0x8000, $0x38;
	[tilespmem:$0x10000] =	vst v63  }
0x358: {  	_ =	swait.ge [sflag:s4], $0x8000  }
0x359: {  	[sflag:s4] =	ssyncset.done $0x0  }
0x35a: {  	[sflag:s4] =	ssyncadd.s32 $0xFFFF8000  }
0x35b: {  	_ =	swait.ge [sflag:s6], $0x8000  }
0x35c: {  	[sflag:s6] =	ssyncset.done $0x0  }
0x35d: {  	s1 =	rddreg [dreg:$0x1e];
	[sflag:s6] =	ssyncadd.s32 $0xFFFF8000  }
0x35e: {  	[tilespmem:s2], [sflag:$0x1] =	stream.linear.gather [hbm4b:s1+s2], $0x8000, $0x38;
	[tilespmem:$0x10000] =	vst v63  }
0x35f: {  	s3 =	rddreg [dreg:$0x1f]  }
0x360: {  	[hbm4b:s3+s2] =	stream.linear.scatter [tilespmem:s7], [sflag:$0x2], $0x8000, $0x38;
	[tilespmem:$0x10000] =	vst v63  }
0x361: {  	_ =	swait.ge [sflag:s4], $0x8000  }
0x362: {  	[sflag:s4] =	ssyncset.done $0x0  }
0x363: {  	[sflag:s4] =	ssyncadd.s32 $0xFFFF8000  }
0x364: {  	_ =	swait.ge [sflag:s6], $0x8000  }
0x365: {  	s1 =	sld [smem:$0x7B4]  }
0x366: {  	[sflag:s6] =	ssyncset.done $0x0  }
0x367: {  	s3 =	sld [smem:$0x7B5];
	[sflag:s6] =	ssyncadd.s32 $0xFFFF8000  }
0x368: {  	[tilespmem:s7], [sflag:$0x1] =	stream.linear.gather [hbm4b:s1+s2], $0x8000, $0x38;
	[tilespmem:$0x10000] =	vst v63  }
0x369: {  	_ = 	snop  }
0x36a: {  	[hbm4b:s3+s2] =	stream.linear.scatter [tilespmem:s2], [sflag:$0x2], $0x8000, $0x38;
	[tilespmem:$0x10000] =	vst v63  }
0x36b: {  	_ =	swait.ge [sflag:s4], $0x8000  }
0x36c: {  	[sflag:s4] =	ssyncset.done $0x0  }
0x36d: {  	[sflag:s4] =	ssyncadd.s32 $0xFFFF8000  }
0x36e: {  	_ =	swait.ge [sflag:s6], $0x8000  }
0x36f: {  	s1 =	sld [smem:$0x7B6]  }
0x370: {  	[sflag:s6] =	ssyncset.done $0x0  }
0x371: {  	s3 =	sld [smem:$0x7B7];
	[sflag:s6] =	ssyncadd.s32 $0xFFFF8000  }
0x372: {  	[tilespmem:s2], [sflag:$0x1] =	stream.linear.gather [hbm4b:s1+s2], $0x8000, $0x38;
	[tilespmem:$0x10000] =	vst v63  }
0x373: {  	_ = 	snop  }
0x374: {  	[hbm4b:s3+s2] =	stream.linear.scatter [tilespmem:s7], [sflag:$0x2], $0x8000, $0x38;
	[tilespmem:$0x10000] =	vst v63  }
0x375: {  	_ =	swait.ge [sflag:s4], $0x8000  }
0x376: {  	[sflag:s4] =	ssyncset.done $0x0  }
0x377: {  	[sflag:s4] =	ssyncadd.s32 $0xFFFF8000  }
0x378: {  	_ =	swait.ge [sflag:s6], $0x8000  }
0x379: {  	s1 =	sld [smem:$0x7B8]  }
0x37a: {  	[sflag:s6] =	ssyncset.done $0x0  }
0x37b: {  	s3 =	sld [smem:$0x7B9];
	[sflag:s6] =	ssyncadd.s32 $0xFFFF8000  }
0x37c: {  	[tilespmem:s7], [sflag:$0x1] =	stream.linear.gather [hbm4b:s1+s2], $0x8000, $0x38;
	[tilespmem:$0x10000] =	vst v63  }
0x37d: {  	_ = 	snop  }
0x37e: {  	[hbm4b:s3+s2] =	stream.linear.scatter [tilespmem:s2], [sflag:$0x2], $0x8000, $0x38;
	[tilespmem:$0x10000] =	vst v63  }
0x37f: {  	_ =	swait.ge [sflag:s4], $0x8000  }
0x380: {  	[sflag:s4] =	ssyncset.done $0x0  }
0x381: {  	[sflag:s4] =	ssyncadd.s32 $0xFFFF8000  }
0x382: {  	_ =	swait.ge [sflag:s6], $0x8000  }
0x383: {  	s1 =	sld [smem:$0x7BA]  }
0x384: {  	[sflag:s6] =	ssyncset.done $0x0  }
0x385: {  	s3 =	sld [smem:$0x7BB];
	[sflag:s6] =	ssyncadd.s32 $0xFFFF8000  }
0x386: {  	[tilespmem:s2], [sflag:$0x1] =	stream.linear.gather [hbm4b:s1+s2], $0x8000, $0x38;
	[tilespmem:$0x10000] =	vst v63  }
0x387: {  	_ = 	snop  }
0x388: {  	[hbm4b:s3+s2] =	stream.linear.scatter [tilespmem:s7], [sflag:$0x2], $0x8000, $0x38;
	[tilespmem:$0x10000] =	vst v63  }
0x389: {  	_ =	swait.ge [sflag:s4], $0x8000  }
0x38a: {  	[sflag:s4] =	ssyncset.done $0x0  }
0x38b: {  	[sflag:s4] =	ssyncadd.s32 $0xFFFF8000  }
0x38c: {  	_ =	swait.ge [sflag:s6], $0x8000  }
0x38d: {  	s1 =	sld [smem:$0x7BC]  }
0x38e: {  	[sflag:s6] =	ssyncset.done $0x0  }
0x38f: {  	s3 =	sld [smem:$0x7BD];
	[sflag:s6] =	ssyncadd.s32 $0xFFFF8000  }
0x390: {  	[tilespmem:s7], [sflag:$0x1] =	stream.linear.gather [hbm4b:s1+s2], $0x8000, $0x38;
	[tilespmem:$0x10000] =	vst v63  }
0x391: {  	_ = 	snop  }
0x392: {  	[hbm4b:s3+s2] =	stream.linear.scatter [tilespmem:s2], [sflag:$0x2], $0x8000, $0x38;
	[tilespmem:$0x10000] =	vst v63  }
0x393: {  	_ =	swait.ge [sflag:s4], $0x8000  }
0x394: {  	[sflag:s4] =	ssyncset.done $0x0  }
0x395: {  	[sflag:s4] =	ssyncadd.s32 $0xFFFF8000  }
0x396: {  	_ =	swait.ge [sflag:s6], $0x8000  }
0x397: {  	s1 =	sld [smem:$0x7BE]  }
0x398: {  	[sflag:s6] =	ssyncset.done $0x0  }
0x399: {  	s3 =	sld [smem:$0x7BF];
	[sflag:s6] =	ssyncadd.s32 $0xFFFF8000  }
0x39a: {  	[tilespmem:s2], [sflag:$0x1] =	stream.linear.gather [hbm4b:s1+s2], $0x8000, $0x38;
	[tilespmem:$0x10000] =	vst v63  }
0x39b: {  	_ = 	snop  }
0x39c: {  	[hbm4b:s3+s2] =	stream.linear.scatter [tilespmem:s7], [sflag:$0x2], $0x8000, $0x38;
	[tilespmem:$0x10000] =	vst v63  }
0x39d: {  	_ =	swait.ge [sflag:s4], $0x8000  }
0x39e: {  	[sflag:s4] =	ssyncset.done $0x0  }
0x39f: {  	[sflag:s4] =	ssyncadd.s32 $0xFFFF8000  }
0x3a0: {  	_ =	swait.ge [sflag:s6], $0x8000  }
0x3a1: {  	s1 =	sld [smem:$0x7C0]  }
0x3a2: {  	[sflag:s6] =	ssyncset.done $0x0  }
0x3a3: {  	s3 =	sld [smem:$0x7C1];
	[sflag:s6] =	ssyncadd.s32 $0xFFFF8000  }
0x3a4: {  	[tilespmem:s7], [sflag:$0x1] =	stream.linear.gather [hbm4b:s1+s2], $0x8000, $0x38;
	[tilespmem:$0x10000] =	vst v63  }
0x3a5: {  	_ = 	snop  }
0x3a6: {  	[hbm4b:s3+s2] =	stream.linear.scatter [tilespmem:s2], [sflag:$0x2], $0x8000, $0x38;
	[tilespmem:$0x10000] =	vst v63  }
0x3a7: {  	_ =	swait.ge [sflag:s4], $0x8000  }
0x3a8: {  	[sflag:s4] =	ssyncset.done $0x0  }
0x3a9: {  	[sflag:s4] =	ssyncadd.s32 $0xFFFF8000  }
0x3aa: {  	_ =	swait.ge [sflag:s6], $0x8000  }
0x3ab: {  	s1 =	sld [smem:$0x7C2]  }
0x3ac: {  	[sflag:s6] =	ssyncset.done $0x0  }
0x3ad: {  	s3 =	sld [smem:$0x7C3];
	[sflag:s6] =	ssyncadd.s32 $0xFFFF8000  }
0x3ae: {  	[tilespmem:s2], [sflag:$0x1] =	stream.linear.gather [hbm4b:s1+s2], $0x8000, $0x38;
	[tilespmem:$0x10000] =	vst v63  }
0x3af: {  	_ = 	snop  }
0x3b0: {  	[hbm4b:s3+s2] =	stream.linear.scatter [tilespmem:s7], [sflag:$0x2], $0x8000, $0x38;
	[tilespmem:$0x10000] =	vst v63  }
0x3b1: {  	_ =	swait.ge [sflag:s4], $0x8000  }
0x3b2: {  	[sflag:s4] =	ssyncset.done $0x0  }
0x3b3: {  	[sflag:s4] =	ssyncadd.s32 $0xFFFF8000  }
0x3b4: {  	_ =	swait.ge [sflag:s6], $0x8000  }
0x3b5: {  	s1 =	sld [smem:$0x7C4]  }
0x3b6: {  	[sflag:s6] =	ssyncset.done $0x0  }
0x3b7: {  	s3 =	sld [smem:$0x7C5];
	[sflag:s6] =	ssyncadd.s32 $0xFFFF8000  }
0x3b8: {  	[tilespmem:s7], [sflag:$0x1] =	stream.linear.gather [hbm4b:s1+s2], $0x8000, $0x38;
	[tilespmem:$0x10000] =	vst v63  }
0x3b9: {  	_ = 	snop  }
0x3ba: {  	[hbm4b:s3+s2] =	stream.linear.scatter [tilespmem:s2], [sflag:$0x2], $0x8000, $0x38;
	[tilespmem:$0x10000] =	vst v63  }
0x3bb: {  	_ =	swait.ge [sflag:s4], $0x8000  }
0x3bc: {  	[sflag:s4] =	ssyncset.done $0x0  }
0x3bd: {  	[sflag:s4] =	ssyncadd.s32 $0xFFFF8000  }
0x3be: {  	_ =	swait.ge [sflag:s6], $0x8000  }
0x3bf: {  	s1 =	sld [smem:$0x7C6]  }
0x3c0: {  	[sflag:s6] =	ssyncset.done $0x0  }
0x3c1: {  	s3 =	sld [smem:$0x7C7];
	[sflag:s6] =	ssyncadd.s32 $0xFFFF8000  }
0x3c2: {  	[tilespmem:s2], [sflag:$0x1] =	stream.linear.gather [hbm4b:s1+s2], $0x8000, $0x38;
	[tilespmem:$0x10000] =	vst v63  }
0x3c3: {  	_ = 	snop  }
0x3c4: {  	[hbm4b:s3+s2] =	stream.linear.scatter [tilespmem:s7], [sflag:$0x2], $0x8000, $0x38;
	[tilespmem:$0x10000] =	vst v63  }
0x3c5: {  	_ =	swait.ge [sflag:s4], $0x8000  }
0x3c6: {  	[sflag:s4] =	ssyncset.done $0x0  }
0x3c7: {  	[sflag:s4] =	ssyncadd.s32 $0xFFFF8000  }
0x3c8: {  	_ =	swait.ge [sflag:s6], $0x8000  }
0x3c9: {  	s1 =	sld [smem:$0x7C8]  }
0x3ca: {  	[sflag:s6] =	ssyncset.done $0x0  }
0x3cb: {  	s3 =	sld [smem:$0x7C9];
	[sflag:s6] =	ssyncadd.s32 $0xFFFF8000  }
0x3cc: {  	[tilespmem:s7], [sflag:$0x1] =	stream.linear.gather [hbm4b:s1+s2], $0x8000, $0x38;
	[tilespmem:$0x10000] =	vst v63  }
0x3cd: {  	_ = 	snop  }
0x3ce: {  	[hbm4b:s3+s2] =	stream.linear.scatter [tilespmem:s2], [sflag:$0x2], $0x8000, $0x38;
	[tilespmem:$0x10000] =	vst v63  }
0x3cf: {  	_ =	swait.ge [sflag:s4], $0x8000  }
0x3d0: {  	[sflag:s4] =	ssyncset.done $0x0  }
0x3d1: {  	[sflag:s4] =	ssyncadd.s32 $0xFFFF8000  }
0x3d2: {  	_ =	swait.ge [sflag:s6], $0x8000  }
0x3d3: {  	s1 =	sld [smem:$0x7CA]  }
0x3d4: {  	[sflag:s6] =	ssyncset.done $0x0  }
0x3d5: {  	s3 =	sld [smem:$0x7CB];
	[sflag:s6] =	ssyncadd.s32 $0xFFFF8000  }
0x3d6: {  	[tilespmem:s2], [sflag:$0x1] =	stream.linear.gather [hbm4b:s1+s2], $0x8000, $0x38;
	[tilespmem:$0x10000] =	vst v63  }
0x3d7: {  	_ = 	snop  }
0x3d8: {  	[hbm4b:s3+s2] =	stream.linear.scatter [tilespmem:s7], [sflag:$0x2], $0x8000, $0x38;
	[tilespmem:$0x10000] =	vst v63  }
0x3d9: {  	_ =	swait.ge [sflag:s4], $0x8000  }
0x3da: {  	[sflag:s4] =	ssyncset.done $0x0  }
0x3db: {  	[sflag:s4] =	ssyncadd.s32 $0xFFFF8000  }
0x3dc: {  	_ =	swait.ge [sflag:s6], $0x8000  }
0x3dd: {  	s1 =	sld [smem:$0x7CC]  }
0x3de: {  	[sflag:s6] =	ssyncset.done $0x0  }
0x3df: {  	s3 =	sld [smem:$0x7CD];
	[sflag:s6] =	ssyncadd.s32 $0xFFFF8000  }
0x3e0: {  	[tilespmem:s7], [sflag:$0x1] =	stream.linear.gather [hbm4b:s1+s2], $0x8000, $0x38;
	[tilespmem:$0x10000] =	vst v63  }
0x3e1: {  	_ = 	snop  }
0x3e2: {  	[hbm4b:s3+s2] =	stream.linear.scatter [tilespmem:s2], [sflag:$0x2], $0x8000, $0x38;
	[tilespmem:$0x10000] =	vst v63  }
0x3e3: {  	_ =	swait.ge [sflag:s4], $0x8000  }
0x3e4: {  	[sflag:s4] =	ssyncset.done $0x0  }
0x3e5: {  	[sflag:s4] =	ssyncadd.s32 $0xFFFF8000  }
0x3e6: {  	_ =	swait.ge [sflag:s6], $0x8000  }
0x3e7: {  	s1 =	sld [smem:$0x7CE]  }
0x3e8: {  	[sflag:s6] =	ssyncset.done $0x0  }
0x3e9: {  	s3 =	sld [smem:$0x7CF];
	[sflag:s6] =	ssyncadd.s32 $0xFFFF8000  }
0x3ea: {  	[tilespmem:s2], [sflag:$0x1] =	stream.linear.gather [hbm4b:s1+s2], $0x8000, $0x38;
	[tilespmem:$0x10000] =	vst v63  }
0x3eb: {  	_ = 	snop  }
0x3ec: {  	[hbm4b:s3+s2] =	stream.linear.scatter [tilespmem:s7], [sflag:$0x2], $0x8000, $0x38;
	[tilespmem:$0x10000] =	vst v63  }
0x3ed: {  	_ =	swait.ge [sflag:s4], $0x8000  }
0x3ee: {  	[sflag:s4] =	ssyncset.done $0x0  }
0x3ef: {  	[sflag:s4] =	ssyncadd.s32 $0xFFFF8000  }
0x3f0: {  	_ =	swait.ge [sflag:s6], $0x8000  }
0x3f1: {  	s1 =	sld [smem:$0x7D0]  }
0x3f2: {  	[sflag:s6] =	ssyncset.done $0x0  }
0x3f3: {  	s3 =	sld [smem:$0x7D1];
	[sflag:s6] =	ssyncadd.s32 $0xFFFF8000  }
0x3f4: {  	[tilespmem:s7], [sflag:$0x1] =	stream.linear.gather [hbm4b:s1+s2], $0x8000, $0x38;
	[tilespmem:$0x10000] =	vst v63  }
0x3f5: {  	_ = 	snop  }
0x3f6: {  	[hbm4b:s3+s2] =	stream.linear.scatter [tilespmem:s2], [sflag:$0x2], $0x8000, $0x38;
	[tilespmem:$0x10000] =	vst v63  }
0x3f7: {  	_ =	swait.ge [sflag:s4], $0x8000  }
0x3f8: {  	[sflag:s4] =	ssyncset.done $0x0  }
0x3f9: {  	[sflag:s4] =	ssyncadd.s32 $0xFFFF8000  }
0x3fa: {  	_ =	swait.ge [sflag:s6], $0x8000  }
0x3fb: {  	s1 =	sld [smem:$0x7D2]  }
0x3fc: {  	[sflag:s6] =	ssyncset.done $0x0  }
0x3fd: {  	s3 =	sld [smem:$0x7D3];
	[sflag:s6] =	ssyncadd.s32 $0xFFFF8000  }
0x3fe: {  	[tilespmem:s2], [sflag:$0x1] =	stream.linear.gather [hbm4b:s1+s2], $0x8000, $0x38;
	[tilespmem:$0x10000] =	vst v63  }
0x3ff: {  	_ = 	snop  }
0x400: {  	[hbm4b:s3+s2] =	stream.linear.scatter [tilespmem:s7], [sflag:$0x2], $0x8000, $0x38;
	[tilespmem:$0x10000] =	vst v63  }
0x401: {  	_ =	swait.ge [sflag:s4], $0x8000  }
0x402: {  	[sflag:s4] =	ssyncset.done $0x0  }
0x403: {  	[sflag:s4] =	ssyncadd.s32 $0xFFFF8000  }
0x404: {  	_ =	swait.ge [sflag:s6], $0x8000  }
0x405: {  	s1 =	sld [smem:$0x7D4]  }
0x406: {  	[sflag:s6] =	ssyncset.done $0x0  }
0x407: {  	s3 =	sld [smem:$0x7D5];
	[sflag:s6] =	ssyncadd.s32 $0xFFFF8000  }
0x408: {  	[tilespmem:s7], [sflag:$0x1] =	stream.linear.gather [hbm4b:s1+s2], $0x8000, $0x38;
	[tilespmem:$0x10000] =	vst v63  }
0x409: {  	_ = 	snop  }
0x40a: {  	[hbm4b:s3+s2] =	stream.linear.scatter [tilespmem:s2], [sflag:$0x2], $0x8000, $0x38;
	[tilespmem:$0x10000] =	vst v63  }
0x40b: {  	_ =	swait.ge [sflag:s4], $0x8000  }
0x40c: {  	[sflag:s4] =	ssyncset.done $0x0  }
0x40d: {  	[sflag:s4] =	ssyncadd.s32 $0xFFFF8000  }
0x40e: {  	_ =	swait.ge [sflag:s6], $0x8000  }
0x40f: {  	s1 =	sld [smem:$0x7D6]  }
0x410: {  	[sflag:s6] =	ssyncset.done $0x0  }
0x411: {  	s3 =	sld [smem:$0x7D7];
	[sflag:s6] =	ssyncadd.s32 $0xFFFF8000  }
0x412: {  	[tilespmem:s2], [sflag:$0x1] =	stream.linear.gather [hbm4b:s1+s2], $0x8000, $0x38;
	[tilespmem:$0x10000] =	vst v63  }
0x413: {  	_ = 	snop  }
0x414: {  	[hbm4b:s3+s2] =	stream.linear.scatter [tilespmem:s7], [sflag:$0x2], $0x8000, $0x38;
	[tilespmem:$0x10000] =	vst v63  }
0x415: {  	_ =	swait.ge [sflag:s4], $0x8000  }
0x416: {  	[sflag:s4] =	ssyncset.done $0x0  }
0x417: {  	[sflag:s4] =	ssyncadd.s32 $0xFFFF8000  }
0x418: {  	_ =	swait.ge [sflag:s6], $0x8000  }
0x419: {  	s1 =	sld [smem:$0x7D8]  }
0x41a: {  	[sflag:s6] =	ssyncset.done $0x0  }
0x41b: {  	s3 =	sld [smem:$0x7D9];
	[sflag:s6] =	ssyncadd.s32 $0xFFFF8000  }
0x41c: {  	[tilespmem:s7], [sflag:$0x1] =	stream.linear.gather [hbm4b:s1+s2], $0x8000, $0x38;
	[tilespmem:$0x10000] =	vst v63  }
0x41d: {  	_ = 	snop  }
0x41e: {  	[hbm4b:s3+s2] =	stream.linear.scatter [tilespmem:s2], [sflag:$0x2], $0x8000, $0x38;
	[tilespmem:$0x10000] =	vst v63  }
0x41f: {  	_ =	swait.ge [sflag:s4], $0x8000  }
0x420: {  	[sflag:s4] =	ssyncset.done $0x0  }
0x421: {  	[sflag:s4] =	ssyncadd.s32 $0xFFFF8000  }
0x422: {  	_ =	swait.ge [sflag:s6], $0x8000  }
0x423: {  	s1 =	sld [smem:$0x7DA]  }
0x424: {  	[sflag:s6] =	ssyncset.done $0x0  }
0x425: {  	s3 =	sld [smem:$0x7DB];
	[sflag:s6] =	ssyncadd.s32 $0xFFFF8000  }
0x426: {  	[tilespmem:s2], [sflag:$0x1] =	stream.linear.gather [hbm4b:s1+s2], $0x8000, $0x38;
	[tilespmem:$0x10000] =	vst v63  }
0x427: {  	_ = 	snop  }
0x428: {  	[hbm4b:s3+s2] =	stream.linear.scatter [tilespmem:s7], [sflag:$0x2], $0x8000, $0x38;
	[tilespmem:$0x10000] =	vst v63  }
0x429: {  	_ =	swait.ge [sflag:s4], $0x8000  }
0x42a: {  	[sflag:s4] =	ssyncset.done $0x0  }
0x42b: {  	[sflag:s4] =	ssyncadd.s32 $0xFFFF8000  }
0x42c: {  	_ =	swait.ge [sflag:s6], $0x8000  }
0x42d: {  	s1 =	sld [smem:$0x7DC]  }
0x42e: {  	[sflag:s6] =	ssyncset.done $0x0  }
0x42f: {  	s3 =	sld [smem:$0x7DD];
	[sflag:s6] =	ssyncadd.s32 $0xFFFF8000  }
0x430: {  	[tilespmem:s7], [sflag:$0x1] =	stream.linear.gather [hbm4b:s1+s2], $0x8000, $0x38;
	[tilespmem:$0x10000] =	vst v63  }
0x431: {  	_ = 	snop  }
0x432: {  	[hbm4b:s3+s2] =	stream.linear.scatter [tilespmem:s2], [sflag:$0x2], $0x8000, $0x38;
	[tilespmem:$0x10000] =	vst v63  }
0x433: {  	_ =	swait.ge [sflag:s4], $0x8000  }
0x434: {  	[sflag:s4] =	ssyncset.done $0x0  }
0x435: {  	[sflag:s4] =	ssyncadd.s32 $0xFFFF8000  }
0x436: {  	_ =	swait.ge [sflag:s6], $0x8000  }
0x437: {  	s1 =	sld [smem:$0x7DE]  }
0x438: {  	[sflag:s6] =	ssyncset.done $0x0  }
0x439: {  	s3 =	sld [smem:$0x7DF];
	[sflag:s6] =	ssyncadd.s32 $0xFFFF8000  }
0x43a: {  	[tilespmem:s2], [sflag:$0x1] =	stream.linear.gather [hbm4b:s1+s2], $0x8000, $0x38;
	[tilespmem:$0x10000] =	vst v63  }
0x43b: {  	_ = 	snop  }
0x43c: {  	[hbm4b:s3+s2] =	stream.linear.scatter [tilespmem:s7], [sflag:$0x2], $0x8000, $0x38;
	[tilespmem:$0x10000] =	vst v63  }
0x43d: {  	_ =	swait.ge [sflag:s4], $0x8000  }
0x43e: {  	[sflag:s4] =	ssyncset.done $0x0  }
0x43f: {  	[sflag:s4] =	ssyncadd.s32 $0xFFFF8000  }
0x440: {  	_ =	swait.ge [sflag:s6], $0x8000  }
0x441: {  	s1 =	sld [smem:$0x7E0]  }
0x442: {  	[sflag:s6] =	ssyncset.done $0x0  }
0x443: {  	s3 =	sld [smem:$0x7E1];
	[sflag:s6] =	ssyncadd.s32 $0xFFFF8000  }
0x444: {  	[tilespmem:s7], [sflag:$0x1] =	stream.linear.gather [hbm4b:s1+s2], $0x8000, $0x38;
	[tilespmem:$0x10000] =	vst v63  }
0x445: {  	_ = 	snop  }
0x446: {  	[hbm4b:s3+s2] =	stream.linear.scatter [tilespmem:s2], [sflag:$0x2], $0x8000, $0x38;
	[tilespmem:$0x10000] =	vst v63  }
0x447: {  	_ =	swait.ge [sflag:s4], $0x8000  }
0x448: {  	[sflag:s4] =	ssyncset.done $0x0  }
0x449: {  	[sflag:s4] =	ssyncadd.s32 $0xFFFF8000  }
0x44a: {  	_ =	swait.ge [sflag:s6], $0x8000  }
0x44b: {  	s1 =	sld [smem:$0x7E2]  }
0x44c: {  	[sflag:s6] =	ssyncset.done $0x0  }
0x44d: {  	s3 =	sld [smem:$0x7E3];
	[sflag:s6] =	ssyncadd.s32 $0xFFFF8000  }
0x44e: {  	[tilespmem:s2], [sflag:$0x1] =	stream.linear.gather [hbm4b:s1+s2], $0x8000, $0x38;
	[tilespmem:$0x10000] =	vst v63  }
0x44f: {  	_ = 	snop  }
0x450: {  	[hbm4b:s3+s2] =	stream.linear.scatter [tilespmem:s7], [sflag:$0x2], $0x8000, $0x38;
	[tilespmem:$0x10000] =	vst v63  }
0x451: {  	_ =	swait.ge [sflag:s4], $0x8000  }
0x452: {  	[sflag:s4] =	ssyncset.done $0x0  }
0x453: {  	[sflag:s4] =	ssyncadd.s32 $0xFFFF8000  }
0x454: {  	_ =	swait.ge [sflag:s6], $0x8000  }
0x455: {  	s1 =	sld [smem:$0x7E4]  }
0x456: {  	[sflag:s6] =	ssyncset.done $0x0  }
0x457: {  	s3 =	sld [smem:$0x7E5];
	[sflag:s6] =	ssyncadd.s32 $0xFFFF8000  }
0x458: {  	[tilespmem:s7], [sflag:$0x1] =	stream.linear.gather [hbm4b:s1+s2], $0x8000, $0x38;
	[tilespmem:$0x10000] =	vst v63  }
0x459: {  	_ = 	snop  }
0x45a: {  	[hbm4b:s3+s2] =	stream.linear.scatter [tilespmem:s2], [sflag:$0x2], $0x8000, $0x38;
	[tilespmem:$0x10000] =	vst v63  }
0x45b: {  	_ =	swait.ge [sflag:s4], $0x8000  }
0x45c: {  	[sflag:s4] =	ssyncset.done $0x0  }
0x45d: {  	[sflag:s4] =	ssyncadd.s32 $0xFFFF8000  }
0x45e: {  	_ =	swait.ge [sflag:s6], $0x8000  }
0x45f: {  	s1 =	sld [smem:$0x7E6]  }
0x460: {  	[sflag:s6] =	ssyncset.done $0x0  }
0x461: {  	s3 =	sld [smem:$0x7E7];
	[sflag:s6] =	ssyncadd.s32 $0xFFFF8000  }
0x462: {  	[tilespmem:s2], [sflag:$0x1] =	stream.linear.gather [hbm4b:s1+s2], $0x8000, $0x38;
	[tilespmem:$0x10000] =	vst v63  }
0x463: {  	_ = 	snop  }
0x464: {  	[hbm4b:s3+s2] =	stream.linear.scatter [tilespmem:s7], [sflag:$0x2], $0x8000, $0x38;
	[tilespmem:$0x10000] =	vst v63  }
0x465: {  	_ =	swait.ge [sflag:s4], $0x8000  }
0x466: {  	[sflag:s4] =	ssyncset.done $0x0  }
0x467: {  	[sflag:s4] =	ssyncadd.s32 $0xFFFF8000  }
0x468: {  	_ =	swait.ge [sflag:s6], $0x8000  }
0x469: {  	s1 =	sld [smem:$0x7E8]  }
0x46a: {  	[sflag:s6] =	ssyncset.done $0x0  }
0x46b: {  	s3 =	sld [smem:$0x7E9];
	[sflag:s6] =	ssyncadd.s32 $0xFFFF8000  }
0x46c: {  	[tilespmem:s7], [sflag:$0x1] =	stream.linear.gather [hbm4b:s1+s2], $0x8000, $0x38;
	[tilespmem:$0x10000] =	vst v63  }
0x46d: {  	_ = 	snop  }
0x46e: {  	[hbm4b:s3+s2] =	stream.linear.scatter [tilespmem:s2], [sflag:$0x2], $0x8000, $0x38;
	[tilespmem:$0x10000] =	vst v63  }
0x46f: {  	_ =	swait.ge [sflag:s4], $0x8000  }
0x470: {  	[sflag:s4] =	ssyncset.done $0x0  }
0x471: {  	[sflag:s4] =	ssyncadd.s32 $0xFFFF8000  }
0x472: {  	_ =	swait.ge [sflag:s6], $0x8000  }
0x473: {  	s1 =	sld [smem:$0x7EA]  }
0x474: {  	[sflag:s6] =	ssyncset.done $0x0  }
0x475: {  	s3 =	sld [smem:$0x7EB];
	[sflag:s6] =	ssyncadd.s32 $0xFFFF8000  }
0x476: {  	[tilespmem:s2], [sflag:$0x1] =	stream.linear.gather [hbm4b:s1+s2], $0x8000, $0x38;
	[tilespmem:$0x10000] =	vst v63  }
0x477: {  	_ = 	snop  }
0x478: {  	[hbm4b:s3+s2] =	stream.linear.scatter [tilespmem:s7], [sflag:$0x2], $0x8000, $0x38;
	[tilespmem:$0x10000] =	vst v63  }
0x479: {  	_ =	swait.ge [sflag:s4], $0x8000  }
0x47a: {  	[sflag:s4] =	ssyncset.done $0x0  }
0x47b: {  	[sflag:s4] =	ssyncadd.s32 $0xFFFF8000  }
0x47c: {  	_ =	swait.ge [sflag:s6], $0x8000  }
0x47d: {  	s1 =	sld [smem:$0x7EC]  }
0x47e: {  	[sflag:s6] =	ssyncset.done $0x0  }
0x47f: {  	s3 =	sld [smem:$0x7ED];
	[sflag:s6] =	ssyncadd.s32 $0xFFFF8000  }
0x480: {  	[tilespmem:s7], [sflag:$0x1] =	stream.linear.gather [hbm4b:s1+s2], $0x8000, $0x38;
	[tilespmem:$0x10000] =	vst v63  }
0x481: {  	_ = 	snop  }
0x482: {  	[hbm4b:s3+s2] =	stream.linear.scatter [tilespmem:s2], [sflag:$0x2], $0x8000, $0x38;
	[tilespmem:$0x10000] =	vst v63  }
0x483: {  	_ =	swait.ge [sflag:s4], $0x8000  }
0x484: {  	[sflag:s4] =	ssyncset.done $0x0  }
0x485: {  	[sflag:s4] =	ssyncadd.s32 $0xFFFF8000  }
0x486: {  	_ =	swait.ge [sflag:s6], $0x8000  }
0x487: {  	s1 =	sld [smem:$0x7EE]  }
0x488: {  	[sflag:s6] =	ssyncset.done $0x0  }
0x489: {  	s3 =	sld [smem:$0x7EF];
	[sflag:s6] =	ssyncadd.s32 $0xFFFF8000  }
0x48a: {  	[tilespmem:s2], [sflag:$0x1] =	stream.linear.gather [hbm4b:s1+s2], $0x8000, $0x38;
	[tilespmem:$0x10000] =	vst v63  }
0x48b: {  	_ = 	snop  }
0x48c: {  	[hbm4b:s3+s2] =	stream.linear.scatter [tilespmem:s7], [sflag:$0x2], $0x8000, $0x38;
	[tilespmem:$0x10000] =	vst v63  }
0x48d: {  	_ =	swait.ge [sflag:s4], $0x8000  }
0x48e: {  	[sflag:s4] =	ssyncset.done $0x0  }
0x48f: {  	[sflag:s4] =	ssyncadd.s32 $0xFFFF8000  }
0x490: {  	_ =	swait.ge [sflag:s6], $0x8000  }
0x491: {  	s1 =	sld [smem:$0x7F0]  }
0x492: {  	[sflag:s6] =	ssyncset.done $0x0  }
0x493: {  	s3 =	sld [smem:$0x7F1];
	[sflag:s6] =	ssyncadd.s32 $0xFFFF8000  }
0x494: {  	[tilespmem:s7], [sflag:$0x1] =	stream.linear.gather [hbm4b:s1+s2], $0x8000, $0x38;
	[tilespmem:$0x10000] =	vst v63  }
0x495: {  	_ = 	snop  }
0x496: {  	[hbm4b:s3+s2] =	stream.linear.scatter [tilespmem:s2], [sflag:$0x2], $0x8000, $0x38;
	[tilespmem:$0x10000] =	vst v63  }
0x497: {  	_ =	swait.ge [sflag:s4], $0x8000  }
0x498: {  	[sflag:s4] =	ssyncset.done $0x0  }
0x499: {  	[sflag:s4] =	ssyncadd.s32 $0xFFFF8000  }
0x49a: {  	_ =	swait.ge [sflag:s6], $0x8000  }
0x49b: {  	s1 =	sld [smem:$0x7F2]  }
0x49c: {  	[sflag:s6] =	ssyncset.done $0x0  }
0x49d: {  	s3 =	sld [smem:$0x7F3];
	[sflag:s6] =	ssyncadd.s32 $0xFFFF8000  }
0x49e: {  	[tilespmem:s2], [sflag:$0x1] =	stream.linear.gather [hbm4b:s1+s2], $0x8000, $0x38;
	[tilespmem:$0x10000] =	vst v63  }
0x49f: {  	_ = 	snop  }
0x4a0: {  	[hbm4b:s3+s2] =	stream.linear.scatter [tilespmem:s7], [sflag:$0x2], $0x8000, $0x38;
	[tilespmem:$0x10000] =	vst v63  }
0x4a1: {  	_ =	swait.ge [sflag:s4], $0x8000  }
0x4a2: {  	[sflag:s4] =	ssyncset.done $0x0  }
0x4a3: {  	[sflag:s4] =	ssyncadd.s32 $0xFFFF8000  }
0x4a4: {  	_ =	swait.ge [sflag:s6], $0x8000  }
0x4a5: {  	s1 =	sld [smem:$0x7F4]  }
0x4a6: {  	[sflag:s6] =	ssyncset.done $0x0  }
0x4a7: {  	s3 =	sld [smem:$0x7F5];
	[sflag:s6] =	ssyncadd.s32 $0xFFFF8000  }
0x4a8: {  	[tilespmem:s7], [sflag:$0x1] =	stream.linear.gather [hbm4b:s1+s2], $0x8000, $0x38;
	[tilespmem:$0x10000] =	vst v63  }
0x4a9: {  	_ = 	snop  }
0x4aa: {  	[hbm4b:s3+s2] =	stream.linear.scatter [tilespmem:s2], [sflag:$0x2], $0x8000, $0x38;
	[tilespmem:$0x10000] =	vst v63  }
0x4ab: {  	_ =	swait.ge [sflag:s4], $0x8000  }
0x4ac: {  	[sflag:s4] =	ssyncset.done $0x0  }
0x4ad: {  	[sflag:s4] =	ssyncadd.s32 $0xFFFF8000  }
0x4ae: {  	_ =	swait.ge [sflag:s6], $0x8000  }
0x4af: {  	s1 =	sld [smem:$0x7F6]  }
0x4b0: {  	[sflag:s6] =	ssyncset.done $0x0  }
0x4b1: {  	s3 =	sld [smem:$0x7F7];
	[sflag:s6] =	ssyncadd.s32 $0xFFFF8000  }
0x4b2: {  	[tilespmem:s2], [sflag:$0x1] =	stream.linear.gather [hbm4b:s1+s2], $0x8000, $0x38;
	[tilespmem:$0x10000] =	vst v63  }
0x4b3: {  	_ = 	snop  }
0x4b4: {  	[hbm4b:s3+s2] =	stream.linear.scatter [tilespmem:s7], [sflag:$0x2], $0x8000, $0x38;
	[tilespmem:$0x10000] =	vst v63  }
0x4b5: {  	_ =	swait.ge [sflag:s4], $0x8000  }
0x4b6: {  	[sflag:s4] =	ssyncset.done $0x0  }
0x4b7: {  	[sflag:s4] =	ssyncadd.s32 $0xFFFF8000  }
0x4b8: {  	_ =	swait.ge [sflag:s6], $0x8000  }
0x4b9: {  	s1 =	sld [smem:$0x7F8]  }
0x4ba: {  	[sflag:s6] =	ssyncset.done $0x0  }
0x4bb: {  	s3 =	sld [smem:$0x7F9];
	[sflag:s6] =	ssyncadd.s32 $0xFFFF8000  }
0x4bc: {  	[tilespmem:s7], [sflag:$0x1] =	stream.linear.gather [hbm4b:s1+s2], $0x8000, $0x38;
	[tilespmem:$0x10000] =	vst v63  }
0x4bd: {  	_ = 	snop  }
0x4be: {  	[hbm4b:s3+s2] =	stream.linear.scatter [tilespmem:s2], [sflag:$0x2], $0x8000, $0x38;
	[tilespmem:$0x10000] =	vst v63  }
0x4bf: {  	_ =	swait.ge [sflag:s4], $0x8000  }
0x4c0: {  	[sflag:s4] =	ssyncset.done $0x0  }
0x4c1: {  	[sflag:s4] =	ssyncadd.s32 $0xFFFF8000  }
0x4c2: {  	_ =	swait.ge [sflag:s6], $0x8000  }
0x4c3: {  	s1 =	sld [smem:$0x7FA]  }
0x4c4: {  	[sflag:s6] =	ssyncset.done $0x0  }
0x4c5: {  	s3 =	sld [smem:$0x7FB];
	[sflag:s6] =	ssyncadd.s32 $0xFFFF8000  }
0x4c6: {  	[tilespmem:s2], [sflag:$0x1] =	stream.linear.gather [hbm4b:s1+s2], $0x8000, $0x38;
	[tilespmem:$0x10000] =	vst v63  }
0x4c7: {  	_ = 	snop  }
0x4c8: {  	[hbm4b:s3+s2] =	stream.linear.scatter [tilespmem:s7], [sflag:$0x2], $0x8000, $0x38;
	[tilespmem:$0x10000] =	vst v63  }
0x4c9: {  	_ =	swait.ge [sflag:s4], $0x8000  }
0x4ca: {  	[sflag:s4] =	ssyncset.done $0x0  }
0x4cb: {  	[sflag:s4] =	ssyncadd.s32 $0xFFFF8000  }
0x4cc: {  	_ =	swait.ge [sflag:s6], $0x8000  }
0x4cd: {  	s1 =	sld [smem:$0x7FC]  }
0x4ce: {  	[sflag:s6] =	ssyncset.done $0x0  }
0x4cf: {  	s3 =	sld [smem:$0x7FD];
	[sflag:s6] =	ssyncadd.s32 $0xFFFF8000  }
0x4d0: {  	[tilespmem:s7], [sflag:$0x1] =	stream.linear.gather [hbm4b:s1+s2], $0x8000, $0x38;
	[tilespmem:$0x10000] =	vst v63  }
0x4d1: {  	_ = 	snop  }
0x4d2: {  	[hbm4b:s3+s2] =	stream.linear.scatter [tilespmem:s2], [sflag:$0x2], $0x8000, $0x38;
	[tilespmem:$0x10000] =	vst v63  }
0x4d3: {  	s3 =	smov.u32 s5;
	s5 =	smov.u32 s8  }
0x4d4: {  	s8 =	smov.u32 s9;
	s9 =	smov.u32 s10;
	s10 =	smov.u32 s11  }
0x4d5: {  	s11 =	smov.u32 s12;
	s12 =	smov.u32 s13;
	s13 =	smov.u32 s14  }
0x4d6: {  	s14 =	smov.u32 s15;
	s15 =	smov.u32 s16;
	s16 =	smov.u32 s17  }
0x4d7: {  	s17 =	smov.u32 s18;
	s18 =	smov.u32 s19;
	s19 =	smov.u32 s20  }
0x4d8: {  	s20 =	smov.u32 s21;
	s21 =	smov.u32 s22;
	s22 =	smov.u32 s23  }
0x4d9: {  	s23 =	smov.u32 s24;
	s24 =	smov.u32 s25;
	s25 =	smov.u32 s26  }
0x4da: {  	s26 =	smov.u32 s28;
	s28 =	smov.u32 s29;
	s29 =	smov.u32 s30  }
0x4db: {  	s30 =	smov.u32 s31;
	s31 =	sld [smem:$0x7B3];
	_ =	swait.ge [sflag:s4], $0x8000  }
0x4dc: {  	[sflag:s4] =	ssyncset.done $0x0  }
0x4dd: {  	[sflag:s4] =	ssyncadd.s32 $0xFFFF8000  }
0x4de: {  	_ =	swait.ge [sflag:s6], $0x8000  }
0x4df: {  	[sflag:s6] =	ssyncset.done $0x0  }
0x4e0: {  	[sflag:s6] =	ssyncadd.s32 $0xFFFF8000  }
0x4e1: {  	[tilespmem:s2], [sflag:$0x1] =	stream.linear.gather [hbm4b:s30+s2], $0x8000, $0x38;
	[tilespmem:$0x10000] =	vst v63  }
0x4e2: {  	_ = 	snop  }
0x4e3: {  	[hbm4b:s31+s2] =	stream.linear.scatter [tilespmem:s7], [sflag:$0x2], $0x8000, $0x38;
	[tilespmem:$0x10000] =	vst v63  }
0x4e4: {  	_ =	swait.ge [sflag:s4], $0x8000  }
0x4e5: {  	[sflag:s4] =	ssyncset.done $0x0  }
0x4e6: {  	[sflag:s4] =	ssyncadd.s32 $0xFFFF8000  }
0x4e7: {  	_ =	swait.ge [sflag:s6], $0x8000  }
0x4e8: {  	[sflag:s6] =	ssyncset.done $0x0  }
0x4e9: {  	[sflag:s6] =	ssyncadd.s32 $0xFFFF8000  }
0x4ea: {  	[tilespmem:s7], [sflag:$0x1] =	stream.linear.gather [hbm4b:s28+s2], $0x8000, $0x38;
	[tilespmem:$0x10000] =	vst v63  }
0x4eb: {  	_ = 	snop  }
0x4ec: {  	[hbm4b:s29+s2] =	stream.linear.scatter [tilespmem:s2], [sflag:$0x2], $0x8000, $0x38;
	[tilespmem:$0x10000] =	vst v63  }
0x4ed: {  	_ =	swait.ge [sflag:s4], $0x8000  }
0x4ee: {  	[sflag:s4] =	ssyncset.done $0x0  }
0x4ef: {  	[sflag:s4] =	ssyncadd.s32 $0xFFFF8000  }
0x4f0: {  	_ =	swait.ge [sflag:s6], $0x8000  }
0x4f1: {  	[sflag:s6] =	ssyncset.done $0x0  }
0x4f2: {  	[sflag:s6] =	ssyncadd.s32 $0xFFFF8000  }
0x4f3: {  	[tilespmem:s2], [sflag:$0x1] =	stream.linear.gather [hbm4b:s25+s2], $0x8000, $0x38;
	[tilespmem:$0x10000] =	vst v63  }
0x4f4: {  	_ = 	snop  }
0x4f5: {  	[hbm4b:s26+s2] =	stream.linear.scatter [tilespmem:s7], [sflag:$0x2], $0x8000, $0x38;
	[tilespmem:$0x10000] =	vst v63  }
0x4f6: {  	_ =	swait.ge [sflag:s4], $0x8000  }
0x4f7: {  	[sflag:s4] =	ssyncset.done $0x0  }
0x4f8: {  	[sflag:s4] =	ssyncadd.s32 $0xFFFF8000  }
0x4f9: {  	_ =	swait.ge [sflag:s6], $0x8000  }
0x4fa: {  	[sflag:s6] =	ssyncset.done $0x0  }
0x4fb: {  	[sflag:s6] =	ssyncadd.s32 $0xFFFF8000  }
0x4fc: {  	[tilespmem:s7], [sflag:$0x1] =	stream.linear.gather [hbm4b:s23+s2], $0x8000, $0x38;
	[tilespmem:$0x10000] =	vst v63  }
0x4fd: {  	_ = 	snop  }
0x4fe: {  	[hbm4b:s24+s2] =	stream.linear.scatter [tilespmem:s2], [sflag:$0x2], $0x8000, $0x38;
	[tilespmem:$0x10000] =	vst v63  }
0x4ff: {  	_ =	swait.ge [sflag:s4], $0x8000  }
0x500: {  	[sflag:s4] =	ssyncset.done $0x0  }
0x501: {  	[sflag:s4] =	ssyncadd.s32 $0xFFFF8000  }
0x502: {  	_ =	swait.ge [sflag:s6], $0x8000  }
0x503: {  	[sflag:s6] =	ssyncset.done $0x0  }
0x504: {  	[sflag:s6] =	ssyncadd.s32 $0xFFFF8000  }
0x505: {  	[tilespmem:s2], [sflag:$0x1] =	stream.linear.gather [hbm4b:s21+s2], $0x8000, $0x38;
	[tilespmem:$0x10000] =	vst v63  }
0x506: {  	_ = 	snop  }
0x507: {  	[hbm4b:s22+s2] =	stream.linear.scatter [tilespmem:s7], [sflag:$0x2], $0x8000, $0x38;
	[tilespmem:$0x10000] =	vst v63  }
0x508: {  	_ =	swait.ge [sflag:s4], $0x8000  }
0x509: {  	[sflag:s4] =	ssyncset.done $0x0  }
0x50a: {  	[sflag:s4] =	ssyncadd.s32 $0xFFFF8000  }
0x50b: {  	_ =	swait.ge [sflag:s6], $0x8000  }
0x50c: {  	[sflag:s6] =	ssyncset.done $0x0  }
0x50d: {  	[sflag:s6] =	ssyncadd.s32 $0xFFFF8000  }
0x50e: {  	[tilespmem:s7], [sflag:$0x1] =	stream.linear.gather [hbm4b:s19+s2], $0x8000, $0x38;
	[tilespmem:$0x10000] =	vst v63  }
0x50f: {  	_ = 	snop  }
0x510: {  	[hbm4b:s20+s2] =	stream.linear.scatter [tilespmem:s2], [sflag:$0x2], $0x8000, $0x38;
	[tilespmem:$0x10000] =	vst v63  }
0x511: {  	_ =	swait.ge [sflag:s4], $0x8000  }
0x512: {  	[sflag:s4] =	ssyncset.done $0x0  }
0x513: {  	[sflag:s4] =	ssyncadd.s32 $0xFFFF8000  }
0x514: {  	_ =	swait.ge [sflag:s6], $0x8000  }
0x515: {  	[sflag:s6] =	ssyncset.done $0x0  }
0x516: {  	[sflag:s6] =	ssyncadd.s32 $0xFFFF8000  }
0x517: {  	[tilespmem:s2], [sflag:$0x1] =	stream.linear.gather [hbm4b:s17+s2], $0x8000, $0x38;
	[tilespmem:$0x10000] =	vst v63  }
0x518: {  	_ = 	snop  }
0x519: {  	[hbm4b:s18+s2] =	stream.linear.scatter [tilespmem:s7], [sflag:$0x2], $0x8000, $0x38;
	[tilespmem:$0x10000] =	vst v63  }
0x51a: {  	_ =	swait.ge [sflag:s4], $0x8000  }
0x51b: {  	[sflag:s4] =	ssyncset.done $0x0  }
0x51c: {  	[sflag:s4] =	ssyncadd.s32 $0xFFFF8000  }
0x51d: {  	_ =	swait.ge [sflag:s6], $0x8000  }
0x51e: {  	[sflag:s6] =	ssyncset.done $0x0  }
0x51f: {  	[sflag:s6] =	ssyncadd.s32 $0xFFFF8000  }
0x520: {  	[tilespmem:s7], [sflag:$0x1] =	stream.linear.gather [hbm4b:s15+s2], $0x8000, $0x38;
	[tilespmem:$0x10000] =	vst v63  }
0x521: {  	_ = 	snop  }
0x522: {  	[hbm4b:s16+s2] =	stream.linear.scatter [tilespmem:s2], [sflag:$0x2], $0x8000, $0x38;
	[tilespmem:$0x10000] =	vst v63  }
0x523: {  	_ =	swait.ge [sflag:s4], $0x8000  }
0x524: {  	[sflag:s4] =	ssyncset.done $0x0  }
0x525: {  	[sflag:s4] =	ssyncadd.s32 $0xFFFF8000  }
0x526: {  	_ =	swait.ge [sflag:s6], $0x8000  }
0x527: {  	[sflag:s6] =	ssyncset.done $0x0  }
0x528: {  	[sflag:s6] =	ssyncadd.s32 $0xFFFF8000  }
0x529: {  	[tilespmem:s2], [sflag:$0x1] =	stream.linear.gather [hbm4b:s14+s2], $0x8000, $0x38;
	[tilespmem:$0x10000] =	vst v63  }
0x52a: {  	_ = 	snop  }
0x52b: {  	[hbm4b:s13+s2] =	stream.linear.scatter [tilespmem:s7], [sflag:$0x2], $0x8000, $0x38;
	[tilespmem:$0x10000] =	vst v63  }
0x52c: {  	_ =	swait.ge [sflag:s4], $0x8000  }
0x52d: {  	[sflag:s4] =	ssyncset.done $0x0  }
0x52e: {  	[sflag:s4] =	ssyncadd.s32 $0xFFFF8000  }
0x52f: {  	_ =	swait.ge [sflag:s6], $0x8000  }
0x530: {  	[sflag:s6] =	ssyncset.done $0x0  }
0x531: {  	[sflag:s6] =	ssyncadd.s32 $0xFFFF8000  }
0x532: {  	[tilespmem:s7], [sflag:$0x1] =	stream.linear.gather [hbm4b:s12+s2], $0x8000, $0x38;
	[tilespmem:$0x10000] =	vst v63  }
0x533: {  	_ = 	snop  }
0x534: {  	[hbm4b:s11+s2] =	stream.linear.scatter [tilespmem:s2], [sflag:$0x2], $0x8000, $0x38;
	[tilespmem:$0x10000] =	vst v63  }
0x535: {  	_ =	swait.ge [sflag:s4], $0x8000  }
0x536: {  	[sflag:s4] =	ssyncset.done $0x0  }
0x537: {  	[sflag:s4] =	ssyncadd.s32 $0xFFFF8000  }
0x538: {  	_ =	swait.ge [sflag:s6], $0x8000  }
0x539: {  	[sflag:s6] =	ssyncset.done $0x0  }
0x53a: {  	[sflag:s6] =	ssyncadd.s32 $0xFFFF8000  }
0x53b: {  	[tilespmem:s2], [sflag:$0x1] =	stream.linear.gather [hbm4b:s10+s2], $0x8000, $0x38;
	[tilespmem:$0x10000] =	vst v63  }
0x53c: {  	_ = 	snop  }
0x53d: {  	[hbm4b:s9+s2] =	stream.linear.scatter [tilespmem:s7], [sflag:$0x2], $0x8000, $0x38;
	[tilespmem:$0x10000] =	vst v63  }
0x53e: {  	_ =	swait.ge [sflag:s4], $0x8000  }
0x53f: {  	[sflag:s4] =	ssyncset.done $0x0  }
0x540: {  	[sflag:s4] =	ssyncadd.s32 $0xFFFF8000  }
0x541: {  	_ =	swait.ge [sflag:s6], $0x8000  }
0x542: {  	[sflag:s6] =	ssyncset.done $0x0  }
0x543: {  	[sflag:s6] =	ssyncadd.s32 $0xFFFF8000  }
0x544: {  	[tilespmem:s7], [sflag:$0x1] =	stream.linear.gather [hbm4b:s5+s2], $0x8000, $0x38;
	[tilespmem:$0x10000] =	vst v63  }
0x545: {  	_ = 	snop  }
0x546: {  	[hbm4b:s8+s2] =	stream.linear.scatter [tilespmem:s2], [sflag:$0x2], $0x8000, $0x38;
	[tilespmem:$0x10000] =	vst v63  }
0x547: {  	_ =	swait.ge [sflag:s4], $0x8000  }
0x548: {  	[sflag:s4] =	ssyncset.done $0x0  }
0x549: {  	[sflag:s4] =	ssyncadd.s32 $0xFFFF8000  }
0x54a: {  	p1 =	sne.s32 s0, $0x1;
	_ =	swait.ge [sflag:s6], $0x8000  }
.Ltmp2:
0x54b: {  	[sflag:s6] =	ssyncset.done $0x0;
	(pc) =	sbr.rel @p1 .LBB2_2-.Ltmp2, $4  }
0x54c: {  	[sflag:s6] =	ssyncadd.s32 $0xFFFF8000  }
0x54d: {  	[hbm4b:s3+s2] =	stream.linear.scatter [tilespmem:s7], [sflag:$0x2], $0x8000, $0x38;
	[tilespmem:$0x10000] =	vst v63  }
0x54e: {  	_ =	swait.ge [sflag:s4], $0x8000  }
0x54f: {  	s0 =	sadd.s32 $0xFFFFFFFF, s0;
	s1 =	rddreg [dreg:$0x3];
	[sflag:s4] =	ssyncset.done $0x0  }
.LBB2_3:
0x550: {  	[sflag:s4] =	ssyncadd.s32 @p0 $0xFFFF8000  }
0x551: {  	[tilespmem:s2], [sflag:$0x1] =	stream.linear.gather [hbm4b:s1+s2], $0x8000, $0x38;
	[tilespmem:$0x10000] =	vst v63  }
0x552: {  	_ =	swait.ge [sflag:s6], $0x8000  }
0x553: {  	[sflag:s6] =	ssyncset.done $0x0  }
0x554: {  	s0 =	rddreg [dreg:$0x4];
	[sflag:s6] =	ssyncadd.s32 $0xFFFF8000  }
0x555: {  	[tilespmem:s7], [sflag:$0x1] =	stream.linear.gather [hbm4b:s0+s2], $0x8000, $0x38;
	[tilespmem:$0x10000] =	vst v63  }
0x556: {  	s1 =	rddreg [dreg:$0x5]  }
0x557: {  	[hbm4b:s1+s2] =	stream.linear.scatter [tilespmem:s2], [sflag:$0x2], $0x8000, $0x38;
	[tilespmem:$0x10000] =	vst v63  }
0x558: {  	_ =	swait.ge [sflag:s4], $0x8000  }
0x559: {  	[sflag:s4] =	ssyncset.done $0x0  }
0x55a: {  	[sflag:s4] =	ssyncadd.s32 $0xFFFF8000  }
0x55b: {  	_ =	swait.ge [sflag:s6], $0x8000  }
0x55c: {  	[sflag:s6] =	ssyncset.done $0x0  }
0x55d: {  	s0 =	rddreg [dreg:$0x6];
	[sflag:s6] =	ssyncadd.s32 $0xFFFF8000  }
0x55e: {  	[tilespmem:s2], [sflag:$0x1] =	stream.linear.gather [hbm4b:s0+s2], $0x8000, $0x38;
	[tilespmem:$0x10000] =	vst v63  }
0x55f: {  	s1 =	rddreg [dreg:$0x7]  }
0x560: {  	[hbm4b:s1+s2] =	stream.linear.scatter [tilespmem:s7], [sflag:$0x2], $0x8000, $0x38;
	[tilespmem:$0x10000] =	vst v63  }
0x561: {  	_ =	swait.ge [sflag:s4], $0x8000  }
0x562: {  	[sflag:s4] =	ssyncset.done $0x0  }
0x563: {  	[sflag:s4] =	ssyncadd.s32 $0xFFFF8000  }
0x564: {  	_ =	swait.ge [sflag:s6], $0x8000  }
0x565: {  	[sflag:s6] =	ssyncset.done $0x0  }
0x566: {  	s0 =	rddreg [dreg:$0x8];
	[sflag:s6] =	ssyncadd.s32 $0xFFFF8000  }
0x567: {  	[tilespmem:s7], [sflag:$0x1] =	stream.linear.gather [hbm4b:s0+s2], $0x8000, $0x38;
	[tilespmem:$0x10000] =	vst v63  }
0x568: {  	s1 =	rddreg [dreg:$0x9]  }
0x569: {  	[hbm4b:s1+s2] =	stream.linear.scatter [tilespmem:s2], [sflag:$0x2], $0x8000, $0x38;
	[tilespmem:$0x10000] =	vst v63  }
0x56a: {  	_ =	swait.ge [sflag:s4], $0x8000  }
0x56b: {  	[sflag:s4] =	ssyncset.done $0x0  }
0x56c: {  	[sflag:s4] =	ssyncadd.s32 $0xFFFF8000  }
0x56d: {  	_ =	swait.ge [sflag:s6], $0x8000  }
0x56e: {  	[sflag:s6] =	ssyncset.done $0x0  }
0x56f: {  	s0 =	rddreg [dreg:$0xa];
	[sflag:s6] =	ssyncadd.s32 $0xFFFF8000  }
0x570: {  	[tilespmem:s2], [sflag:$0x1] =	stream.linear.gather [hbm4b:s0+s2], $0x8000, $0x38;
	[tilespmem:$0x10000] =	vst v63  }
0x571: {  	s1 =	rddreg [dreg:$0xb]  }
0x572: {  	[hbm4b:s1+s2] =	stream.linear.scatter [tilespmem:s7], [sflag:$0x2], $0x8000, $0x38;
	[tilespmem:$0x10000] =	vst v63  }
0x573: {  	_ =	swait.ge [sflag:s4], $0x8000  }
0x574: {  	[sflag:s4] =	ssyncset.done $0x0  }
0x575: {  	[sflag:s4] =	ssyncadd.s32 $0xFFFF8000  }
0x576: {  	_ =	swait.ge [sflag:s6], $0x8000  }
0x577: {  	[sflag:s6] =	ssyncset.done $0x0  }
0x578: {  	s0 =	rddreg [dreg:$0xc];
	[sflag:s6] =	ssyncadd.s32 $0xFFFF8000  }
0x579: {  	[tilespmem:s7], [sflag:$0x1] =	stream.linear.gather [hbm4b:s0+s2], $0x8000, $0x38;
	[tilespmem:$0x10000] =	vst v63  }
0x57a: {  	s1 =	rddreg [dreg:$0xd]  }
0x57b: {  	[hbm4b:s1+s2] =	stream.linear.scatter [tilespmem:s2], [sflag:$0x2], $0x8000, $0x38;
	[tilespmem:$0x10000] =	vst v63  }
0x57c: {  	_ =	swait.ge [sflag:s4], $0x8000  }
0x57d: {  	[sflag:s4] =	ssyncset.done $0x0  }
0x57e: {  	[sflag:s4] =	ssyncadd.s32 $0xFFFF8000  }
0x57f: {  	_ =	swait.ge [sflag:s6], $0x8000  }
0x580: {  	[sflag:s6] =	ssyncset.done $0x0  }
0x581: {  	s0 =	rddreg [dreg:$0xe];
	[sflag:s6] =	ssyncadd.s32 $0xFFFF8000  }
0x582: {  	[tilespmem:s2], [sflag:$0x1] =	stream.linear.gather [hbm4b:s0+s2], $0x8000, $0x38;
	[tilespmem:$0x10000] =	vst v63  }
0x583: {  	s1 =	rddreg [dreg:$0xf]  }
0x584: {  	[hbm4b:s1+s2] =	stream.linear.scatter [tilespmem:s7], [sflag:$0x2], $0x8000, $0x38;
	[tilespmem:$0x10000] =	vst v63  }
0x585: {  	_ =	swait.ge [sflag:s4], $0x8000  }
0x586: {  	[sflag:s4] =	ssyncset.done $0x0  }
0x587: {  	[sflag:s4] =	ssyncadd.s32 $0xFFFF8000  }
0x588: {  	_ =	swait.ge [sflag:s6], $0x8000  }
0x589: {  	[sflag:s6] =	ssyncset.done $0x0  }
0x58a: {  	s0 =	rddreg [dreg:$0x10];
	[sflag:s6] =	ssyncadd.s32 $0xFFFF8000  }
0x58b: {  	[tilespmem:s7], [sflag:$0x1] =	stream.linear.gather [hbm4b:s0+s2], $0x8000, $0x38;
	[tilespmem:$0x10000] =	vst v63  }
0x58c: {  	s1 =	rddreg [dreg:$0x11]  }
0x58d: {  	[hbm4b:s1+s2] =	stream.linear.scatter [tilespmem:s2], [sflag:$0x2], $0x8000, $0x38;
	[tilespmem:$0x10000] =	vst v63  }
0x58e: {  	_ =	swait.ge [sflag:s4], $0x8000  }
0x58f: {  	[sflag:s4] =	ssyncset.done $0x0  }
0x590: {  	[sflag:s4] =	ssyncadd.s32 $0xFFFF8000  }
0x591: {  	_ =	swait.ge [sflag:s6], $0x8000  }
0x592: {  	[sflag:s6] =	ssyncset.done $0x0  }
0x593: {  	s0 =	rddreg [dreg:$0x12];
	[sflag:s6] =	ssyncadd.s32 $0xFFFF8000  }
0x594: {  	[tilespmem:s2], [sflag:$0x1] =	stream.linear.gather [hbm4b:s0+s2], $0x8000, $0x38;
	[tilespmem:$0x10000] =	vst v63  }
0x595: {  	s1 =	rddreg [dreg:$0x13]  }
0x596: {  	[hbm4b:s1+s2] =	stream.linear.scatter [tilespmem:s7], [sflag:$0x2], $0x8000, $0x38;
	[tilespmem:$0x10000] =	vst v63  }
0x597: {  	_ =	swait.ge [sflag:s4], $0x8000  }
0x598: {  	[sflag:s4] =	ssyncset.done $0x0  }
0x599: {  	[sflag:s4] =	ssyncadd.s32 $0xFFFF8000  }
0x59a: {  	_ =	swait.ge [sflag:s6], $0x8000  }
0x59b: {  	[sflag:s6] =	ssyncset.done $0x0  }
0x59c: {  	s0 =	rddreg [dreg:$0x14];
	[sflag:s6] =	ssyncadd.s32 $0xFFFF8000  }
0x59d: {  	[tilespmem:s7], [sflag:$0x1] =	stream.linear.gather [hbm4b:s0+s2], $0x8000, $0x38;
	[tilespmem:$0x10000] =	vst v63  }
0x59e: {  	s1 =	rddreg [dreg:$0x15]  }
0x59f: {  	[hbm4b:s1+s2] =	stream.linear.scatter [tilespmem:s2], [sflag:$0x2], $0x8000, $0x38;
	[tilespmem:$0x10000] =	vst v63  }
0x5a0: {  	_ =	swait.ge [sflag:s4], $0x8000  }
0x5a1: {  	[sflag:s4] =	ssyncset.done $0x0  }
0x5a2: {  	[sflag:s4] =	ssyncadd.s32 $0xFFFF8000  }
0x5a3: {  	_ =	swait.ge [sflag:s6], $0x8000  }
0x5a4: {  	[sflag:s6] =	ssyncset.done $0x0  }
0x5a5: {  	s0 =	rddreg [dreg:$0x16];
	[sflag:s6] =	ssyncadd.s32 $0xFFFF8000  }
0x5a6: {  	[tilespmem:s2], [sflag:$0x1] =	stream.linear.gather [hbm4b:s0+s2], $0x8000, $0x38;
	[tilespmem:$0x10000] =	vst v63  }
0x5a7: {  	s1 =	rddreg [dreg:$0x17]  }
0x5a8: {  	[hbm4b:s1+s2] =	stream.linear.scatter [tilespmem:s7], [sflag:$0x2], $0x8000, $0x38;
	[tilespmem:$0x10000] =	vst v63  }
0x5a9: {  	_ =	swait.ge [sflag:s4], $0x8000  }
0x5aa: {  	[sflag:s4] =	ssyncset.done $0x0  }
0x5ab: {  	[sflag:s4] =	ssyncadd.s32 $0xFFFF8000  }
0x5ac: {  	_ =	swait.ge [sflag:s6], $0x8000  }
0x5ad: {  	[sflag:s6] =	ssyncset.done $0x0  }
0x5ae: {  	s0 =	rddreg [dreg:$0x18];
	[sflag:s6] =	ssyncadd.s32 $0xFFFF8000  }
0x5af: {  	[tilespmem:s7], [sflag:$0x1] =	stream.linear.gather [hbm4b:s0+s2], $0x8000, $0x38;
	[tilespmem:$0x10000] =	vst v63  }
0x5b0: {  	s1 =	rddreg [dreg:$0x19]  }
0x5b1: {  	[hbm4b:s1+s2] =	stream.linear.scatter [tilespmem:s2], [sflag:$0x2], $0x8000, $0x38;
	[tilespmem:$0x10000] =	vst v63  }
0x5b2: {  	_ =	swait.ge [sflag:s4], $0x8000  }
0x5b3: {  	[sflag:s4] =	ssyncset.done $0x0  }
0x5b4: {  	[sflag:s4] =	ssyncadd.s32 $0xFFFF8000  }
0x5b5: {  	_ =	swait.ge [sflag:s6], $0x8000  }
0x5b6: {  	[sflag:s6] =	ssyncset.done $0x0  }
0x5b7: {  	s0 =	rddreg [dreg:$0x1a];
	[sflag:s6] =	ssyncadd.s32 $0xFFFF8000  }
0x5b8: {  	[tilespmem:s2], [sflag:$0x1] =	stream.linear.gather [hbm4b:s0+s2], $0x8000, $0x38;
	[tilespmem:$0x10000] =	vst v63  }
0x5b9: {  	s1 =	rddreg [dreg:$0x1b]  }
0x5ba: {  	[hbm4b:s1+s2] =	stream.linear.scatter [tilespmem:s7], [sflag:$0x2], $0x8000, $0x38;
	[tilespmem:$0x10000] =	vst v63  }
0x5bb: {  	_ =	swait.ge [sflag:s4], $0x8000  }
0x5bc: {  	[sflag:s4] =	ssyncset.done $0x0  }
0x5bd: {  	[sflag:s4] =	ssyncadd.s32 $0xFFFF8000  }
0x5be: {  	_ =	swait.ge [sflag:s6], $0x8000  }
0x5bf: {  	[sflag:s6] =	ssyncset.done $0x0  }
0x5c0: {  	s0 =	rddreg [dreg:$0x1c];
	[sflag:s6] =	ssyncadd.s32 $0xFFFF8000  }
0x5c1: {  	[tilespmem:s7], [sflag:$0x1] =	stream.linear.gather [hbm4b:s0+s2], $0x8000, $0x38;
	[tilespmem:$0x10000] =	vst v63  }
0x5c2: {  	s1 =	rddreg [dreg:$0x1d]  }
0x5c3: {  	[hbm4b:s1+s2] =	stream.linear.scatter [tilespmem:s2], [sflag:$0x2], $0x8000, $0x38;
	[tilespmem:$0x10000] =	vst v63  }
0x5c4: {  	_ =	swait.ge [sflag:s4], $0x8000  }
0x5c5: {  	[sflag:s4] =	ssyncset.done $0x0  }
0x5c6: {  	[sflag:s4] =	ssyncadd.s32 $0xFFFF8000  }
0x5c7: {  	_ =	swait.ge [sflag:s6], $0x8000  }
0x5c8: {  	[sflag:s6] =	ssyncset.done $0x0  }
0x5c9: {  	s0 =	rddreg [dreg:$0x1e];
	[sflag:s6] =	ssyncadd.s32 $0xFFFF8000  }
0x5ca: {  	[tilespmem:s2], [sflag:$0x1] =	stream.linear.gather [hbm4b:s0+s2], $0x8000, $0x38;
	[tilespmem:$0x10000] =	vst v63  }
0x5cb: {  	s1 =	rddreg [dreg:$0x1f]  }
0x5cc: {  	[hbm4b:s1+s2] =	stream.linear.scatter [tilespmem:s7], [sflag:$0x2], $0x8000, $0x38;
	[tilespmem:$0x10000] =	vst v63  }
0x5cd: {  	_ =	swait.ge [sflag:s4], $0x8000  }
0x5ce: {  	[sflag:s4] =	ssyncset.done $0x0  }
0x5cf: {  	[sflag:s4] =	ssyncadd.s32 $0xFFFF8000  }
0x5d0: {  	_ =	swait.ge [sflag:s6], $0x8000  }
0x5d1: {  	s0 =	sld [smem:$0x7B4]  }
0x5d2: {  	[sflag:s6] =	ssyncset.done $0x0  }
0x5d3: {  	s1 =	sld [smem:$0x7B5];
	[sflag:s6] =	ssyncadd.s32 $0xFFFF8000  }
0x5d4: {  	[tilespmem:s7], [sflag:$0x1] =	stream.linear.gather [hbm4b:s0+s2], $0x8000, $0x38;
	[tilespmem:$0x10000] =	vst v63  }
0x5d5: {  	_ = 	snop  }
0x5d6: {  	[hbm4b:s1+s2] =	stream.linear.scatter [tilespmem:s2], [sflag:$0x2], $0x8000, $0x38;
	[tilespmem:$0x10000] =	vst v63  }
0x5d7: {  	_ =	swait.ge [sflag:s4], $0x8000  }
0x5d8: {  	[sflag:s4] =	ssyncset.done $0x0  }
0x5d9: {  	[sflag:s4] =	ssyncadd.s32 $0xFFFF8000  }
0x5da: {  	_ =	swait.ge [sflag:s6], $0x8000  }
0x5db: {  	s0 =	sld [smem:$0x7B6]  }
0x5dc: {  	[sflag:s6] =	ssyncset.done $0x0  }
0x5dd: {  	s1 =	sld [smem:$0x7B7];
	[sflag:s6] =	ssyncadd.s32 $0xFFFF8000  }
0x5de: {  	[tilespmem:s2], [sflag:$0x1] =	stream.linear.gather [hbm4b:s0+s2], $0x8000, $0x38;
	[tilespmem:$0x10000] =	vst v63  }
0x5df: {  	_ = 	snop  }
0x5e0: {  	[hbm4b:s1+s2] =	stream.linear.scatter [tilespmem:s7], [sflag:$0x2], $0x8000, $0x38;
	[tilespmem:$0x10000] =	vst v63  }
0x5e1: {  	_ =	swait.ge [sflag:s4], $0x8000  }
0x5e2: {  	[sflag:s4] =	ssyncset.done $0x0  }
0x5e3: {  	[sflag:s4] =	ssyncadd.s32 $0xFFFF8000  }
0x5e4: {  	_ =	swait.ge [sflag:s6], $0x8000  }
0x5e5: {  	s0 =	sld [smem:$0x7B8]  }
0x5e6: {  	[sflag:s6] =	ssyncset.done $0x0  }
0x5e7: {  	s1 =	sld [smem:$0x7B9];
	[sflag:s6] =	ssyncadd.s32 $0xFFFF8000  }
0x5e8: {  	[tilespmem:s7], [sflag:$0x1] =	stream.linear.gather [hbm4b:s0+s2], $0x8000, $0x38;
	[tilespmem:$0x10000] =	vst v63  }
0x5e9: {  	_ = 	snop  }
0x5ea: {  	[hbm4b:s1+s2] =	stream.linear.scatter [tilespmem:s2], [sflag:$0x2], $0x8000, $0x38;
	[tilespmem:$0x10000] =	vst v63  }
0x5eb: {  	_ =	swait.ge [sflag:s4], $0x8000  }
0x5ec: {  	[sflag:s4] =	ssyncset.done $0x0  }
0x5ed: {  	[sflag:s4] =	ssyncadd.s32 $0xFFFF8000  }
0x5ee: {  	_ =	swait.ge [sflag:s6], $0x8000  }
0x5ef: {  	s0 =	sld [smem:$0x7BA]  }
0x5f0: {  	[sflag:s6] =	ssyncset.done $0x0  }
0x5f1: {  	s1 =	sld [smem:$0x7BB];
	[sflag:s6] =	ssyncadd.s32 $0xFFFF8000  }
0x5f2: {  	[tilespmem:s2], [sflag:$0x1] =	stream.linear.gather [hbm4b:s0+s2], $0x8000, $0x38;
	[tilespmem:$0x10000] =	vst v63  }
0x5f3: {  	_ = 	snop  }
0x5f4: {  	[hbm4b:s1+s2] =	stream.linear.scatter [tilespmem:s7], [sflag:$0x2], $0x8000, $0x38;
	[tilespmem:$0x10000] =	vst v63  }
0x5f5: {  	_ =	swait.ge [sflag:s4], $0x8000  }
0x5f6: {  	[sflag:s4] =	ssyncset.done $0x0  }
0x5f7: {  	[sflag:s4] =	ssyncadd.s32 $0xFFFF8000  }
0x5f8: {  	_ =	swait.ge [sflag:s6], $0x8000  }
0x5f9: {  	s0 =	sld [smem:$0x7BC]  }
0x5fa: {  	[sflag:s6] =	ssyncset.done $0x0  }
0x5fb: {  	s1 =	sld [smem:$0x7BD];
	[sflag:s6] =	ssyncadd.s32 $0xFFFF8000  }
0x5fc: {  	[tilespmem:s7], [sflag:$0x1] =	stream.linear.gather [hbm4b:s0+s2], $0x8000, $0x38;
	[tilespmem:$0x10000] =	vst v63  }
0x5fd: {  	_ = 	snop  }
0x5fe: {  	[hbm4b:s1+s2] =	stream.linear.scatter [tilespmem:s2], [sflag:$0x2], $0x8000, $0x38;
	[tilespmem:$0x10000] =	vst v63  }
0x5ff: {  	_ =	swait.ge [sflag:s4], $0x8000  }
0x600: {  	[sflag:s4] =	ssyncset.done $0x0  }
0x601: {  	[sflag:s4] =	ssyncadd.s32 $0xFFFF8000  }
0x602: {  	_ =	swait.ge [sflag:s6], $0x8000  }
0x603: {  	s0 =	sld [smem:$0x7BE]  }
0x604: {  	[sflag:s6] =	ssyncset.done $0x0  }
0x605: {  	s1 =	sld [smem:$0x7BF];
	[sflag:s6] =	ssyncadd.s32 $0xFFFF8000  }
0x606: {  	[tilespmem:s2], [sflag:$0x1] =	stream.linear.gather [hbm4b:s0+s2], $0x8000, $0x38;
	[tilespmem:$0x10000] =	vst v63  }
0x607: {  	_ = 	snop  }
0x608: {  	[hbm4b:s1+s2] =	stream.linear.scatter [tilespmem:s7], [sflag:$0x2], $0x8000, $0x38;
	[tilespmem:$0x10000] =	vst v63  }
0x609: {  	_ =	swait.ge [sflag:s4], $0x8000  }
0x60a: {  	[sflag:s4] =	ssyncset.done $0x0  }
0x60b: {  	[sflag:s4] =	ssyncadd.s32 $0xFFFF8000  }
0x60c: {  	_ =	swait.ge [sflag:s6], $0x8000  }
0x60d: {  	s0 =	sld [smem:$0x7C0]  }
0x60e: {  	[sflag:s6] =	ssyncset.done $0x0  }
0x60f: {  	s1 =	sld [smem:$0x7C1];
	[sflag:s6] =	ssyncadd.s32 $0xFFFF8000  }
0x610: {  	[tilespmem:s7], [sflag:$0x1] =	stream.linear.gather [hbm4b:s0+s2], $0x8000, $0x38;
	[tilespmem:$0x10000] =	vst v63  }
0x611: {  	_ = 	snop  }
0x612: {  	[hbm4b:s1+s2] =	stream.linear.scatter [tilespmem:s2], [sflag:$0x2], $0x8000, $0x38;
	[tilespmem:$0x10000] =	vst v63  }
0x613: {  	_ =	swait.ge [sflag:s4], $0x8000  }
0x614: {  	[sflag:s4] =	ssyncset.done $0x0  }
0x615: {  	[sflag:s4] =	ssyncadd.s32 $0xFFFF8000  }
0x616: {  	_ =	swait.ge [sflag:s6], $0x8000  }
0x617: {  	s0 =	sld [smem:$0x7C2]  }
0x618: {  	[sflag:s6] =	ssyncset.done $0x0  }
0x619: {  	s1 =	sld [smem:$0x7C3];
	[sflag:s6] =	ssyncadd.s32 $0xFFFF8000  }
0x61a: {  	[tilespmem:s2], [sflag:$0x1] =	stream.linear.gather [hbm4b:s0+s2], $0x8000, $0x38;
	[tilespmem:$0x10000] =	vst v63  }
0x61b: {  	_ = 	snop  }
0x61c: {  	[hbm4b:s1+s2] =	stream.linear.scatter [tilespmem:s7], [sflag:$0x2], $0x8000, $0x38;
	[tilespmem:$0x10000] =	vst v63  }
0x61d: {  	_ =	swait.ge [sflag:s4], $0x8000  }
0x61e: {  	[sflag:s4] =	ssyncset.done $0x0  }
0x61f: {  	[sflag:s4] =	ssyncadd.s32 $0xFFFF8000  }
0x620: {  	_ =	swait.ge [sflag:s6], $0x8000  }
0x621: {  	s0 =	sld [smem:$0x7C4]  }
0x622: {  	[sflag:s6] =	ssyncset.done $0x0  }
0x623: {  	s1 =	sld [smem:$0x7C5];
	[sflag:s6] =	ssyncadd.s32 $0xFFFF8000  }
0x624: {  	[tilespmem:s7], [sflag:$0x1] =	stream.linear.gather [hbm4b:s0+s2], $0x8000, $0x38;
	[tilespmem:$0x10000] =	vst v63  }
0x625: {  	_ = 	snop  }
0x626: {  	[hbm4b:s1+s2] =	stream.linear.scatter [tilespmem:s2], [sflag:$0x2], $0x8000, $0x38;
	[tilespmem:$0x10000] =	vst v63  }
0x627: {  	_ =	swait.ge [sflag:s4], $0x8000  }
0x628: {  	[sflag:s4] =	ssyncset.done $0x0  }
0x629: {  	[sflag:s4] =	ssyncadd.s32 $0xFFFF8000  }
0x62a: {  	_ =	swait.ge [sflag:s6], $0x8000  }
0x62b: {  	s0 =	sld [smem:$0x7C6]  }
0x62c: {  	[sflag:s6] =	ssyncset.done $0x0  }
0x62d: {  	s1 =	sld [smem:$0x7C7];
	[sflag:s6] =	ssyncadd.s32 $0xFFFF8000  }
0x62e: {  	[tilespmem:s2], [sflag:$0x1] =	stream.linear.gather [hbm4b:s0+s2], $0x8000, $0x38;
	[tilespmem:$0x10000] =	vst v63  }
0x62f: {  	_ = 	snop  }
0x630: {  	[hbm4b:s1+s2] =	stream.linear.scatter [tilespmem:s7], [sflag:$0x2], $0x8000, $0x38;
	[tilespmem:$0x10000] =	vst v63  }
0x631: {  	_ =	swait.ge [sflag:s4], $0x8000  }
0x632: {  	[sflag:s4] =	ssyncset.done $0x0  }
0x633: {  	[sflag:s4] =	ssyncadd.s32 $0xFFFF8000  }
0x634: {  	_ =	swait.ge [sflag:s6], $0x8000  }
0x635: {  	s0 =	sld [smem:$0x7C8]  }
0x636: {  	[sflag:s6] =	ssyncset.done $0x0  }
0x637: {  	s1 =	sld [smem:$0x7C9];
	[sflag:s6] =	ssyncadd.s32 $0xFFFF8000  }
0x638: {  	[tilespmem:s7], [sflag:$0x1] =	stream.linear.gather [hbm4b:s0+s2], $0x8000, $0x38;
	[tilespmem:$0x10000] =	vst v63  }
0x639: {  	_ = 	snop  }
0x63a: {  	[hbm4b:s1+s2] =	stream.linear.scatter [tilespmem:s2], [sflag:$0x2], $0x8000, $0x38;
	[tilespmem:$0x10000] =	vst v63  }
0x63b: {  	_ =	swait.ge [sflag:s4], $0x8000  }
0x63c: {  	[sflag:s4] =	ssyncset.done $0x0  }
0x63d: {  	[sflag:s4] =	ssyncadd.s32 $0xFFFF8000  }
0x63e: {  	_ =	swait.ge [sflag:s6], $0x8000  }
0x63f: {  	s0 =	sld [smem:$0x7CA]  }
0x640: {  	[sflag:s6] =	ssyncset.done $0x0  }
0x641: {  	s1 =	sld [smem:$0x7CB];
	[sflag:s6] =	ssyncadd.s32 $0xFFFF8000  }
0x642: {  	[tilespmem:s2], [sflag:$0x1] =	stream.linear.gather [hbm4b:s0+s2], $0x8000, $0x38;
	[tilespmem:$0x10000] =	vst v63  }
0x643: {  	_ = 	snop  }
0x644: {  	[hbm4b:s1+s2] =	stream.linear.scatter [tilespmem:s7], [sflag:$0x2], $0x8000, $0x38;
	[tilespmem:$0x10000] =	vst v63  }
0x645: {  	_ =	swait.ge [sflag:s4], $0x8000  }
0x646: {  	[sflag:s4] =	ssyncset.done $0x0  }
0x647: {  	[sflag:s4] =	ssyncadd.s32 $0xFFFF8000  }
0x648: {  	_ =	swait.ge [sflag:s6], $0x8000  }
0x649: {  	s0 =	sld [smem:$0x7CC]  }
0x64a: {  	[sflag:s6] =	ssyncset.done $0x0  }
0x64b: {  	s1 =	sld [smem:$0x7CD];
	[sflag:s6] =	ssyncadd.s32 $0xFFFF8000  }
0x64c: {  	[tilespmem:s7], [sflag:$0x1] =	stream.linear.gather [hbm4b:s0+s2], $0x8000, $0x38;
	[tilespmem:$0x10000] =	vst v63  }
0x64d: {  	_ = 	snop  }
0x64e: {  	[hbm4b:s1+s2] =	stream.linear.scatter [tilespmem:s2], [sflag:$0x2], $0x8000, $0x38;
	[tilespmem:$0x10000] =	vst v63  }
0x64f: {  	_ =	swait.ge [sflag:s4], $0x8000  }
0x650: {  	[sflag:s4] =	ssyncset.done $0x0  }
0x651: {  	[sflag:s4] =	ssyncadd.s32 $0xFFFF8000  }
0x652: {  	_ =	swait.ge [sflag:s6], $0x8000  }
0x653: {  	s0 =	sld [smem:$0x7CE]  }
0x654: {  	[sflag:s6] =	ssyncset.done $0x0  }
0x655: {  	s1 =	sld [smem:$0x7CF];
	[sflag:s6] =	ssyncadd.s32 $0xFFFF8000  }
0x656: {  	[tilespmem:s2], [sflag:$0x1] =	stream.linear.gather [hbm4b:s0+s2], $0x8000, $0x38;
	[tilespmem:$0x10000] =	vst v63  }
0x657: {  	_ = 	snop  }
0x658: {  	[hbm4b:s1+s2] =	stream.linear.scatter [tilespmem:s7], [sflag:$0x2], $0x8000, $0x38;
	[tilespmem:$0x10000] =	vst v63  }
0x659: {  	_ =	swait.ge [sflag:s4], $0x8000  }
0x65a: {  	[sflag:s4] =	ssyncset.done $0x0  }
0x65b: {  	[sflag:s4] =	ssyncadd.s32 $0xFFFF8000  }
0x65c: {  	_ =	swait.ge [sflag:s6], $0x8000  }
0x65d: {  	s0 =	sld [smem:$0x7D0]  }
0x65e: {  	[sflag:s6] =	ssyncset.done $0x0  }
0x65f: {  	s1 =	sld [smem:$0x7D1];
	[sflag:s6] =	ssyncadd.s32 $0xFFFF8000  }
0x660: {  	[tilespmem:s7], [sflag:$0x1] =	stream.linear.gather [hbm4b:s0+s2], $0x8000, $0x38;
	[tilespmem:$0x10000] =	vst v63  }
0x661: {  	_ = 	snop  }
0x662: {  	[hbm4b:s1+s2] =	stream.linear.scatter [tilespmem:s2], [sflag:$0x2], $0x8000, $0x38;
	[tilespmem:$0x10000] =	vst v63  }
0x663: {  	_ =	swait.ge [sflag:s4], $0x8000  }
0x664: {  	[sflag:s4] =	ssyncset.done $0x0  }
0x665: {  	[sflag:s4] =	ssyncadd.s32 $0xFFFF8000  }
0x666: {  	_ =	swait.ge [sflag:s6], $0x8000  }
0x667: {  	s0 =	sld [smem:$0x7D2]  }
0x668: {  	[sflag:s6] =	ssyncset.done $0x0  }
0x669: {  	s1 =	sld [smem:$0x7D3];
	[sflag:s6] =	ssyncadd.s32 $0xFFFF8000  }
0x66a: {  	[tilespmem:s2], [sflag:$0x1] =	stream.linear.gather [hbm4b:s0+s2], $0x8000, $0x38;
	[tilespmem:$0x10000] =	vst v63  }
0x66b: {  	_ = 	snop  }
0x66c: {  	[hbm4b:s1+s2] =	stream.linear.scatter [tilespmem:s7], [sflag:$0x2], $0x8000, $0x38;
	[tilespmem:$0x10000] =	vst v63  }
0x66d: {  	_ =	swait.ge [sflag:s4], $0x8000  }
0x66e: {  	[sflag:s4] =	ssyncset.done $0x0  }
0x66f: {  	[sflag:s4] =	ssyncadd.s32 $0xFFFF8000  }
0x670: {  	_ =	swait.ge [sflag:s6], $0x8000  }
0x671: {  	s0 =	sld [smem:$0x7D4]  }
0x672: {  	[sflag:s6] =	ssyncset.done $0x0  }
0x673: {  	s1 =	sld [smem:$0x7D5];
	[sflag:s6] =	ssyncadd.s32 $0xFFFF8000  }
0x674: {  	[tilespmem:s7], [sflag:$0x1] =	stream.linear.gather [hbm4b:s0+s2], $0x8000, $0x38;
	[tilespmem:$0x10000] =	vst v63  }
0x675: {  	_ = 	snop  }
0x676: {  	[hbm4b:s1+s2] =	stream.linear.scatter [tilespmem:s2], [sflag:$0x2], $0x8000, $0x38;
	[tilespmem:$0x10000] =	vst v63  }
0x677: {  	_ =	swait.ge [sflag:s4], $0x8000  }
0x678: {  	[sflag:s4] =	ssyncset.done $0x0  }
0x679: {  	[sflag:s4] =	ssyncadd.s32 $0xFFFF8000  }
0x67a: {  	_ =	swait.ge [sflag:s6], $0x8000  }
0x67b: {  	s0 =	sld [smem:$0x7D6]  }
0x67c: {  	[sflag:s6] =	ssyncset.done $0x0  }
0x67d: {  	s1 =	sld [smem:$0x7D7];
	[sflag:s6] =	ssyncadd.s32 $0xFFFF8000  }
0x67e: {  	[tilespmem:s2], [sflag:$0x1] =	stream.linear.gather [hbm4b:s0+s2], $0x8000, $0x38;
	[tilespmem:$0x10000] =	vst v63  }
0x67f: {  	_ = 	snop  }
0x680: {  	[hbm4b:s1+s2] =	stream.linear.scatter [tilespmem:s7], [sflag:$0x2], $0x8000, $0x38;
	[tilespmem:$0x10000] =	vst v63  }
0x681: {  	_ =	swait.ge [sflag:s4], $0x8000  }
0x682: {  	[sflag:s4] =	ssyncset.done $0x0  }
0x683: {  	[sflag:s4] =	ssyncadd.s32 $0xFFFF8000  }
0x684: {  	_ =	swait.ge [sflag:s6], $0x8000  }
0x685: {  	s0 =	sld [smem:$0x7D8]  }
0x686: {  	[sflag:s6] =	ssyncset.done $0x0  }
0x687: {  	s1 =	sld [smem:$0x7D9];
	[sflag:s6] =	ssyncadd.s32 $0xFFFF8000  }
0x688: {  	[tilespmem:s7], [sflag:$0x1] =	stream.linear.gather [hbm4b:s0+s2], $0x8000, $0x38;
	[tilespmem:$0x10000] =	vst v63  }
0x689: {  	_ = 	snop  }
0x68a: {  	[hbm4b:s1+s2] =	stream.linear.scatter [tilespmem:s2], [sflag:$0x2], $0x8000, $0x38;
	[tilespmem:$0x10000] =	vst v63  }
0x68b: {  	_ =	swait.ge [sflag:s4], $0x8000  }
0x68c: {  	[sflag:s4] =	ssyncset.done $0x0  }
0x68d: {  	[sflag:s4] =	ssyncadd.s32 $0xFFFF8000  }
0x68e: {  	_ =	swait.ge [sflag:s6], $0x8000  }
0x68f: {  	s0 =	sld [smem:$0x7DA]  }
0x690: {  	[sflag:s6] =	ssyncset.done $0x0  }
0x691: {  	s1 =	sld [smem:$0x7DB];
	[sflag:s6] =	ssyncadd.s32 $0xFFFF8000  }
0x692: {  	[tilespmem:s2], [sflag:$0x1] =	stream.linear.gather [hbm4b:s0+s2], $0x8000, $0x38;
	[tilespmem:$0x10000] =	vst v63  }
0x693: {  	_ = 	snop  }
0x694: {  	[hbm4b:s1+s2] =	stream.linear.scatter [tilespmem:s7], [sflag:$0x2], $0x8000, $0x38;
	[tilespmem:$0x10000] =	vst v63  }
0x695: {  	_ =	swait.ge [sflag:s4], $0x8000  }
0x696: {  	[sflag:s4] =	ssyncset.done $0x0  }
0x697: {  	[sflag:s4] =	ssyncadd.s32 $0xFFFF8000  }
0x698: {  	_ =	swait.ge [sflag:s6], $0x8000  }
0x699: {  	s0 =	sld [smem:$0x7DC]  }
0x69a: {  	[sflag:s6] =	ssyncset.done $0x0  }
0x69b: {  	s1 =	sld [smem:$0x7DD];
	[sflag:s6] =	ssyncadd.s32 $0xFFFF8000  }
0x69c: {  	[tilespmem:s7], [sflag:$0x1] =	stream.linear.gather [hbm4b:s0+s2], $0x8000, $0x38;
	[tilespmem:$0x10000] =	vst v63  }
0x69d: {  	_ = 	snop  }
0x69e: {  	[hbm4b:s1+s2] =	stream.linear.scatter [tilespmem:s2], [sflag:$0x2], $0x8000, $0x38;
	[tilespmem:$0x10000] =	vst v63  }
0x69f: {  	_ =	swait.ge [sflag:s4], $0x8000  }
0x6a0: {  	[sflag:s4] =	ssyncset.done $0x0  }
0x6a1: {  	[sflag:s4] =	ssyncadd.s32 $0xFFFF8000  }
0x6a2: {  	_ =	swait.ge [sflag:s6], $0x8000  }
0x6a3: {  	s0 =	sld [smem:$0x7DE]  }
0x6a4: {  	[sflag:s6] =	ssyncset.done $0x0  }
0x6a5: {  	s1 =	sld [smem:$0x7DF];
	[sflag:s6] =	ssyncadd.s32 $0xFFFF8000  }
0x6a6: {  	[tilespmem:s2], [sflag:$0x1] =	stream.linear.gather [hbm4b:s0+s2], $0x8000, $0x38;
	[tilespmem:$0x10000] =	vst v63  }
0x6a7: {  	_ = 	snop  }
0x6a8: {  	[hbm4b:s1+s2] =	stream.linear.scatter [tilespmem:s7], [sflag:$0x2], $0x8000, $0x38;
	[tilespmem:$0x10000] =	vst v63  }
0x6a9: {  	_ =	swait.ge [sflag:s4], $0x8000  }
0x6aa: {  	[sflag:s4] =	ssyncset.done $0x0  }
0x6ab: {  	[sflag:s4] =	ssyncadd.s32 $0xFFFF8000  }
0x6ac: {  	_ =	swait.ge [sflag:s6], $0x8000  }
0x6ad: {  	s0 =	sld [smem:$0x7E0]  }
0x6ae: {  	[sflag:s6] =	ssyncset.done $0x0  }
0x6af: {  	s1 =	sld [smem:$0x7E1];
	[sflag:s6] =	ssyncadd.s32 $0xFFFF8000  }
0x6b0: {  	[tilespmem:s7], [sflag:$0x1] =	stream.linear.gather [hbm4b:s0+s2], $0x8000, $0x38;
	[tilespmem:$0x10000] =	vst v63  }
0x6b1: {  	_ = 	snop  }
0x6b2: {  	[hbm4b:s1+s2] =	stream.linear.scatter [tilespmem:s2], [sflag:$0x2], $0x8000, $0x38;
	[tilespmem:$0x10000] =	vst v63  }
0x6b3: {  	_ =	swait.ge [sflag:s4], $0x8000  }
0x6b4: {  	[sflag:s4] =	ssyncset.done $0x0  }
0x6b5: {  	[sflag:s4] =	ssyncadd.s32 $0xFFFF8000  }
0x6b6: {  	_ =	swait.ge [sflag:s6], $0x8000  }
0x6b7: {  	s0 =	sld [smem:$0x7E2]  }
0x6b8: {  	[sflag:s6] =	ssyncset.done $0x0  }
0x6b9: {  	s1 =	sld [smem:$0x7E3];
	[sflag:s6] =	ssyncadd.s32 $0xFFFF8000  }
0x6ba: {  	[tilespmem:s2], [sflag:$0x1] =	stream.linear.gather [hbm4b:s0+s2], $0x8000, $0x38;
	[tilespmem:$0x10000] =	vst v63  }
0x6bb: {  	_ = 	snop  }
0x6bc: {  	[hbm4b:s1+s2] =	stream.linear.scatter [tilespmem:s7], [sflag:$0x2], $0x8000, $0x38;
	[tilespmem:$0x10000] =	vst v63  }
0x6bd: {  	_ =	swait.ge [sflag:s4], $0x8000  }
0x6be: {  	[sflag:s4] =	ssyncset.done $0x0  }
0x6bf: {  	[sflag:s4] =	ssyncadd.s32 $0xFFFF8000  }
0x6c0: {  	_ =	swait.ge [sflag:s6], $0x8000  }
0x6c1: {  	s0 =	sld [smem:$0x7E4]  }
0x6c2: {  	[sflag:s6] =	ssyncset.done $0x0  }
0x6c3: {  	s1 =	sld [smem:$0x7E5];
	[sflag:s6] =	ssyncadd.s32 $0xFFFF8000  }
0x6c4: {  	[tilespmem:s7], [sflag:$0x1] =	stream.linear.gather [hbm4b:s0+s2], $0x8000, $0x38;
	[tilespmem:$0x10000] =	vst v63  }
0x6c5: {  	_ = 	snop  }
0x6c6: {  	[hbm4b:s1+s2] =	stream.linear.scatter [tilespmem:s2], [sflag:$0x2], $0x8000, $0x38;
	[tilespmem:$0x10000] =	vst v63  }
0x6c7: {  	_ =	swait.ge [sflag:s4], $0x8000  }
0x6c8: {  	[sflag:s4] =	ssyncset.done $0x0  }
0x6c9: {  	[sflag:s4] =	ssyncadd.s32 $0xFFFF8000  }
0x6ca: {  	_ =	swait.ge [sflag:s6], $0x8000  }
0x6cb: {  	s0 =	sld [smem:$0x7E6]  }
0x6cc: {  	[sflag:s6] =	ssyncset.done $0x0  }
0x6cd: {  	s1 =	sld [smem:$0x7E7];
	[sflag:s6] =	ssyncadd.s32 $0xFFFF8000  }
0x6ce: {  	[tilespmem:s2], [sflag:$0x1] =	stream.linear.gather [hbm4b:s0+s2], $0x8000, $0x38;
	[tilespmem:$0x10000] =	vst v63  }
0x6cf: {  	_ = 	snop  }
0x6d0: {  	[hbm4b:s1+s2] =	stream.linear.scatter [tilespmem:s7], [sflag:$0x2], $0x8000, $0x38;
	[tilespmem:$0x10000] =	vst v63  }
0x6d1: {  	_ =	swait.ge [sflag:s4], $0x8000  }
0x6d2: {  	[sflag:s4] =	ssyncset.done $0x0  }
0x6d3: {  	[sflag:s4] =	ssyncadd.s32 $0xFFFF8000  }
0x6d4: {  	_ =	swait.ge [sflag:s6], $0x8000  }
0x6d5: {  	s0 =	sld [smem:$0x7E8]  }
0x6d6: {  	[sflag:s6] =	ssyncset.done $0x0  }
0x6d7: {  	s1 =	sld [smem:$0x7E9];
	[sflag:s6] =	ssyncadd.s32 $0xFFFF8000  }
0x6d8: {  	[tilespmem:s7], [sflag:$0x1] =	stream.linear.gather [hbm4b:s0+s2], $0x8000, $0x38;
	[tilespmem:$0x10000] =	vst v63  }
0x6d9: {  	_ = 	snop  }
0x6da: {  	[hbm4b:s1+s2] =	stream.linear.scatter [tilespmem:s2], [sflag:$0x2], $0x8000, $0x38;
	[tilespmem:$0x10000] =	vst v63  }
0x6db: {  	_ =	swait.ge [sflag:s4], $0x8000  }
0x6dc: {  	[sflag:s4] =	ssyncset.done $0x0  }
0x6dd: {  	[sflag:s4] =	ssyncadd.s32 $0xFFFF8000  }
0x6de: {  	_ =	swait.ge [sflag:s6], $0x8000  }
0x6df: {  	s0 =	sld [smem:$0x7EA]  }
0x6e0: {  	[sflag:s6] =	ssyncset.done $0x0  }
0x6e1: {  	s1 =	sld [smem:$0x7EB];
	[sflag:s6] =	ssyncadd.s32 $0xFFFF8000  }
0x6e2: {  	[tilespmem:s2], [sflag:$0x1] =	stream.linear.gather [hbm4b:s0+s2], $0x8000, $0x38;
	[tilespmem:$0x10000] =	vst v63  }
0x6e3: {  	_ = 	snop  }
0x6e4: {  	[hbm4b:s1+s2] =	stream.linear.scatter [tilespmem:s7], [sflag:$0x2], $0x8000, $0x38;
	[tilespmem:$0x10000] =	vst v63  }
0x6e5: {  	_ =	swait.ge [sflag:s4], $0x8000  }
0x6e6: {  	[sflag:s4] =	ssyncset.done $0x0  }
0x6e7: {  	[sflag:s4] =	ssyncadd.s32 $0xFFFF8000  }
0x6e8: {  	_ =	swait.ge [sflag:s6], $0x8000  }
0x6e9: {  	s0 =	sld [smem:$0x7EC]  }
0x6ea: {  	[sflag:s6] =	ssyncset.done $0x0  }
0x6eb: {  	s1 =	sld [smem:$0x7ED];
	[sflag:s6] =	ssyncadd.s32 $0xFFFF8000  }
0x6ec: {  	[tilespmem:s7], [sflag:$0x1] =	stream.linear.gather [hbm4b:s0+s2], $0x8000, $0x38;
	[tilespmem:$0x10000] =	vst v63  }
0x6ed: {  	_ = 	snop  }
0x6ee: {  	[hbm4b:s1+s2] =	stream.linear.scatter [tilespmem:s2], [sflag:$0x2], $0x8000, $0x38;
	[tilespmem:$0x10000] =	vst v63  }
0x6ef: {  	_ =	swait.ge [sflag:s4], $0x8000  }
0x6f0: {  	[sflag:s4] =	ssyncset.done $0x0  }
0x6f1: {  	[sflag:s4] =	ssyncadd.s32 $0xFFFF8000  }
0x6f2: {  	_ =	swait.ge [sflag:s6], $0x8000  }
0x6f3: {  	s0 =	sld [smem:$0x7EE]  }
0x6f4: {  	[sflag:s6] =	ssyncset.done $0x0  }
0x6f5: {  	s1 =	sld [smem:$0x7EF];
	[sflag:s6] =	ssyncadd.s32 $0xFFFF8000  }
0x6f6: {  	[tilespmem:s2], [sflag:$0x1] =	stream.linear.gather [hbm4b:s0+s2], $0x8000, $0x38;
	[tilespmem:$0x10000] =	vst v63  }
0x6f7: {  	_ = 	snop  }
0x6f8: {  	[hbm4b:s1+s2] =	stream.linear.scatter [tilespmem:s7], [sflag:$0x2], $0x8000, $0x38;
	[tilespmem:$0x10000] =	vst v63  }
0x6f9: {  	_ =	swait.ge [sflag:s4], $0x8000  }
0x6fa: {  	[sflag:s4] =	ssyncset.done $0x0  }
0x6fb: {  	[sflag:s4] =	ssyncadd.s32 $0xFFFF8000  }
0x6fc: {  	_ =	swait.ge [sflag:s6], $0x8000  }
0x6fd: {  	s0 =	sld [smem:$0x7F0]  }
0x6fe: {  	[sflag:s6] =	ssyncset.done $0x0  }
0x6ff: {  	s1 =	sld [smem:$0x7F1];
	[sflag:s6] =	ssyncadd.s32 $0xFFFF8000  }
0x700: {  	[tilespmem:s7], [sflag:$0x1] =	stream.linear.gather [hbm4b:s0+s2], $0x8000, $0x38;
	[tilespmem:$0x10000] =	vst v63  }
0x701: {  	_ = 	snop  }
0x702: {  	[hbm4b:s1+s2] =	stream.linear.scatter [tilespmem:s2], [sflag:$0x2], $0x8000, $0x38;
	[tilespmem:$0x10000] =	vst v63  }
0x703: {  	_ =	swait.ge [sflag:s4], $0x8000  }
0x704: {  	[sflag:s4] =	ssyncset.done $0x0  }
0x705: {  	[sflag:s4] =	ssyncadd.s32 $0xFFFF8000  }
0x706: {  	_ =	swait.ge [sflag:s6], $0x8000  }
0x707: {  	s0 =	sld [smem:$0x7F2]  }
0x708: {  	[sflag:s6] =	ssyncset.done $0x0  }
0x709: {  	s1 =	sld [smem:$0x7F3];
	[sflag:s6] =	ssyncadd.s32 $0xFFFF8000  }
0x70a: {  	[tilespmem:s2], [sflag:$0x1] =	stream.linear.gather [hbm4b:s0+s2], $0x8000, $0x38;
	[tilespmem:$0x10000] =	vst v63  }
0x70b: {  	_ = 	snop  }
0x70c: {  	[hbm4b:s1+s2] =	stream.linear.scatter [tilespmem:s7], [sflag:$0x2], $0x8000, $0x38;
	[tilespmem:$0x10000] =	vst v63  }
0x70d: {  	_ =	swait.ge [sflag:s4], $0x8000  }
0x70e: {  	[sflag:s4] =	ssyncset.done $0x0  }
0x70f: {  	[sflag:s4] =	ssyncadd.s32 $0xFFFF8000  }
0x710: {  	_ =	swait.ge [sflag:s6], $0x8000  }
0x711: {  	s0 =	sld [smem:$0x7F4]  }
0x712: {  	[sflag:s6] =	ssyncset.done $0x0  }
0x713: {  	s1 =	sld [smem:$0x7F5];
	[sflag:s6] =	ssyncadd.s32 $0xFFFF8000  }
0x714: {  	[tilespmem:s7], [sflag:$0x1] =	stream.linear.gather [hbm4b:s0+s2], $0x8000, $0x38;
	[tilespmem:$0x10000] =	vst v63  }
0x715: {  	_ = 	snop  }
0x716: {  	[hbm4b:s1+s2] =	stream.linear.scatter [tilespmem:s2], [sflag:$0x2], $0x8000, $0x38;
	[tilespmem:$0x10000] =	vst v63  }
0x717: {  	_ =	swait.ge [sflag:s4], $0x8000  }
0x718: {  	[sflag:s4] =	ssyncset.done $0x0  }
0x719: {  	[sflag:s4] =	ssyncadd.s32 $0xFFFF8000  }
0x71a: {  	_ =	swait.ge [sflag:s6], $0x8000  }
0x71b: {  	s0 =	sld [smem:$0x7F6]  }
0x71c: {  	[sflag:s6] =	ssyncset.done $0x0  }
0x71d: {  	s1 =	sld [smem:$0x7F7];
	[sflag:s6] =	ssyncadd.s32 $0xFFFF8000  }
0x71e: {  	[tilespmem:s2], [sflag:$0x1] =	stream.linear.gather [hbm4b:s0+s2], $0x8000, $0x38;
	[tilespmem:$0x10000] =	vst v63  }
0x71f: {  	_ = 	snop  }
0x720: {  	[hbm4b:s1+s2] =	stream.linear.scatter [tilespmem:s7], [sflag:$0x2], $0x8000, $0x38;
	[tilespmem:$0x10000] =	vst v63  }
0x721: {  	_ =	swait.ge [sflag:s4], $0x8000  }
0x722: {  	[sflag:s4] =	ssyncset.done $0x0  }
0x723: {  	[sflag:s4] =	ssyncadd.s32 $0xFFFF8000  }
0x724: {  	_ =	swait.ge [sflag:s6], $0x8000  }
0x725: {  	s0 =	sld [smem:$0x7F8]  }
0x726: {  	[sflag:s6] =	ssyncset.done $0x0  }
0x727: {  	s1 =	sld [smem:$0x7F9];
	[sflag:s6] =	ssyncadd.s32 $0xFFFF8000  }
0x728: {  	[tilespmem:s7], [sflag:$0x1] =	stream.linear.gather [hbm4b:s0+s2], $0x8000, $0x38;
	[tilespmem:$0x10000] =	vst v63  }
0x729: {  	_ = 	snop  }
0x72a: {  	[hbm4b:s1+s2] =	stream.linear.scatter [tilespmem:s2], [sflag:$0x2], $0x8000, $0x38;
	[tilespmem:$0x10000] =	vst v63  }
0x72b: {  	_ =	swait.ge [sflag:s4], $0x8000  }
0x72c: {  	[sflag:s4] =	ssyncset.done $0x0  }
0x72d: {  	[sflag:s4] =	ssyncadd.s32 $0xFFFF8000  }
0x72e: {  	_ =	swait.ge [sflag:s6], $0x8000  }
0x72f: {  	s0 =	sld [smem:$0x7FA]  }
0x730: {  	[sflag:s6] =	ssyncset.done $0x0  }
0x731: {  	s1 =	sld [smem:$0x7FB];
	[sflag:s6] =	ssyncadd.s32 $0xFFFF8000  }
0x732: {  	[tilespmem:s2], [sflag:$0x1] =	stream.linear.gather [hbm4b:s0+s2], $0x8000, $0x38;
	[tilespmem:$0x10000] =	vst v63  }
0x733: {  	_ = 	snop  }
0x734: {  	[hbm4b:s1+s2] =	stream.linear.scatter [tilespmem:s7], [sflag:$0x2], $0x8000, $0x38;
	[tilespmem:$0x10000] =	vst v63  }
0x735: {  	_ =	swait.ge [sflag:s4], $0x8000  }
0x736: {  	[sflag:s4] =	ssyncset.done $0x0  }
0x737: {  	[sflag:s4] =	ssyncadd.s32 $0xFFFF8000  }
0x738: {  	_ =	swait.ge [sflag:s6], $0x8000  }
0x739: {  	s0 =	sld [smem:$0x7FC]  }
0x73a: {  	[sflag:s6] =	ssyncset.done $0x0  }
0x73b: {  	s1 =	sld [smem:$0x7FD];
	[sflag:s6] =	ssyncadd.s32 $0xFFFF8000  }
0x73c: {  	[tilespmem:s7], [sflag:$0x1] =	stream.linear.gather [hbm4b:s0+s2], $0x8000, $0x38;
	[tilespmem:$0x10000] =	vst v63  }
0x73d: {  	_ = 	snop  }
0x73e: {  	[hbm4b:s1+s2] =	stream.linear.scatter [tilespmem:s2], [sflag:$0x2], $0x8000, $0x38;
	[tilespmem:$0x10000] =	vst v63  }
0x73f: {  	_ =	swait.ge [sflag:s4], $0x8000  }
0x740: {  	[sflag:s4] =	ssyncset.done $0x0  }
0x741: {  	[sflag:s4] =	ssyncadd.s32 $0xFFFF8000  }
0x742: {  	_ =	swait.ge [sflag:s6], $0x8000  }
0x743: {  	[sflag:s6] =	ssyncset.done $0x0  }
0x744: {  	[sflag:s6] =	ssyncadd.s32 $0xFFFF8000  }
0x745: {  	[tilespmem:s2], [sflag:$0x1] =	stream.linear.gather [hbm4b:s30+s2], $0x8000, $0x38;
	[tilespmem:$0x10000] =	vst v63  }
0x746: {  	_ = 	snop  }
0x747: {  	[hbm4b:s31+s2] =	stream.linear.scatter [tilespmem:s7], [sflag:$0x2], $0x8000, $0x38;
	[tilespmem:$0x10000] =	vst v63  }
0x748: {  	_ =	swait.ge [sflag:s4], $0x8000  }
0x749: {  	[sflag:s4] =	ssyncset.done $0x0  }
0x74a: {  	[sflag:s4] =	ssyncadd.s32 $0xFFFF8000  }
0x74b: {  	_ =	swait.ge [sflag:s6], $0x8000  }
0x74c: {  	[sflag:s6] =	ssyncset.done $0x0  }
0x74d: {  	[sflag:s6] =	ssyncadd.s32 $0xFFFF8000  }
0x74e: {  	[tilespmem:s7], [sflag:$0x1] =	stream.linear.gather [hbm4b:s28+s2], $0x8000, $0x38;
	[tilespmem:$0x10000] =	vst v63  }
0x74f: {  	_ = 	snop  }
0x750: {  	[hbm4b:s29+s2] =	stream.linear.scatter [tilespmem:s2], [sflag:$0x2], $0x8000, $0x38;
	[tilespmem:$0x10000] =	vst v63  }
0x751: {  	_ =	swait.ge [sflag:s4], $0x8000  }
0x752: {  	[sflag:s4] =	ssyncset.done $0x0  }
0x753: {  	[sflag:s4] =	ssyncadd.s32 $0xFFFF8000  }
0x754: {  	_ =	swait.ge [sflag:s6], $0x8000  }
0x755: {  	[sflag:s6] =	ssyncset.done $0x0  }
0x756: {  	[sflag:s6] =	ssyncadd.s32 $0xFFFF8000  }
0x757: {  	[tilespmem:s2], [sflag:$0x1] =	stream.linear.gather [hbm4b:s25+s2], $0x8000, $0x38;
	[tilespmem:$0x10000] =	vst v63  }
0x758: {  	_ = 	snop  }
0x759: {  	[hbm4b:s26+s2] =	stream.linear.scatter [tilespmem:s7], [sflag:$0x2], $0x8000, $0x38;
	[tilespmem:$0x10000] =	vst v63  }
0x75a: {  	_ =	swait.ge [sflag:s4], $0x8000  }
0x75b: {  	[sflag:s4] =	ssyncset.done $0x0  }
0x75c: {  	[sflag:s4] =	ssyncadd.s32 $0xFFFF8000  }
0x75d: {  	_ =	swait.ge [sflag:s6], $0x8000  }
0x75e: {  	[sflag:s6] =	ssyncset.done $0x0  }
0x75f: {  	[sflag:s6] =	ssyncadd.s32 $0xFFFF8000  }
0x760: {  	[tilespmem:s7], [sflag:$0x1] =	stream.linear.gather [hbm4b:s23+s2], $0x8000, $0x38;
	[tilespmem:$0x10000] =	vst v63  }
0x761: {  	_ = 	snop  }
0x762: {  	[hbm4b:s24+s2] =	stream.linear.scatter [tilespmem:s2], [sflag:$0x2], $0x8000, $0x38;
	[tilespmem:$0x10000] =	vst v63  }
0x763: {  	_ =	swait.ge [sflag:s4], $0x8000  }
0x764: {  	[sflag:s4] =	ssyncset.done $0x0  }
0x765: {  	[sflag:s4] =	ssyncadd.s32 $0xFFFF8000  }
0x766: {  	_ =	swait.ge [sflag:s6], $0x8000  }
0x767: {  	[sflag:s6] =	ssyncset.done $0x0  }
0x768: {  	[sflag:s6] =	ssyncadd.s32 $0xFFFF8000  }
0x769: {  	[tilespmem:s2], [sflag:$0x1] =	stream.linear.gather [hbm4b:s21+s2], $0x8000, $0x38;
	[tilespmem:$0x10000] =	vst v63  }
0x76a: {  	_ = 	snop  }
0x76b: {  	[hbm4b:s22+s2] =	stream.linear.scatter [tilespmem:s7], [sflag:$0x2], $0x8000, $0x38;
	[tilespmem:$0x10000] =	vst v63  }
0x76c: {  	_ =	swait.ge [sflag:s4], $0x8000  }
0x76d: {  	[sflag:s4] =	ssyncset.done $0x0  }
0x76e: {  	[sflag:s4] =	ssyncadd.s32 $0xFFFF8000  }
0x76f: {  	_ =	swait.ge [sflag:s6], $0x8000  }
0x770: {  	[sflag:s6] =	ssyncset.done $0x0  }
0x771: {  	[sflag:s6] =	ssyncadd.s32 $0xFFFF8000  }
0x772: {  	[tilespmem:s7], [sflag:$0x1] =	stream.linear.gather [hbm4b:s19+s2], $0x8000, $0x38;
	[tilespmem:$0x10000] =	vst v63  }
0x773: {  	_ = 	snop  }
0x774: {  	[hbm4b:s20+s2] =	stream.linear.scatter [tilespmem:s2], [sflag:$0x2], $0x8000, $0x38;
	[tilespmem:$0x10000] =	vst v63  }
0x775: {  	_ =	swait.ge [sflag:s4], $0x8000  }
0x776: {  	[sflag:s4] =	ssyncset.done $0x0  }
0x777: {  	[sflag:s4] =	ssyncadd.s32 $0xFFFF8000  }
0x778: {  	_ =	swait.ge [sflag:s6], $0x8000  }
0x779: {  	[sflag:s6] =	ssyncset.done $0x0  }
0x77a: {  	[sflag:s6] =	ssyncadd.s32 $0xFFFF8000  }
0x77b: {  	[tilespmem:s2], [sflag:$0x1] =	stream.linear.gather [hbm4b:s17+s2], $0x8000, $0x38;
	[tilespmem:$0x10000] =	vst v63  }
0x77c: {  	_ = 	snop  }
0x77d: {  	[hbm4b:s18+s2] =	stream.linear.scatter [tilespmem:s7], [sflag:$0x2], $0x8000, $0x38;
	[tilespmem:$0x10000] =	vst v63  }
0x77e: {  	_ =	swait.ge [sflag:s4], $0x8000  }
0x77f: {  	[sflag:s4] =	ssyncset.done $0x0  }
0x780: {  	[sflag:s4] =	ssyncadd.s32 $0xFFFF8000  }
0x781: {  	_ =	swait.ge [sflag:s6], $0x8000  }
0x782: {  	[sflag:s6] =	ssyncset.done $0x0  }
0x783: {  	[sflag:s6] =	ssyncadd.s32 $0xFFFF8000  }
0x784: {  	[tilespmem:s7], [sflag:$0x1] =	stream.linear.gather [hbm4b:s15+s2], $0x8000, $0x38;
	[tilespmem:$0x10000] =	vst v63  }
0x785: {  	_ = 	snop  }
0x786: {  	[hbm4b:s16+s2] =	stream.linear.scatter [tilespmem:s2], [sflag:$0x2], $0x8000, $0x38;
	[tilespmem:$0x10000] =	vst v63  }
0x787: {  	_ =	swait.ge [sflag:s4], $0x8000  }
0x788: {  	[sflag:s4] =	ssyncset.done $0x0  }
0x789: {  	[sflag:s4] =	ssyncadd.s32 $0xFFFF8000  }
0x78a: {  	_ =	swait.ge [sflag:s6], $0x8000  }
0x78b: {  	[sflag:s6] =	ssyncset.done $0x0  }
0x78c: {  	[sflag:s6] =	ssyncadd.s32 $0xFFFF8000  }
0x78d: {  	[tilespmem:s2], [sflag:$0x1] =	stream.linear.gather [hbm4b:s14+s2], $0x8000, $0x38;
	[tilespmem:$0x10000] =	vst v63  }
0x78e: {  	_ = 	snop  }
0x78f: {  	[hbm4b:s13+s2] =	stream.linear.scatter [tilespmem:s7], [sflag:$0x2], $0x8000, $0x38;
	[tilespmem:$0x10000] =	vst v63  }
0x790: {  	_ =	swait.ge [sflag:s4], $0x8000  }
0x791: {  	[sflag:s4] =	ssyncset.done $0x0  }
0x792: {  	[sflag:s4] =	ssyncadd.s32 $0xFFFF8000  }
0x793: {  	_ =	swait.ge [sflag:s6], $0x8000  }
0x794: {  	[sflag:s6] =	ssyncset.done $0x0  }
0x795: {  	[sflag:s6] =	ssyncadd.s32 $0xFFFF8000  }
0x796: {  	[tilespmem:s7], [sflag:$0x1] =	stream.linear.gather [hbm4b:s12+s2], $0x8000, $0x38;
	[tilespmem:$0x10000] =	vst v63  }
0x797: {  	_ = 	snop  }
0x798: {  	[hbm4b:s11+s2] =	stream.linear.scatter [tilespmem:s2], [sflag:$0x2], $0x8000, $0x38;
	[tilespmem:$0x10000] =	vst v63  }
0x799: {  	_ =	swait.ge [sflag:s4], $0x8000  }
0x79a: {  	[sflag:s4] =	ssyncset.done $0x0  }
0x79b: {  	[sflag:s4] =	ssyncadd.s32 $0xFFFF8000  }
0x79c: {  	_ =	swait.ge [sflag:s6], $0x8000  }
0x79d: {  	[sflag:s6] =	ssyncset.done $0x0  }
0x79e: {  	[sflag:s6] =	ssyncadd.s32 $0xFFFF8000  }
0x79f: {  	[tilespmem:s2], [sflag:$0x1] =	stream.linear.gather [hbm4b:s10+s2], $0x8000, $0x38;
	[tilespmem:$0x10000] =	vst v63  }
0x7a0: {  	_ = 	snop  }
0x7a1: {  	[hbm4b:s9+s2] =	stream.linear.scatter [tilespmem:s7], [sflag:$0x2], $0x8000, $0x38;
	[tilespmem:$0x10000] =	vst v63  }
0x7a2: {  	_ =	swait.ge [sflag:s4], $0x8000  }
0x7a3: {  	[sflag:s4] =	ssyncset.done $0x0  }
0x7a4: {  	[sflag:s4] =	ssyncadd.s32 $0xFFFF8000  }
0x7a5: {  	_ =	swait.ge [sflag:s6], $0x8000  }
0x7a6: {  	[sflag:s6] =	ssyncset.done $0x0  }
0x7a7: {  	[sflag:s6] =	ssyncadd.s32 $0xFFFF8000  }
0x7a8: {  	[tilespmem:s7], [sflag:$0x1] =	stream.linear.gather [hbm4b:s5+s2], $0x8000, $0x38;
	[tilespmem:$0x10000] =	vst v63  }
0x7a9: {  	_ = 	snop  }
0x7aa: {  	[hbm4b:s8+s2] =	stream.linear.scatter [tilespmem:s2], [sflag:$0x2], $0x8000, $0x38;
	[tilespmem:$0x10000] =	vst v63  }
0x7ab: {  	_ =	swait.ge [sflag:s4], $0x8000  }
0x7ac: {  	[sflag:s4] =	ssyncset.done $0x0  }
0x7ad: {  	[sflag:s4] =	ssyncadd.s32 $0xFFFF8000  }
0x7ae: {  	_ =	swait.ge [sflag:s6], $0x8000  }
0x7af: {  	[sflag:s6] =	ssyncset.done $0x0  }
0x7b0: {  	[sflag:s6] =	ssyncadd.s32 $0xFFFF8000  }
0x7b1: {  	[hbm4b:s3+s2] =	stream.linear.scatter [tilespmem:s7], [sflag:$0x2], $0x8000, $0x38;
	[tilespmem:$0x10000] =	vst v63  }
0x7b2: {  	_ =	swait.ge [sflag:s4], $0x8000  }
0x7b3: {  	[sflag:s4] =	ssyncset.done $0x0  }
0x7b4: {  	[sflag:s4] =	ssyncadd.s32 $0xFFFF8000  }
0x7b5: {  	_ =	sfence.sel $0x180000  }
0x7b6: {  	[bflag:$0x0] =	sbarrier.arrive $0xFFFF  }
0x7b7: {  	_ =	strace $0x90000047  }
0x7b8: {  	s31 =	stileid.u32;
	[bflag:$0x2] =	sbarrier.arrive $0xFFFF  }
0x7b9: {  	p0 =	sne.s32 s31, $0x0;
	s0 =	rddreg [dreg:$0x2]  }
0x7ba: {  	s0 =	sadd.s32 @!p0 $0x100000, s0  }
0x7bb: {  	[sflag:s0] =	ssyncadd.tile.s32 @!p0 $0x1;
	_ =	shalt  }
.Lfunc_end2:
_tile_overlayer_lowered:
.L_overlay_start_2:
0x7bc: {  	(tag) =	ssettag $0x2  }
0x7bd: {  	s0 =	rddreg [dreg:$0x0];
	s2 =	stileid.u32  }
0x7be: {  	s1 =	rddreg [dreg:$0x1];
	p0 =	sne.s32 s2, $0x0  }
0x7bf: {  	s3 =	rddreg [dreg:$0x2];
	[bflag:$0x3] =	sbarrier.arrive $0xFFFF;
	s2 =	simm.s32 @!p0 $0x1C02  }
0x7c0: {  	[timem:s3], [sflag:s2] =	dma.local @!p0 [hbm:s0], s1  }
0x7c1: {  	s0 =	simm.s32 @!p0 $0x2  }
0x7c2: {  	_ =	swait.ge @!p0 [sflag:s0], s1  }
0x7c3: {  	s1 =	ssub.s32 @!p0 $0x0, s1;
	[sflag:s0] =	ssyncset.done @!p0 $0x0  }
0x7c4: {  	[sflag:s0] =	ssyncadd.s32 @!p0 s1  }
0x7c5: {  	[bflag:$0x3] =	sbarrier.arrive $0xFFFF  }
0x7c6: {  	_ =	shalt  }

</sc_bundles>
